<compile_context>
chip_gen: v7x
topology: tpu7x:2x2x1
jax: 0.10.2.dev20260603
libtpu: 0.0.44.dev20260713+nightly
codegen_flags: <defaults>
</compile_context>

<pallas_src>
import functools

import jax
import jax.numpy as jnp
from jax import lax
from jax.experimental import pallas as pl
from jax.experimental.pallas import tpu as pltpu
from jax.experimental.pallas import tpu_sc as plsc

_N = 32768
_NSLICE = _N // 16
_BISECT_ITERS = 13
_SECANT_ITERS = 2
_SC_ROWS = 32


def _tc_block(z_ref, u_ref, out_ref):
    z = z_ref[...]
    u = u_ref[...]
    lo = jnp.min(z - u, axis=-1, keepdims=True) - 1.0
    hi = jnp.max(z, axis=-1, keepdims=True)

    def eval_f(tau):
        return jnp.sum(jnp.clip(z - tau, 0.0, u), axis=-1, keepdims=True) - 1.0

    tau_p = jnp.zeros_like(lo)
    f_p = jnp.zeros_like(lo)
    tau_c = jnp.zeros_like(lo)
    f_c = jnp.zeros_like(lo)
    for _ in range(_BISECT_ITERS):
        mid = 0.5 * (lo + hi)
        fm = eval_f(mid)
        pos = fm > 0.0
        lo = jnp.where(pos, mid, lo)
        hi = jnp.where(pos, hi, mid)
        tau_p, f_p = tau_c, f_c
        tau_c, f_c = mid, fm

    for _ in range(_SECANT_ITERS):
        denom = f_c - f_p
        ok = denom != 0.0
        tau_s = tau_c - f_c * (tau_c - tau_p) / jnp.where(ok, denom, 1.0)
        good = ok & (tau_s > lo) & (tau_s < hi)
        tau_n = jnp.where(good, tau_s, 0.5 * (lo + hi))
        fn = eval_f(tau_n)
        pos = fn > 0.0
        lo = jnp.where(pos, tau_n, lo)
        hi = jnp.where(pos, hi, tau_n)
        tau_p, f_p = tau_c, f_c
        tau_c, f_c = tau_n, fn

    t = z - tau_c
    free = (t > 0.0) & (t < u)
    nA = jnp.sum(free.astype(z.dtype), axis=-1, keepdims=True)
    C = jnp.sum(jnp.clip(t, 0.0, u), axis=-1, keepdims=True)
    f = C - 1.0
    pos = f > 0.0
    lo = jnp.where(pos, tau_c, lo)
    hi = jnp.where(pos, hi, tau_c)
    tau_s = tau_c + f / jnp.maximum(nA, 1.0)
    good = (nA > 0.0) & (((tau_s > lo) & (tau_s < hi)) | (tau_s == tau_c))
    tau = jnp.where(good, tau_s, 0.5 * (lo + hi))

    t = z - tau
    ltu = t < u
    free = (t > 0.0) & ltu
    nA = jnp.sum(free.astype(z.dtype), axis=-1, keepdims=True)
    sAB = jnp.sum(jnp.where(free, z, jnp.where(ltu, 0.0, u)),
                  axis=-1, keepdims=True)
    tau_f = (sAB - 1.0) / jnp.maximum(nA, 1.0)
    tau_f = jnp.where(nA > 0.0, tau_f, tau)
    out_ref[...] = jnp.where(free, z - tau_f, jnp.where(ltu, 0.0, u))


def _tc_solve(z, u, block_rows=32):
    rows, n = z.shape
    grid = (rows // block_rows,)
    spec = pl.BlockSpec((block_rows, n), lambda i: (i, 0))
    return pl.pallas_call(
        _tc_block,
        grid=grid,
        in_specs=[spec, spec],
        out_specs=spec,
        out_shape=jax.ShapeDtypeStruct(z.shape, z.dtype),
    )(z, u)


_GATHER_DNUMS = lax.GatherDimensionNumbers(
    offset_dims=(), collapsed_slice_dims=(0,), start_index_map=(0,))


def _take16(x, idx):
    return lax.gather(x, idx[:, None], _GATHER_DNUMS, slice_sizes=(1,),
                      mode=lax.GatherScatterMode.PROMISE_IN_BOUNDS)


def _xl_reduce(x, op):
    idx = lax.iota(jnp.int32, 16)
    for k in (8, 4, 2, 1):
        x = op(x, _take16(x, idx ^ k))
    return x


def _sc_row_solver(zb, ub, ob):

    def slice_red(body_fn, init):
        def step(i, accs):
            out = []
            for j in range(4):
                off = (i * 4 + j) * 16
                zs = zb[pl.ds(off, 16)]
                us = ub[pl.ds(off, 16)]
                out.append(body_fn(accs[j], zs, us))
            return tuple(out)
        accs = lax.fori_loop(0, _NSLICE // 4, step, (init,) * 4, unroll=2)
        a, b, c, d = accs
        return jax.tree.map(lambda p, q, r, s: (p + q) + (r + s), a, b, c, d)

    big = jnp.float32(3.0e38)
    lo16, hi16 = slice_red(
        lambda acc, zs, us: (jnp.minimum(acc[0], zs - us),
                             jnp.maximum(acc[1], zs)),
        (jnp.full((16,), big), jnp.full((16,), -big)),
    )
    lo = -_xl_reduce(-lo16, jnp.maximum) - 1.0
    hi = _xl_reduce(hi16, jnp.maximum)

    def eval_f(tau):
        acc = slice_red(
            lambda acc, zs, us: acc + jnp.clip(zs - tau, 0.0, us),
            jnp.zeros((16,), jnp.float32),
        )
        return _xl_reduce(acc, jnp.add) - 1.0

    tau_p = jnp.zeros((16,), jnp.float32)
    f_p = jnp.zeros((16,), jnp.float32)
    tau_c = jnp.zeros((16,), jnp.float32)
    f_c = jnp.zeros((16,), jnp.float32)
    for _ in range(_BISECT_ITERS):
        mid = 0.5 * (lo + hi)
        fm = eval_f(mid)
        pos = fm > 0.0
        lo = jnp.where(pos, mid, lo)
        hi = jnp.where(pos, hi, mid)
        tau_p, f_p = tau_c, f_c
        tau_c, f_c = mid, fm

    for _ in range(_SECANT_ITERS):
        denom = f_c - f_p
        ok = denom != 0.0
        tau_s = tau_c - f_c * (tau_c - tau_p) / jnp.where(ok, denom, 1.0)
        good = ok & (tau_s > lo) & (tau_s < hi)
        tau_n = jnp.where(good, tau_s, 0.5 * (lo + hi))
        fn = eval_f(tau_n)
        pos = fn > 0.0
        lo = jnp.where(pos, tau_n, lo)
        hi = jnp.where(pos, hi, tau_n)
        tau_p, f_p = tau_c, f_c
        tau_c, f_c = tau_n, fn

    def cn_body(acc, zs, us):
        t = zs - tau_c
        c = jnp.clip(t, 0.0, us)
        freef = jnp.where((t > 0.0) & (t < us), 1.0, 0.0)
        return (acc[0] + c, acc[1] + freef)

    C16, nA16 = slice_red(cn_body, (jnp.zeros((16,), jnp.float32),
                                    jnp.zeros((16,), jnp.float32)))
    C = _xl_reduce(C16, jnp.add)
    nA = _xl_reduce(nA16, jnp.add)
    f = C - 1.0
    pos = f > 0.0
    lo = jnp.where(pos, tau_c, lo)
    hi = jnp.where(pos, hi, tau_c)
    tau_s = tau_c + f / jnp.maximum(nA, 1.0)
    good = (nA > 0.0) & (((tau_s > lo) & (tau_s < hi)) | (tau_s == tau_c))
    tau = jnp.where(good, tau_s, 0.5 * (lo + hi))

    def sn_body(acc, zs, us):
        t = zs - tau
        ltu = t < us
        freef = jnp.where((t > 0.0) & ltu, 1.0, 0.0)
        sab = jnp.where((t > 0.0) & ltu, zs, jnp.where(ltu, 0.0, us))
        return (acc[0] + sab, acc[1] + freef)

    s16, n16 = slice_red(sn_body, (jnp.zeros((16,), jnp.float32),
                                   jnp.zeros((16,), jnp.float32)))
    sAB = _xl_reduce(s16, jnp.add)
    nAf = _xl_reduce(n16, jnp.add)
    tau_f = (sAB - 1.0) / jnp.maximum(nAf, 1.0)
    tau_f = jnp.where(nAf > 0.0, tau_f, tau)

    def out_step(i, carry):
        zs = zb[pl.ds(i * 16, 16)]
        us = ub[pl.ds(i * 16, 16)]
        t = zs - tau
        ltu = t < us
        free = (t > 0.0) & ltu
        ob[pl.ds(i * 16, 16)] = jnp.where(free, zs - tau_f,
                                          jnp.where(ltu, 0.0, us))
        return carry

    lax.fori_loop(0, _NSLICE, out_step, 0, unroll=8)


def _sc_body(z_ref, u_ref, o_ref, zb, ub, ob, sem_in, sem_out):
    c = lax.axis_index("c")
    s = lax.axis_index("s")
    row = c * 16 + s
    cp_z = pltpu.make_async_copy(z_ref.at[row], zb, sem_in)
    cp_z.start()
    cp_u = pltpu.make_async_copy(u_ref.at[row], ub, sem_in)
    cp_u.start()
    cp_z.wait()
    cp_u.wait()
    _sc_row_solver(zb, ub, ob)
    cp_o = pltpu.make_async_copy(ob, o_ref.at[row], sem_out)
    cp_o.start()
    cp_o.wait()


def _sc_solve(z, u):
    rows = z.shape[0]
    mesh = plsc.VectorSubcoreMesh(core_axis_name="c", subcore_axis_name="s")
    f = pl.kernel(
        _sc_body,
        out_type=jax.ShapeDtypeStruct((rows, _N), jnp.float32),
        mesh=mesh,
        scratch_types=[
            pltpu.VMEM((_N,), jnp.float32),
            pltpu.VMEM((_N,), jnp.float32),
            pltpu.VMEM((_N,), jnp.float32),
            pltpu.SemaphoreType.DMA,
            pltpu.SemaphoreType.DMA,
        ],
        cost_estimate=pl.CostEstimate(
            flops=90_000_000, bytes_accessed=13_000_000, transcendentals=0),
    )
    return f(z, u)


@jax.jit
def _hybrid(z, u):
    p_sc = _sc_solve(z[-_SC_ROWS:], u[-_SC_ROWS:])
    p_tc = _tc_solve(z[:-_SC_ROWS], u[:-_SC_ROWS])
    return jnp.concatenate([p_tc, p_sc], axis=0)


def kernel(input1, input2):
    return _hybrid(input1, input2)

# --- scband reference (transcript-rebuilt; emitter-appended) ---
"""Pipeline reference for scband-constrained-sparsemax-13907104105179 (READ-ONLY COPY).

The authoritative reference and input builder live on the scoring server;
editing this copy changes nothing except your own understanding.
"""

import jax, jax.numpy as jnp
import numpy as np


def _constrained_sparsemax(z, u):
    # Solve: min ||p - z||^2  s.t.  sum(p) = 1, 0 <= p <= u  (rowwise).
    # Solution: p_i = clip(z_i - tau, 0, u_i) with tau s.t. sum(p) = 1.
    # Step 1: bisection to locate tau numerically (set identification only).
    lo = jnp.min(z - u, axis=-1) - 1.0   # f(lo) = sum(u) - 1 >= 0
    hi = jnp.max(z, axis=-1)             # f(hi) = -1 < 0

    def f(tau):
        return jnp.sum(jnp.clip(z - tau[:, None], 0.0, u), axis=-1) - 1.0

    def body(_, carry):
        lo, hi = carry
        mid = 0.5 * (lo + hi)
        fm = f(mid)
        lo = jnp.where(fm > 0.0, mid, lo)
        hi = jnp.where(fm > 0.0, hi, mid)
        return (lo, hi)

    lo, hi = jax.lax.fori_loop(0, 50, body, (lo, hi))
    tau0 = jax.lax.stop_gradient(0.5 * (lo + hi))

    # Step 2: identify regions (0: p=0, 1: free 0<p<u, 2: clipped p=u),
    # then recompute tau exactly in closed form from the active sets:
    # tau = (sum_{free} z + sum_{clipped} u - 1) / |free|
    t = z - tau0[:, None]
    free = (t > 0.0) & (t < u)
    clipped = t >= u
    nA = jnp.sum(free, axis=-1).astype(z.dtype)
    sumA = jnp.sum(jnp.where(free, z, 0.0), axis=-1)
    sumB = jnp.sum(jnp.where(clipped, u, 0.0), axis=-1)
    tau = (sumA + sumB - 1.0) / jnp.maximum(nA, 1.0)
    tau = jnp.where(nA > 0.0, tau, tau0)
    p = jnp.where(free, z - tau[:, None], jnp.where(clipped, u, jnp.zeros_like(z)))
    return p


def setup_inputs(seed: int = 0) -> dict:
    key = jax.random.key(seed)
    k1, k2 = jax.random.split(key)
    input1 = jax.random.normal(k1, (128, 32768), dtype=jnp.float32)
    input2 = jax.random.uniform(k2, (128, 32768), dtype=jnp.float32)
    return {"input1": input1, "input2": input2}


def reference(input1, input2):
    return _constrained_sparsemax(input1, input2)

if __name__ == "__main__":
    import jax
    _d = setup_inputs()
    print(jax.jit(kernel)(*tuple(_d.values())))

</pallas_src>

<mosaic_0001>
#map = affine_map<(d0, d1) -> (0, 0)>
module attributes {stable_mosaic.version = 14 : i64} {
  func.func @_sc_body(%arg0: i32, %arg1: i32, %arg2: memref<32x32768xf32, #tpu.memory_space<hbm>>, %arg3: memref<32x32768xf32, #tpu.memory_space<hbm>>, %arg4: memref<32x32768xf32, #tpu.memory_space<hbm>>, %arg5: memref<32768xf32, #tpu.memory_space<vmem>>, %arg6: memref<32768xf32, #tpu.memory_space<vmem>>, %arg7: memref<32768xf32, #tpu.memory_space<vmem>>, %arg8: memref<!tpu.dma_semaphore, #tpu.memory_space<semaphore_mem>>, %arg9: memref<!tpu.dma_semaphore, #tpu.memory_space<semaphore_mem>>) attributes {dimension_semantics = [#tpu.dimension_semantics<core_parallel>, #tpu.dimension_semantics<subcore_parallel>], iteration_bounds = array<i64: 2, 16>, scalar_prefetch = 0 : i64, scratch_operands = 5 : i64, tpu.core_type = #tpu.core_type<sc_vector_subcore>, window_params = [{transform_indices = #map}, {transform_indices = #map}, {transform_indices = #map}]} {
    %mul3A = arith.constant 16 : i32
    %mul3A_0 = arith.muli %arg0, %mul3A : i32
    %add3A = arith.addi %mul3A_0, %arg1 : i32
    %dma_start3A = arith.constant 0 : i32
    %dma_start3A_1 = tpu.memref_slice %arg2[%add3A, %dma_start3A] : memref<32x32768xf32, #tpu.memory_space<hbm>> -> memref<1x32768xf32, #tpu.memory_space<hbm>>
    %dma_start3A_2 = tpu.memref_squeeze %dma_start3A_1 : memref<1x32768xf32, #tpu.memory_space<hbm>> -> memref<32768xf32, #tpu.memory_space<hbm>>
    %dma_start3A_3 = arith.constant 0 : i32
    %dma_start3A_4 = tpu.memref_slice %arg2[%add3A, %dma_start3A_3] : memref<32x32768xf32, #tpu.memory_space<hbm>> -> memref<1x32768xf32, #tpu.memory_space<hbm>>
    %dma_start3A_5 = tpu.memref_squeeze %dma_start3A_4 : memref<1x32768xf32, #tpu.memory_space<hbm>> -> memref<32768xf32, #tpu.memory_space<hbm>>
    tpu.enqueue_dma source(%dma_start3A_5 : memref<32768xf32, #tpu.memory_space<hbm>>) target(%arg5 : memref<32768xf32, #tpu.memory_space<vmem>>) target_semaphore(%arg8 : memref<!tpu.dma_semaphore, #tpu.memory_space<semaphore_mem>>)
    %dma_start3A_6 = arith.constant 0 : i32
    %dma_start3A_7 = tpu.memref_slice %arg3[%add3A, %dma_start3A_6] : memref<32x32768xf32, #tpu.memory_space<hbm>> -> memref<1x32768xf32, #tpu.memory_space<hbm>>
    %dma_start3A_8 = tpu.memref_squeeze %dma_start3A_7 : memref<1x32768xf32, #tpu.memory_space<hbm>> -> memref<32768xf32, #tpu.memory_space<hbm>>
    %dma_start3A_9 = arith.constant 0 : i32
    %dma_start3A_10 = tpu.memref_slice %arg3[%add3A, %dma_start3A_9] : memref<32x32768xf32, #tpu.memory_space<hbm>> -> memref<1x32768xf32, #tpu.memory_space<hbm>>
    %dma_start3A_11 = tpu.memref_squeeze %dma_start3A_10 : memref<1x32768xf32, #tpu.memory_space<hbm>> -> memref<32768xf32, #tpu.memory_space<hbm>>
    tpu.enqueue_dma source(%dma_start3A_11 : memref<32768xf32, #tpu.memory_space<hbm>>) target(%arg6 : memref<32768xf32, #tpu.memory_space<vmem>>) target_semaphore(%arg8 : memref<!tpu.dma_semaphore, #tpu.memory_space<semaphore_mem>>)
    %dma_wait3A = arith.constant 0 : i32
    %dma_wait3A_12 = tpu.memref_slice %arg2[%add3A, %dma_wait3A] : memref<32x32768xf32, #tpu.memory_space<hbm>> -> memref<1x32768xf32, #tpu.memory_space<hbm>>
    %dma_wait3A_13 = tpu.memref_squeeze %dma_wait3A_12 : memref<1x32768xf32, #tpu.memory_space<hbm>> -> memref<32768xf32, #tpu.memory_space<hbm>>
    %dma_wait3A_14 = arith.constant 0 : i32
    %dma_wait3A_15 = tpu.memref_slice %arg2[%add3A, %dma_wait3A_14] : memref<32x32768xf32, #tpu.memory_space<hbm>> -> memref<1x32768xf32, #tpu.memory_space<hbm>>
    %dma_wait3A_16 = tpu.memref_squeeze %dma_wait3A_15 : memref<1x32768xf32, #tpu.memory_space<hbm>> -> memref<32768xf32, #tpu.memory_space<hbm>>
    tpu.wait_dma2 semaphore(%arg8 : memref<!tpu.dma_semaphore, #tpu.memory_space<semaphore_mem>>) src(%dma_wait3A_16 : memref<32768xf32, #tpu.memory_space<hbm>>) dst(%arg5 : memref<32768xf32, #tpu.memory_space<vmem>>)
    %dma_wait3A_17 = arith.constant 0 : i32
    %dma_wait3A_18 = tpu.memref_slice %arg3[%add3A, %dma_wait3A_17] : memref<32x32768xf32, #tpu.memory_space<hbm>> -> memref<1x32768xf32, #tpu.memory_space<hbm>>
    %dma_wait3A_19 = tpu.memref_squeeze %dma_wait3A_18 : memref<1x32768xf32, #tpu.memory_space<hbm>> -> memref<32768xf32, #tpu.memory_space<hbm>>
    %dma_wait3A_20 = arith.constant 0 : i32
    %dma_wait3A_21 = tpu.memref_slice %arg3[%add3A, %dma_wait3A_20] : memref<32x32768xf32, #tpu.memory_space<hbm>> -> memref<1x32768xf32, #tpu.memory_space<hbm>>
    %dma_wait3A_22 = tpu.memref_squeeze %dma_wait3A_21 : memref<1x32768xf32, #tpu.memory_space<hbm>> -> memref<32768xf32, #tpu.memory_space<hbm>>
    tpu.wait_dma2 semaphore(%arg8 : memref<!tpu.dma_semaphore, #tpu.memory_space<semaphore_mem>>) src(%dma_wait3A_22 : memref<32768xf32, #tpu.memory_space<hbm>>) dst(%arg6 : memref<32768xf32, #tpu.memory_space<vmem>>)
    %broadcast_in_dim3A = arith.constant 3.000000e+38 : f32
    %broadcast_in_dim3A_23 = vector.broadcast %broadcast_in_dim3A : f32 to vector<16xf32>
    %neg3A = arith.constant 0.000000e+00 : f32
    %neg3A_24 = arith.constant 3.000000e+38 : f32
    %neg3A_25 = arith.subf %neg3A, %neg3A_24 : f32
    %broadcast_in_dim3A_26 = vector.broadcast %neg3A_25 : f32 to vector<16xf32>
    %scan3A = arith.constant 0 : i32
    %scan3A_27 = arith.constant 512 : i32
    %scan3A_28 = arith.addi %scan3A, %scan3A_27 : i32
    %scan3A_29 = arith.constant 2 : i32
    %scan3A_30:8 = scf.for %scan3A_1115 = %scan3A to %scan3A_28 step %scan3A_29 iter_args(%scan3A_1116 = %broadcast_in_dim3A_23, %scan3A_1117 = %broadcast_in_dim3A_26, %scan3A_1118 = %broadcast_in_dim3A_23, %scan3A_1119 = %broadcast_in_dim3A_26, %scan3A_1120 = %broadcast_in_dim3A_23, %scan3A_1121 = %broadcast_in_dim3A_26, %scan3A_1122 = %broadcast_in_dim3A_23, %scan3A_1123 = %broadcast_in_dim3A_26) -> (vector<16xf32>, vector<16xf32>, vector<16xf32>, vector<16xf32>, vector<16xf32>, vector<16xf32>, vector<16xf32>, vector<16xf32>)  : i32 {
      %mul3A_1124 = arith.constant 4 : i32
      %mul3A_1125 = arith.muli %scan3A_1115, %mul3A_1124 : i32
      %add3A_1126 = arith.constant 0 : i32
      %add3A_1127 = arith.addi %mul3A_1125, %add3A_1126 : i32
      %mul3A_1128 = arith.constant 16 : i32
      %mul3A_1129 = arith.muli %add3A_1127, %mul3A_1128 : i32
      %get3A = arith.index_cast %mul3A_1129 : i32 to index
      %get3A_1130 = tpu.vector_load %arg5[%get3A] {strides = array<i32>} : memref<32768xf32, #tpu.memory_space<vmem>>, vector<16xf32>,
      %get3A_1131 = vector.shape_cast %get3A_1130 : vector<16xf32> to vector<16xf32>
      %get3A_1132 = arith.index_cast %mul3A_1129 : i32 to index
      %get3A_1133 = tpu.vector_load %arg6[%get3A_1132] {strides = array<i32>} : memref<32768xf32, #tpu.memory_space<vmem>>, vector<16xf32>,
      %get3A_1134 = vector.shape_cast %get3A_1133 : vector<16xf32> to vector<16xf32>
      %sub3A_1135 = arith.subf %get3A_1131, %get3A_1134 : vector<16xf32>
      %min3A = arith.minimumf %scan3A_1116, %sub3A_1135 : vector<16xf32>
      %max3A_1136 = arith.maximumf %scan3A_1117, %get3A_1131 : vector<16xf32>
      %mul3A_1137 = arith.constant 4 : i32
      %mul3A_1138 = arith.muli %scan3A_1115, %mul3A_1137 : i32
      %add3A_1139 = arith.constant 1 : i32
      %add3A_1140 = arith.addi %mul3A_1138, %add3A_1139 : i32
      %mul3A_1141 = arith.constant 16 : i32
      %mul3A_1142 = arith.muli %add3A_1140, %mul3A_1141 : i32
      %get3A_1143 = arith.index_cast %mul3A_1142 : i32 to index
      %get3A_1144 = tpu.vector_load %arg5[%get3A_1143] {strides = array<i32>} : memref<32768xf32, #tpu.memory_space<vmem>>, vector<16xf32>,
      %get3A_1145 = vector.shape_cast %get3A_1144 : vector<16xf32> to vector<16xf32>
      %get3A_1146 = arith.index_cast %mul3A_1142 : i32 to index
      %get3A_1147 = tpu.vector_load %arg6[%get3A_1146] {strides = array<i32>} : memref<32768xf32, #tpu.memory_space<vmem>>, vector<16xf32>,
      %get3A_1148 = vector.shape_cast %get3A_1147 : vector<16xf32> to vector<16xf32>
      %sub3A_1149 = arith.subf %get3A_1145, %get3A_1148 : vector<16xf32>
      %min3A_1150 = arith.minimumf %scan3A_1118, %sub3A_1149 : vector<16xf32>
      %max3A_1151 = arith.maximumf %scan3A_1119, %get3A_1145 : vector<16xf32>
      %mul3A_1152 = arith.constant 4 : i32
      %mul3A_1153 = arith.muli %scan3A_1115, %mul3A_1152 : i32
      %add3A_1154 = arith.constant 2 : i32
      %add3A_1155 = arith.addi %mul3A_1153, %add3A_1154 : i32
      %mul3A_1156 = arith.constant 16 : i32
      %mul3A_1157 = arith.muli %add3A_1155, %mul3A_1156 : i32
      %get3A_1158 = arith.index_cast %mul3A_1157 : i32 to index
      %get3A_1159 = tpu.vector_load %arg5[%get3A_1158] {strides = array<i32>} : memref<32768xf32, #tpu.memory_space<vmem>>, vector<16xf32>,
      %get3A_1160 = vector.shape_cast %get3A_1159 : vector<16xf32> to vector<16xf32>
      %get3A_1161 = arith.index_cast %mul3A_1157 : i32 to index
      %get3A_1162 = tpu.vector_load %arg6[%get3A_1161] {strides = array<i32>} : memref<32768xf32, #tpu.memory_space<vmem>>, vector<16xf32>,
      %get3A_1163 = vector.shape_cast %get3A_1162 : vector<16xf32> to vector<16xf32>
      %sub3A_1164 = arith.subf %get3A_1160, %get3A_1163 : vector<16xf32>
      %min3A_1165 = arith.minimumf %scan3A_1120, %sub3A_1164 : vector<16xf32>
      %max3A_1166 = arith.maximumf %scan3A_1121, %get3A_1160 : vector<16xf32>
      %mul3A_1167 = arith.constant 4 : i32
      %mul3A_1168 = arith.muli %scan3A_1115, %mul3A_1167 : i32
      %add3A_1169 = arith.constant 3 : i32
      %add3A_1170 = arith.addi %mul3A_1168, %add3A_1169 : i32
      %mul3A_1171 = arith.constant 16 : i32
      %mul3A_1172 = arith.muli %add3A_1170, %mul3A_1171 : i32
      %get3A_1173 = arith.index_cast %mul3A_1172 : i32 to index
      %get3A_1174 = tpu.vector_load %arg5[%get3A_1173] {strides = array<i32>} : memref<32768xf32, #tpu.memory_space<vmem>>, vector<16xf32>,
      %get3A_1175 = vector.shape_cast %get3A_1174 : vector<16xf32> to vector<16xf32>
      %get3A_1176 = arith.index_cast %mul3A_1172 : i32 to index
      %get3A_1177 = tpu.vector_load %arg6[%get3A_1176] {strides = array<i32>} : memref<32768xf32, #tpu.memory_space<vmem>>, vector<16xf32>,
      %get3A_1178 = vector.shape_cast %get3A_1177 : vector<16xf32> to vector<16xf32>
      %sub3A_1179 = arith.subf %get3A_1175, %get3A_1178 : vector<16xf32>
      %min3A_1180 = arith.minimumf %scan3A_1122, %sub3A_1179 : vector<16xf32>
      %max3A_1181 = arith.maximumf %scan3A_1123, %get3A_1175 : vector<16xf32>
      %scan3A_1182 = arith.constant 1 : i32
      %scan3A_1183 = arith.addi %scan3A_1115, %scan3A_1182 : i32
      %mul3A_1184 = arith.constant 4 : i32
      %mul3A_1185 = arith.muli %scan3A_1183, %mul3A_1184 : i32
      %add3A_1186 = arith.constant 0 : i32
      %add3A_1187 = arith.addi %mul3A_1185, %add3A_1186 : i32
      %mul3A_1188 = arith.constant 16 : i32
      %mul3A_1189 = arith.muli %add3A_1187, %mul3A_1188 : i32
      %get3A_1190 = arith.index_cast %mul3A_1189 : i32 to index
      %get3A_1191 = tpu.vector_load %arg5[%get3A_1190] {strides = array<i32>} : memref<32768xf32, #tpu.memory_space<vmem>>, vector<16xf32>,
      %get3A_1192 = vector.shape_cast %get3A_1191 : vector<16xf32> to vector<16xf32>
      %get3A_1193 = arith.index_cast %mul3A_1189 : i32 to index
      %get3A_1194 = tpu.vector_load %arg6[%get3A_1193] {strides = array<i32>} : memref<32768xf32, #tpu.memory_space<vmem>>, vector<16xf32>,
      %get3A_1195 = vector.shape_cast %get3A_1194 : vector<16xf32> to vector<16xf32>
      %sub3A_1196 = arith.subf %get3A_1192, %get3A_1195 : vector<16xf32>
      %min3A_1197 = arith.minimumf %min3A, %sub3A_1196 : vector<16xf32>
      %max3A_1198 = arith.maximumf %max3A_1136, %get3A_1192 : vector<16xf32>
      %mul3A_1199 = arith.constant 4 : i32
      %mul3A_1200 = arith.muli %scan3A_1183, %mul3A_1199 : i32
      %add3A_1201 = arith.constant 1 : i32
      %add3A_1202 = arith.addi %mul3A_1200, %add3A_1201 : i32
      %mul3A_1203 = arith.constant 16 : i32
      %mul3A_1204 = arith.muli %add3A_1202, %mul3A_1203 : i32
      %get3A_1205 = arith.index_cast %mul3A_1204 : i32 to index
      %get3A_1206 = tpu.vector_load %arg5[%get3A_1205] {strides = array<i32>} : memref<32768xf32, #tpu.memory_space<vmem>>, vector<16xf32>,
      %get3A_1207 = vector.shape_cast %get3A_1206 : vector<16xf32> to vector<16xf32>
      %get3A_1208 = arith.index_cast %mul3A_1204 : i32 to index
      %get3A_1209 = tpu.vector_load %arg6[%get3A_1208] {strides = array<i32>} : memref<32768xf32, #tpu.memory_space<vmem>>, vector<16xf32>,
      %get3A_1210 = vector.shape_cast %get3A_1209 : vector<16xf32> to vector<16xf32>
      %sub3A_1211 = arith.subf %get3A_1207, %get3A_1210 : vector<16xf32>
      %min3A_1212 = arith.minimumf %min3A_1150, %sub3A_1211 : vector<16xf32>
      %max3A_1213 = arith.maximumf %max3A_1151, %get3A_1207 : vector<16xf32>
      %mul3A_1214 = arith.constant 4 : i32
      %mul3A_1215 = arith.muli %scan3A_1183, %mul3A_1214 : i32
      %add3A_1216 = arith.constant 2 : i32
      %add3A_1217 = arith.addi %mul3A_1215, %add3A_1216 : i32
      %mul3A_1218 = arith.constant 16 : i32
      %mul3A_1219 = arith.muli %add3A_1217, %mul3A_1218 : i32
      %get3A_1220 = arith.index_cast %mul3A_1219 : i32 to index
      %get3A_1221 = tpu.vector_load %arg5[%get3A_1220] {strides = array<i32>} : memref<32768xf32, #tpu.memory_space<vmem>>, vector<16xf32>,
      %get3A_1222 = vector.shape_cast %get3A_1221 : vector<16xf32> to vector<16xf32>
      %get3A_1223 = arith.index_cast %mul3A_1219 : i32 to index
      %get3A_1224 = tpu.vector_load %arg6[%get3A_1223] {strides = array<i32>} : memref<32768xf32, #tpu.memory_space<vmem>>, vector<16xf32>,
      %get3A_1225 = vector.shape_cast %get3A_1224 : vector<16xf32> to vector<16xf32>
      %sub3A_1226 = arith.subf %get3A_1222, %get3A_1225 : vector<16xf32>
      %min3A_1227 = arith.minimumf %min3A_1165, %sub3A_1226 : vector<16xf32>
      %max3A_1228 = arith.maximumf %max3A_1166, %get3A_1222 : vector<16xf32>
      %mul3A_1229 = arith.constant 4 : i32
      %mul3A_1230 = arith.muli %scan3A_1183, %mul3A_1229 : i32
      %add3A_1231 = arith.constant 3 : i32
      %add3A_1232 = arith.addi %mul3A_1230, %add3A_1231 : i32
      %mul3A_1233 = arith.constant 16 : i32
      %mul3A_1234 = arith.muli %add3A_1232, %mul3A_1233 : i32
      %get3A_1235 = arith.index_cast %mul3A_1234 : i32 to index
      %get3A_1236 = tpu.vector_load %arg5[%get3A_1235] {strides = array<i32>} : memref<32768xf32, #tpu.memory_space<vmem>>, vector<16xf32>,
      %get3A_1237 = vector.shape_cast %get3A_1236 : vector<16xf32> to vector<16xf32>
      %get3A_1238 = arith.index_cast %mul3A_1234 : i32 to index
      %get3A_1239 = tpu.vector_load %arg6[%get3A_1238] {strides = array<i32>} : memref<32768xf32, #tpu.memory_space<vmem>>, vector<16xf32>,
      %get3A_1240 = vector.shape_cast %get3A_1239 : vector<16xf32> to vector<16xf32>
      %sub3A_1241 = arith.subf %get3A_1237, %get3A_1240 : vector<16xf32>
      %min3A_1242 = arith.minimumf %min3A_1180, %sub3A_1241 : vector<16xf32>
      %max3A_1243 = arith.maximumf %max3A_1181, %get3A_1237 : vector<16xf32>
      scf.yield %min3A_1197, %max3A_1198, %min3A_1212, %max3A_1213, %min3A_1227, %max3A_1228, %min3A_1242, %max3A_1243 : vector<16xf32>, vector<16xf32>, vector<16xf32>, vector<16xf32>, vector<16xf32>, vector<16xf32>, vector<16xf32>, vector<16xf32>
    }
    %scan3A_31 = arith.constant 512 : i32
    %add3A_32 = arith.addf %scan3A_30#0, %scan3A_30#2 : vector<16xf32>
    %add3A_33 = arith.addf %scan3A_30#4, %scan3A_30#6 : vector<16xf32>
    %add3A_34 = arith.addf %add3A_32, %add3A_33 : vector<16xf32>
    %add3A_35 = arith.addf %scan3A_30#1, %scan3A_30#3 : vector<16xf32>
    %add3A_36 = arith.addf %scan3A_30#5, %scan3A_30#7 : vector<16xf32>
    %add3A_37 = arith.addf %add3A_35, %add3A_36 : vector<16xf32>
    %neg3A_38 = arith.constant 0.000000e+00 : f32
    %neg3A_39 = vector.broadcast %neg3A_38 : f32 to vector<16xf32>
    %neg3A_40 = arith.subf %neg3A_39, %add3A_34 : vector<16xf32>
    %iota3A = tpu.iota {dimensions = array<i32: 0>} : vector<16xi32>
    %xor3A = arith.constant 8 : i32
    %xor3A_41 = vector.broadcast %xor3A : i32 to vector<16xi32>
    %xor3A_42 = arith.xori %iota3A, %xor3A_41 : vector<16xi32>
    %broadcast_in_dim3A_43 = vector.shape_cast %xor3A_42 : vector<16xi32> to vector<16x1xi32>
    %gather3A = vector.shape_cast %broadcast_in_dim3A_43 : vector<16x1xi32> to vector<16xi32>
    %gather3A_44 = tpu.dynamic_gather %neg3A_40[%gather3A] in [0] : vector<16xf32>, vector<16xi32> -> vector<16xf32>
    %max3A = arith.maximumf %neg3A_40, %gather3A_44 : vector<16xf32>
    %xor3A_45 = arith.constant 4 : i32
    %xor3A_46 = vector.broadcast %xor3A_45 : i32 to vector<16xi32>
    %xor3A_47 = arith.xori %iota3A, %xor3A_46 : vector<16xi32>
    %broadcast_in_dim3A_48 = vector.shape_cast %xor3A_47 : vector<16xi32> to vector<16x1xi32>
    %gather3A_49 = vector.shape_cast %broadcast_in_dim3A_48 : vector<16x1xi32> to vector<16xi32>
    %gather3A_50 = tpu.dynamic_gather %max3A[%gather3A_49] in [0] : vector<16xf32>, vector<16xi32> -> vector<16xf32>
    %max3A_51 = arith.maximumf %max3A, %gather3A_50 : vector<16xf32>
    %xor3A_52 = arith.constant 2 : i32
    %xor3A_53 = vector.broadcast %xor3A_52 : i32 to vector<16xi32>
    %xor3A_54 = arith.xori %iota3A, %xor3A_53 : vector<16xi32>
    %broadcast_in_dim3A_55 = vector.shape_cast %xor3A_54 : vector<16xi32> to vector<16x1xi32>
    %gather3A_56 = vector.shape_cast %broadcast_in_dim3A_55 : vector<16x1xi32> to vector<16xi32>
    %gather3A_57 = tpu.dynamic_gather %max3A_51[%gather3A_56] in [0] : vector<16xf32>, vector<16xi32> -> vector<16xf32>
    %max3A_58 = arith.maximumf %max3A_51, %gather3A_57 : vector<16xf32>
    %xor3A_59 = arith.constant 1 : i32
    %xor3A_60 = vector.broadcast %xor3A_59 : i32 to vector<16xi32>
    %xor3A_61 = arith.xori %iota3A, %xor3A_60 : vector<16xi32>
    %broadcast_in_dim3A_62 = vector.shape_cast %xor3A_61 : vector<16xi32> to vector<16x1xi32>
    %gather3A_63 = vector.shape_cast %broadcast_in_dim3A_62 : vector<16x1xi32> to vector<16xi32>
    %gather3A_64 = tpu.dynamic_gather %max3A_58[%gather3A_63] in [0] : vector<16xf32>, vector<16xi32> -> vector<16xf32>
    %max3A_65 = arith.maximumf %max3A_58, %gather3A_64 : vector<16xf32>
    %neg3A_66 = arith.constant 0.000000e+00 : f32
    %neg3A_67 = vector.broadcast %neg3A_66 : f32 to vector<16xf32>
    %neg3A_68 = arith.subf %neg3A_67, %max3A_65 : vector<16xf32>
    %sub3A = arith.constant 1.000000e+00 : f32
    %sub3A_69 = vector.broadcast %sub3A : f32 to vector<16xf32>
    %sub3A_70 = arith.subf %neg3A_68, %sub3A_69 : vector<16xf32>
    %iota3A_71 = tpu.iota {dimensions = array<i32: 0>} : vector<16xi32>
    %xor3A_72 = arith.constant 8 : i32
    %xor3A_73 = vector.broadcast %xor3A_72 : i32 to vector<16xi32>
    %xor3A_74 = arith.xori %iota3A_71, %xor3A_73 : vector<16xi32>
    %broadcast_in_dim3A_75 = vector.shape_cast %xor3A_74 : vector<16xi32> to vector<16x1xi32>
    %gather3A_76 = vector.shape_cast %broadcast_in_dim3A_75 : vector<16x1xi32> to vector<16xi32>
    %gather3A_77 = tpu.dynamic_gather %add3A_37[%gather3A_76] in [0] : vector<16xf32>, vector<16xi32> -> vector<16xf32>
    %max3A_78 = arith.maximumf %add3A_37, %gather3A_77 : vector<16xf32>
    %xor3A_79 = arith.constant 4 : i32
    %xor3A_80 = vector.broadcast %xor3A_79 : i32 to vector<16xi32>
    %xor3A_81 = arith.xori %iota3A_71, %xor3A_80 : vector<16xi32>
    %broadcast_in_dim3A_82 = vector.shape_cast %xor3A_81 : vector<16xi32> to vector<16x1xi32>
    %gather3A_83 = vector.shape_cast %broadcast_in_dim3A_82 : vector<16x1xi32> to vector<16xi32>
    %gather3A_84 = tpu.dynamic_gather %max3A_78[%gather3A_83] in [0] : vector<16xf32>, vector<16xi32> -> vector<16xf32>
    %max3A_85 = arith.maximumf %max3A_78, %gather3A_84 : vector<16xf32>
    %xor3A_86 = arith.constant 2 : i32
    %xor3A_87 = vector.broadcast %xor3A_86 : i32 to vector<16xi32>
    %xor3A_88 = arith.xori %iota3A_71, %xor3A_87 : vector<16xi32>
    %broadcast_in_dim3A_89 = vector.shape_cast %xor3A_88 : vector<16xi32> to vector<16x1xi32>
    %gather3A_90 = vector.shape_cast %broadcast_in_dim3A_89 : vector<16x1xi32> to vector<16xi32>
    %gather3A_91 = tpu.dynamic_gather %max3A_85[%gather3A_90] in [0] : vector<16xf32>, vector<16xi32> -> vector<16xf32>
    %max3A_92 = arith.maximumf %max3A_85, %gather3A_91 : vector<16xf32>
    %xor3A_93 = arith.constant 1 : i32
    %xor3A_94 = vector.broadcast %xor3A_93 : i32 to vector<16xi32>
    %xor3A_95 = arith.xori %iota3A_71, %xor3A_94 : vector<16xi32>
    %broadcast_in_dim3A_96 = vector.shape_cast %xor3A_95 : vector<16xi32> to vector<16x1xi32>
    %gather3A_97 = vector.shape_cast %broadcast_in_dim3A_96 : vector<16x1xi32> to vector<16xi32>
    %gather3A_98 = tpu.dynamic_gather %max3A_92[%gather3A_97] in [0] : vector<16xf32>, vector<16xi32> -> vector<16xf32>
    %max3A_99 = arith.maximumf %max3A_92, %gather3A_98 : vector<16xf32>
    %broadcast_in_dim3A_100 = arith.constant 0.000000e+00 : f32
    %broadcast_in_dim3A_101 = vector.broadcast %broadcast_in_dim3A_100 : f32 to vector<16xf32>
    %broadcast_in_dim3A_102 = arith.constant 0.000000e+00 : f32
    %broadcast_in_dim3A_103 = vector.broadcast %broadcast_in_dim3A_102 : f32 to vector<16xf32>
    %broadcast_in_dim3A_104 = arith.constant 0.000000e+00 : f32
    %broadcast_in_dim3A_105 = vector.broadcast %broadcast_in_dim3A_104 : f32 to vector<16xf32>
    %broadcast_in_dim3A_106 = arith.constant 0.000000e+00 : f32
    %broadcast_in_dim3A_107 = vector.broadcast %broadcast_in_dim3A_106 : f32 to vector<16xf32>
    %add3A_108 = arith.addf %sub3A_70, %max3A_99 : vector<16xf32>
    %mul3A_109 = arith.constant 5.000000e-01 : f32
    %mul3A_110 = vector.broadcast %mul3A_109 : f32 to vector<16xf32>
    %mul3A_111 = arith.mulf %mul3A_110, %add3A_108 : vector<16xf32>
    %broadcast_in_dim3A_112 = arith.constant 0.000000e+00 : f32
    %broadcast_in_dim3A_113 = vector.broadcast %broadcast_in_dim3A_112 : f32 to vector<16xf32>
    %scan3A_114 = arith.constant 0 : i32
    %scan3A_115 = arith.constant 512 : i32
    %scan3A_116 = arith.addi %scan3A_114, %scan3A_115 : i32
    %scan3A_117 = arith.constant 2 : i32
    %scan3A_118:4 = scf.for %scan3A_1115 = %scan3A_114 to %scan3A_116 step %scan3A_117 iter_args(%scan3A_1116 = %broadcast_in_dim3A_113, %scan3A_1117 = %broadcast_in_dim3A_113, %scan3A_1118 = %broadcast_in_dim3A_113, %scan3A_1119 = %broadcast_in_dim3A_113) -> (vector<16xf32>, vector<16xf32>, vector<16xf32>, vector<16xf32>)  : i32 {
      %mul3A_1120 = arith.constant 4 : i32
      %mul3A_1121 = arith.muli %scan3A_1115, %mul3A_1120 : i32
      %add3A_1122 = arith.constant 0 : i32
      %add3A_1123 = arith.addi %mul3A_1121, %add3A_1122 : i32
      %mul3A_1124 = arith.constant 16 : i32
      %mul3A_1125 = arith.muli %add3A_1123, %mul3A_1124 : i32
      %get3A = arith.index_cast %mul3A_1125 : i32 to index
      %get3A_1126 = tpu.vector_load %arg5[%get3A] {strides = array<i32>} : memref<32768xf32, #tpu.memory_space<vmem>>, vector<16xf32>,
      %get3A_1127 = vector.shape_cast %get3A_1126 : vector<16xf32> to vector<16xf32>
      %get3A_1128 = arith.index_cast %mul3A_1125 : i32 to index
      %get3A_1129 = tpu.vector_load %arg6[%get3A_1128] {strides = array<i32>} : memref<32768xf32, #tpu.memory_space<vmem>>, vector<16xf32>,
      %get3A_1130 = vector.shape_cast %get3A_1129 : vector<16xf32> to vector<16xf32>
      %sub3A_1131 = arith.subf %get3A_1127, %mul3A_111 : vector<16xf32>
      %jit3A_1132 = arith.constant 0.000000e+00 : f32
      %max3A_1133 = vector.broadcast %jit3A_1132 : f32 to vector<16xf32>
      %max3A_1134 = arith.maximumf %max3A_1133, %sub3A_1131 : vector<16xf32>
      %min3A = arith.minimumf %get3A_1130, %max3A_1134 : vector<16xf32>
      %add3A_1135 = arith.addf %scan3A_1116, %min3A : vector<16xf32>
      %mul3A_1136 = arith.constant 4 : i32
      %mul3A_1137 = arith.muli %scan3A_1115, %mul3A_1136 : i32
      %add3A_1138 = arith.constant 1 : i32
      %add3A_1139 = arith.addi %mul3A_1137, %add3A_1138 : i32
      %mul3A_1140 = arith.constant 16 : i32
      %mul3A_1141 = arith.muli %add3A_1139, %mul3A_1140 : i32
      %get3A_1142 = arith.index_cast %mul3A_1141 : i32 to index
      %get3A_1143 = tpu.vector_load %arg5[%get3A_1142] {strides = array<i32>} : memref<32768xf32, #tpu.memory_space<vmem>>, vector<16xf32>,
      %get3A_1144 = vector.shape_cast %get3A_1143 : vector<16xf32> to vector<16xf32>
      %get3A_1145 = arith.index_cast %mul3A_1141 : i32 to index
      %get3A_1146 = tpu.vector_load %arg6[%get3A_1145] {strides = array<i32>} : memref<32768xf32, #tpu.memory_space<vmem>>, vector<16xf32>,
      %get3A_1147 = vector.shape_cast %get3A_1146 : vector<16xf32> to vector<16xf32>
      %sub3A_1148 = arith.subf %get3A_1144, %mul3A_111 : vector<16xf32>
      %jit3A_1149 = arith.constant 0.000000e+00 : f32
      %max3A_1150 = vector.broadcast %jit3A_1149 : f32 to vector<16xf32>
      %max3A_1151 = arith.maximumf %max3A_1150, %sub3A_1148 : vector<16xf32>
      %min3A_1152 = arith.minimumf %get3A_1147, %max3A_1151 : vector<16xf32>
      %add3A_1153 = arith.addf %scan3A_1117, %min3A_1152 : vector<16xf32>
      %mul3A_1154 = arith.constant 4 : i32
      %mul3A_1155 = arith.muli %scan3A_1115, %mul3A_1154 : i32
      %add3A_1156 = arith.constant 2 : i32
      %add3A_1157 = arith.addi %mul3A_1155, %add3A_1156 : i32
      %mul3A_1158 = arith.constant 16 : i32
      %mul3A_1159 = arith.muli %add3A_1157, %mul3A_1158 : i32
      %get3A_1160 = arith.index_cast %mul3A_1159 : i32 to index
      %get3A_1161 = tpu.vector_load %arg5[%get3A_1160] {strides = array<i32>} : memref<32768xf32, #tpu.memory_space<vmem>>, vector<16xf32>,
      %get3A_1162 = vector.shape_cast %get3A_1161 : vector<16xf32> to vector<16xf32>
      %get3A_1163 = arith.index_cast %mul3A_1159 : i32 to index
      %get3A_1164 = tpu.vector_load %arg6[%get3A_1163] {strides = array<i32>} : memref<32768xf32, #tpu.memory_space<vmem>>, vector<16xf32>,
      %get3A_1165 = vector.shape_cast %get3A_1164 : vector<16xf32> to vector<16xf32>
      %sub3A_1166 = arith.subf %get3A_1162, %mul3A_111 : vector<16xf32>
      %jit3A_1167 = arith.constant 0.000000e+00 : f32
      %max3A_1168 = vector.broadcast %jit3A_1167 : f32 to vector<16xf32>
      %max3A_1169 = arith.maximumf %max3A_1168, %sub3A_1166 : vector<16xf32>
      %min3A_1170 = arith.minimumf %get3A_1165, %max3A_1169 : vector<16xf32>
      %add3A_1171 = arith.addf %scan3A_1118, %min3A_1170 : vector<16xf32>
      %mul3A_1172 = arith.constant 4 : i32
      %mul3A_1173 = arith.muli %scan3A_1115, %mul3A_1172 : i32
      %add3A_1174 = arith.constant 3 : i32
      %add3A_1175 = arith.addi %mul3A_1173, %add3A_1174 : i32
      %mul3A_1176 = arith.constant 16 : i32
      %mul3A_1177 = arith.muli %add3A_1175, %mul3A_1176 : i32
      %get3A_1178 = arith.index_cast %mul3A_1177 : i32 to index
      %get3A_1179 = tpu.vector_load %arg5[%get3A_1178] {strides = array<i32>} : memref<32768xf32, #tpu.memory_space<vmem>>, vector<16xf32>,
      %get3A_1180 = vector.shape_cast %get3A_1179 : vector<16xf32> to vector<16xf32>
      %get3A_1181 = arith.index_cast %mul3A_1177 : i32 to index
      %get3A_1182 = tpu.vector_load %arg6[%get3A_1181] {strides = array<i32>} : memref<32768xf32, #tpu.memory_space<vmem>>, vector<16xf32>,
      %get3A_1183 = vector.shape_cast %get3A_1182 : vector<16xf32> to vector<16xf32>
      %sub3A_1184 = arith.subf %get3A_1180, %mul3A_111 : vector<16xf32>
      %jit3A_1185 = arith.constant 0.000000e+00 : f32
      %max3A_1186 = vector.broadcast %jit3A_1185 : f32 to vector<16xf32>
      %max3A_1187 = arith.maximumf %max3A_1186, %sub3A_1184 : vector<16xf32>
      %min3A_1188 = arith.minimumf %get3A_1183, %max3A_1187 : vector<16xf32>
      %add3A_1189 = arith.addf %scan3A_1119, %min3A_1188 : vector<16xf32>
      %scan3A_1190 = arith.constant 1 : i32
      %scan3A_1191 = arith.addi %scan3A_1115, %scan3A_1190 : i32
      %mul3A_1192 = arith.constant 4 : i32
      %mul3A_1193 = arith.muli %scan3A_1191, %mul3A_1192 : i32
      %add3A_1194 = arith.constant 0 : i32
      %add3A_1195 = arith.addi %mul3A_1193, %add3A_1194 : i32
      %mul3A_1196 = arith.constant 16 : i32
      %mul3A_1197 = arith.muli %add3A_1195, %mul3A_1196 : i32
      %get3A_1198 = arith.index_cast %mul3A_1197 : i32 to index
      %get3A_1199 = tpu.vector_load %arg5[%get3A_1198] {strides = array<i32>} : memref<32768xf32, #tpu.memory_space<vmem>>, vector<16xf32>,
      %get3A_1200 = vector.shape_cast %get3A_1199 : vector<16xf32> to vector<16xf32>
      %get3A_1201 = arith.index_cast %mul3A_1197 : i32 to index
      %get3A_1202 = tpu.vector_load %arg6[%get3A_1201] {strides = array<i32>} : memref<32768xf32, #tpu.memory_space<vmem>>, vector<16xf32>,
      %get3A_1203 = vector.shape_cast %get3A_1202 : vector<16xf32> to vector<16xf32>
      %sub3A_1204 = arith.subf %get3A_1200, %mul3A_111 : vector<16xf32>
      %jit3A_1205 = arith.constant 0.000000e+00 : f32
      %max3A_1206 = vector.broadcast %jit3A_1205 : f32 to vector<16xf32>
      %max3A_1207 = arith.maximumf %max3A_1206, %sub3A_1204 : vector<16xf32>
      %min3A_1208 = arith.minimumf %get3A_1203, %max3A_1207 : vector<16xf32>
      %add3A_1209 = arith.addf %add3A_1135, %min3A_1208 : vector<16xf32>
      %mul3A_1210 = arith.constant 4 : i32
      %mul3A_1211 = arith.muli %scan3A_1191, %mul3A_1210 : i32
      %add3A_1212 = arith.constant 1 : i32
      %add3A_1213 = arith.addi %mul3A_1211, %add3A_1212 : i32
      %mul3A_1214 = arith.constant 16 : i32
      %mul3A_1215 = arith.muli %add3A_1213, %mul3A_1214 : i32
      %get3A_1216 = arith.index_cast %mul3A_1215 : i32 to index
      %get3A_1217 = tpu.vector_load %arg5[%get3A_1216] {strides = array<i32>} : memref<32768xf32, #tpu.memory_space<vmem>>, vector<16xf32>,
      %get3A_1218 = vector.shape_cast %get3A_1217 : vector<16xf32> to vector<16xf32>
      %get3A_1219 = arith.index_cast %mul3A_1215 : i32 to index
      %get3A_1220 = tpu.vector_load %arg6[%get3A_1219] {strides = array<i32>} : memref<32768xf32, #tpu.memory_space<vmem>>, vector<16xf32>,
      %get3A_1221 = vector.shape_cast %get3A_1220 : vector<16xf32> to vector<16xf32>
      %sub3A_1222 = arith.subf %get3A_1218, %mul3A_111 : vector<16xf32>
      %jit3A_1223 = arith.constant 0.000000e+00 : f32
      %max3A_1224 = vector.broadcast %jit3A_1223 : f32 to vector<16xf32>
      %max3A_1225 = arith.maximumf %max3A_1224, %sub3A_1222 : vector<16xf32>
      %min3A_1226 = arith.minimumf %get3A_1221, %max3A_1225 : vector<16xf32>
      %add3A_1227 = arith.addf %add3A_1153, %min3A_1226 : vector<16xf32>
      %mul3A_1228 = arith.constant 4 : i32
      %mul3A_1229 = arith.muli %scan3A_1191, %mul3A_1228 : i32
      %add3A_1230 = arith.constant 2 : i32
      %add3A_1231 = arith.addi %mul3A_1229, %add3A_1230 : i32
      %mul3A_1232 = arith.constant 16 : i32
      %mul3A_1233 = arith.muli %add3A_1231, %mul3A_1232 : i32
      %get3A_1234 = arith.index_cast %mul3A_1233 : i32 to index
      %get3A_1235 = tpu.vector_load %arg5[%get3A_1234] {strides = array<i32>} : memref<32768xf32, #tpu.memory_space<vmem>>, vector<16xf32>,
      %get3A_1236 = vector.shape_cast %get3A_1235 : vector<16xf32> to vector<16xf32>
      %get3A_1237 = arith.index_cast %mul3A_1233 : i32 to index
      %get3A_1238 = tpu.vector_load %arg6[%get3A_1237] {strides = array<i32>} : memref<32768xf32, #tpu.memory_space<vmem>>, vector<16xf32>,
      %get3A_1239 = vector.shape_cast %get3A_1238 : vector<16xf32> to vector<16xf32>
      %sub3A_1240 = arith.subf %get3A_1236, %mul3A_111 : vector<16xf32>
      %jit3A_1241 = arith.constant 0.000000e+00 : f32
      %max3A_1242 = vector.broadcast %jit3A_1241 : f32 to vector<16xf32>
      %max3A_1243 = arith.maximumf %max3A_1242, %sub3A_1240 : vector<16xf32>
      %min3A_1244 = arith.minimumf %get3A_1239, %max3A_1243 : vector<16xf32>
      %add3A_1245 = arith.addf %add3A_1171, %min3A_1244 : vector<16xf32>
      %mul3A_1246 = arith.constant 4 : i32
      %mul3A_1247 = arith.muli %scan3A_1191, %mul3A_1246 : i32
      %add3A_1248 = arith.constant 3 : i32
      %add3A_1249 = arith.addi %mul3A_1247, %add3A_1248 : i32
      %mul3A_1250 = arith.constant 16 : i32
      %mul3A_1251 = arith.muli %add3A_1249, %mul3A_1250 : i32
      %get3A_1252 = arith.index_cast %mul3A_1251 : i32 to index
      %get3A_1253 = tpu.vector_load %arg5[%get3A_1252] {strides = array<i32>} : memref<32768xf32, #tpu.memory_space<vmem>>, vector<16xf32>,
      %get3A_1254 = vector.shape_cast %get3A_1253 : vector<16xf32> to vector<16xf32>
      %get3A_1255 = arith.index_cast %mul3A_1251 : i32 to index
      %get3A_1256 = tpu.vector_load %arg6[%get3A_1255] {strides = array<i32>} : memref<32768xf32, #tpu.memory_space<vmem>>, vector<16xf32>,
      %get3A_1257 = vector.shape_cast %get3A_1256 : vector<16xf32> to vector<16xf32>
      %sub3A_1258 = arith.subf %get3A_1254, %mul3A_111 : vector<16xf32>
      %jit3A_1259 = arith.constant 0.000000e+00 : f32
      %max3A_1260 = vector.broadcast %jit3A_1259 : f32 to vector<16xf32>
      %max3A_1261 = arith.maximumf %max3A_1260, %sub3A_1258 : vector<16xf32>
      %min3A_1262 = arith.minimumf %get3A_1257, %max3A_1261 : vector<16xf32>
      %add3A_1263 = arith.addf %add3A_1189, %min3A_1262 : vector<16xf32>
      scf.yield %add3A_1209, %add3A_1227, %add3A_1245, %add3A_1263 : vector<16xf32>, vector<16xf32>, vector<16xf32>, vector<16xf32>
    }
    %scan3A_119 = arith.constant 512 : i32
    %add3A_120 = arith.addf %scan3A_118#0, %scan3A_118#1 : vector<16xf32>
    %add3A_121 = arith.addf %scan3A_118#2, %scan3A_118#3 : vector<16xf32>
    %add3A_122 = arith.addf %add3A_120, %add3A_121 : vector<16xf32>
    %iota3A_123 = tpu.iota {dimensions = array<i32: 0>} : vector<16xi32>
    %xor3A_124 = arith.constant 8 : i32
    %xor3A_125 = vector.broadcast %xor3A_124 : i32 to vector<16xi32>
    %xor3A_126 = arith.xori %iota3A_123, %xor3A_125 : vector<16xi32>
    %broadcast_in_dim3A_127 = vector.shape_cast %xor3A_126 : vector<16xi32> to vector<16x1xi32>
    %gather3A_128 = vector.shape_cast %broadcast_in_dim3A_127 : vector<16x1xi32> to vector<16xi32>
    %gather3A_129 = tpu.dynamic_gather %add3A_122[%gather3A_128] in [0] : vector<16xf32>, vector<16xi32> -> vector<16xf32>
    %add3A_130 = arith.addf %add3A_122, %gather3A_129 : vector<16xf32>
    %xor3A_131 = arith.constant 4 : i32
    %xor3A_132 = vector.broadcast %xor3A_131 : i32 to vector<16xi32>
    %xor3A_133 = arith.xori %iota3A_123, %xor3A_132 : vector<16xi32>
    %broadcast_in_dim3A_134 = vector.shape_cast %xor3A_133 : vector<16xi32> to vector<16x1xi32>
    %gather3A_135 = vector.shape_cast %broadcast_in_dim3A_134 : vector<16x1xi32> to vector<16xi32>
    %gather3A_136 = tpu.dynamic_gather %add3A_130[%gather3A_135] in [0] : vector<16xf32>, vector<16xi32> -> vector<16xf32>
    %add3A_137 = arith.addf %add3A_130, %gather3A_136 : vector<16xf32>
    %xor3A_138 = arith.constant 2 : i32
    %xor3A_139 = vector.broadcast %xor3A_138 : i32 to vector<16xi32>
    %xor3A_140 = arith.xori %iota3A_123, %xor3A_139 : vector<16xi32>
    %broadcast_in_dim3A_141 = vector.shape_cast %xor3A_140 : vector<16xi32> to vector<16x1xi32>
    %gather3A_142 = vector.shape_cast %broadcast_in_dim3A_141 : vector<16x1xi32> to vector<16xi32>
    %gather3A_143 = tpu.dynamic_gather %add3A_137[%gather3A_142] in [0] : vector<16xf32>, vector<16xi32> -> vector<16xf32>
    %add3A_144 = arith.addf %add3A_137, %gather3A_143 : vector<16xf32>
    %xor3A_145 = arith.constant 1 : i32
    %xor3A_146 = vector.broadcast %xor3A_145 : i32 to vector<16xi32>
    %xor3A_147 = arith.xori %iota3A_123, %xor3A_146 : vector<16xi32>
    %broadcast_in_dim3A_148 = vector.shape_cast %xor3A_147 : vector<16xi32> to vector<16x1xi32>
    %gather3A_149 = vector.shape_cast %broadcast_in_dim3A_148 : vector<16x1xi32> to vector<16xi32>
    %gather3A_150 = tpu.dynamic_gather %add3A_144[%gather3A_149] in [0] : vector<16xf32>, vector<16xi32> -> vector<16xf32>
    %add3A_151 = arith.addf %add3A_144, %gather3A_150 : vector<16xf32>
    %sub3A_152 = arith.constant 1.000000e+00 : f32
    %sub3A_153 = vector.broadcast %sub3A_152 : f32 to vector<16xf32>
    %sub3A_154 = arith.subf %add3A_151, %sub3A_153 : vector<16xf32>
    %gt3A = arith.constant 0.000000e+00 : f32
    %gt3A_155 = vector.broadcast %gt3A : f32 to vector<16xf32>
    %gt3A_156 = arith.cmpf ogt, %sub3A_154, %gt3A_155 : vector<16xf32>
    %select_n3A = arith.select %gt3A_156, %mul3A_111, %sub3A_70 : vector<16xi1>, vector<16xf32>
    %select_n3A_157 = arith.select %gt3A_156, %max3A_99, %mul3A_111 : vector<16xi1>, vector<16xf32>
    %add3A_158 = arith.addf %select_n3A, %select_n3A_157 : vector<16xf32>
    %mul3A_159 = arith.constant 5.000000e-01 : f32
    %mul3A_160 = vector.broadcast %mul3A_159 : f32 to vector<16xf32>
    %mul3A_161 = arith.mulf %mul3A_160, %add3A_158 : vector<16xf32>
    %broadcast_in_dim3A_162 = arith.constant 0.000000e+00 : f32
    %broadcast_in_dim3A_163 = vector.broadcast %broadcast_in_dim3A_162 : f32 to vector<16xf32>
    %scan3A_164 = arith.constant 0 : i32
    %scan3A_165 = arith.constant 512 : i32
    %scan3A_166 = arith.addi %scan3A_164, %scan3A_165 : i32
    %scan3A_167 = arith.constant 2 : i32
    %scan3A_168:4 = scf.for %scan3A_1115 = %scan3A_164 to %scan3A_166 step %scan3A_167 iter_args(%scan3A_1116 = %broadcast_in_dim3A_163, %scan3A_1117 = %broadcast_in_dim3A_163, %scan3A_1118 = %broadcast_in_dim3A_163, %scan3A_1119 = %broadcast_in_dim3A_163) -> (vector<16xf32>, vector<16xf32>, vector<16xf32>, vector<16xf32>)  : i32 {
      %mul3A_1120 = arith.constant 4 : i32
      %mul3A_1121 = arith.muli %scan3A_1115, %mul3A_1120 : i32
      %add3A_1122 = arith.constant 0 : i32
      %add3A_1123 = arith.addi %mul3A_1121, %add3A_1122 : i32
      %mul3A_1124 = arith.constant 16 : i32
      %mul3A_1125 = arith.muli %add3A_1123, %mul3A_1124 : i32
      %get3A = arith.index_cast %mul3A_1125 : i32 to index
      %get3A_1126 = tpu.vector_load %arg5[%get3A] {strides = array<i32>} : memref<32768xf32, #tpu.memory_space<vmem>>, vector<16xf32>,
      %get3A_1127 = vector.shape_cast %get3A_1126 : vector<16xf32> to vector<16xf32>
      %get3A_1128 = arith.index_cast %mul3A_1125 : i32 to index
      %get3A_1129 = tpu.vector_load %arg6[%get3A_1128] {strides = array<i32>} : memref<32768xf32, #tpu.memory_space<vmem>>, vector<16xf32>,
      %get3A_1130 = vector.shape_cast %get3A_1129 : vector<16xf32> to vector<16xf32>
      %sub3A_1131 = arith.subf %get3A_1127, %mul3A_161 : vector<16xf32>
      %jit3A_1132 = arith.constant 0.000000e+00 : f32
      %max3A_1133 = vector.broadcast %jit3A_1132 : f32 to vector<16xf32>
      %max3A_1134 = arith.maximumf %max3A_1133, %sub3A_1131 : vector<16xf32>
      %min3A = arith.minimumf %get3A_1130, %max3A_1134 : vector<16xf32>
      %add3A_1135 = arith.addf %scan3A_1116, %min3A : vector<16xf32>
      %mul3A_1136 = arith.constant 4 : i32
      %mul3A_1137 = arith.muli %scan3A_1115, %mul3A_1136 : i32
      %add3A_1138 = arith.constant 1 : i32
      %add3A_1139 = arith.addi %mul3A_1137, %add3A_1138 : i32
      %mul3A_1140 = arith.constant 16 : i32
      %mul3A_1141 = arith.muli %add3A_1139, %mul3A_1140 : i32
      %get3A_1142 = arith.index_cast %mul3A_1141 : i32 to index
      %get3A_1143 = tpu.vector_load %arg5[%get3A_1142] {strides = array<i32>} : memref<32768xf32, #tpu.memory_space<vmem>>, vector<16xf32>,
      %get3A_1144 = vector.shape_cast %get3A_1143 : vector<16xf32> to vector<16xf32>
      %get3A_1145 = arith.index_cast %mul3A_1141 : i32 to index
      %get3A_1146 = tpu.vector_load %arg6[%get3A_1145] {strides = array<i32>} : memref<32768xf32, #tpu.memory_space<vmem>>, vector<16xf32>,
      %get3A_1147 = vector.shape_cast %get3A_1146 : vector<16xf32> to vector<16xf32>
      %sub3A_1148 = arith.subf %get3A_1144, %mul3A_161 : vector<16xf32>
      %jit3A_1149 = arith.constant 0.000000e+00 : f32
      %max3A_1150 = vector.broadcast %jit3A_1149 : f32 to vector<16xf32>
      %max3A_1151 = arith.maximumf %max3A_1150, %sub3A_1148 : vector<16xf32>
      %min3A_1152 = arith.minimumf %get3A_1147, %max3A_1151 : vector<16xf32>
      %add3A_1153 = arith.addf %scan3A_1117, %min3A_1152 : vector<16xf32>
      %mul3A_1154 = arith.constant 4 : i32
      %mul3A_1155 = arith.muli %scan3A_1115, %mul3A_1154 : i32
      %add3A_1156 = arith.constant 2 : i32
      %add3A_1157 = arith.addi %mul3A_1155, %add3A_1156 : i32
      %mul3A_1158 = arith.constant 16 : i32
      %mul3A_1159 = arith.muli %add3A_1157, %mul3A_1158 : i32
      %get3A_1160 = arith.index_cast %mul3A_1159 : i32 to index
      %get3A_1161 = tpu.vector_load %arg5[%get3A_1160] {strides = array<i32>} : memref<32768xf32, #tpu.memory_space<vmem>>, vector<16xf32>,
      %get3A_1162 = vector.shape_cast %get3A_1161 : vector<16xf32> to vector<16xf32>
      %get3A_1163 = arith.index_cast %mul3A_1159 : i32 to index
      %get3A_1164 = tpu.vector_load %arg6[%get3A_1163] {strides = array<i32>} : memref<32768xf32, #tpu.memory_space<vmem>>, vector<16xf32>,
      %get3A_1165 = vector.shape_cast %get3A_1164 : vector<16xf32> to vector<16xf32>
      %sub3A_1166 = arith.subf %get3A_1162, %mul3A_161 : vector<16xf32>
      %jit3A_1167 = arith.constant 0.000000e+00 : f32
      %max3A_1168 = vector.broadcast %jit3A_1167 : f32 to vector<16xf32>
      %max3A_1169 = arith.maximumf %max3A_1168, %sub3A_1166 : vector<16xf32>
      %min3A_1170 = arith.minimumf %get3A_1165, %max3A_1169 : vector<16xf32>
      %add3A_1171 = arith.addf %scan3A_1118, %min3A_1170 : vector<16xf32>
      %mul3A_1172 = arith.constant 4 : i32
      %mul3A_1173 = arith.muli %scan3A_1115, %mul3A_1172 : i32
      %add3A_1174 = arith.constant 3 : i32
      %add3A_1175 = arith.addi %mul3A_1173, %add3A_1174 : i32
      %mul3A_1176 = arith.constant 16 : i32
      %mul3A_1177 = arith.muli %add3A_1175, %mul3A_1176 : i32
      %get3A_1178 = arith.index_cast %mul3A_1177 : i32 to index
      %get3A_1179 = tpu.vector_load %arg5[%get3A_1178] {strides = array<i32>} : memref<32768xf32, #tpu.memory_space<vmem>>, vector<16xf32>,
      %get3A_1180 = vector.shape_cast %get3A_1179 : vector<16xf32> to vector<16xf32>
      %get3A_1181 = arith.index_cast %mul3A_1177 : i32 to index
      %get3A_1182 = tpu.vector_load %arg6[%get3A_1181] {strides = array<i32>} : memref<32768xf32, #tpu.memory_space<vmem>>, vector<16xf32>,
      %get3A_1183 = vector.shape_cast %get3A_1182 : vector<16xf32> to vector<16xf32>
      %sub3A_1184 = arith.subf %get3A_1180, %mul3A_161 : vector<16xf32>
      %jit3A_1185 = arith.constant 0.000000e+00 : f32
      %max3A_1186 = vector.broadcast %jit3A_1185 : f32 to vector<16xf32>
      %max3A_1187 = arith.maximumf %max3A_1186, %sub3A_1184 : vector<16xf32>
      %min3A_1188 = arith.minimumf %get3A_1183, %max3A_1187 : vector<16xf32>
      %add3A_1189 = arith.addf %scan3A_1119, %min3A_1188 : vector<16xf32>
      %scan3A_1190 = arith.constant 1 : i32
      %scan3A_1191 = arith.addi %scan3A_1115, %scan3A_1190 : i32
      %mul3A_1192 = arith.constant 4 : i32
      %mul3A_1193 = arith.muli %scan3A_1191, %mul3A_1192 : i32
      %add3A_1194 = arith.constant 0 : i32
      %add3A_1195 = arith.addi %mul3A_1193, %add3A_1194 : i32
      %mul3A_1196 = arith.constant 16 : i32
      %mul3A_1197 = arith.muli %add3A_1195, %mul3A_1196 : i32
      %get3A_1198 = arith.index_cast %mul3A_1197 : i32 to index
      %get3A_1199 = tpu.vector_load %arg5[%get3A_1198] {strides = array<i32>} : memref<32768xf32, #tpu.memory_space<vmem>>, vector<16xf32>,
      %get3A_1200 = vector.shape_cast %get3A_1199 : vector<16xf32> to vector<16xf32>
      %get3A_1201 = arith.index_cast %mul3A_1197 : i32 to index
      %get3A_1202 = tpu.vector_load %arg6[%get3A_1201] {strides = array<i32>} : memref<32768xf32, #tpu.memory_space<vmem>>, vector<16xf32>,
      %get3A_1203 = vector.shape_cast %get3A_1202 : vector<16xf32> to vector<16xf32>
      %sub3A_1204 = arith.subf %get3A_1200, %mul3A_161 : vector<16xf32>
      %jit3A_1205 = arith.constant 0.000000e+00 : f32
      %max3A_1206 = vector.broadcast %jit3A_1205 : f32 to vector<16xf32>
      %max3A_1207 = arith.maximumf %max3A_1206, %sub3A_1204 : vector<16xf32>
      %min3A_1208 = arith.minimumf %get3A_1203, %max3A_1207 : vector<16xf32>
      %add3A_1209 = arith.addf %add3A_1135, %min3A_1208 : vector<16xf32>
      %mul3A_1210 = arith.constant 4 : i32
      %mul3A_1211 = arith.muli %scan3A_1191, %mul3A_1210 : i32
      %add3A_1212 = arith.constant 1 : i32
      %add3A_1213 = arith.addi %mul3A_1211, %add3A_1212 : i32
      %mul3A_1214 = arith.constant 16 : i32
      %mul3A_1215 = arith.muli %add3A_1213, %mul3A_1214 : i32
      %get3A_1216 = arith.index_cast %mul3A_1215 : i32 to index
      %get3A_1217 = tpu.vector_load %arg5[%get3A_1216] {strides = array<i32>} : memref<32768xf32, #tpu.memory_space<vmem>>, vector<16xf32>,
      %get3A_1218 = vector.shape_cast %get3A_1217 : vector<16xf32> to vector<16xf32>
      %get3A_1219 = arith.index_cast %mul3A_1215 : i32 to index
      %get3A_1220 = tpu.vector_load %arg6[%get3A_1219] {strides = array<i32>} : memref<32768xf32, #tpu.memory_space<vmem>>, vector<16xf32>,
      %get3A_1221 = vector.shape_cast %get3A_1220 : vector<16xf32> to vector<16xf32>
      %sub3A_1222 = arith.subf %get3A_1218, %mul3A_161 : vector<16xf32>
      %jit3A_1223 = arith.constant 0.000000e+00 : f32
      %max3A_1224 = vector.broadcast %jit3A_1223 : f32 to vector<16xf32>
      %max3A_1225 = arith.maximumf %max3A_1224, %sub3A_1222 : vector<16xf32>
      %min3A_1226 = arith.minimumf %get3A_1221, %max3A_1225 : vector<16xf32>
      %add3A_1227 = arith.addf %add3A_1153, %min3A_1226 : vector<16xf32>
      %mul3A_1228 = arith.constant 4 : i32
      %mul3A_1229 = arith.muli %scan3A_1191, %mul3A_1228 : i32
      %add3A_1230 = arith.constant 2 : i32
      %add3A_1231 = arith.addi %mul3A_1229, %add3A_1230 : i32
      %mul3A_1232 = arith.constant 16 : i32
      %mul3A_1233 = arith.muli %add3A_1231, %mul3A_1232 : i32
      %get3A_1234 = arith.index_cast %mul3A_1233 : i32 to index
      %get3A_1235 = tpu.vector_load %arg5[%get3A_1234] {strides = array<i32>} : memref<32768xf32, #tpu.memory_space<vmem>>, vector<16xf32>,
      %get3A_1236 = vector.shape_cast %get3A_1235 : vector<16xf32> to vector<16xf32>
      %get3A_1237 = arith.index_cast %mul3A_1233 : i32 to index
      %get3A_1238 = tpu.vector_load %arg6[%get3A_1237] {strides = array<i32>} : memref<32768xf32, #tpu.memory_space<vmem>>, vector<16xf32>,
      %get3A_1239 = vector.shape_cast %get3A_1238 : vector<16xf32> to vector<16xf32>
      %sub3A_1240 = arith.subf %get3A_1236, %mul3A_161 : vector<16xf32>
      %jit3A_1241 = arith.constant 0.000000e+00 : f32
      %max3A_1242 = vector.broadcast %jit3A_1241 : f32 to vector<16xf32>
      %max3A_1243 = arith.maximumf %max3A_1242, %sub3A_1240 : vector<16xf32>
      %min3A_1244 = arith.minimumf %get3A_1239, %max3A_1243 : vector<16xf32>
      %add3A_1245 = arith.addf %add3A_1171, %min3A_1244 : vector<16xf32>
      %mul3A_1246 = arith.constant 4 : i32
      %mul3A_1247 = arith.muli %scan3A_1191, %mul3A_1246 : i32
      %add3A_1248 = arith.constant 3 : i32
      %add3A_1249 = arith.addi %mul3A_1247, %add3A_1248 : i32
      %mul3A_1250 = arith.constant 16 : i32
      %mul3A_1251 = arith.muli %add3A_1249, %mul3A_1250 : i32
      %get3A_1252 = arith.index_cast %mul3A_1251 : i32 to index
      %get3A_1253 = tpu.vector_load %arg5[%get3A_1252] {strides = array<i32>} : memref<32768xf32, #tpu.memory_space<vmem>>, vector<16xf32>,
      %get3A_1254 = vector.shape_cast %get3A_1253 : vector<16xf32> to vector<16xf32>
      %get3A_1255 = arith.index_cast %mul3A_1251 : i32 to index
      %get3A_1256 = tpu.vector_load %arg6[%get3A_1255] {strides = array<i32>} : memref<32768xf32, #tpu.memory_space<vmem>>, vector<16xf32>,
      %get3A_1257 = vector.shape_cast %get3A_1256 : vector<16xf32> to vector<16xf32>
      %sub3A_1258 = arith.subf %get3A_1254, %mul3A_161 : vector<16xf32>
      %jit3A_1259 = arith.constant 0.000000e+00 : f32
      %max3A_1260 = vector.broadcast %jit3A_1259 : f32 to vector<16xf32>
      %max3A_1261 = arith.maximumf %max3A_1260, %sub3A_1258 : vector<16xf32>
      %min3A_1262 = arith.minimumf %get3A_1257, %max3A_1261 : vector<16xf32>
      %add3A_1263 = arith.addf %add3A_1189, %min3A_1262 : vector<16xf32>
      scf.yield %add3A_1209, %add3A_1227, %add3A_1245, %add3A_1263 : vector<16xf32>, vector<16xf32>, vector<16xf32>, vector<16xf32>
    }
    %scan3A_169 = arith.constant 512 : i32
    %add3A_170 = arith.addf %scan3A_168#0, %scan3A_168#1 : vector<16xf32>
    %add3A_171 = arith.addf %scan3A_168#2, %scan3A_168#3 : vector<16xf32>
    %add3A_172 = arith.addf %add3A_170, %add3A_171 : vector<16xf32>
    %iota3A_173 = tpu.iota {dimensions = array<i32: 0>} : vector<16xi32>
    %xor3A_174 = arith.constant 8 : i32
    %xor3A_175 = vector.broadcast %xor3A_174 : i32 to vector<16xi32>
    %xor3A_176 = arith.xori %iota3A_173, %xor3A_175 : vector<16xi32>
    %broadcast_in_dim3A_177 = vector.shape_cast %xor3A_176 : vector<16xi32> to vector<16x1xi32>
    %gather3A_178 = vector.shape_cast %broadcast_in_dim3A_177 : vector<16x1xi32> to vector<16xi32>
    %gather3A_179 = tpu.dynamic_gather %add3A_172[%gather3A_178] in [0] : vector<16xf32>, vector<16xi32> -> vector<16xf32>
    %add3A_180 = arith.addf %add3A_172, %gather3A_179 : vector<16xf32>
    %xor3A_181 = arith.constant 4 : i32
    %xor3A_182 = vector.broadcast %xor3A_181 : i32 to vector<16xi32>
    %xor3A_183 = arith.xori %iota3A_173, %xor3A_182 : vector<16xi32>
    %broadcast_in_dim3A_184 = vector.shape_cast %xor3A_183 : vector<16xi32> to vector<16x1xi32>
    %gather3A_185 = vector.shape_cast %broadcast_in_dim3A_184 : vector<16x1xi32> to vector<16xi32>
    %gather3A_186 = tpu.dynamic_gather %add3A_180[%gather3A_185] in [0] : vector<16xf32>, vector<16xi32> -> vector<16xf32>
    %add3A_187 = arith.addf %add3A_180, %gather3A_186 : vector<16xf32>
    %xor3A_188 = arith.constant 2 : i32
    %xor3A_189 = vector.broadcast %xor3A_188 : i32 to vector<16xi32>
    %xor3A_190 = arith.xori %iota3A_173, %xor3A_189 : vector<16xi32>
    %broadcast_in_dim3A_191 = vector.shape_cast %xor3A_190 : vector<16xi32> to vector<16x1xi32>
    %gather3A_192 = vector.shape_cast %broadcast_in_dim3A_191 : vector<16x1xi32> to vector<16xi32>
    %gather3A_193 = tpu.dynamic_gather %add3A_187[%gather3A_192] in [0] : vector<16xf32>, vector<16xi32> -> vector<16xf32>
    %add3A_194 = arith.addf %add3A_187, %gather3A_193 : vector<16xf32>
    %xor3A_195 = arith.constant 1 : i32
    %xor3A_196 = vector.broadcast %xor3A_195 : i32 to vector<16xi32>
    %xor3A_197 = arith.xori %iota3A_173, %xor3A_196 : vector<16xi32>
    %broadcast_in_dim3A_198 = vector.shape_cast %xor3A_197 : vector<16xi32> to vector<16x1xi32>
    %gather3A_199 = vector.shape_cast %broadcast_in_dim3A_198 : vector<16x1xi32> to vector<16xi32>
    %gather3A_200 = tpu.dynamic_gather %add3A_194[%gather3A_199] in [0] : vector<16xf32>, vector<16xi32> -> vector<16xf32>
    %add3A_201 = arith.addf %add3A_194, %gather3A_200 : vector<16xf32>
    %sub3A_202 = arith.constant 1.000000e+00 : f32
    %sub3A_203 = vector.broadcast %sub3A_202 : f32 to vector<16xf32>
    %sub3A_204 = arith.subf %add3A_201, %sub3A_203 : vector<16xf32>
    %gt3A_205 = arith.constant 0.000000e+00 : f32
    %gt3A_206 = vector.broadcast %gt3A_205 : f32 to vector<16xf32>
    %gt3A_207 = arith.cmpf ogt, %sub3A_204, %gt3A_206 : vector<16xf32>
    %select_n3A_208 = arith.select %gt3A_207, %mul3A_161, %select_n3A : vector<16xi1>, vector<16xf32>
    %select_n3A_209 = arith.select %gt3A_207, %select_n3A_157, %mul3A_161 : vector<16xi1>, vector<16xf32>
    %add3A_210 = arith.addf %select_n3A_208, %select_n3A_209 : vector<16xf32>
    %mul3A_211 = arith.constant 5.000000e-01 : f32
    %mul3A_212 = vector.broadcast %mul3A_211 : f32 to vector<16xf32>
    %mul3A_213 = arith.mulf %mul3A_212, %add3A_210 : vector<16xf32>
    %broadcast_in_dim3A_214 = arith.constant 0.000000e+00 : f32
    %broadcast_in_dim3A_215 = vector.broadcast %broadcast_in_dim3A_214 : f32 to vector<16xf32>
    %scan3A_216 = arith.constant 0 : i32
    %scan3A_217 = arith.constant 512 : i32
    %scan3A_218 = arith.addi %scan3A_216, %scan3A_217 : i32
    %scan3A_219 = arith.constant 2 : i32
    %scan3A_220:4 = scf.for %scan3A_1115 = %scan3A_216 to %scan3A_218 step %scan3A_219 iter_args(%scan3A_1116 = %broadcast_in_dim3A_215, %scan3A_1117 = %broadcast_in_dim3A_215, %scan3A_1118 = %broadcast_in_dim3A_215, %scan3A_1119 = %broadcast_in_dim3A_215) -> (vector<16xf32>, vector<16xf32>, vector<16xf32>, vector<16xf32>)  : i32 {
      %mul3A_1120 = arith.constant 4 : i32
      %mul3A_1121 = arith.muli %scan3A_1115, %mul3A_1120 : i32
      %add3A_1122 = arith.constant 0 : i32
      %add3A_1123 = arith.addi %mul3A_1121, %add3A_1122 : i32
      %mul3A_1124 = arith.constant 16 : i32
      %mul3A_1125 = arith.muli %add3A_1123, %mul3A_1124 : i32
      %get3A = arith.index_cast %mul3A_1125 : i32 to index
      %get3A_1126 = tpu.vector_load %arg5[%get3A] {strides = array<i32>} : memref<32768xf32, #tpu.memory_space<vmem>>, vector<16xf32>,
      %get3A_1127 = vector.shape_cast %get3A_1126 : vector<16xf32> to vector<16xf32>
      %get3A_1128 = arith.index_cast %mul3A_1125 : i32 to index
      %get3A_1129 = tpu.vector_load %arg6[%get3A_1128] {strides = array<i32>} : memref<32768xf32, #tpu.memory_space<vmem>>, vector<16xf32>,
      %get3A_1130 = vector.shape_cast %get3A_1129 : vector<16xf32> to vector<16xf32>
      %sub3A_1131 = arith.subf %get3A_1127, %mul3A_213 : vector<16xf32>
      %jit3A_1132 = arith.constant 0.000000e+00 : f32
      %max3A_1133 = vector.broadcast %jit3A_1132 : f32 to vector<16xf32>
      %max3A_1134 = arith.maximumf %max3A_1133, %sub3A_1131 : vector<16xf32>
      %min3A = arith.minimumf %get3A_1130, %max3A_1134 : vector<16xf32>
      %add3A_1135 = arith.addf %scan3A_1116, %min3A : vector<16xf32>
      %mul3A_1136 = arith.constant 4 : i32
      %mul3A_1137 = arith.muli %scan3A_1115, %mul3A_1136 : i32
      %add3A_1138 = arith.constant 1 : i32
      %add3A_1139 = arith.addi %mul3A_1137, %add3A_1138 : i32
      %mul3A_1140 = arith.constant 16 : i32
      %mul3A_1141 = arith.muli %add3A_1139, %mul3A_1140 : i32
      %get3A_1142 = arith.index_cast %mul3A_1141 : i32 to index
      %get3A_1143 = tpu.vector_load %arg5[%get3A_1142] {strides = array<i32>} : memref<32768xf32, #tpu.memory_space<vmem>>, vector<16xf32>,
      %get3A_1144 = vector.shape_cast %get3A_1143 : vector<16xf32> to vector<16xf32>
      %get3A_1145 = arith.index_cast %mul3A_1141 : i32 to index
      %get3A_1146 = tpu.vector_load %arg6[%get3A_1145] {strides = array<i32>} : memref<32768xf32, #tpu.memory_space<vmem>>, vector<16xf32>,
      %get3A_1147 = vector.shape_cast %get3A_1146 : vector<16xf32> to vector<16xf32>
      %sub3A_1148 = arith.subf %get3A_1144, %mul3A_213 : vector<16xf32>
      %jit3A_1149 = arith.constant 0.000000e+00 : f32
      %max3A_1150 = vector.broadcast %jit3A_1149 : f32 to vector<16xf32>
      %max3A_1151 = arith.maximumf %max3A_1150, %sub3A_1148 : vector<16xf32>
      %min3A_1152 = arith.minimumf %get3A_1147, %max3A_1151 : vector<16xf32>
      %add3A_1153 = arith.addf %scan3A_1117, %min3A_1152 : vector<16xf32>
      %mul3A_1154 = arith.constant 4 : i32
      %mul3A_1155 = arith.muli %scan3A_1115, %mul3A_1154 : i32
      %add3A_1156 = arith.constant 2 : i32
      %add3A_1157 = arith.addi %mul3A_1155, %add3A_1156 : i32
      %mul3A_1158 = arith.constant 16 : i32
      %mul3A_1159 = arith.muli %add3A_1157, %mul3A_1158 : i32
      %get3A_1160 = arith.index_cast %mul3A_1159 : i32 to index
      %get3A_1161 = tpu.vector_load %arg5[%get3A_1160] {strides = array<i32>} : memref<32768xf32, #tpu.memory_space<vmem>>, vector<16xf32>,
      %get3A_1162 = vector.shape_cast %get3A_1161 : vector<16xf32> to vector<16xf32>
      %get3A_1163 = arith.index_cast %mul3A_1159 : i32 to index
      %get3A_1164 = tpu.vector_load %arg6[%get3A_1163] {strides = array<i32>} : memref<32768xf32, #tpu.memory_space<vmem>>, vector<16xf32>,
      %get3A_1165 = vector.shape_cast %get3A_1164 : vector<16xf32> to vector<16xf32>
      %sub3A_1166 = arith.subf %get3A_1162, %mul3A_213 : vector<16xf32>
      %jit3A_1167 = arith.constant 0.000000e+00 : f32
      %max3A_1168 = vector.broadcast %jit3A_1167 : f32 to vector<16xf32>
      %max3A_1169 = arith.maximumf %max3A_1168, %sub3A_1166 : vector<16xf32>
      %min3A_1170 = arith.minimumf %get3A_1165, %max3A_1169 : vector<16xf32>
      %add3A_1171 = arith.addf %scan3A_1118, %min3A_1170 : vector<16xf32>
      %mul3A_1172 = arith.constant 4 : i32
      %mul3A_1173 = arith.muli %scan3A_1115, %mul3A_1172 : i32
      %add3A_1174 = arith.constant 3 : i32
      %add3A_1175 = arith.addi %mul3A_1173, %add3A_1174 : i32
      %mul3A_1176 = arith.constant 16 : i32
      %mul3A_1177 = arith.muli %add3A_1175, %mul3A_1176 : i32
      %get3A_1178 = arith.index_cast %mul3A_1177 : i32 to index
      %get3A_1179 = tpu.vector_load %arg5[%get3A_1178] {strides = array<i32>} : memref<32768xf32, #tpu.memory_space<vmem>>, vector<16xf32>,
      %get3A_1180 = vector.shape_cast %get3A_1179 : vector<16xf32> to vector<16xf32>
      %get3A_1181 = arith.index_cast %mul3A_1177 : i32 to index
      %get3A_1182 = tpu.vector_load %arg6[%get3A_1181] {strides = array<i32>} : memref<32768xf32, #tpu.memory_space<vmem>>, vector<16xf32>,
      %get3A_1183 = vector.shape_cast %get3A_1182 : vector<16xf32> to vector<16xf32>
      %sub3A_1184 = arith.subf %get3A_1180, %mul3A_213 : vector<16xf32>
      %jit3A_1185 = arith.constant 0.000000e+00 : f32
      %max3A_1186 = vector.broadcast %jit3A_1185 : f32 to vector<16xf32>
      %max3A_1187 = arith.maximumf %max3A_1186, %sub3A_1184 : vector<16xf32>
      %min3A_1188 = arith.minimumf %get3A_1183, %max3A_1187 : vector<16xf32>
      %add3A_1189 = arith.addf %scan3A_1119, %min3A_1188 : vector<16xf32>
      %scan3A_1190 = arith.constant 1 : i32
      %scan3A_1191 = arith.addi %scan3A_1115, %scan3A_1190 : i32
      %mul3A_1192 = arith.constant 4 : i32
      %mul3A_1193 = arith.muli %scan3A_1191, %mul3A_1192 : i32
      %add3A_1194 = arith.constant 0 : i32
      %add3A_1195 = arith.addi %mul3A_1193, %add3A_1194 : i32
      %mul3A_1196 = arith.constant 16 : i32
      %mul3A_1197 = arith.muli %add3A_1195, %mul3A_1196 : i32
      %get3A_1198 = arith.index_cast %mul3A_1197 : i32 to index
      %get3A_1199 = tpu.vector_load %arg5[%get3A_1198] {strides = array<i32>} : memref<32768xf32, #tpu.memory_space<vmem>>, vector<16xf32>,
      %get3A_1200 = vector.shape_cast %get3A_1199 : vector<16xf32> to vector<16xf32>
      %get3A_1201 = arith.index_cast %mul3A_1197 : i32 to index
      %get3A_1202 = tpu.vector_load %arg6[%get3A_1201] {strides = array<i32>} : memref<32768xf32, #tpu.memory_space<vmem>>, vector<16xf32>,
      %get3A_1203 = vector.shape_cast %get3A_1202 : vector<16xf32> to vector<16xf32>
      %sub3A_1204 = arith.subf %get3A_1200, %mul3A_213 : vector<16xf32>
      %jit3A_1205 = arith.constant 0.000000e+00 : f32
      %max3A_1206 = vector.broadcast %jit3A_1205 : f32 to vector<16xf32>
      %max3A_1207 = arith.maximumf %max3A_1206, %sub3A_1204 : vector<16xf32>
      %min3A_1208 = arith.minimumf %get3A_1203, %max3A_1207 : vector<16xf32>
      %add3A_1209 = arith.addf %add3A_1135, %min3A_1208 : vector<16xf32>
      %mul3A_1210 = arith.constant 4 : i32
      %mul3A_1211 = arith.muli %scan3A_1191, %mul3A_1210 : i32
      %add3A_1212 = arith.constant 1 : i32
      %add3A_1213 = arith.addi %mul3A_1211, %add3A_1212 : i32
      %mul3A_1214 = arith.constant 16 : i32
      %mul3A_1215 = arith.muli %add3A_1213, %mul3A_1214 : i32
      %get3A_1216 = arith.index_cast %mul3A_1215 : i32 to index
      %get3A_1217 = tpu.vector_load %arg5[%get3A_1216] {strides = array<i32>} : memref<32768xf32, #tpu.memory_space<vmem>>, vector<16xf32>,
      %get3A_1218 = vector.shape_cast %get3A_1217 : vector<16xf32> to vector<16xf32>
      %get3A_1219 = arith.index_cast %mul3A_1215 : i32 to index
      %get3A_1220 = tpu.vector_load %arg6[%get3A_1219] {strides = array<i32>} : memref<32768xf32, #tpu.memory_space<vmem>>, vector<16xf32>,
      %get3A_1221 = vector.shape_cast %get3A_1220 : vector<16xf32> to vector<16xf32>
      %sub3A_1222 = arith.subf %get3A_1218, %mul3A_213 : vector<16xf32>
      %jit3A_1223 = arith.constant 0.000000e+00 : f32
      %max3A_1224 = vector.broadcast %jit3A_1223 : f32 to vector<16xf32>
      %max3A_1225 = arith.maximumf %max3A_1224, %sub3A_1222 : vector<16xf32>
      %min3A_1226 = arith.minimumf %get3A_1221, %max3A_1225 : vector<16xf32>
      %add3A_1227 = arith.addf %add3A_1153, %min3A_1226 : vector<16xf32>
      %mul3A_1228 = arith.constant 4 : i32
      %mul3A_1229 = arith.muli %scan3A_1191, %mul3A_1228 : i32
      %add3A_1230 = arith.constant 2 : i32
      %add3A_1231 = arith.addi %mul3A_1229, %add3A_1230 : i32
      %mul3A_1232 = arith.constant 16 : i32
      %mul3A_1233 = arith.muli %add3A_1231, %mul3A_1232 : i32
      %get3A_1234 = arith.index_cast %mul3A_1233 : i32 to index
      %get3A_1235 = tpu.vector_load %arg5[%get3A_1234] {strides = array<i32>} : memref<32768xf32, #tpu.memory_space<vmem>>, vector<16xf32>,
      %get3A_1236 = vector.shape_cast %get3A_1235 : vector<16xf32> to vector<16xf32>
      %get3A_1237 = arith.index_cast %mul3A_1233 : i32 to index
      %get3A_1238 = tpu.vector_load %arg6[%get3A_1237] {strides = array<i32>} : memref<32768xf32, #tpu.memory_space<vmem>>, vector<16xf32>,
      %get3A_1239 = vector.shape_cast %get3A_1238 : vector<16xf32> to vector<16xf32>
      %sub3A_1240 = arith.subf %get3A_1236, %mul3A_213 : vector<16xf32>
      %jit3A_1241 = arith.constant 0.000000e+00 : f32
      %max3A_1242 = vector.broadcast %jit3A_1241 : f32 to vector<16xf32>
      %max3A_1243 = arith.maximumf %max3A_1242, %sub3A_1240 : vector<16xf32>
      %min3A_1244 = arith.minimumf %get3A_1239, %max3A_1243 : vector<16xf32>
      %add3A_1245 = arith.addf %add3A_1171, %min3A_1244 : vector<16xf32>
      %mul3A_1246 = arith.constant 4 : i32
      %mul3A_1247 = arith.muli %scan3A_1191, %mul3A_1246 : i32
      %add3A_1248 = arith.constant 3 : i32
      %add3A_1249 = arith.addi %mul3A_1247, %add3A_1248 : i32
      %mul3A_1250 = arith.constant 16 : i32
      %mul3A_1251 = arith.muli %add3A_1249, %mul3A_1250 : i32
      %get3A_1252 = arith.index_cast %mul3A_1251 : i32 to index
      %get3A_1253 = tpu.vector_load %arg5[%get3A_1252] {strides = array<i32>} : memref<32768xf32, #tpu.memory_space<vmem>>, vector<16xf32>,
      %get3A_1254 = vector.shape_cast %get3A_1253 : vector<16xf32> to vector<16xf32>
      %get3A_1255 = arith.index_cast %mul3A_1251 : i32 to index
      %get3A_1256 = tpu.vector_load %arg6[%get3A_1255] {strides = array<i32>} : memref<32768xf32, #tpu.memory_space<vmem>>, vector<16xf32>,
      %get3A_1257 = vector.shape_cast %get3A_1256 : vector<16xf32> to vector<16xf32>
      %sub3A_1258 = arith.subf %get3A_1254, %mul3A_213 : vector<16xf32>
      %jit3A_1259 = arith.constant 0.000000e+00 : f32
      %max3A_1260 = vector.broadcast %jit3A_1259 : f32 to vector<16xf32>
      %max3A_1261 = arith.maximumf %max3A_1260, %sub3A_1258 : vector<16xf32>
      %min3A_1262 = arith.minimumf %get3A_1257, %max3A_1261 : vector<16xf32>
      %add3A_1263 = arith.addf %add3A_1189, %min3A_1262 : vector<16xf32>
      scf.yield %add3A_1209, %add3A_1227, %add3A_1245, %add3A_1263 : vector<16xf32>, vector<16xf32>, vector<16xf32>, vector<16xf32>
    }
    %scan3A_221 = arith.constant 512 : i32
    %add3A_222 = arith.addf %scan3A_220#0, %scan3A_220#1 : vector<16xf32>
    %add3A_223 = arith.addf %scan3A_220#2, %scan3A_220#3 : vector<16xf32>
    %add3A_224 = arith.addf %add3A_222, %add3A_223 : vector<16xf32>
    %iota3A_225 = tpu.iota {dimensions = array<i32: 0>} : vector<16xi32>
    %xor3A_226 = arith.constant 8 : i32
    %xor3A_227 = vector.broadcast %xor3A_226 : i32 to vector<16xi32>
    %xor3A_228 = arith.xori %iota3A_225, %xor3A_227 : vector<16xi32>
    %broadcast_in_dim3A_229 = vector.shape_cast %xor3A_228 : vector<16xi32> to vector<16x1xi32>
    %gather3A_230 = vector.shape_cast %broadcast_in_dim3A_229 : vector<16x1xi32> to vector<16xi32>
    %gather3A_231 = tpu.dynamic_gather %add3A_224[%gather3A_230] in [0] : vector<16xf32>, vector<16xi32> -> vector<16xf32>
    %add3A_232 = arith.addf %add3A_224, %gather3A_231 : vector<16xf32>
    %xor3A_233 = arith.constant 4 : i32
    %xor3A_234 = vector.broadcast %xor3A_233 : i32 to vector<16xi32>
    %xor3A_235 = arith.xori %iota3A_225, %xor3A_234 : vector<16xi32>
    %broadcast_in_dim3A_236 = vector.shape_cast %xor3A_235 : vector<16xi32> to vector<16x1xi32>
    %gather3A_237 = vector.shape_cast %broadcast_in_dim3A_236 : vector<16x1xi32> to vector<16xi32>
    %gather3A_238 = tpu.dynamic_gather %add3A_232[%gather3A_237] in [0] : vector<16xf32>, vector<16xi32> -> vector<16xf32>
    %add3A_239 = arith.addf %add3A_232, %gather3A_238 : vector<16xf32>
    %xor3A_240 = arith.constant 2 : i32
    %xor3A_241 = vector.broadcast %xor3A_240 : i32 to vector<16xi32>
    %xor3A_242 = arith.xori %iota3A_225, %xor3A_241 : vector<16xi32>
    %broadcast_in_dim3A_243 = vector.shape_cast %xor3A_242 : vector<16xi32> to vector<16x1xi32>
    %gather3A_244 = vector.shape_cast %broadcast_in_dim3A_243 : vector<16x1xi32> to vector<16xi32>
    %gather3A_245 = tpu.dynamic_gather %add3A_239[%gather3A_244] in [0] : vector<16xf32>, vector<16xi32> -> vector<16xf32>
    %add3A_246 = arith.addf %add3A_239, %gather3A_245 : vector<16xf32>
    %xor3A_247 = arith.constant 1 : i32
    %xor3A_248 = vector.broadcast %xor3A_247 : i32 to vector<16xi32>
    %xor3A_249 = arith.xori %iota3A_225, %xor3A_248 : vector<16xi32>
    %broadcast_in_dim3A_250 = vector.shape_cast %xor3A_249 : vector<16xi32> to vector<16x1xi32>
    %gather3A_251 = vector.shape_cast %broadcast_in_dim3A_250 : vector<16x1xi32> to vector<16xi32>
    %gather3A_252 = tpu.dynamic_gather %add3A_246[%gather3A_251] in [0] : vector<16xf32>, vector<16xi32> -> vector<16xf32>
    %add3A_253 = arith.addf %add3A_246, %gather3A_252 : vector<16xf32>
    %sub3A_254 = arith.constant 1.000000e+00 : f32
    %sub3A_255 = vector.broadcast %sub3A_254 : f32 to vector<16xf32>
    %sub3A_256 = arith.subf %add3A_253, %sub3A_255 : vector<16xf32>
    %gt3A_257 = arith.constant 0.000000e+00 : f32
    %gt3A_258 = vector.broadcast %gt3A_257 : f32 to vector<16xf32>
    %gt3A_259 = arith.cmpf ogt, %sub3A_256, %gt3A_258 : vector<16xf32>
    %select_n3A_260 = arith.select %gt3A_259, %mul3A_213, %select_n3A_208 : vector<16xi1>, vector<16xf32>
    %select_n3A_261 = arith.select %gt3A_259, %select_n3A_209, %mul3A_213 : vector<16xi1>, vector<16xf32>
    %add3A_262 = arith.addf %select_n3A_260, %select_n3A_261 : vector<16xf32>
    %mul3A_263 = arith.constant 5.000000e-01 : f32
    %mul3A_264 = vector.broadcast %mul3A_263 : f32 to vector<16xf32>
    %mul3A_265 = arith.mulf %mul3A_264, %add3A_262 : vector<16xf32>
    %broadcast_in_dim3A_266 = arith.constant 0.000000e+00 : f32
    %broadcast_in_dim3A_267 = vector.broadcast %broadcast_in_dim3A_266 : f32 to vector<16xf32>
    %scan3A_268 = arith.constant 0 : i32
    %scan3A_269 = arith.constant 512 : i32
    %scan3A_270 = arith.addi %scan3A_268, %scan3A_269 : i32
    %scan3A_271 = arith.constant 2 : i32
    %scan3A_272:4 = scf.for %scan3A_1115 = %scan3A_268 to %scan3A_270 step %scan3A_271 iter_args(%scan3A_1116 = %broadcast_in_dim3A_267, %scan3A_1117 = %broadcast_in_dim3A_267, %scan3A_1118 = %broadcast_in_dim3A_267, %scan3A_1119 = %broadcast_in_dim3A_267) -> (vector<16xf32>, vector<16xf32>, vector<16xf32>, vector<16xf32>)  : i32 {
      %mul3A_1120 = arith.constant 4 : i32
      %mul3A_1121 = arith.muli %scan3A_1115, %mul3A_1120 : i32
      %add3A_1122 = arith.constant 0 : i32
      %add3A_1123 = arith.addi %mul3A_1121, %add3A_1122 : i32
      %mul3A_1124 = arith.constant 16 : i32
      %mul3A_1125 = arith.muli %add3A_1123, %mul3A_1124 : i32
      %get3A = arith.index_cast %mul3A_1125 : i32 to index
      %get3A_1126 = tpu.vector_load %arg5[%get3A] {strides = array<i32>} : memref<32768xf32, #tpu.memory_space<vmem>>, vector<16xf32>,
      %get3A_1127 = vector.shape_cast %get3A_1126 : vector<16xf32> to vector<16xf32>
      %get3A_1128 = arith.index_cast %mul3A_1125 : i32 to index
      %get3A_1129 = tpu.vector_load %arg6[%get3A_1128] {strides = array<i32>} : memref<32768xf32, #tpu.memory_space<vmem>>, vector<16xf32>,
      %get3A_1130 = vector.shape_cast %get3A_1129 : vector<16xf32> to vector<16xf32>
      %sub3A_1131 = arith.subf %get3A_1127, %mul3A_265 : vector<16xf32>
      %jit3A_1132 = arith.constant 0.000000e+00 : f32
      %max3A_1133 = vector.broadcast %jit3A_1132 : f32 to vector<16xf32>
      %max3A_1134 = arith.maximumf %max3A_1133, %sub3A_1131 : vector<16xf32>
      %min3A = arith.minimumf %get3A_1130, %max3A_1134 : vector<16xf32>
      %add3A_1135 = arith.addf %scan3A_1116, %min3A : vector<16xf32>
      %mul3A_1136 = arith.constant 4 : i32
      %mul3A_1137 = arith.muli %scan3A_1115, %mul3A_1136 : i32
      %add3A_1138 = arith.constant 1 : i32
      %add3A_1139 = arith.addi %mul3A_1137, %add3A_1138 : i32
      %mul3A_1140 = arith.constant 16 : i32
      %mul3A_1141 = arith.muli %add3A_1139, %mul3A_1140 : i32
      %get3A_1142 = arith.index_cast %mul3A_1141 : i32 to index
      %get3A_1143 = tpu.vector_load %arg5[%get3A_1142] {strides = array<i32>} : memref<32768xf32, #tpu.memory_space<vmem>>, vector<16xf32>,
      %get3A_1144 = vector.shape_cast %get3A_1143 : vector<16xf32> to vector<16xf32>
      %get3A_1145 = arith.index_cast %mul3A_1141 : i32 to index
      %get3A_1146 = tpu.vector_load %arg6[%get3A_1145] {strides = array<i32>} : memref<32768xf32, #tpu.memory_space<vmem>>, vector<16xf32>,
      %get3A_1147 = vector.shape_cast %get3A_1146 : vector<16xf32> to vector<16xf32>
      %sub3A_1148 = arith.subf %get3A_1144, %mul3A_265 : vector<16xf32>
      %jit3A_1149 = arith.constant 0.000000e+00 : f32
      %max3A_1150 = vector.broadcast %jit3A_1149 : f32 to vector<16xf32>
      %max3A_1151 = arith.maximumf %max3A_1150, %sub3A_1148 : vector<16xf32>
      %min3A_1152 = arith.minimumf %get3A_1147, %max3A_1151 : vector<16xf32>
      %add3A_1153 = arith.addf %scan3A_1117, %min3A_1152 : vector<16xf32>
      %mul3A_1154 = arith.constant 4 : i32
      %mul3A_1155 = arith.muli %scan3A_1115, %mul3A_1154 : i32
      %add3A_1156 = arith.constant 2 : i32
      %add3A_1157 = arith.addi %mul3A_1155, %add3A_1156 : i32
      %mul3A_1158 = arith.constant 16 : i32
      %mul3A_1159 = arith.muli %add3A_1157, %mul3A_1158 : i32
      %get3A_1160 = arith.index_cast %mul3A_1159 : i32 to index
      %get3A_1161 = tpu.vector_load %arg5[%get3A_1160] {strides = array<i32>} : memref<32768xf32, #tpu.memory_space<vmem>>, vector<16xf32>,
      %get3A_1162 = vector.shape_cast %get3A_1161 : vector<16xf32> to vector<16xf32>
      %get3A_1163 = arith.index_cast %mul3A_1159 : i32 to index
      %get3A_1164 = tpu.vector_load %arg6[%get3A_1163] {strides = array<i32>} : memref<32768xf32, #tpu.memory_space<vmem>>, vector<16xf32>,
      %get3A_1165 = vector.shape_cast %get3A_1164 : vector<16xf32> to vector<16xf32>
      %sub3A_1166 = arith.subf %get3A_1162, %mul3A_265 : vector<16xf32>
      %jit3A_1167 = arith.constant 0.000000e+00 : f32
      %max3A_1168 = vector.broadcast %jit3A_1167 : f32 to vector<16xf32>
      %max3A_1169 = arith.maximumf %max3A_1168, %sub3A_1166 : vector<16xf32>
      %min3A_1170 = arith.minimumf %get3A_1165, %max3A_1169 : vector<16xf32>
      %add3A_1171 = arith.addf %scan3A_1118, %min3A_1170 : vector<16xf32>
      %mul3A_1172 = arith.constant 4 : i32
      %mul3A_1173 = arith.muli %scan3A_1115, %mul3A_1172 : i32
      %add3A_1174 = arith.constant 3 : i32
      %add3A_1175 = arith.addi %mul3A_1173, %add3A_1174 : i32
      %mul3A_1176 = arith.constant 16 : i32
      %mul3A_1177 = arith.muli %add3A_1175, %mul3A_1176 : i32
      %get3A_1178 = arith.index_cast %mul3A_1177 : i32 to index
      %get3A_1179 = tpu.vector_load %arg5[%get3A_1178] {strides = array<i32>} : memref<32768xf32, #tpu.memory_space<vmem>>, vector<16xf32>,
      %get3A_1180 = vector.shape_cast %get3A_1179 : vector<16xf32> to vector<16xf32>
      %get3A_1181 = arith.index_cast %mul3A_1177 : i32 to index
      %get3A_1182 = tpu.vector_load %arg6[%get3A_1181] {strides = array<i32>} : memref<32768xf32, #tpu.memory_space<vmem>>, vector<16xf32>,
      %get3A_1183 = vector.shape_cast %get3A_1182 : vector<16xf32> to vector<16xf32>
      %sub3A_1184 = arith.subf %get3A_1180, %mul3A_265 : vector<16xf32>
      %jit3A_1185 = arith.constant 0.000000e+00 : f32
      %max3A_1186 = vector.broadcast %jit3A_1185 : f32 to vector<16xf32>
      %max3A_1187 = arith.maximumf %max3A_1186, %sub3A_1184 : vector<16xf32>
      %min3A_1188 = arith.minimumf %get3A_1183, %max3A_1187 : vector<16xf32>
      %add3A_1189 = arith.addf %scan3A_1119, %min3A_1188 : vector<16xf32>
      %scan3A_1190 = arith.constant 1 : i32
      %scan3A_1191 = arith.addi %scan3A_1115, %scan3A_1190 : i32
      %mul3A_1192 = arith.constant 4 : i32
      %mul3A_1193 = arith.muli %scan3A_1191, %mul3A_1192 : i32
      %add3A_1194 = arith.constant 0 : i32
      %add3A_1195 = arith.addi %mul3A_1193, %add3A_1194 : i32
      %mul3A_1196 = arith.constant 16 : i32
      %mul3A_1197 = arith.muli %add3A_1195, %mul3A_1196 : i32
      %get3A_1198 = arith.index_cast %mul3A_1197 : i32 to index
      %get3A_1199 = tpu.vector_load %arg5[%get3A_1198] {strides = array<i32>} : memref<32768xf32, #tpu.memory_space<vmem>>, vector<16xf32>,
      %get3A_1200 = vector.shape_cast %get3A_1199 : vector<16xf32> to vector<16xf32>
      %get3A_1201 = arith.index_cast %mul3A_1197 : i32 to index
      %get3A_1202 = tpu.vector_load %arg6[%get3A_1201] {strides = array<i32>} : memref<32768xf32, #tpu.memory_space<vmem>>, vector<16xf32>,
      %get3A_1203 = vector.shape_cast %get3A_1202 : vector<16xf32> to vector<16xf32>
      %sub3A_1204 = arith.subf %get3A_1200, %mul3A_265 : vector<16xf32>
      %jit3A_1205 = arith.constant 0.000000e+00 : f32
      %max3A_1206 = vector.broadcast %jit3A_1205 : f32 to vector<16xf32>
      %max3A_1207 = arith.maximumf %max3A_1206, %sub3A_1204 : vector<16xf32>
      %min3A_1208 = arith.minimumf %get3A_1203, %max3A_1207 : vector<16xf32>
      %add3A_1209 = arith.addf %add3A_1135, %min3A_1208 : vector<16xf32>
      %mul3A_1210 = arith.constant 4 : i32
      %mul3A_1211 = arith.muli %scan3A_1191, %mul3A_1210 : i32
      %add3A_1212 = arith.constant 1 : i32
      %add3A_1213 = arith.addi %mul3A_1211, %add3A_1212 : i32
      %mul3A_1214 = arith.constant 16 : i32
      %mul3A_1215 = arith.muli %add3A_1213, %mul3A_1214 : i32
      %get3A_1216 = arith.index_cast %mul3A_1215 : i32 to index
      %get3A_1217 = tpu.vector_load %arg5[%get3A_1216] {strides = array<i32>} : memref<32768xf32, #tpu.memory_space<vmem>>, vector<16xf32>,
      %get3A_1218 = vector.shape_cast %get3A_1217 : vector<16xf32> to vector<16xf32>
      %get3A_1219 = arith.index_cast %mul3A_1215 : i32 to index
      %get3A_1220 = tpu.vector_load %arg6[%get3A_1219] {strides = array<i32>} : memref<32768xf32, #tpu.memory_space<vmem>>, vector<16xf32>,
      %get3A_1221 = vector.shape_cast %get3A_1220 : vector<16xf32> to vector<16xf32>
      %sub3A_1222 = arith.subf %get3A_1218, %mul3A_265 : vector<16xf32>
      %jit3A_1223 = arith.constant 0.000000e+00 : f32
      %max3A_1224 = vector.broadcast %jit3A_1223 : f32 to vector<16xf32>
      %max3A_1225 = arith.maximumf %max3A_1224, %sub3A_1222 : vector<16xf32>
      %min3A_1226 = arith.minimumf %get3A_1221, %max3A_1225 : vector<16xf32>
      %add3A_1227 = arith.addf %add3A_1153, %min3A_1226 : vector<16xf32>
      %mul3A_1228 = arith.constant 4 : i32
      %mul3A_1229 = arith.muli %scan3A_1191, %mul3A_1228 : i32
      %add3A_1230 = arith.constant 2 : i32
      %add3A_1231 = arith.addi %mul3A_1229, %add3A_1230 : i32
      %mul3A_1232 = arith.constant 16 : i32
      %mul3A_1233 = arith.muli %add3A_1231, %mul3A_1232 : i32
      %get3A_1234 = arith.index_cast %mul3A_1233 : i32 to index
      %get3A_1235 = tpu.vector_load %arg5[%get3A_1234] {strides = array<i32>} : memref<32768xf32, #tpu.memory_space<vmem>>, vector<16xf32>,
      %get3A_1236 = vector.shape_cast %get3A_1235 : vector<16xf32> to vector<16xf32>
      %get3A_1237 = arith.index_cast %mul3A_1233 : i32 to index
      %get3A_1238 = tpu.vector_load %arg6[%get3A_1237] {strides = array<i32>} : memref<32768xf32, #tpu.memory_space<vmem>>, vector<16xf32>,
      %get3A_1239 = vector.shape_cast %get3A_1238 : vector<16xf32> to vector<16xf32>
      %sub3A_1240 = arith.subf %get3A_1236, %mul3A_265 : vector<16xf32>
      %jit3A_1241 = arith.constant 0.000000e+00 : f32
      %max3A_1242 = vector.broadcast %jit3A_1241 : f32 to vector<16xf32>
      %max3A_1243 = arith.maximumf %max3A_1242, %sub3A_1240 : vector<16xf32>
      %min3A_1244 = arith.minimumf %get3A_1239, %max3A_1243 : vector<16xf32>
      %add3A_1245 = arith.addf %add3A_1171, %min3A_1244 : vector<16xf32>
      %mul3A_1246 = arith.constant 4 : i32
      %mul3A_1247 = arith.muli %scan3A_1191, %mul3A_1246 : i32
      %add3A_1248 = arith.constant 3 : i32
      %add3A_1249 = arith.addi %mul3A_1247, %add3A_1248 : i32
      %mul3A_1250 = arith.constant 16 : i32
      %mul3A_1251 = arith.muli %add3A_1249, %mul3A_1250 : i32
      %get3A_1252 = arith.index_cast %mul3A_1251 : i32 to index
      %get3A_1253 = tpu.vector_load %arg5[%get3A_1252] {strides = array<i32>} : memref<32768xf32, #tpu.memory_space<vmem>>, vector<16xf32>,
      %get3A_1254 = vector.shape_cast %get3A_1253 : vector<16xf32> to vector<16xf32>
      %get3A_1255 = arith.index_cast %mul3A_1251 : i32 to index
      %get3A_1256 = tpu.vector_load %arg6[%get3A_1255] {strides = array<i32>} : memref<32768xf32, #tpu.memory_space<vmem>>, vector<16xf32>,
      %get3A_1257 = vector.shape_cast %get3A_1256 : vector<16xf32> to vector<16xf32>
      %sub3A_1258 = arith.subf %get3A_1254, %mul3A_265 : vector<16xf32>
      %jit3A_1259 = arith.constant 0.000000e+00 : f32
      %max3A_1260 = vector.broadcast %jit3A_1259 : f32 to vector<16xf32>
      %max3A_1261 = arith.maximumf %max3A_1260, %sub3A_1258 : vector<16xf32>
      %min3A_1262 = arith.minimumf %get3A_1257, %max3A_1261 : vector<16xf32>
      %add3A_1263 = arith.addf %add3A_1189, %min3A_1262 : vector<16xf32>
      scf.yield %add3A_1209, %add3A_1227, %add3A_1245, %add3A_1263 : vector<16xf32>, vector<16xf32>, vector<16xf32>, vector<16xf32>
    }
    %scan3A_273 = arith.constant 512 : i32
    %add3A_274 = arith.addf %scan3A_272#0, %scan3A_272#1 : vector<16xf32>
    %add3A_275 = arith.addf %scan3A_272#2, %scan3A_272#3 : vector<16xf32>
    %add3A_276 = arith.addf %add3A_274, %add3A_275 : vector<16xf32>
    %iota3A_277 = tpu.iota {dimensions = array<i32: 0>} : vector<16xi32>
    %xor3A_278 = arith.constant 8 : i32
    %xor3A_279 = vector.broadcast %xor3A_278 : i32 to vector<16xi32>
    %xor3A_280 = arith.xori %iota3A_277, %xor3A_279 : vector<16xi32>
    %broadcast_in_dim3A_281 = vector.shape_cast %xor3A_280 : vector<16xi32> to vector<16x1xi32>
    %gather3A_282 = vector.shape_cast %broadcast_in_dim3A_281 : vector<16x1xi32> to vector<16xi32>
    %gather3A_283 = tpu.dynamic_gather %add3A_276[%gather3A_282] in [0] : vector<16xf32>, vector<16xi32> -> vector<16xf32>
    %add3A_284 = arith.addf %add3A_276, %gather3A_283 : vector<16xf32>
    %xor3A_285 = arith.constant 4 : i32
    %xor3A_286 = vector.broadcast %xor3A_285 : i32 to vector<16xi32>
    %xor3A_287 = arith.xori %iota3A_277, %xor3A_286 : vector<16xi32>
    %broadcast_in_dim3A_288 = vector.shape_cast %xor3A_287 : vector<16xi32> to vector<16x1xi32>
    %gather3A_289 = vector.shape_cast %broadcast_in_dim3A_288 : vector<16x1xi32> to vector<16xi32>
    %gather3A_290 = tpu.dynamic_gather %add3A_284[%gather3A_289] in [0] : vector<16xf32>, vector<16xi32> -> vector<16xf32>
    %add3A_291 = arith.addf %add3A_284, %gather3A_290 : vector<16xf32>
    %xor3A_292 = arith.constant 2 : i32
    %xor3A_293 = vector.broadcast %xor3A_292 : i32 to vector<16xi32>
    %xor3A_294 = arith.xori %iota3A_277, %xor3A_293 : vector<16xi32>
    %broadcast_in_dim3A_295 = vector.shape_cast %xor3A_294 : vector<16xi32> to vector<16x1xi32>
    %gather3A_296 = vector.shape_cast %broadcast_in_dim3A_295 : vector<16x1xi32> to vector<16xi32>
    %gather3A_297 = tpu.dynamic_gather %add3A_291[%gather3A_296] in [0] : vector<16xf32>, vector<16xi32> -> vector<16xf32>
    %add3A_298 = arith.addf %add3A_291, %gather3A_297 : vector<16xf32>
    %xor3A_299 = arith.constant 1 : i32
    %xor3A_300 = vector.broadcast %xor3A_299 : i32 to vector<16xi32>
    %xor3A_301 = arith.xori %iota3A_277, %xor3A_300 : vector<16xi32>
    %broadcast_in_dim3A_302 = vector.shape_cast %xor3A_301 : vector<16xi32> to vector<16x1xi32>
    %gather3A_303 = vector.shape_cast %broadcast_in_dim3A_302 : vector<16x1xi32> to vector<16xi32>
    %gather3A_304 = tpu.dynamic_gather %add3A_298[%gather3A_303] in [0] : vector<16xf32>, vector<16xi32> -> vector<16xf32>
    %add3A_305 = arith.addf %add3A_298, %gather3A_304 : vector<16xf32>
    %sub3A_306 = arith.constant 1.000000e+00 : f32
    %sub3A_307 = vector.broadcast %sub3A_306 : f32 to vector<16xf32>
    %sub3A_308 = arith.subf %add3A_305, %sub3A_307 : vector<16xf32>
    %gt3A_309 = arith.constant 0.000000e+00 : f32
    %gt3A_310 = vector.broadcast %gt3A_309 : f32 to vector<16xf32>
    %gt3A_311 = arith.cmpf ogt, %sub3A_308, %gt3A_310 : vector<16xf32>
    %select_n3A_312 = arith.select %gt3A_311, %mul3A_265, %select_n3A_260 : vector<16xi1>, vector<16xf32>
    %select_n3A_313 = arith.select %gt3A_311, %select_n3A_261, %mul3A_265 : vector<16xi1>, vector<16xf32>
    %add3A_314 = arith.addf %select_n3A_312, %select_n3A_313 : vector<16xf32>
    %mul3A_315 = arith.constant 5.000000e-01 : f32
    %mul3A_316 = vector.broadcast %mul3A_315 : f32 to vector<16xf32>
    %mul3A_317 = arith.mulf %mul3A_316, %add3A_314 : vector<16xf32>
    %broadcast_in_dim3A_318 = arith.constant 0.000000e+00 : f32
    %broadcast_in_dim3A_319 = vector.broadcast %broadcast_in_dim3A_318 : f32 to vector<16xf32>
    %scan3A_320 = arith.constant 0 : i32
    %scan3A_321 = arith.constant 512 : i32
    %scan3A_322 = arith.addi %scan3A_320, %scan3A_321 : i32
    %scan3A_323 = arith.constant 2 : i32
    %scan3A_324:4 = scf.for %scan3A_1115 = %scan3A_320 to %scan3A_322 step %scan3A_323 iter_args(%scan3A_1116 = %broadcast_in_dim3A_319, %scan3A_1117 = %broadcast_in_dim3A_319, %scan3A_1118 = %broadcast_in_dim3A_319, %scan3A_1119 = %broadcast_in_dim3A_319) -> (vector<16xf32>, vector<16xf32>, vector<16xf32>, vector<16xf32>)  : i32 {
      %mul3A_1120 = arith.constant 4 : i32
      %mul3A_1121 = arith.muli %scan3A_1115, %mul3A_1120 : i32
      %add3A_1122 = arith.constant 0 : i32
      %add3A_1123 = arith.addi %mul3A_1121, %add3A_1122 : i32
      %mul3A_1124 = arith.constant 16 : i32
      %mul3A_1125 = arith.muli %add3A_1123, %mul3A_1124 : i32
      %get3A = arith.index_cast %mul3A_1125 : i32 to index
      %get3A_1126 = tpu.vector_load %arg5[%get3A] {strides = array<i32>} : memref<32768xf32, #tpu.memory_space<vmem>>, vector<16xf32>,
      %get3A_1127 = vector.shape_cast %get3A_1126 : vector<16xf32> to vector<16xf32>
      %get3A_1128 = arith.index_cast %mul3A_1125 : i32 to index
      %get3A_1129 = tpu.vector_load %arg6[%get3A_1128] {strides = array<i32>} : memref<32768xf32, #tpu.memory_space<vmem>>, vector<16xf32>,
      %get3A_1130 = vector.shape_cast %get3A_1129 : vector<16xf32> to vector<16xf32>
      %sub3A_1131 = arith.subf %get3A_1127, %mul3A_317 : vector<16xf32>
      %jit3A_1132 = arith.constant 0.000000e+00 : f32
      %max3A_1133 = vector.broadcast %jit3A_1132 : f32 to vector<16xf32>
      %max3A_1134 = arith.maximumf %max3A_1133, %sub3A_1131 : vector<16xf32>
      %min3A = arith.minimumf %get3A_1130, %max3A_1134 : vector<16xf32>
      %add3A_1135 = arith.addf %scan3A_1116, %min3A : vector<16xf32>
      %mul3A_1136 = arith.constant 4 : i32
      %mul3A_1137 = arith.muli %scan3A_1115, %mul3A_1136 : i32
      %add3A_1138 = arith.constant 1 : i32
      %add3A_1139 = arith.addi %mul3A_1137, %add3A_1138 : i32
      %mul3A_1140 = arith.constant 16 : i32
      %mul3A_1141 = arith.muli %add3A_1139, %mul3A_1140 : i32
      %get3A_1142 = arith.index_cast %mul3A_1141 : i32 to index
      %get3A_1143 = tpu.vector_load %arg5[%get3A_1142] {strides = array<i32>} : memref<32768xf32, #tpu.memory_space<vmem>>, vector<16xf32>,
      %get3A_1144 = vector.shape_cast %get3A_1143 : vector<16xf32> to vector<16xf32>
      %get3A_1145 = arith.index_cast %mul3A_1141 : i32 to index
      %get3A_1146 = tpu.vector_load %arg6[%get3A_1145] {strides = array<i32>} : memref<32768xf32, #tpu.memory_space<vmem>>, vector<16xf32>,
      %get3A_1147 = vector.shape_cast %get3A_1146 : vector<16xf32> to vector<16xf32>
      %sub3A_1148 = arith.subf %get3A_1144, %mul3A_317 : vector<16xf32>
      %jit3A_1149 = arith.constant 0.000000e+00 : f32
      %max3A_1150 = vector.broadcast %jit3A_1149 : f32 to vector<16xf32>
      %max3A_1151 = arith.maximumf %max3A_1150, %sub3A_1148 : vector<16xf32>
      %min3A_1152 = arith.minimumf %get3A_1147, %max3A_1151 : vector<16xf32>
      %add3A_1153 = arith.addf %scan3A_1117, %min3A_1152 : vector<16xf32>
      %mul3A_1154 = arith.constant 4 : i32
      %mul3A_1155 = arith.muli %scan3A_1115, %mul3A_1154 : i32
      %add3A_1156 = arith.constant 2 : i32
      %add3A_1157 = arith.addi %mul3A_1155, %add3A_1156 : i32
      %mul3A_1158 = arith.constant 16 : i32
      %mul3A_1159 = arith.muli %add3A_1157, %mul3A_1158 : i32
      %get3A_1160 = arith.index_cast %mul3A_1159 : i32 to index
      %get3A_1161 = tpu.vector_load %arg5[%get3A_1160] {strides = array<i32>} : memref<32768xf32, #tpu.memory_space<vmem>>, vector<16xf32>,
      %get3A_1162 = vector.shape_cast %get3A_1161 : vector<16xf32> to vector<16xf32>
      %get3A_1163 = arith.index_cast %mul3A_1159 : i32 to index
      %get3A_1164 = tpu.vector_load %arg6[%get3A_1163] {strides = array<i32>} : memref<32768xf32, #tpu.memory_space<vmem>>, vector<16xf32>,
      %get3A_1165 = vector.shape_cast %get3A_1164 : vector<16xf32> to vector<16xf32>
      %sub3A_1166 = arith.subf %get3A_1162, %mul3A_317 : vector<16xf32>
      %jit3A_1167 = arith.constant 0.000000e+00 : f32
      %max3A_1168 = vector.broadcast %jit3A_1167 : f32 to vector<16xf32>
      %max3A_1169 = arith.maximumf %max3A_1168, %sub3A_1166 : vector<16xf32>
      %min3A_1170 = arith.minimumf %get3A_1165, %max3A_1169 : vector<16xf32>
      %add3A_1171 = arith.addf %scan3A_1118, %min3A_1170 : vector<16xf32>
      %mul3A_1172 = arith.constant 4 : i32
      %mul3A_1173 = arith.muli %scan3A_1115, %mul3A_1172 : i32
      %add3A_1174 = arith.constant 3 : i32
      %add3A_1175 = arith.addi %mul3A_1173, %add3A_1174 : i32
      %mul3A_1176 = arith.constant 16 : i32
      %mul3A_1177 = arith.muli %add3A_1175, %mul3A_1176 : i32
      %get3A_1178 = arith.index_cast %mul3A_1177 : i32 to index
      %get3A_1179 = tpu.vector_load %arg5[%get3A_1178] {strides = array<i32>} : memref<32768xf32, #tpu.memory_space<vmem>>, vector<16xf32>,
      %get3A_1180 = vector.shape_cast %get3A_1179 : vector<16xf32> to vector<16xf32>
      %get3A_1181 = arith.index_cast %mul3A_1177 : i32 to index
      %get3A_1182 = tpu.vector_load %arg6[%get3A_1181] {strides = array<i32>} : memref<32768xf32, #tpu.memory_space<vmem>>, vector<16xf32>,
      %get3A_1183 = vector.shape_cast %get3A_1182 : vector<16xf32> to vector<16xf32>
      %sub3A_1184 = arith.subf %get3A_1180, %mul3A_317 : vector<16xf32>
      %jit3A_1185 = arith.constant 0.000000e+00 : f32
      %max3A_1186 = vector.broadcast %jit3A_1185 : f32 to vector<16xf32>
      %max3A_1187 = arith.maximumf %max3A_1186, %sub3A_1184 : vector<16xf32>
      %min3A_1188 = arith.minimumf %get3A_1183, %max3A_1187 : vector<16xf32>
      %add3A_1189 = arith.addf %scan3A_1119, %min3A_1188 : vector<16xf32>
      %scan3A_1190 = arith.constant 1 : i32
      %scan3A_1191 = arith.addi %scan3A_1115, %scan3A_1190 : i32
      %mul3A_1192 = arith.constant 4 : i32
      %mul3A_1193 = arith.muli %scan3A_1191, %mul3A_1192 : i32
      %add3A_1194 = arith.constant 0 : i32
      %add3A_1195 = arith.addi %mul3A_1193, %add3A_1194 : i32
      %mul3A_1196 = arith.constant 16 : i32
      %mul3A_1197 = arith.muli %add3A_1195, %mul3A_1196 : i32
      %get3A_1198 = arith.index_cast %mul3A_1197 : i32 to index
      %get3A_1199 = tpu.vector_load %arg5[%get3A_1198] {strides = array<i32>} : memref<32768xf32, #tpu.memory_space<vmem>>, vector<16xf32>,
      %get3A_1200 = vector.shape_cast %get3A_1199 : vector<16xf32> to vector<16xf32>
      %get3A_1201 = arith.index_cast %mul3A_1197 : i32 to index
      %get3A_1202 = tpu.vector_load %arg6[%get3A_1201] {strides = array<i32>} : memref<32768xf32, #tpu.memory_space<vmem>>, vector<16xf32>,
      %get3A_1203 = vector.shape_cast %get3A_1202 : vector<16xf32> to vector<16xf32>
      %sub3A_1204 = arith.subf %get3A_1200, %mul3A_317 : vector<16xf32>
      %jit3A_1205 = arith.constant 0.000000e+00 : f32
      %max3A_1206 = vector.broadcast %jit3A_1205 : f32 to vector<16xf32>
      %max3A_1207 = arith.maximumf %max3A_1206, %sub3A_1204 : vector<16xf32>
      %min3A_1208 = arith.minimumf %get3A_1203, %max3A_1207 : vector<16xf32>
      %add3A_1209 = arith.addf %add3A_1135, %min3A_1208 : vector<16xf32>
      %mul3A_1210 = arith.constant 4 : i32
      %mul3A_1211 = arith.muli %scan3A_1191, %mul3A_1210 : i32
      %add3A_1212 = arith.constant 1 : i32
      %add3A_1213 = arith.addi %mul3A_1211, %add3A_1212 : i32
      %mul3A_1214 = arith.constant 16 : i32
      %mul3A_1215 = arith.muli %add3A_1213, %mul3A_1214 : i32
      %get3A_1216 = arith.index_cast %mul3A_1215 : i32 to index
      %get3A_1217 = tpu.vector_load %arg5[%get3A_1216] {strides = array<i32>} : memref<32768xf32, #tpu.memory_space<vmem>>, vector<16xf32>,
      %get3A_1218 = vector.shape_cast %get3A_1217 : vector<16xf32> to vector<16xf32>
      %get3A_1219 = arith.index_cast %mul3A_1215 : i32 to index
      %get3A_1220 = tpu.vector_load %arg6[%get3A_1219] {strides = array<i32>} : memref<32768xf32, #tpu.memory_space<vmem>>, vector<16xf32>,
      %get3A_1221 = vector.shape_cast %get3A_1220 : vector<16xf32> to vector<16xf32>
      %sub3A_1222 = arith.subf %get3A_1218, %mul3A_317 : vector<16xf32>
      %jit3A_1223 = arith.constant 0.000000e+00 : f32
      %max3A_1224 = vector.broadcast %jit3A_1223 : f32 to vector<16xf32>
      %max3A_1225 = arith.maximumf %max3A_1224, %sub3A_1222 : vector<16xf32>
      %min3A_1226 = arith.minimumf %get3A_1221, %max3A_1225 : vector<16xf32>
      %add3A_1227 = arith.addf %add3A_1153, %min3A_1226 : vector<16xf32>
      %mul3A_1228 = arith.constant 4 : i32
      %mul3A_1229 = arith.muli %scan3A_1191, %mul3A_1228 : i32
      %add3A_1230 = arith.constant 2 : i32
      %add3A_1231 = arith.addi %mul3A_1229, %add3A_1230 : i32
      %mul3A_1232 = arith.constant 16 : i32
      %mul3A_1233 = arith.muli %add3A_1231, %mul3A_1232 : i32
      %get3A_1234 = arith.index_cast %mul3A_1233 : i32 to index
      %get3A_1235 = tpu.vector_load %arg5[%get3A_1234] {strides = array<i32>} : memref<32768xf32, #tpu.memory_space<vmem>>, vector<16xf32>,
      %get3A_1236 = vector.shape_cast %get3A_1235 : vector<16xf32> to vector<16xf32>
      %get3A_1237 = arith.index_cast %mul3A_1233 : i32 to index
      %get3A_1238 = tpu.vector_load %arg6[%get3A_1237] {strides = array<i32>} : memref<32768xf32, #tpu.memory_space<vmem>>, vector<16xf32>,
      %get3A_1239 = vector.shape_cast %get3A_1238 : vector<16xf32> to vector<16xf32>
      %sub3A_1240 = arith.subf %get3A_1236, %mul3A_317 : vector<16xf32>
      %jit3A_1241 = arith.constant 0.000000e+00 : f32
      %max3A_1242 = vector.broadcast %jit3A_1241 : f32 to vector<16xf32>
      %max3A_1243 = arith.maximumf %max3A_1242, %sub3A_1240 : vector<16xf32>
      %min3A_1244 = arith.minimumf %get3A_1239, %max3A_1243 : vector<16xf32>
      %add3A_1245 = arith.addf %add3A_1171, %min3A_1244 : vector<16xf32>
      %mul3A_1246 = arith.constant 4 : i32
      %mul3A_1247 = arith.muli %scan3A_1191, %mul3A_1246 : i32
      %add3A_1248 = arith.constant 3 : i32
      %add3A_1249 = arith.addi %mul3A_1247, %add3A_1248 : i32
      %mul3A_1250 = arith.constant 16 : i32
      %mul3A_1251 = arith.muli %add3A_1249, %mul3A_1250 : i32
      %get3A_1252 = arith.index_cast %mul3A_1251 : i32 to index
      %get3A_1253 = tpu.vector_load %arg5[%get3A_1252] {strides = array<i32>} : memref<32768xf32, #tpu.memory_space<vmem>>, vector<16xf32>,
      %get3A_1254 = vector.shape_cast %get3A_1253 : vector<16xf32> to vector<16xf32>
      %get3A_1255 = arith.index_cast %mul3A_1251 : i32 to index
      %get3A_1256 = tpu.vector_load %arg6[%get3A_1255] {strides = array<i32>} : memref<32768xf32, #tpu.memory_space<vmem>>, vector<16xf32>,
      %get3A_1257 = vector.shape_cast %get3A_1256 : vector<16xf32> to vector<16xf32>
      %sub3A_1258 = arith.subf %get3A_1254, %mul3A_317 : vector<16xf32>
      %jit3A_1259 = arith.constant 0.000000e+00 : f32
      %max3A_1260 = vector.broadcast %jit3A_1259 : f32 to vector<16xf32>
      %max3A_1261 = arith.maximumf %max3A_1260, %sub3A_1258 : vector<16xf32>
      %min3A_1262 = arith.minimumf %get3A_1257, %max3A_1261 : vector<16xf32>
      %add3A_1263 = arith.addf %add3A_1189, %min3A_1262 : vector<16xf32>
      scf.yield %add3A_1209, %add3A_1227, %add3A_1245, %add3A_1263 : vector<16xf32>, vector<16xf32>, vector<16xf32>, vector<16xf32>
    }
    %scan3A_325 = arith.constant 512 : i32
    %add3A_326 = arith.addf %scan3A_324#0, %scan3A_324#1 : vector<16xf32>
    %add3A_327 = arith.addf %scan3A_324#2, %scan3A_324#3 : vector<16xf32>
    %add3A_328 = arith.addf %add3A_326, %add3A_327 : vector<16xf32>
    %iota3A_329 = tpu.iota {dimensions = array<i32: 0>} : vector<16xi32>
    %xor3A_330 = arith.constant 8 : i32
    %xor3A_331 = vector.broadcast %xor3A_330 : i32 to vector<16xi32>
    %xor3A_332 = arith.xori %iota3A_329, %xor3A_331 : vector<16xi32>
    %broadcast_in_dim3A_333 = vector.shape_cast %xor3A_332 : vector<16xi32> to vector<16x1xi32>
    %gather3A_334 = vector.shape_cast %broadcast_in_dim3A_333 : vector<16x1xi32> to vector<16xi32>
    %gather3A_335 = tpu.dynamic_gather %add3A_328[%gather3A_334] in [0] : vector<16xf32>, vector<16xi32> -> vector<16xf32>
    %add3A_336 = arith.addf %add3A_328, %gather3A_335 : vector<16xf32>
    %xor3A_337 = arith.constant 4 : i32
    %xor3A_338 = vector.broadcast %xor3A_337 : i32 to vector<16xi32>
    %xor3A_339 = arith.xori %iota3A_329, %xor3A_338 : vector<16xi32>
    %broadcast_in_dim3A_340 = vector.shape_cast %xor3A_339 : vector<16xi32> to vector<16x1xi32>
    %gather3A_341 = vector.shape_cast %broadcast_in_dim3A_340 : vector<16x1xi32> to vector<16xi32>
    %gather3A_342 = tpu.dynamic_gather %add3A_336[%gather3A_341] in [0] : vector<16xf32>, vector<16xi32> -> vector<16xf32>
    %add3A_343 = arith.addf %add3A_336, %gather3A_342 : vector<16xf32>
    %xor3A_344 = arith.constant 2 : i32
    %xor3A_345 = vector.broadcast %xor3A_344 : i32 to vector<16xi32>
    %xor3A_346 = arith.xori %iota3A_329, %xor3A_345 : vector<16xi32>
    %broadcast_in_dim3A_347 = vector.shape_cast %xor3A_346 : vector<16xi32> to vector<16x1xi32>
    %gather3A_348 = vector.shape_cast %broadcast_in_dim3A_347 : vector<16x1xi32> to vector<16xi32>
    %gather3A_349 = tpu.dynamic_gather %add3A_343[%gather3A_348] in [0] : vector<16xf32>, vector<16xi32> -> vector<16xf32>
    %add3A_350 = arith.addf %add3A_343, %gather3A_349 : vector<16xf32>
    %xor3A_351 = arith.constant 1 : i32
    %xor3A_352 = vector.broadcast %xor3A_351 : i32 to vector<16xi32>
    %xor3A_353 = arith.xori %iota3A_329, %xor3A_352 : vector<16xi32>
    %broadcast_in_dim3A_354 = vector.shape_cast %xor3A_353 : vector<16xi32> to vector<16x1xi32>
    %gather3A_355 = vector.shape_cast %broadcast_in_dim3A_354 : vector<16x1xi32> to vector<16xi32>
    %gather3A_356 = tpu.dynamic_gather %add3A_350[%gather3A_355] in [0] : vector<16xf32>, vector<16xi32> -> vector<16xf32>
    %add3A_357 = arith.addf %add3A_350, %gather3A_356 : vector<16xf32>
    %sub3A_358 = arith.constant 1.000000e+00 : f32
    %sub3A_359 = vector.broadcast %sub3A_358 : f32 to vector<16xf32>
    %sub3A_360 = arith.subf %add3A_357, %sub3A_359 : vector<16xf32>
    %gt3A_361 = arith.constant 0.000000e+00 : f32
    %gt3A_362 = vector.broadcast %gt3A_361 : f32 to vector<16xf32>
    %gt3A_363 = arith.cmpf ogt, %sub3A_360, %gt3A_362 : vector<16xf32>
    %select_n3A_364 = arith.select %gt3A_363, %mul3A_317, %select_n3A_312 : vector<16xi1>, vector<16xf32>
    %select_n3A_365 = arith.select %gt3A_363, %select_n3A_313, %mul3A_317 : vector<16xi1>, vector<16xf32>
    %add3A_366 = arith.addf %select_n3A_364, %select_n3A_365 : vector<16xf32>
    %mul3A_367 = arith.constant 5.000000e-01 : f32
    %mul3A_368 = vector.broadcast %mul3A_367 : f32 to vector<16xf32>
    %mul3A_369 = arith.mulf %mul3A_368, %add3A_366 : vector<16xf32>
    %broadcast_in_dim3A_370 = arith.constant 0.000000e+00 : f32
    %broadcast_in_dim3A_371 = vector.broadcast %broadcast_in_dim3A_370 : f32 to vector<16xf32>
    %scan3A_372 = arith.constant 0 : i32
    %scan3A_373 = arith.constant 512 : i32
    %scan3A_374 = arith.addi %scan3A_372, %scan3A_373 : i32
    %scan3A_375 = arith.constant 2 : i32
    %scan3A_376:4 = scf.for %scan3A_1115 = %scan3A_372 to %scan3A_374 step %scan3A_375 iter_args(%scan3A_1116 = %broadcast_in_dim3A_371, %scan3A_1117 = %broadcast_in_dim3A_371, %scan3A_1118 = %broadcast_in_dim3A_371, %scan3A_1119 = %broadcast_in_dim3A_371) -> (vector<16xf32>, vector<16xf32>, vector<16xf32>, vector<16xf32>)  : i32 {
      %mul3A_1120 = arith.constant 4 : i32
      %mul3A_1121 = arith.muli %scan3A_1115, %mul3A_1120 : i32
      %add3A_1122 = arith.constant 0 : i32
      %add3A_1123 = arith.addi %mul3A_1121, %add3A_1122 : i32
      %mul3A_1124 = arith.constant 16 : i32
      %mul3A_1125 = arith.muli %add3A_1123, %mul3A_1124 : i32
      %get3A = arith.index_cast %mul3A_1125 : i32 to index
      %get3A_1126 = tpu.vector_load %arg5[%get3A] {strides = array<i32>} : memref<32768xf32, #tpu.memory_space<vmem>>, vector<16xf32>,
      %get3A_1127 = vector.shape_cast %get3A_1126 : vector<16xf32> to vector<16xf32>
      %get3A_1128 = arith.index_cast %mul3A_1125 : i32 to index
      %get3A_1129 = tpu.vector_load %arg6[%get3A_1128] {strides = array<i32>} : memref<32768xf32, #tpu.memory_space<vmem>>, vector<16xf32>,
      %get3A_1130 = vector.shape_cast %get3A_1129 : vector<16xf32> to vector<16xf32>
      %sub3A_1131 = arith.subf %get3A_1127, %mul3A_369 : vector<16xf32>
      %jit3A_1132 = arith.constant 0.000000e+00 : f32
      %max3A_1133 = vector.broadcast %jit3A_1132 : f32 to vector<16xf32>
      %max3A_1134 = arith.maximumf %max3A_1133, %sub3A_1131 : vector<16xf32>
      %min3A = arith.minimumf %get3A_1130, %max3A_1134 : vector<16xf32>
      %add3A_1135 = arith.addf %scan3A_1116, %min3A : vector<16xf32>
      %mul3A_1136 = arith.constant 4 : i32
      %mul3A_1137 = arith.muli %scan3A_1115, %mul3A_1136 : i32
      %add3A_1138 = arith.constant 1 : i32
      %add3A_1139 = arith.addi %mul3A_1137, %add3A_1138 : i32
      %mul3A_1140 = arith.constant 16 : i32
      %mul3A_1141 = arith.muli %add3A_1139, %mul3A_1140 : i32
      %get3A_1142 = arith.index_cast %mul3A_1141 : i32 to index
      %get3A_1143 = tpu.vector_load %arg5[%get3A_1142] {strides = array<i32>} : memref<32768xf32, #tpu.memory_space<vmem>>, vector<16xf32>,
      %get3A_1144 = vector.shape_cast %get3A_1143 : vector<16xf32> to vector<16xf32>
      %get3A_1145 = arith.index_cast %mul3A_1141 : i32 to index
      %get3A_1146 = tpu.vector_load %arg6[%get3A_1145] {strides = array<i32>} : memref<32768xf32, #tpu.memory_space<vmem>>, vector<16xf32>,
      %get3A_1147 = vector.shape_cast %get3A_1146 : vector<16xf32> to vector<16xf32>
      %sub3A_1148 = arith.subf %get3A_1144, %mul3A_369 : vector<16xf32>
      %jit3A_1149 = arith.constant 0.000000e+00 : f32
      %max3A_1150 = vector.broadcast %jit3A_1149 : f32 to vector<16xf32>
      %max3A_1151 = arith.maximumf %max3A_1150, %sub3A_1148 : vector<16xf32>
      %min3A_1152 = arith.minimumf %get3A_1147, %max3A_1151 : vector<16xf32>
      %add3A_1153 = arith.addf %scan3A_1117, %min3A_1152 : vector<16xf32>
      %mul3A_1154 = arith.constant 4 : i32
      %mul3A_1155 = arith.muli %scan3A_1115, %mul3A_1154 : i32
      %add3A_1156 = arith.constant 2 : i32
      %add3A_1157 = arith.addi %mul3A_1155, %add3A_1156 : i32
      %mul3A_1158 = arith.constant 16 : i32
      %mul3A_1159 = arith.muli %add3A_1157, %mul3A_1158 : i32
      %get3A_1160 = arith.index_cast %mul3A_1159 : i32 to index
      %get3A_1161 = tpu.vector_load %arg5[%get3A_1160] {strides = array<i32>} : memref<32768xf32, #tpu.memory_space<vmem>>, vector<16xf32>,
      %get3A_1162 = vector.shape_cast %get3A_1161 : vector<16xf32> to vector<16xf32>
      %get3A_1163 = arith.index_cast %mul3A_1159 : i32 to index
      %get3A_1164 = tpu.vector_load %arg6[%get3A_1163] {strides = array<i32>} : memref<32768xf32, #tpu.memory_space<vmem>>, vector<16xf32>,
      %get3A_1165 = vector.shape_cast %get3A_1164 : vector<16xf32> to vector<16xf32>
      %sub3A_1166 = arith.subf %get3A_1162, %mul3A_369 : vector<16xf32>
      %jit3A_1167 = arith.constant 0.000000e+00 : f32
      %max3A_1168 = vector.broadcast %jit3A_1167 : f32 to vector<16xf32>
      %max3A_1169 = arith.maximumf %max3A_1168, %sub3A_1166 : vector<16xf32>
      %min3A_1170 = arith.minimumf %get3A_1165, %max3A_1169 : vector<16xf32>
      %add3A_1171 = arith.addf %scan3A_1118, %min3A_1170 : vector<16xf32>
      %mul3A_1172 = arith.constant 4 : i32
      %mul3A_1173 = arith.muli %scan3A_1115, %mul3A_1172 : i32
      %add3A_1174 = arith.constant 3 : i32
      %add3A_1175 = arith.addi %mul3A_1173, %add3A_1174 : i32
      %mul3A_1176 = arith.constant 16 : i32
      %mul3A_1177 = arith.muli %add3A_1175, %mul3A_1176 : i32
      %get3A_1178 = arith.index_cast %mul3A_1177 : i32 to index
      %get3A_1179 = tpu.vector_load %arg5[%get3A_1178] {strides = array<i32>} : memref<32768xf32, #tpu.memory_space<vmem>>, vector<16xf32>,
      %get3A_1180 = vector.shape_cast %get3A_1179 : vector<16xf32> to vector<16xf32>
      %get3A_1181 = arith.index_cast %mul3A_1177 : i32 to index
      %get3A_1182 = tpu.vector_load %arg6[%get3A_1181] {strides = array<i32>} : memref<32768xf32, #tpu.memory_space<vmem>>, vector<16xf32>,
      %get3A_1183 = vector.shape_cast %get3A_1182 : vector<16xf32> to vector<16xf32>
      %sub3A_1184 = arith.subf %get3A_1180, %mul3A_369 : vector<16xf32>
      %jit3A_1185 = arith.constant 0.000000e+00 : f32
      %max3A_1186 = vector.broadcast %jit3A_1185 : f32 to vector<16xf32>
      %max3A_1187 = arith.maximumf %max3A_1186, %sub3A_1184 : vector<16xf32>
      %min3A_1188 = arith.minimumf %get3A_1183, %max3A_1187 : vector<16xf32>
      %add3A_1189 = arith.addf %scan3A_1119, %min3A_1188 : vector<16xf32>
      %scan3A_1190 = arith.constant 1 : i32
      %scan3A_1191 = arith.addi %scan3A_1115, %scan3A_1190 : i32
      %mul3A_1192 = arith.constant 4 : i32
      %mul3A_1193 = arith.muli %scan3A_1191, %mul3A_1192 : i32
      %add3A_1194 = arith.constant 0 : i32
      %add3A_1195 = arith.addi %mul3A_1193, %add3A_1194 : i32
      %mul3A_1196 = arith.constant 16 : i32
      %mul3A_1197 = arith.muli %add3A_1195, %mul3A_1196 : i32
      %get3A_1198 = arith.index_cast %mul3A_1197 : i32 to index
      %get3A_1199 = tpu.vector_load %arg5[%get3A_1198] {strides = array<i32>} : memref<32768xf32, #tpu.memory_space<vmem>>, vector<16xf32>,
      %get3A_1200 = vector.shape_cast %get3A_1199 : vector<16xf32> to vector<16xf32>
      %get3A_1201 = arith.index_cast %mul3A_1197 : i32 to index
      %get3A_1202 = tpu.vector_load %arg6[%get3A_1201] {strides = array<i32>} : memref<32768xf32, #tpu.memory_space<vmem>>, vector<16xf32>,
      %get3A_1203 = vector.shape_cast %get3A_1202 : vector<16xf32> to vector<16xf32>
      %sub3A_1204 = arith.subf %get3A_1200, %mul3A_369 : vector<16xf32>
      %jit3A_1205 = arith.constant 0.000000e+00 : f32
      %max3A_1206 = vector.broadcast %jit3A_1205 : f32 to vector<16xf32>
      %max3A_1207 = arith.maximumf %max3A_1206, %sub3A_1204 : vector<16xf32>
      %min3A_1208 = arith.minimumf %get3A_1203, %max3A_1207 : vector<16xf32>
      %add3A_1209 = arith.addf %add3A_1135, %min3A_1208 : vector<16xf32>
      %mul3A_1210 = arith.constant 4 : i32
      %mul3A_1211 = arith.muli %scan3A_1191, %mul3A_1210 : i32
      %add3A_1212 = arith.constant 1 : i32
      %add3A_1213 = arith.addi %mul3A_1211, %add3A_1212 : i32
      %mul3A_1214 = arith.constant 16 : i32
      %mul3A_1215 = arith.muli %add3A_1213, %mul3A_1214 : i32
      %get3A_1216 = arith.index_cast %mul3A_1215 : i32 to index
      %get3A_1217 = tpu.vector_load %arg5[%get3A_1216] {strides = array<i32>} : memref<32768xf32, #tpu.memory_space<vmem>>, vector<16xf32>,
      %get3A_1218 = vector.shape_cast %get3A_1217 : vector<16xf32> to vector<16xf32>
      %get3A_1219 = arith.index_cast %mul3A_1215 : i32 to index
      %get3A_1220 = tpu.vector_load %arg6[%get3A_1219] {strides = array<i32>} : memref<32768xf32, #tpu.memory_space<vmem>>, vector<16xf32>,
      %get3A_1221 = vector.shape_cast %get3A_1220 : vector<16xf32> to vector<16xf32>
      %sub3A_1222 = arith.subf %get3A_1218, %mul3A_369 : vector<16xf32>
      %jit3A_1223 = arith.constant 0.000000e+00 : f32
      %max3A_1224 = vector.broadcast %jit3A_1223 : f32 to vector<16xf32>
      %max3A_1225 = arith.maximumf %max3A_1224, %sub3A_1222 : vector<16xf32>
      %min3A_1226 = arith.minimumf %get3A_1221, %max3A_1225 : vector<16xf32>
      %add3A_1227 = arith.addf %add3A_1153, %min3A_1226 : vector<16xf32>
      %mul3A_1228 = arith.constant 4 : i32
      %mul3A_1229 = arith.muli %scan3A_1191, %mul3A_1228 : i32
      %add3A_1230 = arith.constant 2 : i32
      %add3A_1231 = arith.addi %mul3A_1229, %add3A_1230 : i32
      %mul3A_1232 = arith.constant 16 : i32
      %mul3A_1233 = arith.muli %add3A_1231, %mul3A_1232 : i32
      %get3A_1234 = arith.index_cast %mul3A_1233 : i32 to index
      %get3A_1235 = tpu.vector_load %arg5[%get3A_1234] {strides = array<i32>} : memref<32768xf32, #tpu.memory_space<vmem>>, vector<16xf32>,
      %get3A_1236 = vector.shape_cast %get3A_1235 : vector<16xf32> to vector<16xf32>
      %get3A_1237 = arith.index_cast %mul3A_1233 : i32 to index
      %get3A_1238 = tpu.vector_load %arg6[%get3A_1237] {strides = array<i32>} : memref<32768xf32, #tpu.memory_space<vmem>>, vector<16xf32>,
      %get3A_1239 = vector.shape_cast %get3A_1238 : vector<16xf32> to vector<16xf32>
      %sub3A_1240 = arith.subf %get3A_1236, %mul3A_369 : vector<16xf32>
      %jit3A_1241 = arith.constant 0.000000e+00 : f32
      %max3A_1242 = vector.broadcast %jit3A_1241 : f32 to vector<16xf32>
      %max3A_1243 = arith.maximumf %max3A_1242, %sub3A_1240 : vector<16xf32>
      %min3A_1244 = arith.minimumf %get3A_1239, %max3A_1243 : vector<16xf32>
      %add3A_1245 = arith.addf %add3A_1171, %min3A_1244 : vector<16xf32>
      %mul3A_1246 = arith.constant 4 : i32
      %mul3A_1247 = arith.muli %scan3A_1191, %mul3A_1246 : i32
      %add3A_1248 = arith.constant 3 : i32
      %add3A_1249 = arith.addi %mul3A_1247, %add3A_1248 : i32
      %mul3A_1250 = arith.constant 16 : i32
      %mul3A_1251 = arith.muli %add3A_1249, %mul3A_1250 : i32
      %get3A_1252 = arith.index_cast %mul3A_1251 : i32 to index
      %get3A_1253 = tpu.vector_load %arg5[%get3A_1252] {strides = array<i32>} : memref<32768xf32, #tpu.memory_space<vmem>>, vector<16xf32>,
      %get3A_1254 = vector.shape_cast %get3A_1253 : vector<16xf32> to vector<16xf32>
      %get3A_1255 = arith.index_cast %mul3A_1251 : i32 to index
      %get3A_1256 = tpu.vector_load %arg6[%get3A_1255] {strides = array<i32>} : memref<32768xf32, #tpu.memory_space<vmem>>, vector<16xf32>,
      %get3A_1257 = vector.shape_cast %get3A_1256 : vector<16xf32> to vector<16xf32>
      %sub3A_1258 = arith.subf %get3A_1254, %mul3A_369 : vector<16xf32>
      %jit3A_1259 = arith.constant 0.000000e+00 : f32
      %max3A_1260 = vector.broadcast %jit3A_1259 : f32 to vector<16xf32>
      %max3A_1261 = arith.maximumf %max3A_1260, %sub3A_1258 : vector<16xf32>
      %min3A_1262 = arith.minimumf %get3A_1257, %max3A_1261 : vector<16xf32>
      %add3A_1263 = arith.addf %add3A_1189, %min3A_1262 : vector<16xf32>
      scf.yield %add3A_1209, %add3A_1227, %add3A_1245, %add3A_1263 : vector<16xf32>, vector<16xf32>, vector<16xf32>, vector<16xf32>
    }
    %scan3A_377 = arith.constant 512 : i32
    %add3A_378 = arith.addf %scan3A_376#0, %scan3A_376#1 : vector<16xf32>
    %add3A_379 = arith.addf %scan3A_376#2, %scan3A_376#3 : vector<16xf32>
    %add3A_380 = arith.addf %add3A_378, %add3A_379 : vector<16xf32>
    %iota3A_381 = tpu.iota {dimensions = array<i32: 0>} : vector<16xi32>
    %xor3A_382 = arith.constant 8 : i32
    %xor3A_383 = vector.broadcast %xor3A_382 : i32 to vector<16xi32>
    %xor3A_384 = arith.xori %iota3A_381, %xor3A_383 : vector<16xi32>
    %broadcast_in_dim3A_385 = vector.shape_cast %xor3A_384 : vector<16xi32> to vector<16x1xi32>
    %gather3A_386 = vector.shape_cast %broadcast_in_dim3A_385 : vector<16x1xi32> to vector<16xi32>
    %gather3A_387 = tpu.dynamic_gather %add3A_380[%gather3A_386] in [0] : vector<16xf32>, vector<16xi32> -> vector<16xf32>
    %add3A_388 = arith.addf %add3A_380, %gather3A_387 : vector<16xf32>
    %xor3A_389 = arith.constant 4 : i32
    %xor3A_390 = vector.broadcast %xor3A_389 : i32 to vector<16xi32>
    %xor3A_391 = arith.xori %iota3A_381, %xor3A_390 : vector<16xi32>
    %broadcast_in_dim3A_392 = vector.shape_cast %xor3A_391 : vector<16xi32> to vector<16x1xi32>
    %gather3A_393 = vector.shape_cast %broadcast_in_dim3A_392 : vector<16x1xi32> to vector<16xi32>
    %gather3A_394 = tpu.dynamic_gather %add3A_388[%gather3A_393] in [0] : vector<16xf32>, vector<16xi32> -> vector<16xf32>
    %add3A_395 = arith.addf %add3A_388, %gather3A_394 : vector<16xf32>
    %xor3A_396 = arith.constant 2 : i32
    %xor3A_397 = vector.broadcast %xor3A_396 : i32 to vector<16xi32>
    %xor3A_398 = arith.xori %iota3A_381, %xor3A_397 : vector<16xi32>
    %broadcast_in_dim3A_399 = vector.shape_cast %xor3A_398 : vector<16xi32> to vector<16x1xi32>
    %gather3A_400 = vector.shape_cast %broadcast_in_dim3A_399 : vector<16x1xi32> to vector<16xi32>
    %gather3A_401 = tpu.dynamic_gather %add3A_395[%gather3A_400] in [0] : vector<16xf32>, vector<16xi32> -> vector<16xf32>
    %add3A_402 = arith.addf %add3A_395, %gather3A_401 : vector<16xf32>
    %xor3A_403 = arith.constant 1 : i32
    %xor3A_404 = vector.broadcast %xor3A_403 : i32 to vector<16xi32>
    %xor3A_405 = arith.xori %iota3A_381, %xor3A_404 : vector<16xi32>
    %broadcast_in_dim3A_406 = vector.shape_cast %xor3A_405 : vector<16xi32> to vector<16x1xi32>
    %gather3A_407 = vector.shape_cast %broadcast_in_dim3A_406 : vector<16x1xi32> to vector<16xi32>
    %gather3A_408 = tpu.dynamic_gather %add3A_402[%gather3A_407] in [0] : vector<16xf32>, vector<16xi32> -> vector<16xf32>
    %add3A_409 = arith.addf %add3A_402, %gather3A_408 : vector<16xf32>
    %sub3A_410 = arith.constant 1.000000e+00 : f32
    %sub3A_411 = vector.broadcast %sub3A_410 : f32 to vector<16xf32>
    %sub3A_412 = arith.subf %add3A_409, %sub3A_411 : vector<16xf32>
    %gt3A_413 = arith.constant 0.000000e+00 : f32
    %gt3A_414 = vector.broadcast %gt3A_413 : f32 to vector<16xf32>
    %gt3A_415 = arith.cmpf ogt, %sub3A_412, %gt3A_414 : vector<16xf32>
    %select_n3A_416 = arith.select %gt3A_415, %mul3A_369, %select_n3A_364 : vector<16xi1>, vector<16xf32>
    %select_n3A_417 = arith.select %gt3A_415, %select_n3A_365, %mul3A_369 : vector<16xi1>, vector<16xf32>
    %add3A_418 = arith.addf %select_n3A_416, %select_n3A_417 : vector<16xf32>
    %mul3A_419 = arith.constant 5.000000e-01 : f32
    %mul3A_420 = vector.broadcast %mul3A_419 : f32 to vector<16xf32>
    %mul3A_421 = arith.mulf %mul3A_420, %add3A_418 : vector<16xf32>
    %broadcast_in_dim3A_422 = arith.constant 0.000000e+00 : f32
    %broadcast_in_dim3A_423 = vector.broadcast %broadcast_in_dim3A_422 : f32 to vector<16xf32>
    %scan3A_424 = arith.constant 0 : i32
    %scan3A_425 = arith.constant 512 : i32
    %scan3A_426 = arith.addi %scan3A_424, %scan3A_425 : i32
    %scan3A_427 = arith.constant 2 : i32
    %scan3A_428:4 = scf.for %scan3A_1115 = %scan3A_424 to %scan3A_426 step %scan3A_427 iter_args(%scan3A_1116 = %broadcast_in_dim3A_423, %scan3A_1117 = %broadcast_in_dim3A_423, %scan3A_1118 = %broadcast_in_dim3A_423, %scan3A_1119 = %broadcast_in_dim3A_423) -> (vector<16xf32>, vector<16xf32>, vector<16xf32>, vector<16xf32>)  : i32 {
      %mul3A_1120 = arith.constant 4 : i32
      %mul3A_1121 = arith.muli %scan3A_1115, %mul3A_1120 : i32
      %add3A_1122 = arith.constant 0 : i32
      %add3A_1123 = arith.addi %mul3A_1121, %add3A_1122 : i32
      %mul3A_1124 = arith.constant 16 : i32
      %mul3A_1125 = arith.muli %add3A_1123, %mul3A_1124 : i32
      %get3A = arith.index_cast %mul3A_1125 : i32 to index
      %get3A_1126 = tpu.vector_load %arg5[%get3A] {strides = array<i32>} : memref<32768xf32, #tpu.memory_space<vmem>>, vector<16xf32>,
      %get3A_1127 = vector.shape_cast %get3A_1126 : vector<16xf32> to vector<16xf32>
      %get3A_1128 = arith.index_cast %mul3A_1125 : i32 to index
      %get3A_1129 = tpu.vector_load %arg6[%get3A_1128] {strides = array<i32>} : memref<32768xf32, #tpu.memory_space<vmem>>, vector<16xf32>,
      %get3A_1130 = vector.shape_cast %get3A_1129 : vector<16xf32> to vector<16xf32>
      %sub3A_1131 = arith.subf %get3A_1127, %mul3A_421 : vector<16xf32>
      %jit3A_1132 = arith.constant 0.000000e+00 : f32
      %max3A_1133 = vector.broadcast %jit3A_1132 : f32 to vector<16xf32>
      %max3A_1134 = arith.maximumf %max3A_1133, %sub3A_1131 : vector<16xf32>
      %min3A = arith.minimumf %get3A_1130, %max3A_1134 : vector<16xf32>
      %add3A_1135 = arith.addf %scan3A_1116, %min3A : vector<16xf32>
      %mul3A_1136 = arith.constant 4 : i32
      %mul3A_1137 = arith.muli %scan3A_1115, %mul3A_1136 : i32
      %add3A_1138 = arith.constant 1 : i32
      %add3A_1139 = arith.addi %mul3A_1137, %add3A_1138 : i32
      %mul3A_1140 = arith.constant 16 : i32
      %mul3A_1141 = arith.muli %add3A_1139, %mul3A_1140 : i32
      %get3A_1142 = arith.index_cast %mul3A_1141 : i32 to index
      %get3A_1143 = tpu.vector_load %arg5[%get3A_1142] {strides = array<i32>} : memref<32768xf32, #tpu.memory_space<vmem>>, vector<16xf32>,
      %get3A_1144 = vector.shape_cast %get3A_1143 : vector<16xf32> to vector<16xf32>
      %get3A_1145 = arith.index_cast %mul3A_1141 : i32 to index
      %get3A_1146 = tpu.vector_load %arg6[%get3A_1145] {strides = array<i32>} : memref<32768xf32, #tpu.memory_space<vmem>>, vector<16xf32>,
      %get3A_1147 = vector.shape_cast %get3A_1146 : vector<16xf32> to vector<16xf32>
      %sub3A_1148 = arith.subf %get3A_1144, %mul3A_421 : vector<16xf32>
      %jit3A_1149 = arith.constant 0.000000e+00 : f32
      %max3A_1150 = vector.broadcast %jit3A_1149 : f32 to vector<16xf32>
      %max3A_1151 = arith.maximumf %max3A_1150, %sub3A_1148 : vector<16xf32>
      %min3A_1152 = arith.minimumf %get3A_1147, %max3A_1151 : vector<16xf32>
      %add3A_1153 = arith.addf %scan3A_1117, %min3A_1152 : vector<16xf32>
      %mul3A_1154 = arith.constant 4 : i32
      %mul3A_1155 = arith.muli %scan3A_1115, %mul3A_1154 : i32
      %add3A_1156 = arith.constant 2 : i32
      %add3A_1157 = arith.addi %mul3A_1155, %add3A_1156 : i32
      %mul3A_1158 = arith.constant 16 : i32
      %mul3A_1159 = arith.muli %add3A_1157, %mul3A_1158 : i32
      %get3A_1160 = arith.index_cast %mul3A_1159 : i32 to index
      %get3A_1161 = tpu.vector_load %arg5[%get3A_1160] {strides = array<i32>} : memref<32768xf32, #tpu.memory_space<vmem>>, vector<16xf32>,
      %get3A_1162 = vector.shape_cast %get3A_1161 : vector<16xf32> to vector<16xf32>
      %get3A_1163 = arith.index_cast %mul3A_1159 : i32 to index
      %get3A_1164 = tpu.vector_load %arg6[%get3A_1163] {strides = array<i32>} : memref<32768xf32, #tpu.memory_space<vmem>>, vector<16xf32>,
      %get3A_1165 = vector.shape_cast %get3A_1164 : vector<16xf32> to vector<16xf32>
      %sub3A_1166 = arith.subf %get3A_1162, %mul3A_421 : vector<16xf32>
      %jit3A_1167 = arith.constant 0.000000e+00 : f32
      %max3A_1168 = vector.broadcast %jit3A_1167 : f32 to vector<16xf32>
      %max3A_1169 = arith.maximumf %max3A_1168, %sub3A_1166 : vector<16xf32>
      %min3A_1170 = arith.minimumf %get3A_1165, %max3A_1169 : vector<16xf32>
      %add3A_1171 = arith.addf %scan3A_1118, %min3A_1170 : vector<16xf32>
      %mul3A_1172 = arith.constant 4 : i32
      %mul3A_1173 = arith.muli %scan3A_1115, %mul3A_1172 : i32
      %add3A_1174 = arith.constant 3 : i32
      %add3A_1175 = arith.addi %mul3A_1173, %add3A_1174 : i32
      %mul3A_1176 = arith.constant 16 : i32
      %mul3A_1177 = arith.muli %add3A_1175, %mul3A_1176 : i32
      %get3A_1178 = arith.index_cast %mul3A_1177 : i32 to index
      %get3A_1179 = tpu.vector_load %arg5[%get3A_1178] {strides = array<i32>} : memref<32768xf32, #tpu.memory_space<vmem>>, vector<16xf32>,
      %get3A_1180 = vector.shape_cast %get3A_1179 : vector<16xf32> to vector<16xf32>
      %get3A_1181 = arith.index_cast %mul3A_1177 : i32 to index
      %get3A_1182 = tpu.vector_load %arg6[%get3A_1181] {strides = array<i32>} : memref<32768xf32, #tpu.memory_space<vmem>>, vector<16xf32>,
      %get3A_1183 = vector.shape_cast %get3A_1182 : vector<16xf32> to vector<16xf32>
      %sub3A_1184 = arith.subf %get3A_1180, %mul3A_421 : vector<16xf32>
      %jit3A_1185 = arith.constant 0.000000e+00 : f32
      %max3A_1186 = vector.broadcast %jit3A_1185 : f32 to vector<16xf32>
      %max3A_1187 = arith.maximumf %max3A_1186, %sub3A_1184 : vector<16xf32>
      %min3A_1188 = arith.minimumf %get3A_1183, %max3A_1187 : vector<16xf32>
      %add3A_1189 = arith.addf %scan3A_1119, %min3A_1188 : vector<16xf32>
      %scan3A_1190 = arith.constant 1 : i32
      %scan3A_1191 = arith.addi %scan3A_1115, %scan3A_1190 : i32
      %mul3A_1192 = arith.constant 4 : i32
      %mul3A_1193 = arith.muli %scan3A_1191, %mul3A_1192 : i32
      %add3A_1194 = arith.constant 0 : i32
      %add3A_1195 = arith.addi %mul3A_1193, %add3A_1194 : i32
      %mul3A_1196 = arith.constant 16 : i32
      %mul3A_1197 = arith.muli %add3A_1195, %mul3A_1196 : i32
      %get3A_1198 = arith.index_cast %mul3A_1197 : i32 to index
      %get3A_1199 = tpu.vector_load %arg5[%get3A_1198] {strides = array<i32>} : memref<32768xf32, #tpu.memory_space<vmem>>, vector<16xf32>,
      %get3A_1200 = vector.shape_cast %get3A_1199 : vector<16xf32> to vector<16xf32>
      %get3A_1201 = arith.index_cast %mul3A_1197 : i32 to index
      %get3A_1202 = tpu.vector_load %arg6[%get3A_1201] {strides = array<i32>} : memref<32768xf32, #tpu.memory_space<vmem>>, vector<16xf32>,
      %get3A_1203 = vector.shape_cast %get3A_1202 : vector<16xf32> to vector<16xf32>
      %sub3A_1204 = arith.subf %get3A_1200, %mul3A_421 : vector<16xf32>
      %jit3A_1205 = arith.constant 0.000000e+00 : f32
      %max3A_1206 = vector.broadcast %jit3A_1205 : f32 to vector<16xf32>
      %max3A_1207 = arith.maximumf %max3A_1206, %sub3A_1204 : vector<16xf32>
      %min3A_1208 = arith.minimumf %get3A_1203, %max3A_1207 : vector<16xf32>
      %add3A_1209 = arith.addf %add3A_1135, %min3A_1208 : vector<16xf32>
      %mul3A_1210 = arith.constant 4 : i32
      %mul3A_1211 = arith.muli %scan3A_1191, %mul3A_1210 : i32
      %add3A_1212 = arith.constant 1 : i32
      %add3A_1213 = arith.addi %mul3A_1211, %add3A_1212 : i32
      %mul3A_1214 = arith.constant 16 : i32
      %mul3A_1215 = arith.muli %add3A_1213, %mul3A_1214 : i32
      %get3A_1216 = arith.index_cast %mul3A_1215 : i32 to index
      %get3A_1217 = tpu.vector_load %arg5[%get3A_1216] {strides = array<i32>} : memref<32768xf32, #tpu.memory_space<vmem>>, vector<16xf32>,
      %get3A_1218 = vector.shape_cast %get3A_1217 : vector<16xf32> to vector<16xf32>
      %get3A_1219 = arith.index_cast %mul3A_1215 : i32 to index
      %get3A_1220 = tpu.vector_load %arg6[%get3A_1219] {strides = array<i32>} : memref<32768xf32, #tpu.memory_space<vmem>>, vector<16xf32>,
      %get3A_1221 = vector.shape_cast %get3A_1220 : vector<16xf32> to vector<16xf32>
      %sub3A_1222 = arith.subf %get3A_1218, %mul3A_421 : vector<16xf32>
      %jit3A_1223 = arith.constant 0.000000e+00 : f32
      %max3A_1224 = vector.broadcast %jit3A_1223 : f32 to vector<16xf32>
      %max3A_1225 = arith.maximumf %max3A_1224, %sub3A_1222 : vector<16xf32>
      %min3A_1226 = arith.minimumf %get3A_1221, %max3A_1225 : vector<16xf32>
      %add3A_1227 = arith.addf %add3A_1153, %min3A_1226 : vector<16xf32>
      %mul3A_1228 = arith.constant 4 : i32
      %mul3A_1229 = arith.muli %scan3A_1191, %mul3A_1228 : i32
      %add3A_1230 = arith.constant 2 : i32
      %add3A_1231 = arith.addi %mul3A_1229, %add3A_1230 : i32
      %mul3A_1232 = arith.constant 16 : i32
      %mul3A_1233 = arith.muli %add3A_1231, %mul3A_1232 : i32
      %get3A_1234 = arith.index_cast %mul3A_1233 : i32 to index
      %get3A_1235 = tpu.vector_load %arg5[%get3A_1234] {strides = array<i32>} : memref<32768xf32, #tpu.memory_space<vmem>>, vector<16xf32>,
      %get3A_1236 = vector.shape_cast %get3A_1235 : vector<16xf32> to vector<16xf32>
      %get3A_1237 = arith.index_cast %mul3A_1233 : i32 to index
      %get3A_1238 = tpu.vector_load %arg6[%get3A_1237] {strides = array<i32>} : memref<32768xf32, #tpu.memory_space<vmem>>, vector<16xf32>,
      %get3A_1239 = vector.shape_cast %get3A_1238 : vector<16xf32> to vector<16xf32>
      %sub3A_1240 = arith.subf %get3A_1236, %mul3A_421 : vector<16xf32>
      %jit3A_1241 = arith.constant 0.000000e+00 : f32
      %max3A_1242 = vector.broadcast %jit3A_1241 : f32 to vector<16xf32>
      %max3A_1243 = arith.maximumf %max3A_1242, %sub3A_1240 : vector<16xf32>
      %min3A_1244 = arith.minimumf %get3A_1239, %max3A_1243 : vector<16xf32>
      %add3A_1245 = arith.addf %add3A_1171, %min3A_1244 : vector<16xf32>
      %mul3A_1246 = arith.constant 4 : i32
      %mul3A_1247 = arith.muli %scan3A_1191, %mul3A_1246 : i32
      %add3A_1248 = arith.constant 3 : i32
      %add3A_1249 = arith.addi %mul3A_1247, %add3A_1248 : i32
      %mul3A_1250 = arith.constant 16 : i32
      %mul3A_1251 = arith.muli %add3A_1249, %mul3A_1250 : i32
      %get3A_1252 = arith.index_cast %mul3A_1251 : i32 to index
      %get3A_1253 = tpu.vector_load %arg5[%get3A_1252] {strides = array<i32>} : memref<32768xf32, #tpu.memory_space<vmem>>, vector<16xf32>,
      %get3A_1254 = vector.shape_cast %get3A_1253 : vector<16xf32> to vector<16xf32>
      %get3A_1255 = arith.index_cast %mul3A_1251 : i32 to index
      %get3A_1256 = tpu.vector_load %arg6[%get3A_1255] {strides = array<i32>} : memref<32768xf32, #tpu.memory_space<vmem>>, vector<16xf32>,
      %get3A_1257 = vector.shape_cast %get3A_1256 : vector<16xf32> to vector<16xf32>
      %sub3A_1258 = arith.subf %get3A_1254, %mul3A_421 : vector<16xf32>
      %jit3A_1259 = arith.constant 0.000000e+00 : f32
      %max3A_1260 = vector.broadcast %jit3A_1259 : f32 to vector<16xf32>
      %max3A_1261 = arith.maximumf %max3A_1260, %sub3A_1258 : vector<16xf32>
      %min3A_1262 = arith.minimumf %get3A_1257, %max3A_1261 : vector<16xf32>
      %add3A_1263 = arith.addf %add3A_1189, %min3A_1262 : vector<16xf32>
      scf.yield %add3A_1209, %add3A_1227, %add3A_1245, %add3A_1263 : vector<16xf32>, vector<16xf32>, vector<16xf32>, vector<16xf32>
    }
    %scan3A_429 = arith.constant 512 : i32
    %add3A_430 = arith.addf %scan3A_428#0, %scan3A_428#1 : vector<16xf32>
    %add3A_431 = arith.addf %scan3A_428#2, %scan3A_428#3 : vector<16xf32>
    %add3A_432 = arith.addf %add3A_430, %add3A_431 : vector<16xf32>
    %iota3A_433 = tpu.iota {dimensions = array<i32: 0>} : vector<16xi32>
    %xor3A_434 = arith.constant 8 : i32
    %xor3A_435 = vector.broadcast %xor3A_434 : i32 to vector<16xi32>
    %xor3A_436 = arith.xori %iota3A_433, %xor3A_435 : vector<16xi32>
    %broadcast_in_dim3A_437 = vector.shape_cast %xor3A_436 : vector<16xi32> to vector<16x1xi32>
    %gather3A_438 = vector.shape_cast %broadcast_in_dim3A_437 : vector<16x1xi32> to vector<16xi32>
    %gather3A_439 = tpu.dynamic_gather %add3A_432[%gather3A_438] in [0] : vector<16xf32>, vector<16xi32> -> vector<16xf32>
    %add3A_440 = arith.addf %add3A_432, %gather3A_439 : vector<16xf32>
    %xor3A_441 = arith.constant 4 : i32
    %xor3A_442 = vector.broadcast %xor3A_441 : i32 to vector<16xi32>
    %xor3A_443 = arith.xori %iota3A_433, %xor3A_442 : vector<16xi32>
    %broadcast_in_dim3A_444 = vector.shape_cast %xor3A_443 : vector<16xi32> to vector<16x1xi32>
    %gather3A_445 = vector.shape_cast %broadcast_in_dim3A_444 : vector<16x1xi32> to vector<16xi32>
    %gather3A_446 = tpu.dynamic_gather %add3A_440[%gather3A_445] in [0] : vector<16xf32>, vector<16xi32> -> vector<16xf32>
    %add3A_447 = arith.addf %add3A_440, %gather3A_446 : vector<16xf32>
    %xor3A_448 = arith.constant 2 : i32
    %xor3A_449 = vector.broadcast %xor3A_448 : i32 to vector<16xi32>
    %xor3A_450 = arith.xori %iota3A_433, %xor3A_449 : vector<16xi32>
    %broadcast_in_dim3A_451 = vector.shape_cast %xor3A_450 : vector<16xi32> to vector<16x1xi32>
    %gather3A_452 = vector.shape_cast %broadcast_in_dim3A_451 : vector<16x1xi32> to vector<16xi32>
    %gather3A_453 = tpu.dynamic_gather %add3A_447[%gather3A_452] in [0] : vector<16xf32>, vector<16xi32> -> vector<16xf32>
    %add3A_454 = arith.addf %add3A_447, %gather3A_453 : vector<16xf32>
    %xor3A_455 = arith.constant 1 : i32
    %xor3A_456 = vector.broadcast %xor3A_455 : i32 to vector<16xi32>
    %xor3A_457 = arith.xori %iota3A_433, %xor3A_456 : vector<16xi32>
    %broadcast_in_dim3A_458 = vector.shape_cast %xor3A_457 : vector<16xi32> to vector<16x1xi32>
    %gather3A_459 = vector.shape_cast %broadcast_in_dim3A_458 : vector<16x1xi32> to vector<16xi32>
    %gather3A_460 = tpu.dynamic_gather %add3A_454[%gather3A_459] in [0] : vector<16xf32>, vector<16xi32> -> vector<16xf32>
    %add3A_461 = arith.addf %add3A_454, %gather3A_460 : vector<16xf32>
    %sub3A_462 = arith.constant 1.000000e+00 : f32
    %sub3A_463 = vector.broadcast %sub3A_462 : f32 to vector<16xf32>
    %sub3A_464 = arith.subf %add3A_461, %sub3A_463 : vector<16xf32>
    %gt3A_465 = arith.constant 0.000000e+00 : f32
    %gt3A_466 = vector.broadcast %gt3A_465 : f32 to vector<16xf32>
    %gt3A_467 = arith.cmpf ogt, %sub3A_464, %gt3A_466 : vector<16xf32>
    %select_n3A_468 = arith.select %gt3A_467, %mul3A_421, %select_n3A_416 : vector<16xi1>, vector<16xf32>
    %select_n3A_469 = arith.select %gt3A_467, %select_n3A_417, %mul3A_421 : vector<16xi1>, vector<16xf32>
    %add3A_470 = arith.addf %select_n3A_468, %select_n3A_469 : vector<16xf32>
    %mul3A_471 = arith.constant 5.000000e-01 : f32
    %mul3A_472 = vector.broadcast %mul3A_471 : f32 to vector<16xf32>
    %mul3A_473 = arith.mulf %mul3A_472, %add3A_470 : vector<16xf32>
    %broadcast_in_dim3A_474 = arith.constant 0.000000e+00 : f32
    %broadcast_in_dim3A_475 = vector.broadcast %broadcast_in_dim3A_474 : f32 to vector<16xf32>
    %scan3A_476 = arith.constant 0 : i32
    %scan3A_477 = arith.constant 512 : i32
    %scan3A_478 = arith.addi %scan3A_476, %scan3A_477 : i32
    %scan3A_479 = arith.constant 2 : i32
    %scan3A_480:4 = scf.for %scan3A_1115 = %scan3A_476 to %scan3A_478 step %scan3A_479 iter_args(%scan3A_1116 = %broadcast_in_dim3A_475, %scan3A_1117 = %broadcast_in_dim3A_475, %scan3A_1118 = %broadcast_in_dim3A_475, %scan3A_1119 = %broadcast_in_dim3A_475) -> (vector<16xf32>, vector<16xf32>, vector<16xf32>, vector<16xf32>)  : i32 {
      %mul3A_1120 = arith.constant 4 : i32
      %mul3A_1121 = arith.muli %scan3A_1115, %mul3A_1120 : i32
      %add3A_1122 = arith.constant 0 : i32
      %add3A_1123 = arith.addi %mul3A_1121, %add3A_1122 : i32
      %mul3A_1124 = arith.constant 16 : i32
      %mul3A_1125 = arith.muli %add3A_1123, %mul3A_1124 : i32
      %get3A = arith.index_cast %mul3A_1125 : i32 to index
      %get3A_1126 = tpu.vector_load %arg5[%get3A] {strides = array<i32>} : memref<32768xf32, #tpu.memory_space<vmem>>, vector<16xf32>,
      %get3A_1127 = vector.shape_cast %get3A_1126 : vector<16xf32> to vector<16xf32>
      %get3A_1128 = arith.index_cast %mul3A_1125 : i32 to index
      %get3A_1129 = tpu.vector_load %arg6[%get3A_1128] {strides = array<i32>} : memref<32768xf32, #tpu.memory_space<vmem>>, vector<16xf32>,
      %get3A_1130 = vector.shape_cast %get3A_1129 : vector<16xf32> to vector<16xf32>
      %sub3A_1131 = arith.subf %get3A_1127, %mul3A_473 : vector<16xf32>
      %jit3A_1132 = arith.constant 0.000000e+00 : f32
      %max3A_1133 = vector.broadcast %jit3A_1132 : f32 to vector<16xf32>
      %max3A_1134 = arith.maximumf %max3A_1133, %sub3A_1131 : vector<16xf32>
      %min3A = arith.minimumf %get3A_1130, %max3A_1134 : vector<16xf32>
      %add3A_1135 = arith.addf %scan3A_1116, %min3A : vector<16xf32>
      %mul3A_1136 = arith.constant 4 : i32
      %mul3A_1137 = arith.muli %scan3A_1115, %mul3A_1136 : i32
      %add3A_1138 = arith.constant 1 : i32
      %add3A_1139 = arith.addi %mul3A_1137, %add3A_1138 : i32
      %mul3A_1140 = arith.constant 16 : i32
      %mul3A_1141 = arith.muli %add3A_1139, %mul3A_1140 : i32
      %get3A_1142 = arith.index_cast %mul3A_1141 : i32 to index
      %get3A_1143 = tpu.vector_load %arg5[%get3A_1142] {strides = array<i32>} : memref<32768xf32, #tpu.memory_space<vmem>>, vector<16xf32>,
      %get3A_1144 = vector.shape_cast %get3A_1143 : vector<16xf32> to vector<16xf32>
      %get3A_1145 = arith.index_cast %mul3A_1141 : i32 to index
      %get3A_1146 = tpu.vector_load %arg6[%get3A_1145] {strides = array<i32>} : memref<32768xf32, #tpu.memory_space<vmem>>, vector<16xf32>,
      %get3A_1147 = vector.shape_cast %get3A_1146 : vector<16xf32> to vector<16xf32>
      %sub3A_1148 = arith.subf %get3A_1144, %mul3A_473 : vector<16xf32>
      %jit3A_1149 = arith.constant 0.000000e+00 : f32
      %max3A_1150 = vector.broadcast %jit3A_1149 : f32 to vector<16xf32>
      %max3A_1151 = arith.maximumf %max3A_1150, %sub3A_1148 : vector<16xf32>
      %min3A_1152 = arith.minimumf %get3A_1147, %max3A_1151 : vector<16xf32>
      %add3A_1153 = arith.addf %scan3A_1117, %min3A_1152 : vector<16xf32>
      %mul3A_1154 = arith.constant 4 : i32
      %mul3A_1155 = arith.muli %scan3A_1115, %mul3A_1154 : i32
      %add3A_1156 = arith.constant 2 : i32
      %add3A_1157 = arith.addi %mul3A_1155, %add3A_1156 : i32
      %mul3A_1158 = arith.constant 16 : i32
      %mul3A_1159 = arith.muli %add3A_1157, %mul3A_1158 : i32
      %get3A_1160 = arith.index_cast %mul3A_1159 : i32 to index
      %get3A_1161 = tpu.vector_load %arg5[%get3A_1160] {strides = array<i32>} : memref<32768xf32, #tpu.memory_space<vmem>>, vector<16xf32>,
      %get3A_1162 = vector.shape_cast %get3A_1161 : vector<16xf32> to vector<16xf32>
      %get3A_1163 = arith.index_cast %mul3A_1159 : i32 to index
      %get3A_1164 = tpu.vector_load %arg6[%get3A_1163] {strides = array<i32>} : memref<32768xf32, #tpu.memory_space<vmem>>, vector<16xf32>,
      %get3A_1165 = vector.shape_cast %get3A_1164 : vector<16xf32> to vector<16xf32>
      %sub3A_1166 = arith.subf %get3A_1162, %mul3A_473 : vector<16xf32>
      %jit3A_1167 = arith.constant 0.000000e+00 : f32
      %max3A_1168 = vector.broadcast %jit3A_1167 : f32 to vector<16xf32>
      %max3A_1169 = arith.maximumf %max3A_1168, %sub3A_1166 : vector<16xf32>
      %min3A_1170 = arith.minimumf %get3A_1165, %max3A_1169 : vector<16xf32>
      %add3A_1171 = arith.addf %scan3A_1118, %min3A_1170 : vector<16xf32>
      %mul3A_1172 = arith.constant 4 : i32
      %mul3A_1173 = arith.muli %scan3A_1115, %mul3A_1172 : i32
      %add3A_1174 = arith.constant 3 : i32
      %add3A_1175 = arith.addi %mul3A_1173, %add3A_1174 : i32
      %mul3A_1176 = arith.constant 16 : i32
      %mul3A_1177 = arith.muli %add3A_1175, %mul3A_1176 : i32
      %get3A_1178 = arith.index_cast %mul3A_1177 : i32 to index
      %get3A_1179 = tpu.vector_load %arg5[%get3A_1178] {strides = array<i32>} : memref<32768xf32, #tpu.memory_space<vmem>>, vector<16xf32>,
      %get3A_1180 = vector.shape_cast %get3A_1179 : vector<16xf32> to vector<16xf32>
      %get3A_1181 = arith.index_cast %mul3A_1177 : i32 to index
      %get3A_1182 = tpu.vector_load %arg6[%get3A_1181] {strides = array<i32>} : memref<32768xf32, #tpu.memory_space<vmem>>, vector<16xf32>,
      %get3A_1183 = vector.shape_cast %get3A_1182 : vector<16xf32> to vector<16xf32>
      %sub3A_1184 = arith.subf %get3A_1180, %mul3A_473 : vector<16xf32>
      %jit3A_1185 = arith.constant 0.000000e+00 : f32
      %max3A_1186 = vector.broadcast %jit3A_1185 : f32 to vector<16xf32>
      %max3A_1187 = arith.maximumf %max3A_1186, %sub3A_1184 : vector<16xf32>
      %min3A_1188 = arith.minimumf %get3A_1183, %max3A_1187 : vector<16xf32>
      %add3A_1189 = arith.addf %scan3A_1119, %min3A_1188 : vector<16xf32>
      %scan3A_1190 = arith.constant 1 : i32
      %scan3A_1191 = arith.addi %scan3A_1115, %scan3A_1190 : i32
      %mul3A_1192 = arith.constant 4 : i32
      %mul3A_1193 = arith.muli %scan3A_1191, %mul3A_1192 : i32
      %add3A_1194 = arith.constant 0 : i32
      %add3A_1195 = arith.addi %mul3A_1193, %add3A_1194 : i32
      %mul3A_1196 = arith.constant 16 : i32
      %mul3A_1197 = arith.muli %add3A_1195, %mul3A_1196 : i32
      %get3A_1198 = arith.index_cast %mul3A_1197 : i32 to index
      %get3A_1199 = tpu.vector_load %arg5[%get3A_1198] {strides = array<i32>} : memref<32768xf32, #tpu.memory_space<vmem>>, vector<16xf32>,
      %get3A_1200 = vector.shape_cast %get3A_1199 : vector<16xf32> to vector<16xf32>
      %get3A_1201 = arith.index_cast %mul3A_1197 : i32 to index
      %get3A_1202 = tpu.vector_load %arg6[%get3A_1201] {strides = array<i32>} : memref<32768xf32, #tpu.memory_space<vmem>>, vector<16xf32>,
      %get3A_1203 = vector.shape_cast %get3A_1202 : vector<16xf32> to vector<16xf32>
      %sub3A_1204 = arith.subf %get3A_1200, %mul3A_473 : vector<16xf32>
      %jit3A_1205 = arith.constant 0.000000e+00 : f32
      %max3A_1206 = vector.broadcast %jit3A_1205 : f32 to vector<16xf32>
      %max3A_1207 = arith.maximumf %max3A_1206, %sub3A_1204 : vector<16xf32>
      %min3A_1208 = arith.minimumf %get3A_1203, %max3A_1207 : vector<16xf32>
      %add3A_1209 = arith.addf %add3A_1135, %min3A_1208 : vector<16xf32>
      %mul3A_1210 = arith.constant 4 : i32
      %mul3A_1211 = arith.muli %scan3A_1191, %mul3A_1210 : i32
      %add3A_1212 = arith.constant 1 : i32
      %add3A_1213 = arith.addi %mul3A_1211, %add3A_1212 : i32
      %mul3A_1214 = arith.constant 16 : i32
      %mul3A_1215 = arith.muli %add3A_1213, %mul3A_1214 : i32
      %get3A_1216 = arith.index_cast %mul3A_1215 : i32 to index
      %get3A_1217 = tpu.vector_load %arg5[%get3A_1216] {strides = array<i32>} : memref<32768xf32, #tpu.memory_space<vmem>>, vector<16xf32>,
      %get3A_1218 = vector.shape_cast %get3A_1217 : vector<16xf32> to vector<16xf32>
      %get3A_1219 = arith.index_cast %mul3A_1215 : i32 to index
      %get3A_1220 = tpu.vector_load %arg6[%get3A_1219] {strides = array<i32>} : memref<32768xf32, #tpu.memory_space<vmem>>, vector<16xf32>,
      %get3A_1221 = vector.shape_cast %get3A_1220 : vector<16xf32> to vector<16xf32>
      %sub3A_1222 = arith.subf %get3A_1218, %mul3A_473 : vector<16xf32>
      %jit3A_1223 = arith.constant 0.000000e+00 : f32
      %max3A_1224 = vector.broadcast %jit3A_1223 : f32 to vector<16xf32>
      %max3A_1225 = arith.maximumf %max3A_1224, %sub3A_1222 : vector<16xf32>
      %min3A_1226 = arith.minimumf %get3A_1221, %max3A_1225 : vector<16xf32>
      %add3A_1227 = arith.addf %add3A_1153, %min3A_1226 : vector<16xf32>
      %mul3A_1228 = arith.constant 4 : i32
      %mul3A_1229 = arith.muli %scan3A_1191, %mul3A_1228 : i32
      %add3A_1230 = arith.constant 2 : i32
      %add3A_1231 = arith.addi %mul3A_1229, %add3A_1230 : i32
      %mul3A_1232 = arith.constant 16 : i32
      %mul3A_1233 = arith.muli %add3A_1231, %mul3A_1232 : i32
      %get3A_1234 = arith.index_cast %mul3A_1233 : i32 to index
      %get3A_1235 = tpu.vector_load %arg5[%get3A_1234] {strides = array<i32>} : memref<32768xf32, #tpu.memory_space<vmem>>, vector<16xf32>,
      %get3A_1236 = vector.shape_cast %get3A_1235 : vector<16xf32> to vector<16xf32>
      %get3A_1237 = arith.index_cast %mul3A_1233 : i32 to index
      %get3A_1238 = tpu.vector_load %arg6[%get3A_1237] {strides = array<i32>} : memref<32768xf32, #tpu.memory_space<vmem>>, vector<16xf32>,
      %get3A_1239 = vector.shape_cast %get3A_1238 : vector<16xf32> to vector<16xf32>
      %sub3A_1240 = arith.subf %get3A_1236, %mul3A_473 : vector<16xf32>
      %jit3A_1241 = arith.constant 0.000000e+00 : f32
      %max3A_1242 = vector.broadcast %jit3A_1241 : f32 to vector<16xf32>
      %max3A_1243 = arith.maximumf %max3A_1242, %sub3A_1240 : vector<16xf32>
      %min3A_1244 = arith.minimumf %get3A_1239, %max3A_1243 : vector<16xf32>
      %add3A_1245 = arith.addf %add3A_1171, %min3A_1244 : vector<16xf32>
      %mul3A_1246 = arith.constant 4 : i32
      %mul3A_1247 = arith.muli %scan3A_1191, %mul3A_1246 : i32
      %add3A_1248 = arith.constant 3 : i32
      %add3A_1249 = arith.addi %mul3A_1247, %add3A_1248 : i32
      %mul3A_1250 = arith.constant 16 : i32
      %mul3A_1251 = arith.muli %add3A_1249, %mul3A_1250 : i32
      %get3A_1252 = arith.index_cast %mul3A_1251 : i32 to index
      %get3A_1253 = tpu.vector_load %arg5[%get3A_1252] {strides = array<i32>} : memref<32768xf32, #tpu.memory_space<vmem>>, vector<16xf32>,
      %get3A_1254 = vector.shape_cast %get3A_1253 : vector<16xf32> to vector<16xf32>
      %get3A_1255 = arith.index_cast %mul3A_1251 : i32 to index
      %get3A_1256 = tpu.vector_load %arg6[%get3A_1255] {strides = array<i32>} : memref<32768xf32, #tpu.memory_space<vmem>>, vector<16xf32>,
      %get3A_1257 = vector.shape_cast %get3A_1256 : vector<16xf32> to vector<16xf32>
      %sub3A_1258 = arith.subf %get3A_1254, %mul3A_473 : vector<16xf32>
      %jit3A_1259 = arith.constant 0.000000e+00 : f32
      %max3A_1260 = vector.broadcast %jit3A_1259 : f32 to vector<16xf32>
      %max3A_1261 = arith.maximumf %max3A_1260, %sub3A_1258 : vector<16xf32>
      %min3A_1262 = arith.minimumf %get3A_1257, %max3A_1261 : vector<16xf32>
      %add3A_1263 = arith.addf %add3A_1189, %min3A_1262 : vector<16xf32>
      scf.yield %add3A_1209, %add3A_1227, %add3A_1245, %add3A_1263 : vector<16xf32>, vector<16xf32>, vector<16xf32>, vector<16xf32>
    }
    %scan3A_481 = arith.constant 512 : i32
    %add3A_482 = arith.addf %scan3A_480#0, %scan3A_480#1 : vector<16xf32>
    %add3A_483 = arith.addf %scan3A_480#2, %scan3A_480#3 : vector<16xf32>
    %add3A_484 = arith.addf %add3A_482, %add3A_483 : vector<16xf32>
    %iota3A_485 = tpu.iota {dimensions = array<i32: 0>} : vector<16xi32>
    %xor3A_486 = arith.constant 8 : i32
    %xor3A_487 = vector.broadcast %xor3A_486 : i32 to vector<16xi32>
    %xor3A_488 = arith.xori %iota3A_485, %xor3A_487 : vector<16xi32>
    %broadcast_in_dim3A_489 = vector.shape_cast %xor3A_488 : vector<16xi32> to vector<16x1xi32>
    %gather3A_490 = vector.shape_cast %broadcast_in_dim3A_489 : vector<16x1xi32> to vector<16xi32>
    %gather3A_491 = tpu.dynamic_gather %add3A_484[%gather3A_490] in [0] : vector<16xf32>, vector<16xi32> -> vector<16xf32>
    %add3A_492 = arith.addf %add3A_484, %gather3A_491 : vector<16xf32>
    %xor3A_493 = arith.constant 4 : i32
    %xor3A_494 = vector.broadcast %xor3A_493 : i32 to vector<16xi32>
    %xor3A_495 = arith.xori %iota3A_485, %xor3A_494 : vector<16xi32>
    %broadcast_in_dim3A_496 = vector.shape_cast %xor3A_495 : vector<16xi32> to vector<16x1xi32>
    %gather3A_497 = vector.shape_cast %broadcast_in_dim3A_496 : vector<16x1xi32> to vector<16xi32>
    %gather3A_498 = tpu.dynamic_gather %add3A_492[%gather3A_497] in [0] : vector<16xf32>, vector<16xi32> -> vector<16xf32>
    %add3A_499 = arith.addf %add3A_492, %gather3A_498 : vector<16xf32>
    %xor3A_500 = arith.constant 2 : i32
    %xor3A_501 = vector.broadcast %xor3A_500 : i32 to vector<16xi32>
    %xor3A_502 = arith.xori %iota3A_485, %xor3A_501 : vector<16xi32>
    %broadcast_in_dim3A_503 = vector.shape_cast %xor3A_502 : vector<16xi32> to vector<16x1xi32>
    %gather3A_504 = vector.shape_cast %broadcast_in_dim3A_503 : vector<16x1xi32> to vector<16xi32>
    %gather3A_505 = tpu.dynamic_gather %add3A_499[%gather3A_504] in [0] : vector<16xf32>, vector<16xi32> -> vector<16xf32>
    %add3A_506 = arith.addf %add3A_499, %gather3A_505 : vector<16xf32>
    %xor3A_507 = arith.constant 1 : i32
    %xor3A_508 = vector.broadcast %xor3A_507 : i32 to vector<16xi32>
    %xor3A_509 = arith.xori %iota3A_485, %xor3A_508 : vector<16xi32>
    %broadcast_in_dim3A_510 = vector.shape_cast %xor3A_509 : vector<16xi32> to vector<16x1xi32>
    %gather3A_511 = vector.shape_cast %broadcast_in_dim3A_510 : vector<16x1xi32> to vector<16xi32>
    %gather3A_512 = tpu.dynamic_gather %add3A_506[%gather3A_511] in [0] : vector<16xf32>, vector<16xi32> -> vector<16xf32>
    %add3A_513 = arith.addf %add3A_506, %gather3A_512 : vector<16xf32>
    %sub3A_514 = arith.constant 1.000000e+00 : f32
    %sub3A_515 = vector.broadcast %sub3A_514 : f32 to vector<16xf32>
    %sub3A_516 = arith.subf %add3A_513, %sub3A_515 : vector<16xf32>
    %gt3A_517 = arith.constant 0.000000e+00 : f32
    %gt3A_518 = vector.broadcast %gt3A_517 : f32 to vector<16xf32>
    %gt3A_519 = arith.cmpf ogt, %sub3A_516, %gt3A_518 : vector<16xf32>
    %select_n3A_520 = arith.select %gt3A_519, %mul3A_473, %select_n3A_468 : vector<16xi1>, vector<16xf32>
    %select_n3A_521 = arith.select %gt3A_519, %select_n3A_469, %mul3A_473 : vector<16xi1>, vector<16xf32>
    %add3A_522 = arith.addf %select_n3A_520, %select_n3A_521 : vector<16xf32>
    %mul3A_523 = arith.constant 5.000000e-01 : f32
    %mul3A_524 = vector.broadcast %mul3A_523 : f32 to vector<16xf32>
    %mul3A_525 = arith.mulf %mul3A_524, %add3A_522 : vector<16xf32>
    %broadcast_in_dim3A_526 = arith.constant 0.000000e+00 : f32
    %broadcast_in_dim3A_527 = vector.broadcast %broadcast_in_dim3A_526 : f32 to vector<16xf32>
    %scan3A_528 = arith.constant 0 : i32
    %scan3A_529 = arith.constant 512 : i32
    %scan3A_530 = arith.addi %scan3A_528, %scan3A_529 : i32
    %scan3A_531 = arith.constant 2 : i32
    %scan3A_532:4 = scf.for %scan3A_1115 = %scan3A_528 to %scan3A_530 step %scan3A_531 iter_args(%scan3A_1116 = %broadcast_in_dim3A_527, %scan3A_1117 = %broadcast_in_dim3A_527, %scan3A_1118 = %broadcast_in_dim3A_527, %scan3A_1119 = %broadcast_in_dim3A_527) -> (vector<16xf32>, vector<16xf32>, vector<16xf32>, vector<16xf32>)  : i32 {
      %mul3A_1120 = arith.constant 4 : i32
      %mul3A_1121 = arith.muli %scan3A_1115, %mul3A_1120 : i32
      %add3A_1122 = arith.constant 0 : i32
      %add3A_1123 = arith.addi %mul3A_1121, %add3A_1122 : i32
      %mul3A_1124 = arith.constant 16 : i32
      %mul3A_1125 = arith.muli %add3A_1123, %mul3A_1124 : i32
      %get3A = arith.index_cast %mul3A_1125 : i32 to index
      %get3A_1126 = tpu.vector_load %arg5[%get3A] {strides = array<i32>} : memref<32768xf32, #tpu.memory_space<vmem>>, vector<16xf32>,
      %get3A_1127 = vector.shape_cast %get3A_1126 : vector<16xf32> to vector<16xf32>
      %get3A_1128 = arith.index_cast %mul3A_1125 : i32 to index
      %get3A_1129 = tpu.vector_load %arg6[%get3A_1128] {strides = array<i32>} : memref<32768xf32, #tpu.memory_space<vmem>>, vector<16xf32>,
      %get3A_1130 = vector.shape_cast %get3A_1129 : vector<16xf32> to vector<16xf32>
      %sub3A_1131 = arith.subf %get3A_1127, %mul3A_525 : vector<16xf32>
      %jit3A_1132 = arith.constant 0.000000e+00 : f32
      %max3A_1133 = vector.broadcast %jit3A_1132 : f32 to vector<16xf32>
      %max3A_1134 = arith.maximumf %max3A_1133, %sub3A_1131 : vector<16xf32>
      %min3A = arith.minimumf %get3A_1130, %max3A_1134 : vector<16xf32>
      %add3A_1135 = arith.addf %scan3A_1116, %min3A : vector<16xf32>
      %mul3A_1136 = arith.constant 4 : i32
      %mul3A_1137 = arith.muli %scan3A_1115, %mul3A_1136 : i32
      %add3A_1138 = arith.constant 1 : i32
      %add3A_1139 = arith.addi %mul3A_1137, %add3A_1138 : i32
      %mul3A_1140 = arith.constant 16 : i32
      %mul3A_1141 = arith.muli %add3A_1139, %mul3A_1140 : i32
      %get3A_1142 = arith.index_cast %mul3A_1141 : i32 to index
      %get3A_1143 = tpu.vector_load %arg5[%get3A_1142] {strides = array<i32>} : memref<32768xf32, #tpu.memory_space<vmem>>, vector<16xf32>,
      %get3A_1144 = vector.shape_cast %get3A_1143 : vector<16xf32> to vector<16xf32>
      %get3A_1145 = arith.index_cast %mul3A_1141 : i32 to index
      %get3A_1146 = tpu.vector_load %arg6[%get3A_1145] {strides = array<i32>} : memref<32768xf32, #tpu.memory_space<vmem>>, vector<16xf32>,
      %get3A_1147 = vector.shape_cast %get3A_1146 : vector<16xf32> to vector<16xf32>
      %sub3A_1148 = arith.subf %get3A_1144, %mul3A_525 : vector<16xf32>
      %jit3A_1149 = arith.constant 0.000000e+00 : f32
      %max3A_1150 = vector.broadcast %jit3A_1149 : f32 to vector<16xf32>
      %max3A_1151 = arith.maximumf %max3A_1150, %sub3A_1148 : vector<16xf32>
      %min3A_1152 = arith.minimumf %get3A_1147, %max3A_1151 : vector<16xf32>
      %add3A_1153 = arith.addf %scan3A_1117, %min3A_1152 : vector<16xf32>
      %mul3A_1154 = arith.constant 4 : i32
      %mul3A_1155 = arith.muli %scan3A_1115, %mul3A_1154 : i32
      %add3A_1156 = arith.constant 2 : i32
      %add3A_1157 = arith.addi %mul3A_1155, %add3A_1156 : i32
      %mul3A_1158 = arith.constant 16 : i32
      %mul3A_1159 = arith.muli %add3A_1157, %mul3A_1158 : i32
      %get3A_1160 = arith.index_cast %mul3A_1159 : i32 to index
      %get3A_1161 = tpu.vector_load %arg5[%get3A_1160] {strides = array<i32>} : memref<32768xf32, #tpu.memory_space<vmem>>, vector<16xf32>,
      %get3A_1162 = vector.shape_cast %get3A_1161 : vector<16xf32> to vector<16xf32>
      %get3A_1163 = arith.index_cast %mul3A_1159 : i32 to index
      %get3A_1164 = tpu.vector_load %arg6[%get3A_1163] {strides = array<i32>} : memref<32768xf32, #tpu.memory_space<vmem>>, vector<16xf32>,
      %get3A_1165 = vector.shape_cast %get3A_1164 : vector<16xf32> to vector<16xf32>
      %sub3A_1166 = arith.subf %get3A_1162, %mul3A_525 : vector<16xf32>
      %jit3A_1167 = arith.constant 0.000000e+00 : f32
      %max3A_1168 = vector.broadcast %jit3A_1167 : f32 to vector<16xf32>
      %max3A_1169 = arith.maximumf %max3A_1168, %sub3A_1166 : vector<16xf32>
      %min3A_1170 = arith.minimumf %get3A_1165, %max3A_1169 : vector<16xf32>
      %add3A_1171 = arith.addf %scan3A_1118, %min3A_1170 : vector<16xf32>
      %mul3A_1172 = arith.constant 4 : i32
      %mul3A_1173 = arith.muli %scan3A_1115, %mul3A_1172 : i32
      %add3A_1174 = arith.constant 3 : i32
      %add3A_1175 = arith.addi %mul3A_1173, %add3A_1174 : i32
      %mul3A_1176 = arith.constant 16 : i32
      %mul3A_1177 = arith.muli %add3A_1175, %mul3A_1176 : i32
      %get3A_1178 = arith.index_cast %mul3A_1177 : i32 to index
      %get3A_1179 = tpu.vector_load %arg5[%get3A_1178] {strides = array<i32>} : memref<32768xf32, #tpu.memory_space<vmem>>, vector<16xf32>,
      %get3A_1180 = vector.shape_cast %get3A_1179 : vector<16xf32> to vector<16xf32>
      %get3A_1181 = arith.index_cast %mul3A_1177 : i32 to index
      %get3A_1182 = tpu.vector_load %arg6[%get3A_1181] {strides = array<i32>} : memref<32768xf32, #tpu.memory_space<vmem>>, vector<16xf32>,
      %get3A_1183 = vector.shape_cast %get3A_1182 : vector<16xf32> to vector<16xf32>
      %sub3A_1184 = arith.subf %get3A_1180, %mul3A_525 : vector<16xf32>
      %jit3A_1185 = arith.constant 0.000000e+00 : f32
      %max3A_1186 = vector.broadcast %jit3A_1185 : f32 to vector<16xf32>
      %max3A_1187 = arith.maximumf %max3A_1186, %sub3A_1184 : vector<16xf32>
      %min3A_1188 = arith.minimumf %get3A_1183, %max3A_1187 : vector<16xf32>
      %add3A_1189 = arith.addf %scan3A_1119, %min3A_1188 : vector<16xf32>
      %scan3A_1190 = arith.constant 1 : i32
      %scan3A_1191 = arith.addi %scan3A_1115, %scan3A_1190 : i32
      %mul3A_1192 = arith.constant 4 : i32
      %mul3A_1193 = arith.muli %scan3A_1191, %mul3A_1192 : i32
      %add3A_1194 = arith.constant 0 : i32
      %add3A_1195 = arith.addi %mul3A_1193, %add3A_1194 : i32
      %mul3A_1196 = arith.constant 16 : i32
      %mul3A_1197 = arith.muli %add3A_1195, %mul3A_1196 : i32
      %get3A_1198 = arith.index_cast %mul3A_1197 : i32 to index
      %get3A_1199 = tpu.vector_load %arg5[%get3A_1198] {strides = array<i32>} : memref<32768xf32, #tpu.memory_space<vmem>>, vector<16xf32>,
      %get3A_1200 = vector.shape_cast %get3A_1199 : vector<16xf32> to vector<16xf32>
      %get3A_1201 = arith.index_cast %mul3A_1197 : i32 to index
      %get3A_1202 = tpu.vector_load %arg6[%get3A_1201] {strides = array<i32>} : memref<32768xf32, #tpu.memory_space<vmem>>, vector<16xf32>,
      %get3A_1203 = vector.shape_cast %get3A_1202 : vector<16xf32> to vector<16xf32>
      %sub3A_1204 = arith.subf %get3A_1200, %mul3A_525 : vector<16xf32>
      %jit3A_1205 = arith.constant 0.000000e+00 : f32
      %max3A_1206 = vector.broadcast %jit3A_1205 : f32 to vector<16xf32>
      %max3A_1207 = arith.maximumf %max3A_1206, %sub3A_1204 : vector<16xf32>
      %min3A_1208 = arith.minimumf %get3A_1203, %max3A_1207 : vector<16xf32>
      %add3A_1209 = arith.addf %add3A_1135, %min3A_1208 : vector<16xf32>
      %mul3A_1210 = arith.constant 4 : i32
      %mul3A_1211 = arith.muli %scan3A_1191, %mul3A_1210 : i32
      %add3A_1212 = arith.constant 1 : i32
      %add3A_1213 = arith.addi %mul3A_1211, %add3A_1212 : i32
      %mul3A_1214 = arith.constant 16 : i32
      %mul3A_1215 = arith.muli %add3A_1213, %mul3A_1214 : i32
      %get3A_1216 = arith.index_cast %mul3A_1215 : i32 to index
      %get3A_1217 = tpu.vector_load %arg5[%get3A_1216] {strides = array<i32>} : memref<32768xf32, #tpu.memory_space<vmem>>, vector<16xf32>,
      %get3A_1218 = vector.shape_cast %get3A_1217 : vector<16xf32> to vector<16xf32>
      %get3A_1219 = arith.index_cast %mul3A_1215 : i32 to index
      %get3A_1220 = tpu.vector_load %arg6[%get3A_1219] {strides = array<i32>} : memref<32768xf32, #tpu.memory_space<vmem>>, vector<16xf32>,
      %get3A_1221 = vector.shape_cast %get3A_1220 : vector<16xf32> to vector<16xf32>
      %sub3A_1222 = arith.subf %get3A_1218, %mul3A_525 : vector<16xf32>
      %jit3A_1223 = arith.constant 0.000000e+00 : f32
      %max3A_1224 = vector.broadcast %jit3A_1223 : f32 to vector<16xf32>
      %max3A_1225 = arith.maximumf %max3A_1224, %sub3A_1222 : vector<16xf32>
      %min3A_1226 = arith.minimumf %get3A_1221, %max3A_1225 : vector<16xf32>
      %add3A_1227 = arith.addf %add3A_1153, %min3A_1226 : vector<16xf32>
      %mul3A_1228 = arith.constant 4 : i32
      %mul3A_1229 = arith.muli %scan3A_1191, %mul3A_1228 : i32
      %add3A_1230 = arith.constant 2 : i32
      %add3A_1231 = arith.addi %mul3A_1229, %add3A_1230 : i32
      %mul3A_1232 = arith.constant 16 : i32
      %mul3A_1233 = arith.muli %add3A_1231, %mul3A_1232 : i32
      %get3A_1234 = arith.index_cast %mul3A_1233 : i32 to index
      %get3A_1235 = tpu.vector_load %arg5[%get3A_1234] {strides = array<i32>} : memref<32768xf32, #tpu.memory_space<vmem>>, vector<16xf32>,
      %get3A_1236 = vector.shape_cast %get3A_1235 : vector<16xf32> to vector<16xf32>
      %get3A_1237 = arith.index_cast %mul3A_1233 : i32 to index
      %get3A_1238 = tpu.vector_load %arg6[%get3A_1237] {strides = array<i32>} : memref<32768xf32, #tpu.memory_space<vmem>>, vector<16xf32>,
      %get3A_1239 = vector.shape_cast %get3A_1238 : vector<16xf32> to vector<16xf32>
      %sub3A_1240 = arith.subf %get3A_1236, %mul3A_525 : vector<16xf32>
      %jit3A_1241 = arith.constant 0.000000e+00 : f32
      %max3A_1242 = vector.broadcast %jit3A_1241 : f32 to vector<16xf32>
      %max3A_1243 = arith.maximumf %max3A_1242, %sub3A_1240 : vector<16xf32>
      %min3A_1244 = arith.minimumf %get3A_1239, %max3A_1243 : vector<16xf32>
      %add3A_1245 = arith.addf %add3A_1171, %min3A_1244 : vector<16xf32>
      %mul3A_1246 = arith.constant 4 : i32
      %mul3A_1247 = arith.muli %scan3A_1191, %mul3A_1246 : i32
      %add3A_1248 = arith.constant 3 : i32
      %add3A_1249 = arith.addi %mul3A_1247, %add3A_1248 : i32
      %mul3A_1250 = arith.constant 16 : i32
      %mul3A_1251 = arith.muli %add3A_1249, %mul3A_1250 : i32
      %get3A_1252 = arith.index_cast %mul3A_1251 : i32 to index
      %get3A_1253 = tpu.vector_load %arg5[%get3A_1252] {strides = array<i32>} : memref<32768xf32, #tpu.memory_space<vmem>>, vector<16xf32>,
      %get3A_1254 = vector.shape_cast %get3A_1253 : vector<16xf32> to vector<16xf32>
      %get3A_1255 = arith.index_cast %mul3A_1251 : i32 to index
      %get3A_1256 = tpu.vector_load %arg6[%get3A_1255] {strides = array<i32>} : memref<32768xf32, #tpu.memory_space<vmem>>, vector<16xf32>,
      %get3A_1257 = vector.shape_cast %get3A_1256 : vector<16xf32> to vector<16xf32>
      %sub3A_1258 = arith.subf %get3A_1254, %mul3A_525 : vector<16xf32>
      %jit3A_1259 = arith.constant 0.000000e+00 : f32
      %max3A_1260 = vector.broadcast %jit3A_1259 : f32 to vector<16xf32>
      %max3A_1261 = arith.maximumf %max3A_1260, %sub3A_1258 : vector<16xf32>
      %min3A_1262 = arith.minimumf %get3A_1257, %max3A_1261 : vector<16xf32>
      %add3A_1263 = arith.addf %add3A_1189, %min3A_1262 : vector<16xf32>
      scf.yield %add3A_1209, %add3A_1227, %add3A_1245, %add3A_1263 : vector<16xf32>, vector<16xf32>, vector<16xf32>, vector<16xf32>
    }
    %scan3A_533 = arith.constant 512 : i32
    %add3A_534 = arith.addf %scan3A_532#0, %scan3A_532#1 : vector<16xf32>
    %add3A_535 = arith.addf %scan3A_532#2, %scan3A_532#3 : vector<16xf32>
    %add3A_536 = arith.addf %add3A_534, %add3A_535 : vector<16xf32>
    %iota3A_537 = tpu.iota {dimensions = array<i32: 0>} : vector<16xi32>
    %xor3A_538 = arith.constant 8 : i32
    %xor3A_539 = vector.broadcast %xor3A_538 : i32 to vector<16xi32>
    %xor3A_540 = arith.xori %iota3A_537, %xor3A_539 : vector<16xi32>
    %broadcast_in_dim3A_541 = vector.shape_cast %xor3A_540 : vector<16xi32> to vector<16x1xi32>
    %gather3A_542 = vector.shape_cast %broadcast_in_dim3A_541 : vector<16x1xi32> to vector<16xi32>
    %gather3A_543 = tpu.dynamic_gather %add3A_536[%gather3A_542] in [0] : vector<16xf32>, vector<16xi32> -> vector<16xf32>
    %add3A_544 = arith.addf %add3A_536, %gather3A_543 : vector<16xf32>
    %xor3A_545 = arith.constant 4 : i32
    %xor3A_546 = vector.broadcast %xor3A_545 : i32 to vector<16xi32>
    %xor3A_547 = arith.xori %iota3A_537, %xor3A_546 : vector<16xi32>
    %broadcast_in_dim3A_548 = vector.shape_cast %xor3A_547 : vector<16xi32> to vector<16x1xi32>
    %gather3A_549 = vector.shape_cast %broadcast_in_dim3A_548 : vector<16x1xi32> to vector<16xi32>
    %gather3A_550 = tpu.dynamic_gather %add3A_544[%gather3A_549] in [0] : vector<16xf32>, vector<16xi32> -> vector<16xf32>
    %add3A_551 = arith.addf %add3A_544, %gather3A_550 : vector<16xf32>
    %xor3A_552 = arith.constant 2 : i32
    %xor3A_553 = vector.broadcast %xor3A_552 : i32 to vector<16xi32>
    %xor3A_554 = arith.xori %iota3A_537, %xor3A_553 : vector<16xi32>
    %broadcast_in_dim3A_555 = vector.shape_cast %xor3A_554 : vector<16xi32> to vector<16x1xi32>
    %gather3A_556 = vector.shape_cast %broadcast_in_dim3A_555 : vector<16x1xi32> to vector<16xi32>
    %gather3A_557 = tpu.dynamic_gather %add3A_551[%gather3A_556] in [0] : vector<16xf32>, vector<16xi32> -> vector<16xf32>
    %add3A_558 = arith.addf %add3A_551, %gather3A_557 : vector<16xf32>
    %xor3A_559 = arith.constant 1 : i32
    %xor3A_560 = vector.broadcast %xor3A_559 : i32 to vector<16xi32>
    %xor3A_561 = arith.xori %iota3A_537, %xor3A_560 : vector<16xi32>
    %broadcast_in_dim3A_562 = vector.shape_cast %xor3A_561 : vector<16xi32> to vector<16x1xi32>
    %gather3A_563 = vector.shape_cast %broadcast_in_dim3A_562 : vector<16x1xi32> to vector<16xi32>
    %gather3A_564 = tpu.dynamic_gather %add3A_558[%gather3A_563] in [0] : vector<16xf32>, vector<16xi32> -> vector<16xf32>
    %add3A_565 = arith.addf %add3A_558, %gather3A_564 : vector<16xf32>
    %sub3A_566 = arith.constant 1.000000e+00 : f32
    %sub3A_567 = vector.broadcast %sub3A_566 : f32 to vector<16xf32>
    %sub3A_568 = arith.subf %add3A_565, %sub3A_567 : vector<16xf32>
    %gt3A_569 = arith.constant 0.000000e+00 : f32
    %gt3A_570 = vector.broadcast %gt3A_569 : f32 to vector<16xf32>
    %gt3A_571 = arith.cmpf ogt, %sub3A_568, %gt3A_570 : vector<16xf32>
    %select_n3A_572 = arith.select %gt3A_571, %mul3A_525, %select_n3A_520 : vector<16xi1>, vector<16xf32>
    %select_n3A_573 = arith.select %gt3A_571, %select_n3A_521, %mul3A_525 : vector<16xi1>, vector<16xf32>
    %add3A_574 = arith.addf %select_n3A_572, %select_n3A_573 : vector<16xf32>
    %mul3A_575 = arith.constant 5.000000e-01 : f32
    %mul3A_576 = vector.broadcast %mul3A_575 : f32 to vector<16xf32>
    %mul3A_577 = arith.mulf %mul3A_576, %add3A_574 : vector<16xf32>
    %broadcast_in_dim3A_578 = arith.constant 0.000000e+00 : f32
    %broadcast_in_dim3A_579 = vector.broadcast %broadcast_in_dim3A_578 : f32 to vector<16xf32>
    %scan3A_580 = arith.constant 0 : i32
    %scan3A_581 = arith.constant 512 : i32
    %scan3A_582 = arith.addi %scan3A_580, %scan3A_581 : i32
    %scan3A_583 = arith.constant 2 : i32
    %scan3A_584:4 = scf.for %scan3A_1115 = %scan3A_580 to %scan3A_582 step %scan3A_583 iter_args(%scan3A_1116 = %broadcast_in_dim3A_579, %scan3A_1117 = %broadcast_in_dim3A_579, %scan3A_1118 = %broadcast_in_dim3A_579, %scan3A_1119 = %broadcast_in_dim3A_579) -> (vector<16xf32>, vector<16xf32>, vector<16xf32>, vector<16xf32>)  : i32 {
      %mul3A_1120 = arith.constant 4 : i32
      %mul3A_1121 = arith.muli %scan3A_1115, %mul3A_1120 : i32
      %add3A_1122 = arith.constant 0 : i32
      %add3A_1123 = arith.addi %mul3A_1121, %add3A_1122 : i32
      %mul3A_1124 = arith.constant 16 : i32
      %mul3A_1125 = arith.muli %add3A_1123, %mul3A_1124 : i32
      %get3A = arith.index_cast %mul3A_1125 : i32 to index
      %get3A_1126 = tpu.vector_load %arg5[%get3A] {strides = array<i32>} : memref<32768xf32, #tpu.memory_space<vmem>>, vector<16xf32>,
      %get3A_1127 = vector.shape_cast %get3A_1126 : vector<16xf32> to vector<16xf32>
      %get3A_1128 = arith.index_cast %mul3A_1125 : i32 to index
      %get3A_1129 = tpu.vector_load %arg6[%get3A_1128] {strides = array<i32>} : memref<32768xf32, #tpu.memory_space<vmem>>, vector<16xf32>,
      %get3A_1130 = vector.shape_cast %get3A_1129 : vector<16xf32> to vector<16xf32>
      %sub3A_1131 = arith.subf %get3A_1127, %mul3A_577 : vector<16xf32>
      %jit3A_1132 = arith.constant 0.000000e+00 : f32
      %max3A_1133 = vector.broadcast %jit3A_1132 : f32 to vector<16xf32>
      %max3A_1134 = arith.maximumf %max3A_1133, %sub3A_1131 : vector<16xf32>
      %min3A = arith.minimumf %get3A_1130, %max3A_1134 : vector<16xf32>
      %add3A_1135 = arith.addf %scan3A_1116, %min3A : vector<16xf32>
      %mul3A_1136 = arith.constant 4 : i32
      %mul3A_1137 = arith.muli %scan3A_1115, %mul3A_1136 : i32
      %add3A_1138 = arith.constant 1 : i32
      %add3A_1139 = arith.addi %mul3A_1137, %add3A_1138 : i32
      %mul3A_1140 = arith.constant 16 : i32
      %mul3A_1141 = arith.muli %add3A_1139, %mul3A_1140 : i32
      %get3A_1142 = arith.index_cast %mul3A_1141 : i32 to index
      %get3A_1143 = tpu.vector_load %arg5[%get3A_1142] {strides = array<i32>} : memref<32768xf32, #tpu.memory_space<vmem>>, vector<16xf32>,
      %get3A_1144 = vector.shape_cast %get3A_1143 : vector<16xf32> to vector<16xf32>
      %get3A_1145 = arith.index_cast %mul3A_1141 : i32 to index
      %get3A_1146 = tpu.vector_load %arg6[%get3A_1145] {strides = array<i32>} : memref<32768xf32, #tpu.memory_space<vmem>>, vector<16xf32>,
      %get3A_1147 = vector.shape_cast %get3A_1146 : vector<16xf32> to vector<16xf32>
      %sub3A_1148 = arith.subf %get3A_1144, %mul3A_577 : vector<16xf32>
      %jit3A_1149 = arith.constant 0.000000e+00 : f32
      %max3A_1150 = vector.broadcast %jit3A_1149 : f32 to vector<16xf32>
      %max3A_1151 = arith.maximumf %max3A_1150, %sub3A_1148 : vector<16xf32>
      %min3A_1152 = arith.minimumf %get3A_1147, %max3A_1151 : vector<16xf32>
      %add3A_1153 = arith.addf %scan3A_1117, %min3A_1152 : vector<16xf32>
      %mul3A_1154 = arith.constant 4 : i32
      %mul3A_1155 = arith.muli %scan3A_1115, %mul3A_1154 : i32
      %add3A_1156 = arith.constant 2 : i32
      %add3A_1157 = arith.addi %mul3A_1155, %add3A_1156 : i32
      %mul3A_1158 = arith.constant 16 : i32
      %mul3A_1159 = arith.muli %add3A_1157, %mul3A_1158 : i32
      %get3A_1160 = arith.index_cast %mul3A_1159 : i32 to index
      %get3A_1161 = tpu.vector_load %arg5[%get3A_1160] {strides = array<i32>} : memref<32768xf32, #tpu.memory_space<vmem>>, vector<16xf32>,
      %get3A_1162 = vector.shape_cast %get3A_1161 : vector<16xf32> to vector<16xf32>
      %get3A_1163 = arith.index_cast %mul3A_1159 : i32 to index
      %get3A_1164 = tpu.vector_load %arg6[%get3A_1163] {strides = array<i32>} : memref<32768xf32, #tpu.memory_space<vmem>>, vector<16xf32>,
      %get3A_1165 = vector.shape_cast %get3A_1164 : vector<16xf32> to vector<16xf32>
      %sub3A_1166 = arith.subf %get3A_1162, %mul3A_577 : vector<16xf32>
      %jit3A_1167 = arith.constant 0.000000e+00 : f32
      %max3A_1168 = vector.broadcast %jit3A_1167 : f32 to vector<16xf32>
      %max3A_1169 = arith.maximumf %max3A_1168, %sub3A_1166 : vector<16xf32>
      %min3A_1170 = arith.minimumf %get3A_1165, %max3A_1169 : vector<16xf32>
      %add3A_1171 = arith.addf %scan3A_1118, %min3A_1170 : vector<16xf32>
      %mul3A_1172 = arith.constant 4 : i32
      %mul3A_1173 = arith.muli %scan3A_1115, %mul3A_1172 : i32
      %add3A_1174 = arith.constant 3 : i32
      %add3A_1175 = arith.addi %mul3A_1173, %add3A_1174 : i32
      %mul3A_1176 = arith.constant 16 : i32
      %mul3A_1177 = arith.muli %add3A_1175, %mul3A_1176 : i32
      %get3A_1178 = arith.index_cast %mul3A_1177 : i32 to index
      %get3A_1179 = tpu.vector_load %arg5[%get3A_1178] {strides = array<i32>} : memref<32768xf32, #tpu.memory_space<vmem>>, vector<16xf32>,
      %get3A_1180 = vector.shape_cast %get3A_1179 : vector<16xf32> to vector<16xf32>
      %get3A_1181 = arith.index_cast %mul3A_1177 : i32 to index
      %get3A_1182 = tpu.vector_load %arg6[%get3A_1181] {strides = array<i32>} : memref<32768xf32, #tpu.memory_space<vmem>>, vector<16xf32>,
      %get3A_1183 = vector.shape_cast %get3A_1182 : vector<16xf32> to vector<16xf32>
      %sub3A_1184 = arith.subf %get3A_1180, %mul3A_577 : vector<16xf32>
      %jit3A_1185 = arith.constant 0.000000e+00 : f32
      %max3A_1186 = vector.broadcast %jit3A_1185 : f32 to vector<16xf32>
      %max3A_1187 = arith.maximumf %max3A_1186, %sub3A_1184 : vector<16xf32>
      %min3A_1188 = arith.minimumf %get3A_1183, %max3A_1187 : vector<16xf32>
      %add3A_1189 = arith.addf %scan3A_1119, %min3A_1188 : vector<16xf32>
      %scan3A_1190 = arith.constant 1 : i32
      %scan3A_1191 = arith.addi %scan3A_1115, %scan3A_1190 : i32
      %mul3A_1192 = arith.constant 4 : i32
      %mul3A_1193 = arith.muli %scan3A_1191, %mul3A_1192 : i32
      %add3A_1194 = arith.constant 0 : i32
      %add3A_1195 = arith.addi %mul3A_1193, %add3A_1194 : i32
      %mul3A_1196 = arith.constant 16 : i32
      %mul3A_1197 = arith.muli %add3A_1195, %mul3A_1196 : i32
      %get3A_1198 = arith.index_cast %mul3A_1197 : i32 to index
      %get3A_1199 = tpu.vector_load %arg5[%get3A_1198] {strides = array<i32>} : memref<32768xf32, #tpu.memory_space<vmem>>, vector<16xf32>,
      %get3A_1200 = vector.shape_cast %get3A_1199 : vector<16xf32> to vector<16xf32>
      %get3A_1201 = arith.index_cast %mul3A_1197 : i32 to index
      %get3A_1202 = tpu.vector_load %arg6[%get3A_1201] {strides = array<i32>} : memref<32768xf32, #tpu.memory_space<vmem>>, vector<16xf32>,
      %get3A_1203 = vector.shape_cast %get3A_1202 : vector<16xf32> to vector<16xf32>
      %sub3A_1204 = arith.subf %get3A_1200, %mul3A_577 : vector<16xf32>
      %jit3A_1205 = arith.constant 0.000000e+00 : f32
      %max3A_1206 = vector.broadcast %jit3A_1205 : f32 to vector<16xf32>
      %max3A_1207 = arith.maximumf %max3A_1206, %sub3A_1204 : vector<16xf32>
      %min3A_1208 = arith.minimumf %get3A_1203, %max3A_1207 : vector<16xf32>
      %add3A_1209 = arith.addf %add3A_1135, %min3A_1208 : vector<16xf32>
      %mul3A_1210 = arith.constant 4 : i32
      %mul3A_1211 = arith.muli %scan3A_1191, %mul3A_1210 : i32
      %add3A_1212 = arith.constant 1 : i32
      %add3A_1213 = arith.addi %mul3A_1211, %add3A_1212 : i32
      %mul3A_1214 = arith.constant 16 : i32
      %mul3A_1215 = arith.muli %add3A_1213, %mul3A_1214 : i32
      %get3A_1216 = arith.index_cast %mul3A_1215 : i32 to index
      %get3A_1217 = tpu.vector_load %arg5[%get3A_1216] {strides = array<i32>} : memref<32768xf32, #tpu.memory_space<vmem>>, vector<16xf32>,
      %get3A_1218 = vector.shape_cast %get3A_1217 : vector<16xf32> to vector<16xf32>
      %get3A_1219 = arith.index_cast %mul3A_1215 : i32 to index
      %get3A_1220 = tpu.vector_load %arg6[%get3A_1219] {strides = array<i32>} : memref<32768xf32, #tpu.memory_space<vmem>>, vector<16xf32>,
      %get3A_1221 = vector.shape_cast %get3A_1220 : vector<16xf32> to vector<16xf32>
      %sub3A_1222 = arith.subf %get3A_1218, %mul3A_577 : vector<16xf32>
      %jit3A_1223 = arith.constant 0.000000e+00 : f32
      %max3A_1224 = vector.broadcast %jit3A_1223 : f32 to vector<16xf32>
      %max3A_1225 = arith.maximumf %max3A_1224, %sub3A_1222 : vector<16xf32>
      %min3A_1226 = arith.minimumf %get3A_1221, %max3A_1225 : vector<16xf32>
      %add3A_1227 = arith.addf %add3A_1153, %min3A_1226 : vector<16xf32>
      %mul3A_1228 = arith.constant 4 : i32
      %mul3A_1229 = arith.muli %scan3A_1191, %mul3A_1228 : i32
      %add3A_1230 = arith.constant 2 : i32
      %add3A_1231 = arith.addi %mul3A_1229, %add3A_1230 : i32
      %mul3A_1232 = arith.constant 16 : i32
      %mul3A_1233 = arith.muli %add3A_1231, %mul3A_1232 : i32
      %get3A_1234 = arith.index_cast %mul3A_1233 : i32 to index
      %get3A_1235 = tpu.vector_load %arg5[%get3A_1234] {strides = array<i32>} : memref<32768xf32, #tpu.memory_space<vmem>>, vector<16xf32>,
      %get3A_1236 = vector.shape_cast %get3A_1235 : vector<16xf32> to vector<16xf32>
      %get3A_1237 = arith.index_cast %mul3A_1233 : i32 to index
      %get3A_1238 = tpu.vector_load %arg6[%get3A_1237] {strides = array<i32>} : memref<32768xf32, #tpu.memory_space<vmem>>, vector<16xf32>,
      %get3A_1239 = vector.shape_cast %get3A_1238 : vector<16xf32> to vector<16xf32>
      %sub3A_1240 = arith.subf %get3A_1236, %mul3A_577 : vector<16xf32>
      %jit3A_1241 = arith.constant 0.000000e+00 : f32
      %max3A_1242 = vector.broadcast %jit3A_1241 : f32 to vector<16xf32>
      %max3A_1243 = arith.maximumf %max3A_1242, %sub3A_1240 : vector<16xf32>
      %min3A_1244 = arith.minimumf %get3A_1239, %max3A_1243 : vector<16xf32>
      %add3A_1245 = arith.addf %add3A_1171, %min3A_1244 : vector<16xf32>
      %mul3A_1246 = arith.constant 4 : i32
      %mul3A_1247 = arith.muli %scan3A_1191, %mul3A_1246 : i32
      %add3A_1248 = arith.constant 3 : i32
      %add3A_1249 = arith.addi %mul3A_1247, %add3A_1248 : i32
      %mul3A_1250 = arith.constant 16 : i32
      %mul3A_1251 = arith.muli %add3A_1249, %mul3A_1250 : i32
      %get3A_1252 = arith.index_cast %mul3A_1251 : i32 to index
      %get3A_1253 = tpu.vector_load %arg5[%get3A_1252] {strides = array<i32>} : memref<32768xf32, #tpu.memory_space<vmem>>, vector<16xf32>,
      %get3A_1254 = vector.shape_cast %get3A_1253 : vector<16xf32> to vector<16xf32>
      %get3A_1255 = arith.index_cast %mul3A_1251 : i32 to index
      %get3A_1256 = tpu.vector_load %arg6[%get3A_1255] {strides = array<i32>} : memref<32768xf32, #tpu.memory_space<vmem>>, vector<16xf32>,
      %get3A_1257 = vector.shape_cast %get3A_1256 : vector<16xf32> to vector<16xf32>
      %sub3A_1258 = arith.subf %get3A_1254, %mul3A_577 : vector<16xf32>
      %jit3A_1259 = arith.constant 0.000000e+00 : f32
      %max3A_1260 = vector.broadcast %jit3A_1259 : f32 to vector<16xf32>
      %max3A_1261 = arith.maximumf %max3A_1260, %sub3A_1258 : vector<16xf32>
      %min3A_1262 = arith.minimumf %get3A_1257, %max3A_1261 : vector<16xf32>
      %add3A_1263 = arith.addf %add3A_1189, %min3A_1262 : vector<16xf32>
      scf.yield %add3A_1209, %add3A_1227, %add3A_1245, %add3A_1263 : vector<16xf32>, vector<16xf32>, vector<16xf32>, vector<16xf32>
    }
    %scan3A_585 = arith.constant 512 : i32
    %add3A_586 = arith.addf %scan3A_584#0, %scan3A_584#1 : vector<16xf32>
    %add3A_587 = arith.addf %scan3A_584#2, %scan3A_584#3 : vector<16xf32>
    %add3A_588 = arith.addf %add3A_586, %add3A_587 : vector<16xf32>
    %iota3A_589 = tpu.iota {dimensions = array<i32: 0>} : vector<16xi32>
    %xor3A_590 = arith.constant 8 : i32
    %xor3A_591 = vector.broadcast %xor3A_590 : i32 to vector<16xi32>
    %xor3A_592 = arith.xori %iota3A_589, %xor3A_591 : vector<16xi32>
    %broadcast_in_dim3A_593 = vector.shape_cast %xor3A_592 : vector<16xi32> to vector<16x1xi32>
    %gather3A_594 = vector.shape_cast %broadcast_in_dim3A_593 : vector<16x1xi32> to vector<16xi32>
    %gather3A_595 = tpu.dynamic_gather %add3A_588[%gather3A_594] in [0] : vector<16xf32>, vector<16xi32> -> vector<16xf32>
    %add3A_596 = arith.addf %add3A_588, %gather3A_595 : vector<16xf32>
    %xor3A_597 = arith.constant 4 : i32
    %xor3A_598 = vector.broadcast %xor3A_597 : i32 to vector<16xi32>
    %xor3A_599 = arith.xori %iota3A_589, %xor3A_598 : vector<16xi32>
    %broadcast_in_dim3A_600 = vector.shape_cast %xor3A_599 : vector<16xi32> to vector<16x1xi32>
    %gather3A_601 = vector.shape_cast %broadcast_in_dim3A_600 : vector<16x1xi32> to vector<16xi32>
    %gather3A_602 = tpu.dynamic_gather %add3A_596[%gather3A_601] in [0] : vector<16xf32>, vector<16xi32> -> vector<16xf32>
    %add3A_603 = arith.addf %add3A_596, %gather3A_602 : vector<16xf32>
    %xor3A_604 = arith.constant 2 : i32
    %xor3A_605 = vector.broadcast %xor3A_604 : i32 to vector<16xi32>
    %xor3A_606 = arith.xori %iota3A_589, %xor3A_605 : vector<16xi32>
    %broadcast_in_dim3A_607 = vector.shape_cast %xor3A_606 : vector<16xi32> to vector<16x1xi32>
    %gather3A_608 = vector.shape_cast %broadcast_in_dim3A_607 : vector<16x1xi32> to vector<16xi32>
    %gather3A_609 = tpu.dynamic_gather %add3A_603[%gather3A_608] in [0] : vector<16xf32>, vector<16xi32> -> vector<16xf32>
    %add3A_610 = arith.addf %add3A_603, %gather3A_609 : vector<16xf32>
    %xor3A_611 = arith.constant 1 : i32
    %xor3A_612 = vector.broadcast %xor3A_611 : i32 to vector<16xi32>
    %xor3A_613 = arith.xori %iota3A_589, %xor3A_612 : vector<16xi32>
    %broadcast_in_dim3A_614 = vector.shape_cast %xor3A_613 : vector<16xi32> to vector<16x1xi32>
    %gather3A_615 = vector.shape_cast %broadcast_in_dim3A_614 : vector<16x1xi32> to vector<16xi32>
    %gather3A_616 = tpu.dynamic_gather %add3A_610[%gather3A_615] in [0] : vector<16xf32>, vector<16xi32> -> vector<16xf32>
    %add3A_617 = arith.addf %add3A_610, %gather3A_616 : vector<16xf32>
    %sub3A_618 = arith.constant 1.000000e+00 : f32
    %sub3A_619 = vector.broadcast %sub3A_618 : f32 to vector<16xf32>
    %sub3A_620 = arith.subf %add3A_617, %sub3A_619 : vector<16xf32>
    %gt3A_621 = arith.constant 0.000000e+00 : f32
    %gt3A_622 = vector.broadcast %gt3A_621 : f32 to vector<16xf32>
    %gt3A_623 = arith.cmpf ogt, %sub3A_620, %gt3A_622 : vector<16xf32>
    %select_n3A_624 = arith.select %gt3A_623, %mul3A_577, %select_n3A_572 : vector<16xi1>, vector<16xf32>
    %select_n3A_625 = arith.select %gt3A_623, %select_n3A_573, %mul3A_577 : vector<16xi1>, vector<16xf32>
    %add3A_626 = arith.addf %select_n3A_624, %select_n3A_625 : vector<16xf32>
    %mul3A_627 = arith.constant 5.000000e-01 : f32
    %mul3A_628 = vector.broadcast %mul3A_627 : f32 to vector<16xf32>
    %mul3A_629 = arith.mulf %mul3A_628, %add3A_626 : vector<16xf32>
    %broadcast_in_dim3A_630 = arith.constant 0.000000e+00 : f32
    %broadcast_in_dim3A_631 = vector.broadcast %broadcast_in_dim3A_630 : f32 to vector<16xf32>
    %scan3A_632 = arith.constant 0 : i32
    %scan3A_633 = arith.constant 512 : i32
    %scan3A_634 = arith.addi %scan3A_632, %scan3A_633 : i32
    %scan3A_635 = arith.constant 2 : i32
    %scan3A_636:4 = scf.for %scan3A_1115 = %scan3A_632 to %scan3A_634 step %scan3A_635 iter_args(%scan3A_1116 = %broadcast_in_dim3A_631, %scan3A_1117 = %broadcast_in_dim3A_631, %scan3A_1118 = %broadcast_in_dim3A_631, %scan3A_1119 = %broadcast_in_dim3A_631) -> (vector<16xf32>, vector<16xf32>, vector<16xf32>, vector<16xf32>)  : i32 {
      %mul3A_1120 = arith.constant 4 : i32
      %mul3A_1121 = arith.muli %scan3A_1115, %mul3A_1120 : i32
      %add3A_1122 = arith.constant 0 : i32
      %add3A_1123 = arith.addi %mul3A_1121, %add3A_1122 : i32
      %mul3A_1124 = arith.constant 16 : i32
      %mul3A_1125 = arith.muli %add3A_1123, %mul3A_1124 : i32
      %get3A = arith.index_cast %mul3A_1125 : i32 to index
      %get3A_1126 = tpu.vector_load %arg5[%get3A] {strides = array<i32>} : memref<32768xf32, #tpu.memory_space<vmem>>, vector<16xf32>,
      %get3A_1127 = vector.shape_cast %get3A_1126 : vector<16xf32> to vector<16xf32>
      %get3A_1128 = arith.index_cast %mul3A_1125 : i32 to index
      %get3A_1129 = tpu.vector_load %arg6[%get3A_1128] {strides = array<i32>} : memref<32768xf32, #tpu.memory_space<vmem>>, vector<16xf32>,
      %get3A_1130 = vector.shape_cast %get3A_1129 : vector<16xf32> to vector<16xf32>
      %sub3A_1131 = arith.subf %get3A_1127, %mul3A_629 : vector<16xf32>
      %jit3A_1132 = arith.constant 0.000000e+00 : f32
      %max3A_1133 = vector.broadcast %jit3A_1132 : f32 to vector<16xf32>
      %max3A_1134 = arith.maximumf %max3A_1133, %sub3A_1131 : vector<16xf32>
      %min3A = arith.minimumf %get3A_1130, %max3A_1134 : vector<16xf32>
      %add3A_1135 = arith.addf %scan3A_1116, %min3A : vector<16xf32>
      %mul3A_1136 = arith.constant 4 : i32
      %mul3A_1137 = arith.muli %scan3A_1115, %mul3A_1136 : i32
      %add3A_1138 = arith.constant 1 : i32
      %add3A_1139 = arith.addi %mul3A_1137, %add3A_1138 : i32
      %mul3A_1140 = arith.constant 16 : i32
      %mul3A_1141 = arith.muli %add3A_1139, %mul3A_1140 : i32
      %get3A_1142 = arith.index_cast %mul3A_1141 : i32 to index
      %get3A_1143 = tpu.vector_load %arg5[%get3A_1142] {strides = array<i32>} : memref<32768xf32, #tpu.memory_space<vmem>>, vector<16xf32>,
      %get3A_1144 = vector.shape_cast %get3A_1143 : vector<16xf32> to vector<16xf32>
      %get3A_1145 = arith.index_cast %mul3A_1141 : i32 to index
      %get3A_1146 = tpu.vector_load %arg6[%get3A_1145] {strides = array<i32>} : memref<32768xf32, #tpu.memory_space<vmem>>, vector<16xf32>,
      %get3A_1147 = vector.shape_cast %get3A_1146 : vector<16xf32> to vector<16xf32>
      %sub3A_1148 = arith.subf %get3A_1144, %mul3A_629 : vector<16xf32>
      %jit3A_1149 = arith.constant 0.000000e+00 : f32
      %max3A_1150 = vector.broadcast %jit3A_1149 : f32 to vector<16xf32>
      %max3A_1151 = arith.maximumf %max3A_1150, %sub3A_1148 : vector<16xf32>
      %min3A_1152 = arith.minimumf %get3A_1147, %max3A_1151 : vector<16xf32>
      %add3A_1153 = arith.addf %scan3A_1117, %min3A_1152 : vector<16xf32>
      %mul3A_1154 = arith.constant 4 : i32
      %mul3A_1155 = arith.muli %scan3A_1115, %mul3A_1154 : i32
      %add3A_1156 = arith.constant 2 : i32
      %add3A_1157 = arith.addi %mul3A_1155, %add3A_1156 : i32
      %mul3A_1158 = arith.constant 16 : i32
      %mul3A_1159 = arith.muli %add3A_1157, %mul3A_1158 : i32
      %get3A_1160 = arith.index_cast %mul3A_1159 : i32 to index
      %get3A_1161 = tpu.vector_load %arg5[%get3A_1160] {strides = array<i32>} : memref<32768xf32, #tpu.memory_space<vmem>>, vector<16xf32>,
      %get3A_1162 = vector.shape_cast %get3A_1161 : vector<16xf32> to vector<16xf32>
      %get3A_1163 = arith.index_cast %mul3A_1159 : i32 to index
      %get3A_1164 = tpu.vector_load %arg6[%get3A_1163] {strides = array<i32>} : memref<32768xf32, #tpu.memory_space<vmem>>, vector<16xf32>,
      %get3A_1165 = vector.shape_cast %get3A_1164 : vector<16xf32> to vector<16xf32>
      %sub3A_1166 = arith.subf %get3A_1162, %mul3A_629 : vector<16xf32>
      %jit3A_1167 = arith.constant 0.000000e+00 : f32
      %max3A_1168 = vector.broadcast %jit3A_1167 : f32 to vector<16xf32>
      %max3A_1169 = arith.maximumf %max3A_1168, %sub3A_1166 : vector<16xf32>
      %min3A_1170 = arith.minimumf %get3A_1165, %max3A_1169 : vector<16xf32>
      %add3A_1171 = arith.addf %scan3A_1118, %min3A_1170 : vector<16xf32>
      %mul3A_1172 = arith.constant 4 : i32
      %mul3A_1173 = arith.muli %scan3A_1115, %mul3A_1172 : i32
      %add3A_1174 = arith.constant 3 : i32
      %add3A_1175 = arith.addi %mul3A_1173, %add3A_1174 : i32
      %mul3A_1176 = arith.constant 16 : i32
      %mul3A_1177 = arith.muli %add3A_1175, %mul3A_1176 : i32
      %get3A_1178 = arith.index_cast %mul3A_1177 : i32 to index
      %get3A_1179 = tpu.vector_load %arg5[%get3A_1178] {strides = array<i32>} : memref<32768xf32, #tpu.memory_space<vmem>>, vector<16xf32>,
      %get3A_1180 = vector.shape_cast %get3A_1179 : vector<16xf32> to vector<16xf32>
      %get3A_1181 = arith.index_cast %mul3A_1177 : i32 to index
      %get3A_1182 = tpu.vector_load %arg6[%get3A_1181] {strides = array<i32>} : memref<32768xf32, #tpu.memory_space<vmem>>, vector<16xf32>,
      %get3A_1183 = vector.shape_cast %get3A_1182 : vector<16xf32> to vector<16xf32>
      %sub3A_1184 = arith.subf %get3A_1180, %mul3A_629 : vector<16xf32>
      %jit3A_1185 = arith.constant 0.000000e+00 : f32
      %max3A_1186 = vector.broadcast %jit3A_1185 : f32 to vector<16xf32>
      %max3A_1187 = arith.maximumf %max3A_1186, %sub3A_1184 : vector<16xf32>
      %min3A_1188 = arith.minimumf %get3A_1183, %max3A_1187 : vector<16xf32>
      %add3A_1189 = arith.addf %scan3A_1119, %min3A_1188 : vector<16xf32>
      %scan3A_1190 = arith.constant 1 : i32
      %scan3A_1191 = arith.addi %scan3A_1115, %scan3A_1190 : i32
      %mul3A_1192 = arith.constant 4 : i32
      %mul3A_1193 = arith.muli %scan3A_1191, %mul3A_1192 : i32
      %add3A_1194 = arith.constant 0 : i32
      %add3A_1195 = arith.addi %mul3A_1193, %add3A_1194 : i32
      %mul3A_1196 = arith.constant 16 : i32
      %mul3A_1197 = arith.muli %add3A_1195, %mul3A_1196 : i32
      %get3A_1198 = arith.index_cast %mul3A_1197 : i32 to index
      %get3A_1199 = tpu.vector_load %arg5[%get3A_1198] {strides = array<i32>} : memref<32768xf32, #tpu.memory_space<vmem>>, vector<16xf32>,
      %get3A_1200 = vector.shape_cast %get3A_1199 : vector<16xf32> to vector<16xf32>
      %get3A_1201 = arith.index_cast %mul3A_1197 : i32 to index
      %get3A_1202 = tpu.vector_load %arg6[%get3A_1201] {strides = array<i32>} : memref<32768xf32, #tpu.memory_space<vmem>>, vector<16xf32>,
      %get3A_1203 = vector.shape_cast %get3A_1202 : vector<16xf32> to vector<16xf32>
      %sub3A_1204 = arith.subf %get3A_1200, %mul3A_629 : vector<16xf32>
      %jit3A_1205 = arith.constant 0.000000e+00 : f32
      %max3A_1206 = vector.broadcast %jit3A_1205 : f32 to vector<16xf32>
      %max3A_1207 = arith.maximumf %max3A_1206, %sub3A_1204 : vector<16xf32>
      %min3A_1208 = arith.minimumf %get3A_1203, %max3A_1207 : vector<16xf32>
      %add3A_1209 = arith.addf %add3A_1135, %min3A_1208 : vector<16xf32>
      %mul3A_1210 = arith.constant 4 : i32
      %mul3A_1211 = arith.muli %scan3A_1191, %mul3A_1210 : i32
      %add3A_1212 = arith.constant 1 : i32
      %add3A_1213 = arith.addi %mul3A_1211, %add3A_1212 : i32
      %mul3A_1214 = arith.constant 16 : i32
      %mul3A_1215 = arith.muli %add3A_1213, %mul3A_1214 : i32
      %get3A_1216 = arith.index_cast %mul3A_1215 : i32 to index
      %get3A_1217 = tpu.vector_load %arg5[%get3A_1216] {strides = array<i32>} : memref<32768xf32, #tpu.memory_space<vmem>>, vector<16xf32>,
      %get3A_1218 = vector.shape_cast %get3A_1217 : vector<16xf32> to vector<16xf32>
      %get3A_1219 = arith.index_cast %mul3A_1215 : i32 to index
      %get3A_1220 = tpu.vector_load %arg6[%get3A_1219] {strides = array<i32>} : memref<32768xf32, #tpu.memory_space<vmem>>, vector<16xf32>,
      %get3A_1221 = vector.shape_cast %get3A_1220 : vector<16xf32> to vector<16xf32>
      %sub3A_1222 = arith.subf %get3A_1218, %mul3A_629 : vector<16xf32>
      %jit3A_1223 = arith.constant 0.000000e+00 : f32
      %max3A_1224 = vector.broadcast %jit3A_1223 : f32 to vector<16xf32>
      %max3A_1225 = arith.maximumf %max3A_1224, %sub3A_1222 : vector<16xf32>
      %min3A_1226 = arith.minimumf %get3A_1221, %max3A_1225 : vector<16xf32>
      %add3A_1227 = arith.addf %add3A_1153, %min3A_1226 : vector<16xf32>
      %mul3A_1228 = arith.constant 4 : i32
      %mul3A_1229 = arith.muli %scan3A_1191, %mul3A_1228 : i32
      %add3A_1230 = arith.constant 2 : i32
      %add3A_1231 = arith.addi %mul3A_1229, %add3A_1230 : i32
      %mul3A_1232 = arith.constant 16 : i32
      %mul3A_1233 = arith.muli %add3A_1231, %mul3A_1232 : i32
      %get3A_1234 = arith.index_cast %mul3A_1233 : i32 to index
      %get3A_1235 = tpu.vector_load %arg5[%get3A_1234] {strides = array<i32>} : memref<32768xf32, #tpu.memory_space<vmem>>, vector<16xf32>,
      %get3A_1236 = vector.shape_cast %get3A_1235 : vector<16xf32> to vector<16xf32>
      %get3A_1237 = arith.index_cast %mul3A_1233 : i32 to index
      %get3A_1238 = tpu.vector_load %arg6[%get3A_1237] {strides = array<i32>} : memref<32768xf32, #tpu.memory_space<vmem>>, vector<16xf32>,
      %get3A_1239 = vector.shape_cast %get3A_1238 : vector<16xf32> to vector<16xf32>
      %sub3A_1240 = arith.subf %get3A_1236, %mul3A_629 : vector<16xf32>
      %jit3A_1241 = arith.constant 0.000000e+00 : f32
      %max3A_1242 = vector.broadcast %jit3A_1241 : f32 to vector<16xf32>
      %max3A_1243 = arith.maximumf %max3A_1242, %sub3A_1240 : vector<16xf32>
      %min3A_1244 = arith.minimumf %get3A_1239, %max3A_1243 : vector<16xf32>
      %add3A_1245 = arith.addf %add3A_1171, %min3A_1244 : vector<16xf32>
      %mul3A_1246 = arith.constant 4 : i32
      %mul3A_1247 = arith.muli %scan3A_1191, %mul3A_1246 : i32
      %add3A_1248 = arith.constant 3 : i32
      %add3A_1249 = arith.addi %mul3A_1247, %add3A_1248 : i32
      %mul3A_1250 = arith.constant 16 : i32
      %mul3A_1251 = arith.muli %add3A_1249, %mul3A_1250 : i32
      %get3A_1252 = arith.index_cast %mul3A_1251 : i32 to index
      %get3A_1253 = tpu.vector_load %arg5[%get3A_1252] {strides = array<i32>} : memref<32768xf32, #tpu.memory_space<vmem>>, vector<16xf32>,
      %get3A_1254 = vector.shape_cast %get3A_1253 : vector<16xf32> to vector<16xf32>
      %get3A_1255 = arith.index_cast %mul3A_1251 : i32 to index
      %get3A_1256 = tpu.vector_load %arg6[%get3A_1255] {strides = array<i32>} : memref<32768xf32, #tpu.memory_space<vmem>>, vector<16xf32>,
      %get3A_1257 = vector.shape_cast %get3A_1256 : vector<16xf32> to vector<16xf32>
      %sub3A_1258 = arith.subf %get3A_1254, %mul3A_629 : vector<16xf32>
      %jit3A_1259 = arith.constant 0.000000e+00 : f32
      %max3A_1260 = vector.broadcast %jit3A_1259 : f32 to vector<16xf32>
      %max3A_1261 = arith.maximumf %max3A_1260, %sub3A_1258 : vector<16xf32>
      %min3A_1262 = arith.minimumf %get3A_1257, %max3A_1261 : vector<16xf32>
      %add3A_1263 = arith.addf %add3A_1189, %min3A_1262 : vector<16xf32>
      scf.yield %add3A_1209, %add3A_1227, %add3A_1245, %add3A_1263 : vector<16xf32>, vector<16xf32>, vector<16xf32>, vector<16xf32>
    }
    %scan3A_637 = arith.constant 512 : i32
    %add3A_638 = arith.addf %scan3A_636#0, %scan3A_636#1 : vector<16xf32>
    %add3A_639 = arith.addf %scan3A_636#2, %scan3A_636#3 : vector<16xf32>
    %add3A_640 = arith.addf %add3A_638, %add3A_639 : vector<16xf32>
    %iota3A_641 = tpu.iota {dimensions = array<i32: 0>} : vector<16xi32>
    %xor3A_642 = arith.constant 8 : i32
    %xor3A_643 = vector.broadcast %xor3A_642 : i32 to vector<16xi32>
    %xor3A_644 = arith.xori %iota3A_641, %xor3A_643 : vector<16xi32>
    %broadcast_in_dim3A_645 = vector.shape_cast %xor3A_644 : vector<16xi32> to vector<16x1xi32>
    %gather3A_646 = vector.shape_cast %broadcast_in_dim3A_645 : vector<16x1xi32> to vector<16xi32>
    %gather3A_647 = tpu.dynamic_gather %add3A_640[%gather3A_646] in [0] : vector<16xf32>, vector<16xi32> -> vector<16xf32>
    %add3A_648 = arith.addf %add3A_640, %gather3A_647 : vector<16xf32>
    %xor3A_649 = arith.constant 4 : i32
    %xor3A_650 = vector.broadcast %xor3A_649 : i32 to vector<16xi32>
    %xor3A_651 = arith.xori %iota3A_641, %xor3A_650 : vector<16xi32>
    %broadcast_in_dim3A_652 = vector.shape_cast %xor3A_651 : vector<16xi32> to vector<16x1xi32>
    %gather3A_653 = vector.shape_cast %broadcast_in_dim3A_652 : vector<16x1xi32> to vector<16xi32>
    %gather3A_654 = tpu.dynamic_gather %add3A_648[%gather3A_653] in [0] : vector<16xf32>, vector<16xi32> -> vector<16xf32>
    %add3A_655 = arith.addf %add3A_648, %gather3A_654 : vector<16xf32>
    %xor3A_656 = arith.constant 2 : i32
    %xor3A_657 = vector.broadcast %xor3A_656 : i32 to vector<16xi32>
    %xor3A_658 = arith.xori %iota3A_641, %xor3A_657 : vector<16xi32>
    %broadcast_in_dim3A_659 = vector.shape_cast %xor3A_658 : vector<16xi32> to vector<16x1xi32>
    %gather3A_660 = vector.shape_cast %broadcast_in_dim3A_659 : vector<16x1xi32> to vector<16xi32>
    %gather3A_661 = tpu.dynamic_gather %add3A_655[%gather3A_660] in [0] : vector<16xf32>, vector<16xi32> -> vector<16xf32>
    %add3A_662 = arith.addf %add3A_655, %gather3A_661 : vector<16xf32>
    %xor3A_663 = arith.constant 1 : i32
    %xor3A_664 = vector.broadcast %xor3A_663 : i32 to vector<16xi32>
    %xor3A_665 = arith.xori %iota3A_641, %xor3A_664 : vector<16xi32>
    %broadcast_in_dim3A_666 = vector.shape_cast %xor3A_665 : vector<16xi32> to vector<16x1xi32>
    %gather3A_667 = vector.shape_cast %broadcast_in_dim3A_666 : vector<16x1xi32> to vector<16xi32>
    %gather3A_668 = tpu.dynamic_gather %add3A_662[%gather3A_667] in [0] : vector<16xf32>, vector<16xi32> -> vector<16xf32>
    %add3A_669 = arith.addf %add3A_662, %gather3A_668 : vector<16xf32>
    %sub3A_670 = arith.constant 1.000000e+00 : f32
    %sub3A_671 = vector.broadcast %sub3A_670 : f32 to vector<16xf32>
    %sub3A_672 = arith.subf %add3A_669, %sub3A_671 : vector<16xf32>
    %gt3A_673 = arith.constant 0.000000e+00 : f32
    %gt3A_674 = vector.broadcast %gt3A_673 : f32 to vector<16xf32>
    %gt3A_675 = arith.cmpf ogt, %sub3A_672, %gt3A_674 : vector<16xf32>
    %select_n3A_676 = arith.select %gt3A_675, %mul3A_629, %select_n3A_624 : vector<16xi1>, vector<16xf32>
    %select_n3A_677 = arith.select %gt3A_675, %select_n3A_625, %mul3A_629 : vector<16xi1>, vector<16xf32>
    %add3A_678 = arith.addf %select_n3A_676, %select_n3A_677 : vector<16xf32>
    %mul3A_679 = arith.constant 5.000000e-01 : f32
    %mul3A_680 = vector.broadcast %mul3A_679 : f32 to vector<16xf32>
    %mul3A_681 = arith.mulf %mul3A_680, %add3A_678 : vector<16xf32>
    %broadcast_in_dim3A_682 = arith.constant 0.000000e+00 : f32
    %broadcast_in_dim3A_683 = vector.broadcast %broadcast_in_dim3A_682 : f32 to vector<16xf32>
    %scan3A_684 = arith.constant 0 : i32
    %scan3A_685 = arith.constant 512 : i32
    %scan3A_686 = arith.addi %scan3A_684, %scan3A_685 : i32
    %scan3A_687 = arith.constant 2 : i32
    %scan3A_688:4 = scf.for %scan3A_1115 = %scan3A_684 to %scan3A_686 step %scan3A_687 iter_args(%scan3A_1116 = %broadcast_in_dim3A_683, %scan3A_1117 = %broadcast_in_dim3A_683, %scan3A_1118 = %broadcast_in_dim3A_683, %scan3A_1119 = %broadcast_in_dim3A_683) -> (vector<16xf32>, vector<16xf32>, vector<16xf32>, vector<16xf32>)  : i32 {
      %mul3A_1120 = arith.constant 4 : i32
      %mul3A_1121 = arith.muli %scan3A_1115, %mul3A_1120 : i32
      %add3A_1122 = arith.constant 0 : i32
      %add3A_1123 = arith.addi %mul3A_1121, %add3A_1122 : i32
      %mul3A_1124 = arith.constant 16 : i32
      %mul3A_1125 = arith.muli %add3A_1123, %mul3A_1124 : i32
      %get3A = arith.index_cast %mul3A_1125 : i32 to index
      %get3A_1126 = tpu.vector_load %arg5[%get3A] {strides = array<i32>} : memref<32768xf32, #tpu.memory_space<vmem>>, vector<16xf32>,
      %get3A_1127 = vector.shape_cast %get3A_1126 : vector<16xf32> to vector<16xf32>
      %get3A_1128 = arith.index_cast %mul3A_1125 : i32 to index
      %get3A_1129 = tpu.vector_load %arg6[%get3A_1128] {strides = array<i32>} : memref<32768xf32, #tpu.memory_space<vmem>>, vector<16xf32>,
      %get3A_1130 = vector.shape_cast %get3A_1129 : vector<16xf32> to vector<16xf32>
      %sub3A_1131 = arith.subf %get3A_1127, %mul3A_681 : vector<16xf32>
      %jit3A_1132 = arith.constant 0.000000e+00 : f32
      %max3A_1133 = vector.broadcast %jit3A_1132 : f32 to vector<16xf32>
      %max3A_1134 = arith.maximumf %max3A_1133, %sub3A_1131 : vector<16xf32>
      %min3A = arith.minimumf %get3A_1130, %max3A_1134 : vector<16xf32>
      %add3A_1135 = arith.addf %scan3A_1116, %min3A : vector<16xf32>
      %mul3A_1136 = arith.constant 4 : i32
      %mul3A_1137 = arith.muli %scan3A_1115, %mul3A_1136 : i32
      %add3A_1138 = arith.constant 1 : i32
      %add3A_1139 = arith.addi %mul3A_1137, %add3A_1138 : i32
      %mul3A_1140 = arith.constant 16 : i32
      %mul3A_1141 = arith.muli %add3A_1139, %mul3A_1140 : i32
      %get3A_1142 = arith.index_cast %mul3A_1141 : i32 to index
      %get3A_1143 = tpu.vector_load %arg5[%get3A_1142] {strides = array<i32>} : memref<32768xf32, #tpu.memory_space<vmem>>, vector<16xf32>,
      %get3A_1144 = vector.shape_cast %get3A_1143 : vector<16xf32> to vector<16xf32>
      %get3A_1145 = arith.index_cast %mul3A_1141 : i32 to index
      %get3A_1146 = tpu.vector_load %arg6[%get3A_1145] {strides = array<i32>} : memref<32768xf32, #tpu.memory_space<vmem>>, vector<16xf32>,
      %get3A_1147 = vector.shape_cast %get3A_1146 : vector<16xf32> to vector<16xf32>
      %sub3A_1148 = arith.subf %get3A_1144, %mul3A_681 : vector<16xf32>
      %jit3A_1149 = arith.constant 0.000000e+00 : f32
      %max3A_1150 = vector.broadcast %jit3A_1149 : f32 to vector<16xf32>
      %max3A_1151 = arith.maximumf %max3A_1150, %sub3A_1148 : vector<16xf32>
      %min3A_1152 = arith.minimumf %get3A_1147, %max3A_1151 : vector<16xf32>
      %add3A_1153 = arith.addf %scan3A_1117, %min3A_1152 : vector<16xf32>
      %mul3A_1154 = arith.constant 4 : i32
      %mul3A_1155 = arith.muli %scan3A_1115, %mul3A_1154 : i32
      %add3A_1156 = arith.constant 2 : i32
      %add3A_1157 = arith.addi %mul3A_1155, %add3A_1156 : i32
      %mul3A_1158 = arith.constant 16 : i32
      %mul3A_1159 = arith.muli %add3A_1157, %mul3A_1158 : i32
      %get3A_1160 = arith.index_cast %mul3A_1159 : i32 to index
      %get3A_1161 = tpu.vector_load %arg5[%get3A_1160] {strides = array<i32>} : memref<32768xf32, #tpu.memory_space<vmem>>, vector<16xf32>,
      %get3A_1162 = vector.shape_cast %get3A_1161 : vector<16xf32> to vector<16xf32>
      %get3A_1163 = arith.index_cast %mul3A_1159 : i32 to index
      %get3A_1164 = tpu.vector_load %arg6[%get3A_1163] {strides = array<i32>} : memref<32768xf32, #tpu.memory_space<vmem>>, vector<16xf32>,
      %get3A_1165 = vector.shape_cast %get3A_1164 : vector<16xf32> to vector<16xf32>
      %sub3A_1166 = arith.subf %get3A_1162, %mul3A_681 : vector<16xf32>
      %jit3A_1167 = arith.constant 0.000000e+00 : f32
      %max3A_1168 = vector.broadcast %jit3A_1167 : f32 to vector<16xf32>
      %max3A_1169 = arith.maximumf %max3A_1168, %sub3A_1166 : vector<16xf32>
      %min3A_1170 = arith.minimumf %get3A_1165, %max3A_1169 : vector<16xf32>
      %add3A_1171 = arith.addf %scan3A_1118, %min3A_1170 : vector<16xf32>
      %mul3A_1172 = arith.constant 4 : i32
      %mul3A_1173 = arith.muli %scan3A_1115, %mul3A_1172 : i32
      %add3A_1174 = arith.constant 3 : i32
      %add3A_1175 = arith.addi %mul3A_1173, %add3A_1174 : i32
      %mul3A_1176 = arith.constant 16 : i32
      %mul3A_1177 = arith.muli %add3A_1175, %mul3A_1176 : i32
      %get3A_1178 = arith.index_cast %mul3A_1177 : i32 to index
      %get3A_1179 = tpu.vector_load %arg5[%get3A_1178] {strides = array<i32>} : memref<32768xf32, #tpu.memory_space<vmem>>, vector<16xf32>,
      %get3A_1180 = vector.shape_cast %get3A_1179 : vector<16xf32> to vector<16xf32>
      %get3A_1181 = arith.index_cast %mul3A_1177 : i32 to index
      %get3A_1182 = tpu.vector_load %arg6[%get3A_1181] {strides = array<i32>} : memref<32768xf32, #tpu.memory_space<vmem>>, vector<16xf32>,
      %get3A_1183 = vector.shape_cast %get3A_1182 : vector<16xf32> to vector<16xf32>
      %sub3A_1184 = arith.subf %get3A_1180, %mul3A_681 : vector<16xf32>
      %jit3A_1185 = arith.constant 0.000000e+00 : f32
      %max3A_1186 = vector.broadcast %jit3A_1185 : f32 to vector<16xf32>
      %max3A_1187 = arith.maximumf %max3A_1186, %sub3A_1184 : vector<16xf32>
      %min3A_1188 = arith.minimumf %get3A_1183, %max3A_1187 : vector<16xf32>
      %add3A_1189 = arith.addf %scan3A_1119, %min3A_1188 : vector<16xf32>
      %scan3A_1190 = arith.constant 1 : i32
      %scan3A_1191 = arith.addi %scan3A_1115, %scan3A_1190 : i32
      %mul3A_1192 = arith.constant 4 : i32
      %mul3A_1193 = arith.muli %scan3A_1191, %mul3A_1192 : i32
      %add3A_1194 = arith.constant 0 : i32
      %add3A_1195 = arith.addi %mul3A_1193, %add3A_1194 : i32
      %mul3A_1196 = arith.constant 16 : i32
      %mul3A_1197 = arith.muli %add3A_1195, %mul3A_1196 : i32
      %get3A_1198 = arith.index_cast %mul3A_1197 : i32 to index
      %get3A_1199 = tpu.vector_load %arg5[%get3A_1198] {strides = array<i32>} : memref<32768xf32, #tpu.memory_space<vmem>>, vector<16xf32>,
      %get3A_1200 = vector.shape_cast %get3A_1199 : vector<16xf32> to vector<16xf32>
      %get3A_1201 = arith.index_cast %mul3A_1197 : i32 to index
      %get3A_1202 = tpu.vector_load %arg6[%get3A_1201] {strides = array<i32>} : memref<32768xf32, #tpu.memory_space<vmem>>, vector<16xf32>,
      %get3A_1203 = vector.shape_cast %get3A_1202 : vector<16xf32> to vector<16xf32>
      %sub3A_1204 = arith.subf %get3A_1200, %mul3A_681 : vector<16xf32>
      %jit3A_1205 = arith.constant 0.000000e+00 : f32
      %max3A_1206 = vector.broadcast %jit3A_1205 : f32 to vector<16xf32>
      %max3A_1207 = arith.maximumf %max3A_1206, %sub3A_1204 : vector<16xf32>
      %min3A_1208 = arith.minimumf %get3A_1203, %max3A_1207 : vector<16xf32>
      %add3A_1209 = arith.addf %add3A_1135, %min3A_1208 : vector<16xf32>
      %mul3A_1210 = arith.constant 4 : i32
      %mul3A_1211 = arith.muli %scan3A_1191, %mul3A_1210 : i32
      %add3A_1212 = arith.constant 1 : i32
      %add3A_1213 = arith.addi %mul3A_1211, %add3A_1212 : i32
      %mul3A_1214 = arith.constant 16 : i32
      %mul3A_1215 = arith.muli %add3A_1213, %mul3A_1214 : i32
      %get3A_1216 = arith.index_cast %mul3A_1215 : i32 to index
      %get3A_1217 = tpu.vector_load %arg5[%get3A_1216] {strides = array<i32>} : memref<32768xf32, #tpu.memory_space<vmem>>, vector<16xf32>,
      %get3A_1218 = vector.shape_cast %get3A_1217 : vector<16xf32> to vector<16xf32>
      %get3A_1219 = arith.index_cast %mul3A_1215 : i32 to index
      %get3A_1220 = tpu.vector_load %arg6[%get3A_1219] {strides = array<i32>} : memref<32768xf32, #tpu.memory_space<vmem>>, vector<16xf32>,
      %get3A_1221 = vector.shape_cast %get3A_1220 : vector<16xf32> to vector<16xf32>
      %sub3A_1222 = arith.subf %get3A_1218, %mul3A_681 : vector<16xf32>
      %jit3A_1223 = arith.constant 0.000000e+00 : f32
      %max3A_1224 = vector.broadcast %jit3A_1223 : f32 to vector<16xf32>
      %max3A_1225 = arith.maximumf %max3A_1224, %sub3A_1222 : vector<16xf32>
      %min3A_1226 = arith.minimumf %get3A_1221, %max3A_1225 : vector<16xf32>
      %add3A_1227 = arith.addf %add3A_1153, %min3A_1226 : vector<16xf32>
      %mul3A_1228 = arith.constant 4 : i32
      %mul3A_1229 = arith.muli %scan3A_1191, %mul3A_1228 : i32
      %add3A_1230 = arith.constant 2 : i32
      %add3A_1231 = arith.addi %mul3A_1229, %add3A_1230 : i32
      %mul3A_1232 = arith.constant 16 : i32
      %mul3A_1233 = arith.muli %add3A_1231, %mul3A_1232 : i32
      %get3A_1234 = arith.index_cast %mul3A_1233 : i32 to index
      %get3A_1235 = tpu.vector_load %arg5[%get3A_1234] {strides = array<i32>} : memref<32768xf32, #tpu.memory_space<vmem>>, vector<16xf32>,
      %get3A_1236 = vector.shape_cast %get3A_1235 : vector<16xf32> to vector<16xf32>
      %get3A_1237 = arith.index_cast %mul3A_1233 : i32 to index
      %get3A_1238 = tpu.vector_load %arg6[%get3A_1237] {strides = array<i32>} : memref<32768xf32, #tpu.memory_space<vmem>>, vector<16xf32>,
      %get3A_1239 = vector.shape_cast %get3A_1238 : vector<16xf32> to vector<16xf32>
      %sub3A_1240 = arith.subf %get3A_1236, %mul3A_681 : vector<16xf32>
      %jit3A_1241 = arith.constant 0.000000e+00 : f32
      %max3A_1242 = vector.broadcast %jit3A_1241 : f32 to vector<16xf32>
      %max3A_1243 = arith.maximumf %max3A_1242, %sub3A_1240 : vector<16xf32>
      %min3A_1244 = arith.minimumf %get3A_1239, %max3A_1243 : vector<16xf32>
      %add3A_1245 = arith.addf %add3A_1171, %min3A_1244 : vector<16xf32>
      %mul3A_1246 = arith.constant 4 : i32
      %mul3A_1247 = arith.muli %scan3A_1191, %mul3A_1246 : i32
      %add3A_1248 = arith.constant 3 : i32
      %add3A_1249 = arith.addi %mul3A_1247, %add3A_1248 : i32
      %mul3A_1250 = arith.constant 16 : i32
      %mul3A_1251 = arith.muli %add3A_1249, %mul3A_1250 : i32
      %get3A_1252 = arith.index_cast %mul3A_1251 : i32 to index
      %get3A_1253 = tpu.vector_load %arg5[%get3A_1252] {strides = array<i32>} : memref<32768xf32, #tpu.memory_space<vmem>>, vector<16xf32>,
      %get3A_1254 = vector.shape_cast %get3A_1253 : vector<16xf32> to vector<16xf32>
      %get3A_1255 = arith.index_cast %mul3A_1251 : i32 to index
      %get3A_1256 = tpu.vector_load %arg6[%get3A_1255] {strides = array<i32>} : memref<32768xf32, #tpu.memory_space<vmem>>, vector<16xf32>,
      %get3A_1257 = vector.shape_cast %get3A_1256 : vector<16xf32> to vector<16xf32>
      %sub3A_1258 = arith.subf %get3A_1254, %mul3A_681 : vector<16xf32>
      %jit3A_1259 = arith.constant 0.000000e+00 : f32
      %max3A_1260 = vector.broadcast %jit3A_1259 : f32 to vector<16xf32>
      %max3A_1261 = arith.maximumf %max3A_1260, %sub3A_1258 : vector<16xf32>
      %min3A_1262 = arith.minimumf %get3A_1257, %max3A_1261 : vector<16xf32>
      %add3A_1263 = arith.addf %add3A_1189, %min3A_1262 : vector<16xf32>
      scf.yield %add3A_1209, %add3A_1227, %add3A_1245, %add3A_1263 : vector<16xf32>, vector<16xf32>, vector<16xf32>, vector<16xf32>
    }
    %scan3A_689 = arith.constant 512 : i32
    %add3A_690 = arith.addf %scan3A_688#0, %scan3A_688#1 : vector<16xf32>
    %add3A_691 = arith.addf %scan3A_688#2, %scan3A_688#3 : vector<16xf32>
    %add3A_692 = arith.addf %add3A_690, %add3A_691 : vector<16xf32>
    %iota3A_693 = tpu.iota {dimensions = array<i32: 0>} : vector<16xi32>
    %xor3A_694 = arith.constant 8 : i32
    %xor3A_695 = vector.broadcast %xor3A_694 : i32 to vector<16xi32>
    %xor3A_696 = arith.xori %iota3A_693, %xor3A_695 : vector<16xi32>
    %broadcast_in_dim3A_697 = vector.shape_cast %xor3A_696 : vector<16xi32> to vector<16x1xi32>
    %gather3A_698 = vector.shape_cast %broadcast_in_dim3A_697 : vector<16x1xi32> to vector<16xi32>
    %gather3A_699 = tpu.dynamic_gather %add3A_692[%gather3A_698] in [0] : vector<16xf32>, vector<16xi32> -> vector<16xf32>
    %add3A_700 = arith.addf %add3A_692, %gather3A_699 : vector<16xf32>
    %xor3A_701 = arith.constant 4 : i32
    %xor3A_702 = vector.broadcast %xor3A_701 : i32 to vector<16xi32>
    %xor3A_703 = arith.xori %iota3A_693, %xor3A_702 : vector<16xi32>
    %broadcast_in_dim3A_704 = vector.shape_cast %xor3A_703 : vector<16xi32> to vector<16x1xi32>
    %gather3A_705 = vector.shape_cast %broadcast_in_dim3A_704 : vector<16x1xi32> to vector<16xi32>
    %gather3A_706 = tpu.dynamic_gather %add3A_700[%gather3A_705] in [0] : vector<16xf32>, vector<16xi32> -> vector<16xf32>
    %add3A_707 = arith.addf %add3A_700, %gather3A_706 : vector<16xf32>
    %xor3A_708 = arith.constant 2 : i32
    %xor3A_709 = vector.broadcast %xor3A_708 : i32 to vector<16xi32>
    %xor3A_710 = arith.xori %iota3A_693, %xor3A_709 : vector<16xi32>
    %broadcast_in_dim3A_711 = vector.shape_cast %xor3A_710 : vector<16xi32> to vector<16x1xi32>
    %gather3A_712 = vector.shape_cast %broadcast_in_dim3A_711 : vector<16x1xi32> to vector<16xi32>
    %gather3A_713 = tpu.dynamic_gather %add3A_707[%gather3A_712] in [0] : vector<16xf32>, vector<16xi32> -> vector<16xf32>
    %add3A_714 = arith.addf %add3A_707, %gather3A_713 : vector<16xf32>
    %xor3A_715 = arith.constant 1 : i32
    %xor3A_716 = vector.broadcast %xor3A_715 : i32 to vector<16xi32>
    %xor3A_717 = arith.xori %iota3A_693, %xor3A_716 : vector<16xi32>
    %broadcast_in_dim3A_718 = vector.shape_cast %xor3A_717 : vector<16xi32> to vector<16x1xi32>
    %gather3A_719 = vector.shape_cast %broadcast_in_dim3A_718 : vector<16x1xi32> to vector<16xi32>
    %gather3A_720 = tpu.dynamic_gather %add3A_714[%gather3A_719] in [0] : vector<16xf32>, vector<16xi32> -> vector<16xf32>
    %add3A_721 = arith.addf %add3A_714, %gather3A_720 : vector<16xf32>
    %sub3A_722 = arith.constant 1.000000e+00 : f32
    %sub3A_723 = vector.broadcast %sub3A_722 : f32 to vector<16xf32>
    %sub3A_724 = arith.subf %add3A_721, %sub3A_723 : vector<16xf32>
    %gt3A_725 = arith.constant 0.000000e+00 : f32
    %gt3A_726 = vector.broadcast %gt3A_725 : f32 to vector<16xf32>
    %gt3A_727 = arith.cmpf ogt, %sub3A_724, %gt3A_726 : vector<16xf32>
    %select_n3A_728 = arith.select %gt3A_727, %mul3A_681, %select_n3A_676 : vector<16xi1>, vector<16xf32>
    %select_n3A_729 = arith.select %gt3A_727, %select_n3A_677, %mul3A_681 : vector<16xi1>, vector<16xf32>
    %add3A_730 = arith.addf %select_n3A_728, %select_n3A_729 : vector<16xf32>
    %mul3A_731 = arith.constant 5.000000e-01 : f32
    %mul3A_732 = vector.broadcast %mul3A_731 : f32 to vector<16xf32>
    %mul3A_733 = arith.mulf %mul3A_732, %add3A_730 : vector<16xf32>
    %broadcast_in_dim3A_734 = arith.constant 0.000000e+00 : f32
    %broadcast_in_dim3A_735 = vector.broadcast %broadcast_in_dim3A_734 : f32 to vector<16xf32>
    %scan3A_736 = arith.constant 0 : i32
    %scan3A_737 = arith.constant 512 : i32
    %scan3A_738 = arith.addi %scan3A_736, %scan3A_737 : i32
    %scan3A_739 = arith.constant 2 : i32
    %scan3A_740:4 = scf.for %scan3A_1115 = %scan3A_736 to %scan3A_738 step %scan3A_739 iter_args(%scan3A_1116 = %broadcast_in_dim3A_735, %scan3A_1117 = %broadcast_in_dim3A_735, %scan3A_1118 = %broadcast_in_dim3A_735, %scan3A_1119 = %broadcast_in_dim3A_735) -> (vector<16xf32>, vector<16xf32>, vector<16xf32>, vector<16xf32>)  : i32 {
      %mul3A_1120 = arith.constant 4 : i32
      %mul3A_1121 = arith.muli %scan3A_1115, %mul3A_1120 : i32
      %add3A_1122 = arith.constant 0 : i32
      %add3A_1123 = arith.addi %mul3A_1121, %add3A_1122 : i32
      %mul3A_1124 = arith.constant 16 : i32
      %mul3A_1125 = arith.muli %add3A_1123, %mul3A_1124 : i32
      %get3A = arith.index_cast %mul3A_1125 : i32 to index
      %get3A_1126 = tpu.vector_load %arg5[%get3A] {strides = array<i32>} : memref<32768xf32, #tpu.memory_space<vmem>>, vector<16xf32>,
      %get3A_1127 = vector.shape_cast %get3A_1126 : vector<16xf32> to vector<16xf32>
      %get3A_1128 = arith.index_cast %mul3A_1125 : i32 to index
      %get3A_1129 = tpu.vector_load %arg6[%get3A_1128] {strides = array<i32>} : memref<32768xf32, #tpu.memory_space<vmem>>, vector<16xf32>,
      %get3A_1130 = vector.shape_cast %get3A_1129 : vector<16xf32> to vector<16xf32>
      %sub3A_1131 = arith.subf %get3A_1127, %mul3A_733 : vector<16xf32>
      %jit3A_1132 = arith.constant 0.000000e+00 : f32
      %max3A_1133 = vector.broadcast %jit3A_1132 : f32 to vector<16xf32>
      %max3A_1134 = arith.maximumf %max3A_1133, %sub3A_1131 : vector<16xf32>
      %min3A = arith.minimumf %get3A_1130, %max3A_1134 : vector<16xf32>
      %add3A_1135 = arith.addf %scan3A_1116, %min3A : vector<16xf32>
      %mul3A_1136 = arith.constant 4 : i32
      %mul3A_1137 = arith.muli %scan3A_1115, %mul3A_1136 : i32
      %add3A_1138 = arith.constant 1 : i32
      %add3A_1139 = arith.addi %mul3A_1137, %add3A_1138 : i32
      %mul3A_1140 = arith.constant 16 : i32
      %mul3A_1141 = arith.muli %add3A_1139, %mul3A_1140 : i32
      %get3A_1142 = arith.index_cast %mul3A_1141 : i32 to index
      %get3A_1143 = tpu.vector_load %arg5[%get3A_1142] {strides = array<i32>} : memref<32768xf32, #tpu.memory_space<vmem>>, vector<16xf32>,
      %get3A_1144 = vector.shape_cast %get3A_1143 : vector<16xf32> to vector<16xf32>
      %get3A_1145 = arith.index_cast %mul3A_1141 : i32 to index
      %get3A_1146 = tpu.vector_load %arg6[%get3A_1145] {strides = array<i32>} : memref<32768xf32, #tpu.memory_space<vmem>>, vector<16xf32>,
      %get3A_1147 = vector.shape_cast %get3A_1146 : vector<16xf32> to vector<16xf32>
      %sub3A_1148 = arith.subf %get3A_1144, %mul3A_733 : vector<16xf32>
      %jit3A_1149 = arith.constant 0.000000e+00 : f32
      %max3A_1150 = vector.broadcast %jit3A_1149 : f32 to vector<16xf32>
      %max3A_1151 = arith.maximumf %max3A_1150, %sub3A_1148 : vector<16xf32>
      %min3A_1152 = arith.minimumf %get3A_1147, %max3A_1151 : vector<16xf32>
      %add3A_1153 = arith.addf %scan3A_1117, %min3A_1152 : vector<16xf32>
      %mul3A_1154 = arith.constant 4 : i32
      %mul3A_1155 = arith.muli %scan3A_1115, %mul3A_1154 : i32
      %add3A_1156 = arith.constant 2 : i32
      %add3A_1157 = arith.addi %mul3A_1155, %add3A_1156 : i32
      %mul3A_1158 = arith.constant 16 : i32
      %mul3A_1159 = arith.muli %add3A_1157, %mul3A_1158 : i32
      %get3A_1160 = arith.index_cast %mul3A_1159 : i32 to index
      %get3A_1161 = tpu.vector_load %arg5[%get3A_1160] {strides = array<i32>} : memref<32768xf32, #tpu.memory_space<vmem>>, vector<16xf32>,
      %get3A_1162 = vector.shape_cast %get3A_1161 : vector<16xf32> to vector<16xf32>
      %get3A_1163 = arith.index_cast %mul3A_1159 : i32 to index
      %get3A_1164 = tpu.vector_load %arg6[%get3A_1163] {strides = array<i32>} : memref<32768xf32, #tpu.memory_space<vmem>>, vector<16xf32>,
      %get3A_1165 = vector.shape_cast %get3A_1164 : vector<16xf32> to vector<16xf32>
      %sub3A_1166 = arith.subf %get3A_1162, %mul3A_733 : vector<16xf32>
      %jit3A_1167 = arith.constant 0.000000e+00 : f32
      %max3A_1168 = vector.broadcast %jit3A_1167 : f32 to vector<16xf32>
      %max3A_1169 = arith.maximumf %max3A_1168, %sub3A_1166 : vector<16xf32>
      %min3A_1170 = arith.minimumf %get3A_1165, %max3A_1169 : vector<16xf32>
      %add3A_1171 = arith.addf %scan3A_1118, %min3A_1170 : vector<16xf32>
      %mul3A_1172 = arith.constant 4 : i32
      %mul3A_1173 = arith.muli %scan3A_1115, %mul3A_1172 : i32
      %add3A_1174 = arith.constant 3 : i32
      %add3A_1175 = arith.addi %mul3A_1173, %add3A_1174 : i32
      %mul3A_1176 = arith.constant 16 : i32
      %mul3A_1177 = arith.muli %add3A_1175, %mul3A_1176 : i32
      %get3A_1178 = arith.index_cast %mul3A_1177 : i32 to index
      %get3A_1179 = tpu.vector_load %arg5[%get3A_1178] {strides = array<i32>} : memref<32768xf32, #tpu.memory_space<vmem>>, vector<16xf32>,
      %get3A_1180 = vector.shape_cast %get3A_1179 : vector<16xf32> to vector<16xf32>
      %get3A_1181 = arith.index_cast %mul3A_1177 : i32 to index
      %get3A_1182 = tpu.vector_load %arg6[%get3A_1181] {strides = array<i32>} : memref<32768xf32, #tpu.memory_space<vmem>>, vector<16xf32>,
      %get3A_1183 = vector.shape_cast %get3A_1182 : vector<16xf32> to vector<16xf32>
      %sub3A_1184 = arith.subf %get3A_1180, %mul3A_733 : vector<16xf32>
      %jit3A_1185 = arith.constant 0.000000e+00 : f32
      %max3A_1186 = vector.broadcast %jit3A_1185 : f32 to vector<16xf32>
      %max3A_1187 = arith.maximumf %max3A_1186, %sub3A_1184 : vector<16xf32>
      %min3A_1188 = arith.minimumf %get3A_1183, %max3A_1187 : vector<16xf32>
      %add3A_1189 = arith.addf %scan3A_1119, %min3A_1188 : vector<16xf32>
      %scan3A_1190 = arith.constant 1 : i32
      %scan3A_1191 = arith.addi %scan3A_1115, %scan3A_1190 : i32
      %mul3A_1192 = arith.constant 4 : i32
      %mul3A_1193 = arith.muli %scan3A_1191, %mul3A_1192 : i32
      %add3A_1194 = arith.constant 0 : i32
      %add3A_1195 = arith.addi %mul3A_1193, %add3A_1194 : i32
      %mul3A_1196 = arith.constant 16 : i32
      %mul3A_1197 = arith.muli %add3A_1195, %mul3A_1196 : i32
      %get3A_1198 = arith.index_cast %mul3A_1197 : i32 to index
      %get3A_1199 = tpu.vector_load %arg5[%get3A_1198] {strides = array<i32>} : memref<32768xf32, #tpu.memory_space<vmem>>, vector<16xf32>,
      %get3A_1200 = vector.shape_cast %get3A_1199 : vector<16xf32> to vector<16xf32>
      %get3A_1201 = arith.index_cast %mul3A_1197 : i32 to index
      %get3A_1202 = tpu.vector_load %arg6[%get3A_1201] {strides = array<i32>} : memref<32768xf32, #tpu.memory_space<vmem>>, vector<16xf32>,
      %get3A_1203 = vector.shape_cast %get3A_1202 : vector<16xf32> to vector<16xf32>
      %sub3A_1204 = arith.subf %get3A_1200, %mul3A_733 : vector<16xf32>
      %jit3A_1205 = arith.constant 0.000000e+00 : f32
      %max3A_1206 = vector.broadcast %jit3A_1205 : f32 to vector<16xf32>
      %max3A_1207 = arith.maximumf %max3A_1206, %sub3A_1204 : vector<16xf32>
      %min3A_1208 = arith.minimumf %get3A_1203, %max3A_1207 : vector<16xf32>
      %add3A_1209 = arith.addf %add3A_1135, %min3A_1208 : vector<16xf32>
      %mul3A_1210 = arith.constant 4 : i32
      %mul3A_1211 = arith.muli %scan3A_1191, %mul3A_1210 : i32
      %add3A_1212 = arith.constant 1 : i32
      %add3A_1213 = arith.addi %mul3A_1211, %add3A_1212 : i32
      %mul3A_1214 = arith.constant 16 : i32
      %mul3A_1215 = arith.muli %add3A_1213, %mul3A_1214 : i32
      %get3A_1216 = arith.index_cast %mul3A_1215 : i32 to index
      %get3A_1217 = tpu.vector_load %arg5[%get3A_1216] {strides = array<i32>} : memref<32768xf32, #tpu.memory_space<vmem>>, vector<16xf32>,
      %get3A_1218 = vector.shape_cast %get3A_1217 : vector<16xf32> to vector<16xf32>
      %get3A_1219 = arith.index_cast %mul3A_1215 : i32 to index
      %get3A_1220 = tpu.vector_load %arg6[%get3A_1219] {strides = array<i32>} : memref<32768xf32, #tpu.memory_space<vmem>>, vector<16xf32>,
      %get3A_1221 = vector.shape_cast %get3A_1220 : vector<16xf32> to vector<16xf32>
      %sub3A_1222 = arith.subf %get3A_1218, %mul3A_733 : vector<16xf32>
      %jit3A_1223 = arith.constant 0.000000e+00 : f32
      %max3A_1224 = vector.broadcast %jit3A_1223 : f32 to vector<16xf32>
      %max3A_1225 = arith.maximumf %max3A_1224, %sub3A_1222 : vector<16xf32>
      %min3A_1226 = arith.minimumf %get3A_1221, %max3A_1225 : vector<16xf32>
      %add3A_1227 = arith.addf %add3A_1153, %min3A_1226 : vector<16xf32>
      %mul3A_1228 = arith.constant 4 : i32
      %mul3A_1229 = arith.muli %scan3A_1191, %mul3A_1228 : i32
      %add3A_1230 = arith.constant 2 : i32
      %add3A_1231 = arith.addi %mul3A_1229, %add3A_1230 : i32
      %mul3A_1232 = arith.constant 16 : i32
      %mul3A_1233 = arith.muli %add3A_1231, %mul3A_1232 : i32
      %get3A_1234 = arith.index_cast %mul3A_1233 : i32 to index
      %get3A_1235 = tpu.vector_load %arg5[%get3A_1234] {strides = array<i32>} : memref<32768xf32, #tpu.memory_space<vmem>>, vector<16xf32>,
      %get3A_1236 = vector.shape_cast %get3A_1235 : vector<16xf32> to vector<16xf32>
      %get3A_1237 = arith.index_cast %mul3A_1233 : i32 to index
      %get3A_1238 = tpu.vector_load %arg6[%get3A_1237] {strides = array<i32>} : memref<32768xf32, #tpu.memory_space<vmem>>, vector<16xf32>,
      %get3A_1239 = vector.shape_cast %get3A_1238 : vector<16xf32> to vector<16xf32>
      %sub3A_1240 = arith.subf %get3A_1236, %mul3A_733 : vector<16xf32>
      %jit3A_1241 = arith.constant 0.000000e+00 : f32
      %max3A_1242 = vector.broadcast %jit3A_1241 : f32 to vector<16xf32>
      %max3A_1243 = arith.maximumf %max3A_1242, %sub3A_1240 : vector<16xf32>
      %min3A_1244 = arith.minimumf %get3A_1239, %max3A_1243 : vector<16xf32>
      %add3A_1245 = arith.addf %add3A_1171, %min3A_1244 : vector<16xf32>
      %mul3A_1246 = arith.constant 4 : i32
      %mul3A_1247 = arith.muli %scan3A_1191, %mul3A_1246 : i32
      %add3A_1248 = arith.constant 3 : i32
      %add3A_1249 = arith.addi %mul3A_1247, %add3A_1248 : i32
      %mul3A_1250 = arith.constant 16 : i32
      %mul3A_1251 = arith.muli %add3A_1249, %mul3A_1250 : i32
      %get3A_1252 = arith.index_cast %mul3A_1251 : i32 to index
      %get3A_1253 = tpu.vector_load %arg5[%get3A_1252] {strides = array<i32>} : memref<32768xf32, #tpu.memory_space<vmem>>, vector<16xf32>,
      %get3A_1254 = vector.shape_cast %get3A_1253 : vector<16xf32> to vector<16xf32>
      %get3A_1255 = arith.index_cast %mul3A_1251 : i32 to index
      %get3A_1256 = tpu.vector_load %arg6[%get3A_1255] {strides = array<i32>} : memref<32768xf32, #tpu.memory_space<vmem>>, vector<16xf32>,
      %get3A_1257 = vector.shape_cast %get3A_1256 : vector<16xf32> to vector<16xf32>
      %sub3A_1258 = arith.subf %get3A_1254, %mul3A_733 : vector<16xf32>
      %jit3A_1259 = arith.constant 0.000000e+00 : f32
      %max3A_1260 = vector.broadcast %jit3A_1259 : f32 to vector<16xf32>
      %max3A_1261 = arith.maximumf %max3A_1260, %sub3A_1258 : vector<16xf32>
      %min3A_1262 = arith.minimumf %get3A_1257, %max3A_1261 : vector<16xf32>
      %add3A_1263 = arith.addf %add3A_1189, %min3A_1262 : vector<16xf32>
      scf.yield %add3A_1209, %add3A_1227, %add3A_1245, %add3A_1263 : vector<16xf32>, vector<16xf32>, vector<16xf32>, vector<16xf32>
    }
    %scan3A_741 = arith.constant 512 : i32
    %add3A_742 = arith.addf %scan3A_740#0, %scan3A_740#1 : vector<16xf32>
    %add3A_743 = arith.addf %scan3A_740#2, %scan3A_740#3 : vector<16xf32>
    %add3A_744 = arith.addf %add3A_742, %add3A_743 : vector<16xf32>
    %iota3A_745 = tpu.iota {dimensions = array<i32: 0>} : vector<16xi32>
    %xor3A_746 = arith.constant 8 : i32
    %xor3A_747 = vector.broadcast %xor3A_746 : i32 to vector<16xi32>
    %xor3A_748 = arith.xori %iota3A_745, %xor3A_747 : vector<16xi32>
    %broadcast_in_dim3A_749 = vector.shape_cast %xor3A_748 : vector<16xi32> to vector<16x1xi32>
    %gather3A_750 = vector.shape_cast %broadcast_in_dim3A_749 : vector<16x1xi32> to vector<16xi32>
    %gather3A_751 = tpu.dynamic_gather %add3A_744[%gather3A_750] in [0] : vector<16xf32>, vector<16xi32> -> vector<16xf32>
    %add3A_752 = arith.addf %add3A_744, %gather3A_751 : vector<16xf32>
    %xor3A_753 = arith.constant 4 : i32
    %xor3A_754 = vector.broadcast %xor3A_753 : i32 to vector<16xi32>
    %xor3A_755 = arith.xori %iota3A_745, %xor3A_754 : vector<16xi32>
    %broadcast_in_dim3A_756 = vector.shape_cast %xor3A_755 : vector<16xi32> to vector<16x1xi32>
    %gather3A_757 = vector.shape_cast %broadcast_in_dim3A_756 : vector<16x1xi32> to vector<16xi32>
    %gather3A_758 = tpu.dynamic_gather %add3A_752[%gather3A_757] in [0] : vector<16xf32>, vector<16xi32> -> vector<16xf32>
    %add3A_759 = arith.addf %add3A_752, %gather3A_758 : vector<16xf32>
    %xor3A_760 = arith.constant 2 : i32
    %xor3A_761 = vector.broadcast %xor3A_760 : i32 to vector<16xi32>
    %xor3A_762 = arith.xori %iota3A_745, %xor3A_761 : vector<16xi32>
    %broadcast_in_dim3A_763 = vector.shape_cast %xor3A_762 : vector<16xi32> to vector<16x1xi32>
    %gather3A_764 = vector.shape_cast %broadcast_in_dim3A_763 : vector<16x1xi32> to vector<16xi32>
    %gather3A_765 = tpu.dynamic_gather %add3A_759[%gather3A_764] in [0] : vector<16xf32>, vector<16xi32> -> vector<16xf32>
    %add3A_766 = arith.addf %add3A_759, %gather3A_765 : vector<16xf32>
    %xor3A_767 = arith.constant 1 : i32
    %xor3A_768 = vector.broadcast %xor3A_767 : i32 to vector<16xi32>
    %xor3A_769 = arith.xori %iota3A_745, %xor3A_768 : vector<16xi32>
    %broadcast_in_dim3A_770 = vector.shape_cast %xor3A_769 : vector<16xi32> to vector<16x1xi32>
    %gather3A_771 = vector.shape_cast %broadcast_in_dim3A_770 : vector<16x1xi32> to vector<16xi32>
    %gather3A_772 = tpu.dynamic_gather %add3A_766[%gather3A_771] in [0] : vector<16xf32>, vector<16xi32> -> vector<16xf32>
    %add3A_773 = arith.addf %add3A_766, %gather3A_772 : vector<16xf32>
    %sub3A_774 = arith.constant 1.000000e+00 : f32
    %sub3A_775 = vector.broadcast %sub3A_774 : f32 to vector<16xf32>
    %sub3A_776 = arith.subf %add3A_773, %sub3A_775 : vector<16xf32>
    %gt3A_777 = arith.constant 0.000000e+00 : f32
    %gt3A_778 = vector.broadcast %gt3A_777 : f32 to vector<16xf32>
    %gt3A_779 = arith.cmpf ogt, %sub3A_776, %gt3A_778 : vector<16xf32>
    %select_n3A_780 = arith.select %gt3A_779, %mul3A_733, %select_n3A_728 : vector<16xi1>, vector<16xf32>
    %select_n3A_781 = arith.select %gt3A_779, %select_n3A_729, %mul3A_733 : vector<16xi1>, vector<16xf32>
    %sub3A_782 = arith.subf %sub3A_776, %sub3A_724 : vector<16xf32>
    %ne3A = arith.constant 0.000000e+00 : f32
    %ne3A_783 = vector.broadcast %ne3A : f32 to vector<16xf32>
    %ne3A_784 = arith.cmpf one, %sub3A_782, %ne3A_783 : vector<16xf32>
    %sub3A_785 = arith.subf %mul3A_733, %mul3A_681 : vector<16xf32>
    %mul3A_786 = arith.mulf %sub3A_776, %sub3A_785 : vector<16xf32>
    %jit3A = arith.constant 1.000000e+00 : f32
    %broadcast_in_dim3A_787 = vector.broadcast %jit3A : f32 to vector<16xf32>
    %select_n3A_788 = arith.select %ne3A_784, %sub3A_782, %broadcast_in_dim3A_787 : vector<16xi1>, vector<16xf32>
    %div3A = arith.divf %mul3A_786, %select_n3A_788 : vector<16xf32>
    %sub3A_789 = arith.subf %mul3A_733, %div3A : vector<16xf32>
    %gt3A_790 = arith.cmpf ogt, %sub3A_789, %select_n3A_780 : vector<16xf32>
    %and3A = arith.andi %ne3A_784, %gt3A_790 : vector<16xi1>
    %lt3A = arith.cmpf olt, %sub3A_789, %select_n3A_781 : vector<16xf32>
    %and3A_791 = arith.andi %and3A, %lt3A : vector<16xi1>
    %add3A_792 = arith.addf %select_n3A_780, %select_n3A_781 : vector<16xf32>
    %mul3A_793 = arith.constant 5.000000e-01 : f32
    %mul3A_794 = vector.broadcast %mul3A_793 : f32 to vector<16xf32>
    %mul3A_795 = arith.mulf %mul3A_794, %add3A_792 : vector<16xf32>
    %select_n3A_796 = arith.select %and3A_791, %sub3A_789, %mul3A_795 : vector<16xi1>, vector<16xf32>
    %broadcast_in_dim3A_797 = arith.constant 0.000000e+00 : f32
    %broadcast_in_dim3A_798 = vector.broadcast %broadcast_in_dim3A_797 : f32 to vector<16xf32>
    %scan3A_799 = arith.constant 0 : i32
    %scan3A_800 = arith.constant 512 : i32
    %scan3A_801 = arith.addi %scan3A_799, %scan3A_800 : i32
    %scan3A_802 = arith.constant 2 : i32
    %scan3A_803:4 = scf.for %scan3A_1115 = %scan3A_799 to %scan3A_801 step %scan3A_802 iter_args(%scan3A_1116 = %broadcast_in_dim3A_798, %scan3A_1117 = %broadcast_in_dim3A_798, %scan3A_1118 = %broadcast_in_dim3A_798, %scan3A_1119 = %broadcast_in_dim3A_798) -> (vector<16xf32>, vector<16xf32>, vector<16xf32>, vector<16xf32>)  : i32 {
      %mul3A_1120 = arith.constant 4 : i32
      %mul3A_1121 = arith.muli %scan3A_1115, %mul3A_1120 : i32
      %add3A_1122 = arith.constant 0 : i32
      %add3A_1123 = arith.addi %mul3A_1121, %add3A_1122 : i32
      %mul3A_1124 = arith.constant 16 : i32
      %mul3A_1125 = arith.muli %add3A_1123, %mul3A_1124 : i32
      %get3A = arith.index_cast %mul3A_1125 : i32 to index
      %get3A_1126 = tpu.vector_load %arg5[%get3A] {strides = array<i32>} : memref<32768xf32, #tpu.memory_space<vmem>>, vector<16xf32>,
      %get3A_1127 = vector.shape_cast %get3A_1126 : vector<16xf32> to vector<16xf32>
      %get3A_1128 = arith.index_cast %mul3A_1125 : i32 to index
      %get3A_1129 = tpu.vector_load %arg6[%get3A_1128] {strides = array<i32>} : memref<32768xf32, #tpu.memory_space<vmem>>, vector<16xf32>,
      %get3A_1130 = vector.shape_cast %get3A_1129 : vector<16xf32> to vector<16xf32>
      %sub3A_1131 = arith.subf %get3A_1127, %select_n3A_796 : vector<16xf32>
      %jit3A_1132 = arith.constant 0.000000e+00 : f32
      %max3A_1133 = vector.broadcast %jit3A_1132 : f32 to vector<16xf32>
      %max3A_1134 = arith.maximumf %max3A_1133, %sub3A_1131 : vector<16xf32>
      %min3A = arith.minimumf %get3A_1130, %max3A_1134 : vector<16xf32>
      %add3A_1135 = arith.addf %scan3A_1116, %min3A : vector<16xf32>
      %mul3A_1136 = arith.constant 4 : i32
      %mul3A_1137 = arith.muli %scan3A_1115, %mul3A_1136 : i32
      %add3A_1138 = arith.constant 1 : i32
      %add3A_1139 = arith.addi %mul3A_1137, %add3A_1138 : i32
      %mul3A_1140 = arith.constant 16 : i32
      %mul3A_1141 = arith.muli %add3A_1139, %mul3A_1140 : i32
      %get3A_1142 = arith.index_cast %mul3A_1141 : i32 to index
      %get3A_1143 = tpu.vector_load %arg5[%get3A_1142] {strides = array<i32>} : memref<32768xf32, #tpu.memory_space<vmem>>, vector<16xf32>,
      %get3A_1144 = vector.shape_cast %get3A_1143 : vector<16xf32> to vector<16xf32>
      %get3A_1145 = arith.index_cast %mul3A_1141 : i32 to index
      %get3A_1146 = tpu.vector_load %arg6[%get3A_1145] {strides = array<i32>} : memref<32768xf32, #tpu.memory_space<vmem>>, vector<16xf32>,
      %get3A_1147 = vector.shape_cast %get3A_1146 : vector<16xf32> to vector<16xf32>
      %sub3A_1148 = arith.subf %get3A_1144, %select_n3A_796 : vector<16xf32>
      %jit3A_1149 = arith.constant 0.000000e+00 : f32
      %max3A_1150 = vector.broadcast %jit3A_1149 : f32 to vector<16xf32>
      %max3A_1151 = arith.maximumf %max3A_1150, %sub3A_1148 : vector<16xf32>
      %min3A_1152 = arith.minimumf %get3A_1147, %max3A_1151 : vector<16xf32>
      %add3A_1153 = arith.addf %scan3A_1117, %min3A_1152 : vector<16xf32>
      %mul3A_1154 = arith.constant 4 : i32
      %mul3A_1155 = arith.muli %scan3A_1115, %mul3A_1154 : i32
      %add3A_1156 = arith.constant 2 : i32
      %add3A_1157 = arith.addi %mul3A_1155, %add3A_1156 : i32
      %mul3A_1158 = arith.constant 16 : i32
      %mul3A_1159 = arith.muli %add3A_1157, %mul3A_1158 : i32
      %get3A_1160 = arith.index_cast %mul3A_1159 : i32 to index
      %get3A_1161 = tpu.vector_load %arg5[%get3A_1160] {strides = array<i32>} : memref<32768xf32, #tpu.memory_space<vmem>>, vector<16xf32>,
      %get3A_1162 = vector.shape_cast %get3A_1161 : vector<16xf32> to vector<16xf32>
      %get3A_1163 = arith.index_cast %mul3A_1159 : i32 to index
      %get3A_1164 = tpu.vector_load %arg6[%get3A_1163] {strides = array<i32>} : memref<32768xf32, #tpu.memory_space<vmem>>, vector<16xf32>,
      %get3A_1165 = vector.shape_cast %get3A_1164 : vector<16xf32> to vector<16xf32>
      %sub3A_1166 = arith.subf %get3A_1162, %select_n3A_796 : vector<16xf32>
      %jit3A_1167 = arith.constant 0.000000e+00 : f32
      %max3A_1168 = vector.broadcast %jit3A_1167 : f32 to vector<16xf32>
      %max3A_1169 = arith.maximumf %max3A_1168, %sub3A_1166 : vector<16xf32>
      %min3A_1170 = arith.minimumf %get3A_1165, %max3A_1169 : vector<16xf32>
      %add3A_1171 = arith.addf %scan3A_1118, %min3A_1170 : vector<16xf32>
      %mul3A_1172 = arith.constant 4 : i32
      %mul3A_1173 = arith.muli %scan3A_1115, %mul3A_1172 : i32
      %add3A_1174 = arith.constant 3 : i32
      %add3A_1175 = arith.addi %mul3A_1173, %add3A_1174 : i32
      %mul3A_1176 = arith.constant 16 : i32
      %mul3A_1177 = arith.muli %add3A_1175, %mul3A_1176 : i32
      %get3A_1178 = arith.index_cast %mul3A_1177 : i32 to index
      %get3A_1179 = tpu.vector_load %arg5[%get3A_1178] {strides = array<i32>} : memref<32768xf32, #tpu.memory_space<vmem>>, vector<16xf32>,
      %get3A_1180 = vector.shape_cast %get3A_1179 : vector<16xf32> to vector<16xf32>
      %get3A_1181 = arith.index_cast %mul3A_1177 : i32 to index
      %get3A_1182 = tpu.vector_load %arg6[%get3A_1181] {strides = array<i32>} : memref<32768xf32, #tpu.memory_space<vmem>>, vector<16xf32>,
      %get3A_1183 = vector.shape_cast %get3A_1182 : vector<16xf32> to vector<16xf32>
      %sub3A_1184 = arith.subf %get3A_1180, %select_n3A_796 : vector<16xf32>
      %jit3A_1185 = arith.constant 0.000000e+00 : f32
      %max3A_1186 = vector.broadcast %jit3A_1185 : f32 to vector<16xf32>
      %max3A_1187 = arith.maximumf %max3A_1186, %sub3A_1184 : vector<16xf32>
      %min3A_1188 = arith.minimumf %get3A_1183, %max3A_1187 : vector<16xf32>
      %add3A_1189 = arith.addf %scan3A_1119, %min3A_1188 : vector<16xf32>
      %scan3A_1190 = arith.constant 1 : i32
      %scan3A_1191 = arith.addi %scan3A_1115, %scan3A_1190 : i32
      %mul3A_1192 = arith.constant 4 : i32
      %mul3A_1193 = arith.muli %scan3A_1191, %mul3A_1192 : i32
      %add3A_1194 = arith.constant 0 : i32
      %add3A_1195 = arith.addi %mul3A_1193, %add3A_1194 : i32
      %mul3A_1196 = arith.constant 16 : i32
      %mul3A_1197 = arith.muli %add3A_1195, %mul3A_1196 : i32
      %get3A_1198 = arith.index_cast %mul3A_1197 : i32 to index
      %get3A_1199 = tpu.vector_load %arg5[%get3A_1198] {strides = array<i32>} : memref<32768xf32, #tpu.memory_space<vmem>>, vector<16xf32>,
      %get3A_1200 = vector.shape_cast %get3A_1199 : vector<16xf32> to vector<16xf32>
      %get3A_1201 = arith.index_cast %mul3A_1197 : i32 to index
      %get3A_1202 = tpu.vector_load %arg6[%get3A_1201] {strides = array<i32>} : memref<32768xf32, #tpu.memory_space<vmem>>, vector<16xf32>,
      %get3A_1203 = vector.shape_cast %get3A_1202 : vector<16xf32> to vector<16xf32>
      %sub3A_1204 = arith.subf %get3A_1200, %select_n3A_796 : vector<16xf32>
      %jit3A_1205 = arith.constant 0.000000e+00 : f32
      %max3A_1206 = vector.broadcast %jit3A_1205 : f32 to vector<16xf32>
      %max3A_1207 = arith.maximumf %max3A_1206, %sub3A_1204 : vector<16xf32>
      %min3A_1208 = arith.minimumf %get3A_1203, %max3A_1207 : vector<16xf32>
      %add3A_1209 = arith.addf %add3A_1135, %min3A_1208 : vector<16xf32>
      %mul3A_1210 = arith.constant 4 : i32
      %mul3A_1211 = arith.muli %scan3A_1191, %mul3A_1210 : i32
      %add3A_1212 = arith.constant 1 : i32
      %add3A_1213 = arith.addi %mul3A_1211, %add3A_1212 : i32
      %mul3A_1214 = arith.constant 16 : i32
      %mul3A_1215 = arith.muli %add3A_1213, %mul3A_1214 : i32
      %get3A_1216 = arith.index_cast %mul3A_1215 : i32 to index
      %get3A_1217 = tpu.vector_load %arg5[%get3A_1216] {strides = array<i32>} : memref<32768xf32, #tpu.memory_space<vmem>>, vector<16xf32>,
      %get3A_1218 = vector.shape_cast %get3A_1217 : vector<16xf32> to vector<16xf32>
      %get3A_1219 = arith.index_cast %mul3A_1215 : i32 to index
      %get3A_1220 = tpu.vector_load %arg6[%get3A_1219] {strides = array<i32>} : memref<32768xf32, #tpu.memory_space<vmem>>, vector<16xf32>,
      %get3A_1221 = vector.shape_cast %get3A_1220 : vector<16xf32> to vector<16xf32>
      %sub3A_1222 = arith.subf %get3A_1218, %select_n3A_796 : vector<16xf32>
      %jit3A_1223 = arith.constant 0.000000e+00 : f32
      %max3A_1224 = vector.broadcast %jit3A_1223 : f32 to vector<16xf32>
      %max3A_1225 = arith.maximumf %max3A_1224, %sub3A_1222 : vector<16xf32>
      %min3A_1226 = arith.minimumf %get3A_1221, %max3A_1225 : vector<16xf32>
      %add3A_1227 = arith.addf %add3A_1153, %min3A_1226 : vector<16xf32>
      %mul3A_1228 = arith.constant 4 : i32
      %mul3A_1229 = arith.muli %scan3A_1191, %mul3A_1228 : i32
      %add3A_1230 = arith.constant 2 : i32
      %add3A_1231 = arith.addi %mul3A_1229, %add3A_1230 : i32
      %mul3A_1232 = arith.constant 16 : i32
      %mul3A_1233 = arith.muli %add3A_1231, %mul3A_1232 : i32
      %get3A_1234 = arith.index_cast %mul3A_1233 : i32 to index
      %get3A_1235 = tpu.vector_load %arg5[%get3A_1234] {strides = array<i32>} : memref<32768xf32, #tpu.memory_space<vmem>>, vector<16xf32>,
      %get3A_1236 = vector.shape_cast %get3A_1235 : vector<16xf32> to vector<16xf32>
      %get3A_1237 = arith.index_cast %mul3A_1233 : i32 to index
      %get3A_1238 = tpu.vector_load %arg6[%get3A_1237] {strides = array<i32>} : memref<32768xf32, #tpu.memory_space<vmem>>, vector<16xf32>,
      %get3A_1239 = vector.shape_cast %get3A_1238 : vector<16xf32> to vector<16xf32>
      %sub3A_1240 = arith.subf %get3A_1236, %select_n3A_796 : vector<16xf32>
      %jit3A_1241 = arith.constant 0.000000e+00 : f32
      %max3A_1242 = vector.broadcast %jit3A_1241 : f32 to vector<16xf32>
      %max3A_1243 = arith.maximumf %max3A_1242, %sub3A_1240 : vector<16xf32>
      %min3A_1244 = arith.minimumf %get3A_1239, %max3A_1243 : vector<16xf32>
      %add3A_1245 = arith.addf %add3A_1171, %min3A_1244 : vector<16xf32>
      %mul3A_1246 = arith.constant 4 : i32
      %mul3A_1247 = arith.muli %scan3A_1191, %mul3A_1246 : i32
      %add3A_1248 = arith.constant 3 : i32
      %add3A_1249 = arith.addi %mul3A_1247, %add3A_1248 : i32
      %mul3A_1250 = arith.constant 16 : i32
      %mul3A_1251 = arith.muli %add3A_1249, %mul3A_1250 : i32
      %get3A_1252 = arith.index_cast %mul3A_1251 : i32 to index
      %get3A_1253 = tpu.vector_load %arg5[%get3A_1252] {strides = array<i32>} : memref<32768xf32, #tpu.memory_space<vmem>>, vector<16xf32>,
      %get3A_1254 = vector.shape_cast %get3A_1253 : vector<16xf32> to vector<16xf32>
      %get3A_1255 = arith.index_cast %mul3A_1251 : i32 to index
      %get3A_1256 = tpu.vector_load %arg6[%get3A_1255] {strides = array<i32>} : memref<32768xf32, #tpu.memory_space<vmem>>, vector<16xf32>,
      %get3A_1257 = vector.shape_cast %get3A_1256 : vector<16xf32> to vector<16xf32>
      %sub3A_1258 = arith.subf %get3A_1254, %select_n3A_796 : vector<16xf32>
      %jit3A_1259 = arith.constant 0.000000e+00 : f32
      %max3A_1260 = vector.broadcast %jit3A_1259 : f32 to vector<16xf32>
      %max3A_1261 = arith.maximumf %max3A_1260, %sub3A_1258 : vector<16xf32>
      %min3A_1262 = arith.minimumf %get3A_1257, %max3A_1261 : vector<16xf32>
      %add3A_1263 = arith.addf %add3A_1189, %min3A_1262 : vector<16xf32>
      scf.yield %add3A_1209, %add3A_1227, %add3A_1245, %add3A_1263 : vector<16xf32>, vector<16xf32>, vector<16xf32>, vector<16xf32>
    }
    %scan3A_804 = arith.constant 512 : i32
    %add3A_805 = arith.addf %scan3A_803#0, %scan3A_803#1 : vector<16xf32>
    %add3A_806 = arith.addf %scan3A_803#2, %scan3A_803#3 : vector<16xf32>
    %add3A_807 = arith.addf %add3A_805, %add3A_806 : vector<16xf32>
    %iota3A_808 = tpu.iota {dimensions = array<i32: 0>} : vector<16xi32>
    %xor3A_809 = arith.constant 8 : i32
    %xor3A_810 = vector.broadcast %xor3A_809 : i32 to vector<16xi32>
    %xor3A_811 = arith.xori %iota3A_808, %xor3A_810 : vector<16xi32>
    %broadcast_in_dim3A_812 = vector.shape_cast %xor3A_811 : vector<16xi32> to vector<16x1xi32>
    %gather3A_813 = vector.shape_cast %broadcast_in_dim3A_812 : vector<16x1xi32> to vector<16xi32>
    %gather3A_814 = tpu.dynamic_gather %add3A_807[%gather3A_813] in [0] : vector<16xf32>, vector<16xi32> -> vector<16xf32>
    %add3A_815 = arith.addf %add3A_807, %gather3A_814 : vector<16xf32>
    %xor3A_816 = arith.constant 4 : i32
    %xor3A_817 = vector.broadcast %xor3A_816 : i32 to vector<16xi32>
    %xor3A_818 = arith.xori %iota3A_808, %xor3A_817 : vector<16xi32>
    %broadcast_in_dim3A_819 = vector.shape_cast %xor3A_818 : vector<16xi32> to vector<16x1xi32>
    %gather3A_820 = vector.shape_cast %broadcast_in_dim3A_819 : vector<16x1xi32> to vector<16xi32>
    %gather3A_821 = tpu.dynamic_gather %add3A_815[%gather3A_820] in [0] : vector<16xf32>, vector<16xi32> -> vector<16xf32>
    %add3A_822 = arith.addf %add3A_815, %gather3A_821 : vector<16xf32>
    %xor3A_823 = arith.constant 2 : i32
    %xor3A_824 = vector.broadcast %xor3A_823 : i32 to vector<16xi32>
    %xor3A_825 = arith.xori %iota3A_808, %xor3A_824 : vector<16xi32>
    %broadcast_in_dim3A_826 = vector.shape_cast %xor3A_825 : vector<16xi32> to vector<16x1xi32>
    %gather3A_827 = vector.shape_cast %broadcast_in_dim3A_826 : vector<16x1xi32> to vector<16xi32>
    %gather3A_828 = tpu.dynamic_gather %add3A_822[%gather3A_827] in [0] : vector<16xf32>, vector<16xi32> -> vector<16xf32>
    %add3A_829 = arith.addf %add3A_822, %gather3A_828 : vector<16xf32>
    %xor3A_830 = arith.constant 1 : i32
    %xor3A_831 = vector.broadcast %xor3A_830 : i32 to vector<16xi32>
    %xor3A_832 = arith.xori %iota3A_808, %xor3A_831 : vector<16xi32>
    %broadcast_in_dim3A_833 = vector.shape_cast %xor3A_832 : vector<16xi32> to vector<16x1xi32>
    %gather3A_834 = vector.shape_cast %broadcast_in_dim3A_833 : vector<16x1xi32> to vector<16xi32>
    %gather3A_835 = tpu.dynamic_gather %add3A_829[%gather3A_834] in [0] : vector<16xf32>, vector<16xi32> -> vector<16xf32>
    %add3A_836 = arith.addf %add3A_829, %gather3A_835 : vector<16xf32>
    %sub3A_837 = arith.constant 1.000000e+00 : f32
    %sub3A_838 = vector.broadcast %sub3A_837 : f32 to vector<16xf32>
    %sub3A_839 = arith.subf %add3A_836, %sub3A_838 : vector<16xf32>
    %gt3A_840 = arith.constant 0.000000e+00 : f32
    %gt3A_841 = vector.broadcast %gt3A_840 : f32 to vector<16xf32>
    %gt3A_842 = arith.cmpf ogt, %sub3A_839, %gt3A_841 : vector<16xf32>
    %select_n3A_843 = arith.select %gt3A_842, %select_n3A_796, %select_n3A_780 : vector<16xi1>, vector<16xf32>
    %select_n3A_844 = arith.select %gt3A_842, %select_n3A_781, %select_n3A_796 : vector<16xi1>, vector<16xf32>
    %sub3A_845 = arith.subf %sub3A_839, %sub3A_776 : vector<16xf32>
    %ne3A_846 = arith.constant 0.000000e+00 : f32
    %ne3A_847 = vector.broadcast %ne3A_846 : f32 to vector<16xf32>
    %ne3A_848 = arith.cmpf one, %sub3A_845, %ne3A_847 : vector<16xf32>
    %sub3A_849 = arith.subf %select_n3A_796, %mul3A_733 : vector<16xf32>
    %mul3A_850 = arith.mulf %sub3A_839, %sub3A_849 : vector<16xf32>
    %jit3A_851 = arith.constant 1.000000e+00 : f32
    %broadcast_in_dim3A_852 = vector.broadcast %jit3A_851 : f32 to vector<16xf32>
    %select_n3A_853 = arith.select %ne3A_848, %sub3A_845, %broadcast_in_dim3A_852 : vector<16xi1>, vector<16xf32>
    %div3A_854 = arith.divf %mul3A_850, %select_n3A_853 : vector<16xf32>
    %sub3A_855 = arith.subf %select_n3A_796, %div3A_854 : vector<16xf32>
    %gt3A_856 = arith.cmpf ogt, %sub3A_855, %select_n3A_843 : vector<16xf32>
    %and3A_857 = arith.andi %ne3A_848, %gt3A_856 : vector<16xi1>
    %lt3A_858 = arith.cmpf olt, %sub3A_855, %select_n3A_844 : vector<16xf32>
    %and3A_859 = arith.andi %and3A_857, %lt3A_858 : vector<16xi1>
    %add3A_860 = arith.addf %select_n3A_843, %select_n3A_844 : vector<16xf32>
    %mul3A_861 = arith.constant 5.000000e-01 : f32
    %mul3A_862 = vector.broadcast %mul3A_861 : f32 to vector<16xf32>
    %mul3A_863 = arith.mulf %mul3A_862, %add3A_860 : vector<16xf32>
    %select_n3A_864 = arith.select %and3A_859, %sub3A_855, %mul3A_863 : vector<16xi1>, vector<16xf32>
    %broadcast_in_dim3A_865 = arith.constant 0.000000e+00 : f32
    %broadcast_in_dim3A_866 = vector.broadcast %broadcast_in_dim3A_865 : f32 to vector<16xf32>
    %scan3A_867 = arith.constant 0 : i32
    %scan3A_868 = arith.constant 512 : i32
    %scan3A_869 = arith.addi %scan3A_867, %scan3A_868 : i32
    %scan3A_870 = arith.constant 2 : i32
    %scan3A_871:4 = scf.for %scan3A_1115 = %scan3A_867 to %scan3A_869 step %scan3A_870 iter_args(%scan3A_1116 = %broadcast_in_dim3A_866, %scan3A_1117 = %broadcast_in_dim3A_866, %scan3A_1118 = %broadcast_in_dim3A_866, %scan3A_1119 = %broadcast_in_dim3A_866) -> (vector<16xf32>, vector<16xf32>, vector<16xf32>, vector<16xf32>)  : i32 {
      %mul3A_1120 = arith.constant 4 : i32
      %mul3A_1121 = arith.muli %scan3A_1115, %mul3A_1120 : i32
      %add3A_1122 = arith.constant 0 : i32
      %add3A_1123 = arith.addi %mul3A_1121, %add3A_1122 : i32
      %mul3A_1124 = arith.constant 16 : i32
      %mul3A_1125 = arith.muli %add3A_1123, %mul3A_1124 : i32
      %get3A = arith.index_cast %mul3A_1125 : i32 to index
      %get3A_1126 = tpu.vector_load %arg5[%get3A] {strides = array<i32>} : memref<32768xf32, #tpu.memory_space<vmem>>, vector<16xf32>,
      %get3A_1127 = vector.shape_cast %get3A_1126 : vector<16xf32> to vector<16xf32>
      %get3A_1128 = arith.index_cast %mul3A_1125 : i32 to index
      %get3A_1129 = tpu.vector_load %arg6[%get3A_1128] {strides = array<i32>} : memref<32768xf32, #tpu.memory_space<vmem>>, vector<16xf32>,
      %get3A_1130 = vector.shape_cast %get3A_1129 : vector<16xf32> to vector<16xf32>
      %sub3A_1131 = arith.subf %get3A_1127, %select_n3A_864 : vector<16xf32>
      %jit3A_1132 = arith.constant 0.000000e+00 : f32
      %max3A_1133 = vector.broadcast %jit3A_1132 : f32 to vector<16xf32>
      %max3A_1134 = arith.maximumf %max3A_1133, %sub3A_1131 : vector<16xf32>
      %min3A = arith.minimumf %get3A_1130, %max3A_1134 : vector<16xf32>
      %add3A_1135 = arith.addf %scan3A_1116, %min3A : vector<16xf32>
      %mul3A_1136 = arith.constant 4 : i32
      %mul3A_1137 = arith.muli %scan3A_1115, %mul3A_1136 : i32
      %add3A_1138 = arith.constant 1 : i32
      %add3A_1139 = arith.addi %mul3A_1137, %add3A_1138 : i32
      %mul3A_1140 = arith.constant 16 : i32
      %mul3A_1141 = arith.muli %add3A_1139, %mul3A_1140 : i32
      %get3A_1142 = arith.index_cast %mul3A_1141 : i32 to index
      %get3A_1143 = tpu.vector_load %arg5[%get3A_1142] {strides = array<i32>} : memref<32768xf32, #tpu.memory_space<vmem>>, vector<16xf32>,
      %get3A_1144 = vector.shape_cast %get3A_1143 : vector<16xf32> to vector<16xf32>
      %get3A_1145 = arith.index_cast %mul3A_1141 : i32 to index
      %get3A_1146 = tpu.vector_load %arg6[%get3A_1145] {strides = array<i32>} : memref<32768xf32, #tpu.memory_space<vmem>>, vector<16xf32>,
      %get3A_1147 = vector.shape_cast %get3A_1146 : vector<16xf32> to vector<16xf32>
      %sub3A_1148 = arith.subf %get3A_1144, %select_n3A_864 : vector<16xf32>
      %jit3A_1149 = arith.constant 0.000000e+00 : f32
      %max3A_1150 = vector.broadcast %jit3A_1149 : f32 to vector<16xf32>
      %max3A_1151 = arith.maximumf %max3A_1150, %sub3A_1148 : vector<16xf32>
      %min3A_1152 = arith.minimumf %get3A_1147, %max3A_1151 : vector<16xf32>
      %add3A_1153 = arith.addf %scan3A_1117, %min3A_1152 : vector<16xf32>
      %mul3A_1154 = arith.constant 4 : i32
      %mul3A_1155 = arith.muli %scan3A_1115, %mul3A_1154 : i32
      %add3A_1156 = arith.constant 2 : i32
      %add3A_1157 = arith.addi %mul3A_1155, %add3A_1156 : i32
      %mul3A_1158 = arith.constant 16 : i32
      %mul3A_1159 = arith.muli %add3A_1157, %mul3A_1158 : i32
      %get3A_1160 = arith.index_cast %mul3A_1159 : i32 to index
      %get3A_1161 = tpu.vector_load %arg5[%get3A_1160] {strides = array<i32>} : memref<32768xf32, #tpu.memory_space<vmem>>, vector<16xf32>,
      %get3A_1162 = vector.shape_cast %get3A_1161 : vector<16xf32> to vector<16xf32>
      %get3A_1163 = arith.index_cast %mul3A_1159 : i32 to index
      %get3A_1164 = tpu.vector_load %arg6[%get3A_1163] {strides = array<i32>} : memref<32768xf32, #tpu.memory_space<vmem>>, vector<16xf32>,
      %get3A_1165 = vector.shape_cast %get3A_1164 : vector<16xf32> to vector<16xf32>
      %sub3A_1166 = arith.subf %get3A_1162, %select_n3A_864 : vector<16xf32>
      %jit3A_1167 = arith.constant 0.000000e+00 : f32
      %max3A_1168 = vector.broadcast %jit3A_1167 : f32 to vector<16xf32>
      %max3A_1169 = arith.maximumf %max3A_1168, %sub3A_1166 : vector<16xf32>
      %min3A_1170 = arith.minimumf %get3A_1165, %max3A_1169 : vector<16xf32>
      %add3A_1171 = arith.addf %scan3A_1118, %min3A_1170 : vector<16xf32>
      %mul3A_1172 = arith.constant 4 : i32
      %mul3A_1173 = arith.muli %scan3A_1115, %mul3A_1172 : i32
      %add3A_1174 = arith.constant 3 : i32
      %add3A_1175 = arith.addi %mul3A_1173, %add3A_1174 : i32
      %mul3A_1176 = arith.constant 16 : i32
      %mul3A_1177 = arith.muli %add3A_1175, %mul3A_1176 : i32
      %get3A_1178 = arith.index_cast %mul3A_1177 : i32 to index
      %get3A_1179 = tpu.vector_load %arg5[%get3A_1178] {strides = array<i32>} : memref<32768xf32, #tpu.memory_space<vmem>>, vector<16xf32>,
      %get3A_1180 = vector.shape_cast %get3A_1179 : vector<16xf32> to vector<16xf32>
      %get3A_1181 = arith.index_cast %mul3A_1177 : i32 to index
      %get3A_1182 = tpu.vector_load %arg6[%get3A_1181] {strides = array<i32>} : memref<32768xf32, #tpu.memory_space<vmem>>, vector<16xf32>,
      %get3A_1183 = vector.shape_cast %get3A_1182 : vector<16xf32> to vector<16xf32>
      %sub3A_1184 = arith.subf %get3A_1180, %select_n3A_864 : vector<16xf32>
      %jit3A_1185 = arith.constant 0.000000e+00 : f32
      %max3A_1186 = vector.broadcast %jit3A_1185 : f32 to vector<16xf32>
      %max3A_1187 = arith.maximumf %max3A_1186, %sub3A_1184 : vector<16xf32>
      %min3A_1188 = arith.minimumf %get3A_1183, %max3A_1187 : vector<16xf32>
      %add3A_1189 = arith.addf %scan3A_1119, %min3A_1188 : vector<16xf32>
      %scan3A_1190 = arith.constant 1 : i32
      %scan3A_1191 = arith.addi %scan3A_1115, %scan3A_1190 : i32
      %mul3A_1192 = arith.constant 4 : i32
      %mul3A_1193 = arith.muli %scan3A_1191, %mul3A_1192 : i32
      %add3A_1194 = arith.constant 0 : i32
      %add3A_1195 = arith.addi %mul3A_1193, %add3A_1194 : i32
      %mul3A_1196 = arith.constant 16 : i32
      %mul3A_1197 = arith.muli %add3A_1195, %mul3A_1196 : i32
      %get3A_1198 = arith.index_cast %mul3A_1197 : i32 to index
      %get3A_1199 = tpu.vector_load %arg5[%get3A_1198] {strides = array<i32>} : memref<32768xf32, #tpu.memory_space<vmem>>, vector<16xf32>,
      %get3A_1200 = vector.shape_cast %get3A_1199 : vector<16xf32> to vector<16xf32>
      %get3A_1201 = arith.index_cast %mul3A_1197 : i32 to index
      %get3A_1202 = tpu.vector_load %arg6[%get3A_1201] {strides = array<i32>} : memref<32768xf32, #tpu.memory_space<vmem>>, vector<16xf32>,
      %get3A_1203 = vector.shape_cast %get3A_1202 : vector<16xf32> to vector<16xf32>
      %sub3A_1204 = arith.subf %get3A_1200, %select_n3A_864 : vector<16xf32>
      %jit3A_1205 = arith.constant 0.000000e+00 : f32
      %max3A_1206 = vector.broadcast %jit3A_1205 : f32 to vector<16xf32>
      %max3A_1207 = arith.maximumf %max3A_1206, %sub3A_1204 : vector<16xf32>
      %min3A_1208 = arith.minimumf %get3A_1203, %max3A_1207 : vector<16xf32>
      %add3A_1209 = arith.addf %add3A_1135, %min3A_1208 : vector<16xf32>
      %mul3A_1210 = arith.constant 4 : i32
      %mul3A_1211 = arith.muli %scan3A_1191, %mul3A_1210 : i32
      %add3A_1212 = arith.constant 1 : i32
      %add3A_1213 = arith.addi %mul3A_1211, %add3A_1212 : i32
      %mul3A_1214 = arith.constant 16 : i32
      %mul3A_1215 = arith.muli %add3A_1213, %mul3A_1214 : i32
      %get3A_1216 = arith.index_cast %mul3A_1215 : i32 to index
      %get3A_1217 = tpu.vector_load %arg5[%get3A_1216] {strides = array<i32>} : memref<32768xf32, #tpu.memory_space<vmem>>, vector<16xf32>,
      %get3A_1218 = vector.shape_cast %get3A_1217 : vector<16xf32> to vector<16xf32>
      %get3A_1219 = arith.index_cast %mul3A_1215 : i32 to index
      %get3A_1220 = tpu.vector_load %arg6[%get3A_1219] {strides = array<i32>} : memref<32768xf32, #tpu.memory_space<vmem>>, vector<16xf32>,
      %get3A_1221 = vector.shape_cast %get3A_1220 : vector<16xf32> to vector<16xf32>
      %sub3A_1222 = arith.subf %get3A_1218, %select_n3A_864 : vector<16xf32>
      %jit3A_1223 = arith.constant 0.000000e+00 : f32
      %max3A_1224 = vector.broadcast %jit3A_1223 : f32 to vector<16xf32>
      %max3A_1225 = arith.maximumf %max3A_1224, %sub3A_1222 : vector<16xf32>
      %min3A_1226 = arith.minimumf %get3A_1221, %max3A_1225 : vector<16xf32>
      %add3A_1227 = arith.addf %add3A_1153, %min3A_1226 : vector<16xf32>
      %mul3A_1228 = arith.constant 4 : i32
      %mul3A_1229 = arith.muli %scan3A_1191, %mul3A_1228 : i32
      %add3A_1230 = arith.constant 2 : i32
      %add3A_1231 = arith.addi %mul3A_1229, %add3A_1230 : i32
      %mul3A_1232 = arith.constant 16 : i32
      %mul3A_1233 = arith.muli %add3A_1231, %mul3A_1232 : i32
      %get3A_1234 = arith.index_cast %mul3A_1233 : i32 to index
      %get3A_1235 = tpu.vector_load %arg5[%get3A_1234] {strides = array<i32>} : memref<32768xf32, #tpu.memory_space<vmem>>, vector<16xf32>,
      %get3A_1236 = vector.shape_cast %get3A_1235 : vector<16xf32> to vector<16xf32>
      %get3A_1237 = arith.index_cast %mul3A_1233 : i32 to index
      %get3A_1238 = tpu.vector_load %arg6[%get3A_1237] {strides = array<i32>} : memref<32768xf32, #tpu.memory_space<vmem>>, vector<16xf32>,
      %get3A_1239 = vector.shape_cast %get3A_1238 : vector<16xf32> to vector<16xf32>
      %sub3A_1240 = arith.subf %get3A_1236, %select_n3A_864 : vector<16xf32>
      %jit3A_1241 = arith.constant 0.000000e+00 : f32
      %max3A_1242 = vector.broadcast %jit3A_1241 : f32 to vector<16xf32>
      %max3A_1243 = arith.maximumf %max3A_1242, %sub3A_1240 : vector<16xf32>
      %min3A_1244 = arith.minimumf %get3A_1239, %max3A_1243 : vector<16xf32>
      %add3A_1245 = arith.addf %add3A_1171, %min3A_1244 : vector<16xf32>
      %mul3A_1246 = arith.constant 4 : i32
      %mul3A_1247 = arith.muli %scan3A_1191, %mul3A_1246 : i32
      %add3A_1248 = arith.constant 3 : i32
      %add3A_1249 = arith.addi %mul3A_1247, %add3A_1248 : i32
      %mul3A_1250 = arith.constant 16 : i32
      %mul3A_1251 = arith.muli %add3A_1249, %mul3A_1250 : i32
      %get3A_1252 = arith.index_cast %mul3A_1251 : i32 to index
      %get3A_1253 = tpu.vector_load %arg5[%get3A_1252] {strides = array<i32>} : memref<32768xf32, #tpu.memory_space<vmem>>, vector<16xf32>,
      %get3A_1254 = vector.shape_cast %get3A_1253 : vector<16xf32> to vector<16xf32>
      %get3A_1255 = arith.index_cast %mul3A_1251 : i32 to index
      %get3A_1256 = tpu.vector_load %arg6[%get3A_1255] {strides = array<i32>} : memref<32768xf32, #tpu.memory_space<vmem>>, vector<16xf32>,
      %get3A_1257 = vector.shape_cast %get3A_1256 : vector<16xf32> to vector<16xf32>
      %sub3A_1258 = arith.subf %get3A_1254, %select_n3A_864 : vector<16xf32>
      %jit3A_1259 = arith.constant 0.000000e+00 : f32
      %max3A_1260 = vector.broadcast %jit3A_1259 : f32 to vector<16xf32>
      %max3A_1261 = arith.maximumf %max3A_1260, %sub3A_1258 : vector<16xf32>
      %min3A_1262 = arith.minimumf %get3A_1257, %max3A_1261 : vector<16xf32>
      %add3A_1263 = arith.addf %add3A_1189, %min3A_1262 : vector<16xf32>
      scf.yield %add3A_1209, %add3A_1227, %add3A_1245, %add3A_1263 : vector<16xf32>, vector<16xf32>, vector<16xf32>, vector<16xf32>
    }
    %scan3A_872 = arith.constant 512 : i32
    %add3A_873 = arith.addf %scan3A_871#0, %scan3A_871#1 : vector<16xf32>
    %add3A_874 = arith.addf %scan3A_871#2, %scan3A_871#3 : vector<16xf32>
    %add3A_875 = arith.addf %add3A_873, %add3A_874 : vector<16xf32>
    %iota3A_876 = tpu.iota {dimensions = array<i32: 0>} : vector<16xi32>
    %xor3A_877 = arith.constant 8 : i32
    %xor3A_878 = vector.broadcast %xor3A_877 : i32 to vector<16xi32>
    %xor3A_879 = arith.xori %iota3A_876, %xor3A_878 : vector<16xi32>
    %broadcast_in_dim3A_880 = vector.shape_cast %xor3A_879 : vector<16xi32> to vector<16x1xi32>
    %gather3A_881 = vector.shape_cast %broadcast_in_dim3A_880 : vector<16x1xi32> to vector<16xi32>
    %gather3A_882 = tpu.dynamic_gather %add3A_875[%gather3A_881] in [0] : vector<16xf32>, vector<16xi32> -> vector<16xf32>
    %add3A_883 = arith.addf %add3A_875, %gather3A_882 : vector<16xf32>
    %xor3A_884 = arith.constant 4 : i32
    %xor3A_885 = vector.broadcast %xor3A_884 : i32 to vector<16xi32>
    %xor3A_886 = arith.xori %iota3A_876, %xor3A_885 : vector<16xi32>
    %broadcast_in_dim3A_887 = vector.shape_cast %xor3A_886 : vector<16xi32> to vector<16x1xi32>
    %gather3A_888 = vector.shape_cast %broadcast_in_dim3A_887 : vector<16x1xi32> to vector<16xi32>
    %gather3A_889 = tpu.dynamic_gather %add3A_883[%gather3A_888] in [0] : vector<16xf32>, vector<16xi32> -> vector<16xf32>
    %add3A_890 = arith.addf %add3A_883, %gather3A_889 : vector<16xf32>
    %xor3A_891 = arith.constant 2 : i32
    %xor3A_892 = vector.broadcast %xor3A_891 : i32 to vector<16xi32>
    %xor3A_893 = arith.xori %iota3A_876, %xor3A_892 : vector<16xi32>
    %broadcast_in_dim3A_894 = vector.shape_cast %xor3A_893 : vector<16xi32> to vector<16x1xi32>
    %gather3A_895 = vector.shape_cast %broadcast_in_dim3A_894 : vector<16x1xi32> to vector<16xi32>
    %gather3A_896 = tpu.dynamic_gather %add3A_890[%gather3A_895] in [0] : vector<16xf32>, vector<16xi32> -> vector<16xf32>
    %add3A_897 = arith.addf %add3A_890, %gather3A_896 : vector<16xf32>
    %xor3A_898 = arith.constant 1 : i32
    %xor3A_899 = vector.broadcast %xor3A_898 : i32 to vector<16xi32>
    %xor3A_900 = arith.xori %iota3A_876, %xor3A_899 : vector<16xi32>
    %broadcast_in_dim3A_901 = vector.shape_cast %xor3A_900 : vector<16xi32> to vector<16x1xi32>
    %gather3A_902 = vector.shape_cast %broadcast_in_dim3A_901 : vector<16x1xi32> to vector<16xi32>
    %gather3A_903 = tpu.dynamic_gather %add3A_897[%gather3A_902] in [0] : vector<16xf32>, vector<16xi32> -> vector<16xf32>
    %add3A_904 = arith.addf %add3A_897, %gather3A_903 : vector<16xf32>
    %sub3A_905 = arith.constant 1.000000e+00 : f32
    %sub3A_906 = vector.broadcast %sub3A_905 : f32 to vector<16xf32>
    %sub3A_907 = arith.subf %add3A_904, %sub3A_906 : vector<16xf32>
    %gt3A_908 = arith.constant 0.000000e+00 : f32
    %gt3A_909 = vector.broadcast %gt3A_908 : f32 to vector<16xf32>
    %gt3A_910 = arith.cmpf ogt, %sub3A_907, %gt3A_909 : vector<16xf32>
    %select_n3A_911 = arith.select %gt3A_910, %select_n3A_864, %select_n3A_843 : vector<16xi1>, vector<16xf32>
    %select_n3A_912 = arith.select %gt3A_910, %select_n3A_844, %select_n3A_864 : vector<16xi1>, vector<16xf32>
    %broadcast_in_dim3A_913 = arith.constant 0.000000e+00 : f32
    %broadcast_in_dim3A_914 = vector.broadcast %broadcast_in_dim3A_913 : f32 to vector<16xf32>
    %broadcast_in_dim3A_915 = arith.constant 0.000000e+00 : f32
    %broadcast_in_dim3A_916 = vector.broadcast %broadcast_in_dim3A_915 : f32 to vector<16xf32>
    %scan3A_917 = arith.constant 0 : i32
    %scan3A_918 = arith.constant 512 : i32
    %scan3A_919 = arith.addi %scan3A_917, %scan3A_918 : i32
    %scan3A_920 = arith.constant 2 : i32
    %scan3A_921:8 = scf.for %scan3A_1115 = %scan3A_917 to %scan3A_919 step %scan3A_920 iter_args(%scan3A_1116 = %broadcast_in_dim3A_914, %scan3A_1117 = %broadcast_in_dim3A_916, %scan3A_1118 = %broadcast_in_dim3A_914, %scan3A_1119 = %broadcast_in_dim3A_916, %scan3A_1120 = %broadcast_in_dim3A_914, %scan3A_1121 = %broadcast_in_dim3A_916, %scan3A_1122 = %broadcast_in_dim3A_914, %scan3A_1123 = %broadcast_in_dim3A_916) -> (vector<16xf32>, vector<16xf32>, vector<16xf32>, vector<16xf32>, vector<16xf32>, vector<16xf32>, vector<16xf32>, vector<16xf32>)  : i32 {
      %mul3A_1124 = arith.constant 4 : i32
      %mul3A_1125 = arith.muli %scan3A_1115, %mul3A_1124 : i32
      %add3A_1126 = arith.constant 0 : i32
      %add3A_1127 = arith.addi %mul3A_1125, %add3A_1126 : i32
      %mul3A_1128 = arith.constant 16 : i32
      %mul3A_1129 = arith.muli %add3A_1127, %mul3A_1128 : i32
      %get3A = arith.index_cast %mul3A_1129 : i32 to index
      %get3A_1130 = tpu.vector_load %arg5[%get3A] {strides = array<i32>} : memref<32768xf32, #tpu.memory_space<vmem>>, vector<16xf32>,
      %get3A_1131 = vector.shape_cast %get3A_1130 : vector<16xf32> to vector<16xf32>
      %get3A_1132 = arith.index_cast %mul3A_1129 : i32 to index
      %get3A_1133 = tpu.vector_load %arg6[%get3A_1132] {strides = array<i32>} : memref<32768xf32, #tpu.memory_space<vmem>>, vector<16xf32>,
      %get3A_1134 = vector.shape_cast %get3A_1133 : vector<16xf32> to vector<16xf32>
      %sub3A_1135 = arith.subf %get3A_1131, %select_n3A_864 : vector<16xf32>
      %jit3A_1136 = arith.constant 0.000000e+00 : f32
      %max3A_1137 = vector.broadcast %jit3A_1136 : f32 to vector<16xf32>
      %max3A_1138 = arith.maximumf %max3A_1137, %sub3A_1135 : vector<16xf32>
      %min3A = arith.minimumf %get3A_1134, %max3A_1138 : vector<16xf32>
      %gt3A_1139 = arith.constant 0.000000e+00 : f32
      %gt3A_1140 = vector.broadcast %gt3A_1139 : f32 to vector<16xf32>
      %gt3A_1141 = arith.cmpf ogt, %sub3A_1135, %gt3A_1140 : vector<16xf32>
      %lt3A_1142 = arith.cmpf olt, %sub3A_1135, %get3A_1134 : vector<16xf32>
      %and3A_1143 = arith.andi %gt3A_1141, %lt3A_1142 : vector<16xi1>
      %jit3A_1144 = arith.constant 1.000000e+00 : f32
      %jit3A_1145 = arith.constant 0.000000e+00 : f32
      %broadcast_in_dim3A_1146 = vector.broadcast %jit3A_1144 : f32 to vector<16xf32>
      %broadcast_in_dim3A_1147 = vector.broadcast %jit3A_1145 : f32 to vector<16xf32>
      %select_n3A_1148 = arith.select %and3A_1143, %broadcast_in_dim3A_1146, %broadcast_in_dim3A_1147 : vector<16xi1>, vector<16xf32>
      %add3A_1149 = arith.addf %scan3A_1116, %min3A : vector<16xf32>
      %add3A_1150 = arith.addf %scan3A_1117, %select_n3A_1148 : vector<16xf32>
      %mul3A_1151 = arith.constant 4 : i32
      %mul3A_1152 = arith.muli %scan3A_1115, %mul3A_1151 : i32
      %add3A_1153 = arith.constant 1 : i32
      %add3A_1154 = arith.addi %mul3A_1152, %add3A_1153 : i32
      %mul3A_1155 = arith.constant 16 : i32
      %mul3A_1156 = arith.muli %add3A_1154, %mul3A_1155 : i32
      %get3A_1157 = arith.index_cast %mul3A_1156 : i32 to index
      %get3A_1158 = tpu.vector_load %arg5[%get3A_1157] {strides = array<i32>} : memref<32768xf32, #tpu.memory_space<vmem>>, vector<16xf32>,
      %get3A_1159 = vector.shape_cast %get3A_1158 : vector<16xf32> to vector<16xf32>
      %get3A_1160 = arith.index_cast %mul3A_1156 : i32 to index
      %get3A_1161 = tpu.vector_load %arg6[%get3A_1160] {strides = array<i32>} : memref<32768xf32, #tpu.memory_space<vmem>>, vector<16xf32>,
      %get3A_1162 = vector.shape_cast %get3A_1161 : vector<16xf32> to vector<16xf32>
      %sub3A_1163 = arith.subf %get3A_1159, %select_n3A_864 : vector<16xf32>
      %jit3A_1164 = arith.constant 0.000000e+00 : f32
      %max3A_1165 = vector.broadcast %jit3A_1164 : f32 to vector<16xf32>
      %max3A_1166 = arith.maximumf %max3A_1165, %sub3A_1163 : vector<16xf32>
      %min3A_1167 = arith.minimumf %get3A_1162, %max3A_1166 : vector<16xf32>
      %gt3A_1168 = arith.constant 0.000000e+00 : f32
      %gt3A_1169 = vector.broadcast %gt3A_1168 : f32 to vector<16xf32>
      %gt3A_1170 = arith.cmpf ogt, %sub3A_1163, %gt3A_1169 : vector<16xf32>
      %lt3A_1171 = arith.cmpf olt, %sub3A_1163, %get3A_1162 : vector<16xf32>
      %and3A_1172 = arith.andi %gt3A_1170, %lt3A_1171 : vector<16xi1>
      %jit3A_1173 = arith.constant 1.000000e+00 : f32
      %jit3A_1174 = arith.constant 0.000000e+00 : f32
      %broadcast_in_dim3A_1175 = vector.broadcast %jit3A_1173 : f32 to vector<16xf32>
      %broadcast_in_dim3A_1176 = vector.broadcast %jit3A_1174 : f32 to vector<16xf32>
      %select_n3A_1177 = arith.select %and3A_1172, %broadcast_in_dim3A_1175, %broadcast_in_dim3A_1176 : vector<16xi1>, vector<16xf32>
      %add3A_1178 = arith.addf %scan3A_1118, %min3A_1167 : vector<16xf32>
      %add3A_1179 = arith.addf %scan3A_1119, %select_n3A_1177 : vector<16xf32>
      %mul3A_1180 = arith.constant 4 : i32
      %mul3A_1181 = arith.muli %scan3A_1115, %mul3A_1180 : i32
      %add3A_1182 = arith.constant 2 : i32
      %add3A_1183 = arith.addi %mul3A_1181, %add3A_1182 : i32
      %mul3A_1184 = arith.constant 16 : i32
      %mul3A_1185 = arith.muli %add3A_1183, %mul3A_1184 : i32
      %get3A_1186 = arith.index_cast %mul3A_1185 : i32 to index
      %get3A_1187 = tpu.vector_load %arg5[%get3A_1186] {strides = array<i32>} : memref<32768xf32, #tpu.memory_space<vmem>>, vector<16xf32>,
      %get3A_1188 = vector.shape_cast %get3A_1187 : vector<16xf32> to vector<16xf32>
      %get3A_1189 = arith.index_cast %mul3A_1185 : i32 to index
      %get3A_1190 = tpu.vector_load %arg6[%get3A_1189] {strides = array<i32>} : memref<32768xf32, #tpu.memory_space<vmem>>, vector<16xf32>,
      %get3A_1191 = vector.shape_cast %get3A_1190 : vector<16xf32> to vector<16xf32>
      %sub3A_1192 = arith.subf %get3A_1188, %select_n3A_864 : vector<16xf32>
      %jit3A_1193 = arith.constant 0.000000e+00 : f32
      %max3A_1194 = vector.broadcast %jit3A_1193 : f32 to vector<16xf32>
      %max3A_1195 = arith.maximumf %max3A_1194, %sub3A_1192 : vector<16xf32>
      %min3A_1196 = arith.minimumf %get3A_1191, %max3A_1195 : vector<16xf32>
      %gt3A_1197 = arith.constant 0.000000e+00 : f32
      %gt3A_1198 = vector.broadcast %gt3A_1197 : f32 to vector<16xf32>
      %gt3A_1199 = arith.cmpf ogt, %sub3A_1192, %gt3A_1198 : vector<16xf32>
      %lt3A_1200 = arith.cmpf olt, %sub3A_1192, %get3A_1191 : vector<16xf32>
      %and3A_1201 = arith.andi %gt3A_1199, %lt3A_1200 : vector<16xi1>
      %jit3A_1202 = arith.constant 1.000000e+00 : f32
      %jit3A_1203 = arith.constant 0.000000e+00 : f32
      %broadcast_in_dim3A_1204 = vector.broadcast %jit3A_1202 : f32 to vector<16xf32>
      %broadcast_in_dim3A_1205 = vector.broadcast %jit3A_1203 : f32 to vector<16xf32>
      %select_n3A_1206 = arith.select %and3A_1201, %broadcast_in_dim3A_1204, %broadcast_in_dim3A_1205 : vector<16xi1>, vector<16xf32>
      %add3A_1207 = arith.addf %scan3A_1120, %min3A_1196 : vector<16xf32>
      %add3A_1208 = arith.addf %scan3A_1121, %select_n3A_1206 : vector<16xf32>
      %mul3A_1209 = arith.constant 4 : i32
      %mul3A_1210 = arith.muli %scan3A_1115, %mul3A_1209 : i32
      %add3A_1211 = arith.constant 3 : i32
      %add3A_1212 = arith.addi %mul3A_1210, %add3A_1211 : i32
      %mul3A_1213 = arith.constant 16 : i32
      %mul3A_1214 = arith.muli %add3A_1212, %mul3A_1213 : i32
      %get3A_1215 = arith.index_cast %mul3A_1214 : i32 to index
      %get3A_1216 = tpu.vector_load %arg5[%get3A_1215] {strides = array<i32>} : memref<32768xf32, #tpu.memory_space<vmem>>, vector<16xf32>,
      %get3A_1217 = vector.shape_cast %get3A_1216 : vector<16xf32> to vector<16xf32>
      %get3A_1218 = arith.index_cast %mul3A_1214 : i32 to index
      %get3A_1219 = tpu.vector_load %arg6[%get3A_1218] {strides = array<i32>} : memref<32768xf32, #tpu.memory_space<vmem>>, vector<16xf32>,
      %get3A_1220 = vector.shape_cast %get3A_1219 : vector<16xf32> to vector<16xf32>
      %sub3A_1221 = arith.subf %get3A_1217, %select_n3A_864 : vector<16xf32>
      %jit3A_1222 = arith.constant 0.000000e+00 : f32
      %max3A_1223 = vector.broadcast %jit3A_1222 : f32 to vector<16xf32>
      %max3A_1224 = arith.maximumf %max3A_1223, %sub3A_1221 : vector<16xf32>
      %min3A_1225 = arith.minimumf %get3A_1220, %max3A_1224 : vector<16xf32>
      %gt3A_1226 = arith.constant 0.000000e+00 : f32
      %gt3A_1227 = vector.broadcast %gt3A_1226 : f32 to vector<16xf32>
      %gt3A_1228 = arith.cmpf ogt, %sub3A_1221, %gt3A_1227 : vector<16xf32>
      %lt3A_1229 = arith.cmpf olt, %sub3A_1221, %get3A_1220 : vector<16xf32>
      %and3A_1230 = arith.andi %gt3A_1228, %lt3A_1229 : vector<16xi1>
      %jit3A_1231 = arith.constant 1.000000e+00 : f32
      %jit3A_1232 = arith.constant 0.000000e+00 : f32
      %broadcast_in_dim3A_1233 = vector.broadcast %jit3A_1231 : f32 to vector<16xf32>
      %broadcast_in_dim3A_1234 = vector.broadcast %jit3A_1232 : f32 to vector<16xf32>
      %select_n3A_1235 = arith.select %and3A_1230, %broadcast_in_dim3A_1233, %broadcast_in_dim3A_1234 : vector<16xi1>, vector<16xf32>
      %add3A_1236 = arith.addf %scan3A_1122, %min3A_1225 : vector<16xf32>
      %add3A_1237 = arith.addf %scan3A_1123, %select_n3A_1235 : vector<16xf32>
      %scan3A_1238 = arith.constant 1 : i32
      %scan3A_1239 = arith.addi %scan3A_1115, %scan3A_1238 : i32
      %mul3A_1240 = arith.constant 4 : i32
      %mul3A_1241 = arith.muli %scan3A_1239, %mul3A_1240 : i32
      %add3A_1242 = arith.constant 0 : i32
      %add3A_1243 = arith.addi %mul3A_1241, %add3A_1242 : i32
      %mul3A_1244 = arith.constant 16 : i32
      %mul3A_1245 = arith.muli %add3A_1243, %mul3A_1244 : i32
      %get3A_1246 = arith.index_cast %mul3A_1245 : i32 to index
      %get3A_1247 = tpu.vector_load %arg5[%get3A_1246] {strides = array<i32>} : memref<32768xf32, #tpu.memory_space<vmem>>, vector<16xf32>,
      %get3A_1248 = vector.shape_cast %get3A_1247 : vector<16xf32> to vector<16xf32>
      %get3A_1249 = arith.index_cast %mul3A_1245 : i32 to index
      %get3A_1250 = tpu.vector_load %arg6[%get3A_1249] {strides = array<i32>} : memref<32768xf32, #tpu.memory_space<vmem>>, vector<16xf32>,
      %get3A_1251 = vector.shape_cast %get3A_1250 : vector<16xf32> to vector<16xf32>
      %sub3A_1252 = arith.subf %get3A_1248, %select_n3A_864 : vector<16xf32>
      %jit3A_1253 = arith.constant 0.000000e+00 : f32
      %max3A_1254 = vector.broadcast %jit3A_1253 : f32 to vector<16xf32>
      %max3A_1255 = arith.maximumf %max3A_1254, %sub3A_1252 : vector<16xf32>
      %min3A_1256 = arith.minimumf %get3A_1251, %max3A_1255 : vector<16xf32>
      %gt3A_1257 = arith.constant 0.000000e+00 : f32
      %gt3A_1258 = vector.broadcast %gt3A_1257 : f32 to vector<16xf32>
      %gt3A_1259 = arith.cmpf ogt, %sub3A_1252, %gt3A_1258 : vector<16xf32>
      %lt3A_1260 = arith.cmpf olt, %sub3A_1252, %get3A_1251 : vector<16xf32>
      %and3A_1261 = arith.andi %gt3A_1259, %lt3A_1260 : vector<16xi1>
      %jit3A_1262 = arith.constant 1.000000e+00 : f32
      %jit3A_1263 = arith.constant 0.000000e+00 : f32
      %broadcast_in_dim3A_1264 = vector.broadcast %jit3A_1262 : f32 to vector<16xf32>
      %broadcast_in_dim3A_1265 = vector.broadcast %jit3A_1263 : f32 to vector<16xf32>
      %select_n3A_1266 = arith.select %and3A_1261, %broadcast_in_dim3A_1264, %broadcast_in_dim3A_1265 : vector<16xi1>, vector<16xf32>
      %add3A_1267 = arith.addf %add3A_1149, %min3A_1256 : vector<16xf32>
      %add3A_1268 = arith.addf %add3A_1150, %select_n3A_1266 : vector<16xf32>
      %mul3A_1269 = arith.constant 4 : i32
      %mul3A_1270 = arith.muli %scan3A_1239, %mul3A_1269 : i32
      %add3A_1271 = arith.constant 1 : i32
      %add3A_1272 = arith.addi %mul3A_1270, %add3A_1271 : i32
      %mul3A_1273 = arith.constant 16 : i32
      %mul3A_1274 = arith.muli %add3A_1272, %mul3A_1273 : i32
      %get3A_1275 = arith.index_cast %mul3A_1274 : i32 to index
      %get3A_1276 = tpu.vector_load %arg5[%get3A_1275] {strides = array<i32>} : memref<32768xf32, #tpu.memory_space<vmem>>, vector<16xf32>,
      %get3A_1277 = vector.shape_cast %get3A_1276 : vector<16xf32> to vector<16xf32>
      %get3A_1278 = arith.index_cast %mul3A_1274 : i32 to index
      %get3A_1279 = tpu.vector_load %arg6[%get3A_1278] {strides = array<i32>} : memref<32768xf32, #tpu.memory_space<vmem>>, vector<16xf32>,
      %get3A_1280 = vector.shape_cast %get3A_1279 : vector<16xf32> to vector<16xf32>
      %sub3A_1281 = arith.subf %get3A_1277, %select_n3A_864 : vector<16xf32>
      %jit3A_1282 = arith.constant 0.000000e+00 : f32
      %max3A_1283 = vector.broadcast %jit3A_1282 : f32 to vector<16xf32>
      %max3A_1284 = arith.maximumf %max3A_1283, %sub3A_1281 : vector<16xf32>
      %min3A_1285 = arith.minimumf %get3A_1280, %max3A_1284 : vector<16xf32>
      %gt3A_1286 = arith.constant 0.000000e+00 : f32
      %gt3A_1287 = vector.broadcast %gt3A_1286 : f32 to vector<16xf32>
      %gt3A_1288 = arith.cmpf ogt, %sub3A_1281, %gt3A_1287 : vector<16xf32>
      %lt3A_1289 = arith.cmpf olt, %sub3A_1281, %get3A_1280 : vector<16xf32>
      %and3A_1290 = arith.andi %gt3A_1288, %lt3A_1289 : vector<16xi1>
      %jit3A_1291 = arith.constant 1.000000e+00 : f32
      %jit3A_1292 = arith.constant 0.000000e+00 : f32
      %broadcast_in_dim3A_1293 = vector.broadcast %jit3A_1291 : f32 to vector<16xf32>
      %broadcast_in_dim3A_1294 = vector.broadcast %jit3A_1292 : f32 to vector<16xf32>
      %select_n3A_1295 = arith.select %and3A_1290, %broadcast_in_dim3A_1293, %broadcast_in_dim3A_1294 : vector<16xi1>, vector<16xf32>
      %add3A_1296 = arith.addf %add3A_1178, %min3A_1285 : vector<16xf32>
      %add3A_1297 = arith.addf %add3A_1179, %select_n3A_1295 : vector<16xf32>
      %mul3A_1298 = arith.constant 4 : i32
      %mul3A_1299 = arith.muli %scan3A_1239, %mul3A_1298 : i32
      %add3A_1300 = arith.constant 2 : i32
      %add3A_1301 = arith.addi %mul3A_1299, %add3A_1300 : i32
      %mul3A_1302 = arith.constant 16 : i32
      %mul3A_1303 = arith.muli %add3A_1301, %mul3A_1302 : i32
      %get3A_1304 = arith.index_cast %mul3A_1303 : i32 to index
      %get3A_1305 = tpu.vector_load %arg5[%get3A_1304] {strides = array<i32>} : memref<32768xf32, #tpu.memory_space<vmem>>, vector<16xf32>,
      %get3A_1306 = vector.shape_cast %get3A_1305 : vector<16xf32> to vector<16xf32>
      %get3A_1307 = arith.index_cast %mul3A_1303 : i32 to index
      %get3A_1308 = tpu.vector_load %arg6[%get3A_1307] {strides = array<i32>} : memref<32768xf32, #tpu.memory_space<vmem>>, vector<16xf32>,
      %get3A_1309 = vector.shape_cast %get3A_1308 : vector<16xf32> to vector<16xf32>
      %sub3A_1310 = arith.subf %get3A_1306, %select_n3A_864 : vector<16xf32>
      %jit3A_1311 = arith.constant 0.000000e+00 : f32
      %max3A_1312 = vector.broadcast %jit3A_1311 : f32 to vector<16xf32>
      %max3A_1313 = arith.maximumf %max3A_1312, %sub3A_1310 : vector<16xf32>
      %min3A_1314 = arith.minimumf %get3A_1309, %max3A_1313 : vector<16xf32>
      %gt3A_1315 = arith.constant 0.000000e+00 : f32
      %gt3A_1316 = vector.broadcast %gt3A_1315 : f32 to vector<16xf32>
      %gt3A_1317 = arith.cmpf ogt, %sub3A_1310, %gt3A_1316 : vector<16xf32>
      %lt3A_1318 = arith.cmpf olt, %sub3A_1310, %get3A_1309 : vector<16xf32>
      %and3A_1319 = arith.andi %gt3A_1317, %lt3A_1318 : vector<16xi1>
      %jit3A_1320 = arith.constant 1.000000e+00 : f32
      %jit3A_1321 = arith.constant 0.000000e+00 : f32
      %broadcast_in_dim3A_1322 = vector.broadcast %jit3A_1320 : f32 to vector<16xf32>
      %broadcast_in_dim3A_1323 = vector.broadcast %jit3A_1321 : f32 to vector<16xf32>
      %select_n3A_1324 = arith.select %and3A_1319, %broadcast_in_dim3A_1322, %broadcast_in_dim3A_1323 : vector<16xi1>, vector<16xf32>
      %add3A_1325 = arith.addf %add3A_1207, %min3A_1314 : vector<16xf32>
      %add3A_1326 = arith.addf %add3A_1208, %select_n3A_1324 : vector<16xf32>
      %mul3A_1327 = arith.constant 4 : i32
      %mul3A_1328 = arith.muli %scan3A_1239, %mul3A_1327 : i32
      %add3A_1329 = arith.constant 3 : i32
      %add3A_1330 = arith.addi %mul3A_1328, %add3A_1329 : i32
      %mul3A_1331 = arith.constant 16 : i32
      %mul3A_1332 = arith.muli %add3A_1330, %mul3A_1331 : i32
      %get3A_1333 = arith.index_cast %mul3A_1332 : i32 to index
      %get3A_1334 = tpu.vector_load %arg5[%get3A_1333] {strides = array<i32>} : memref<32768xf32, #tpu.memory_space<vmem>>, vector<16xf32>,
      %get3A_1335 = vector.shape_cast %get3A_1334 : vector<16xf32> to vector<16xf32>
      %get3A_1336 = arith.index_cast %mul3A_1332 : i32 to index
      %get3A_1337 = tpu.vector_load %arg6[%get3A_1336] {strides = array<i32>} : memref<32768xf32, #tpu.memory_space<vmem>>, vector<16xf32>,
      %get3A_1338 = vector.shape_cast %get3A_1337 : vector<16xf32> to vector<16xf32>
      %sub3A_1339 = arith.subf %get3A_1335, %select_n3A_864 : vector<16xf32>
      %jit3A_1340 = arith.constant 0.000000e+00 : f32
      %max3A_1341 = vector.broadcast %jit3A_1340 : f32 to vector<16xf32>
      %max3A_1342 = arith.maximumf %max3A_1341, %sub3A_1339 : vector<16xf32>
      %min3A_1343 = arith.minimumf %get3A_1338, %max3A_1342 : vector<16xf32>
      %gt3A_1344 = arith.constant 0.000000e+00 : f32
      %gt3A_1345 = vector.broadcast %gt3A_1344 : f32 to vector<16xf32>
      %gt3A_1346 = arith.cmpf ogt, %sub3A_1339, %gt3A_1345 : vector<16xf32>
      %lt3A_1347 = arith.cmpf olt, %sub3A_1339, %get3A_1338 : vector<16xf32>
      %and3A_1348 = arith.andi %gt3A_1346, %lt3A_1347 : vector<16xi1>
      %jit3A_1349 = arith.constant 1.000000e+00 : f32
      %jit3A_1350 = arith.constant 0.000000e+00 : f32
      %broadcast_in_dim3A_1351 = vector.broadcast %jit3A_1349 : f32 to vector<16xf32>
      %broadcast_in_dim3A_1352 = vector.broadcast %jit3A_1350 : f32 to vector<16xf32>
      %select_n3A_1353 = arith.select %and3A_1348, %broadcast_in_dim3A_1351, %broadcast_in_dim3A_1352 : vector<16xi1>, vector<16xf32>
      %add3A_1354 = arith.addf %add3A_1236, %min3A_1343 : vector<16xf32>
      %add3A_1355 = arith.addf %add3A_1237, %select_n3A_1353 : vector<16xf32>
      scf.yield %add3A_1267, %add3A_1268, %add3A_1296, %add3A_1297, %add3A_1325, %add3A_1326, %add3A_1354, %add3A_1355 : vector<16xf32>, vector<16xf32>, vector<16xf32>, vector<16xf32>, vector<16xf32>, vector<16xf32>, vector<16xf32>, vector<16xf32>
    }
    %scan3A_922 = arith.constant 512 : i32
    %add3A_923 = arith.addf %scan3A_921#0, %scan3A_921#2 : vector<16xf32>
    %add3A_924 = arith.addf %scan3A_921#4, %scan3A_921#6 : vector<16xf32>
    %add3A_925 = arith.addf %add3A_923, %add3A_924 : vector<16xf32>
    %add3A_926 = arith.addf %scan3A_921#1, %scan3A_921#3 : vector<16xf32>
    %add3A_927 = arith.addf %scan3A_921#5, %scan3A_921#7 : vector<16xf32>
    %add3A_928 = arith.addf %add3A_926, %add3A_927 : vector<16xf32>
    %iota3A_929 = tpu.iota {dimensions = array<i32: 0>} : vector<16xi32>
    %xor3A_930 = arith.constant 8 : i32
    %xor3A_931 = vector.broadcast %xor3A_930 : i32 to vector<16xi32>
    %xor3A_932 = arith.xori %iota3A_929, %xor3A_931 : vector<16xi32>
    %broadcast_in_dim3A_933 = vector.shape_cast %xor3A_932 : vector<16xi32> to vector<16x1xi32>
    %gather3A_934 = vector.shape_cast %broadcast_in_dim3A_933 : vector<16x1xi32> to vector<16xi32>
    %gather3A_935 = tpu.dynamic_gather %add3A_925[%gather3A_934] in [0] : vector<16xf32>, vector<16xi32> -> vector<16xf32>
    %add3A_936 = arith.addf %add3A_925, %gather3A_935 : vector<16xf32>
    %xor3A_937 = arith.constant 4 : i32
    %xor3A_938 = vector.broadcast %xor3A_937 : i32 to vector<16xi32>
    %xor3A_939 = arith.xori %iota3A_929, %xor3A_938 : vector<16xi32>
    %broadcast_in_dim3A_940 = vector.shape_cast %xor3A_939 : vector<16xi32> to vector<16x1xi32>
    %gather3A_941 = vector.shape_cast %broadcast_in_dim3A_940 : vector<16x1xi32> to vector<16xi32>
    %gather3A_942 = tpu.dynamic_gather %add3A_936[%gather3A_941] in [0] : vector<16xf32>, vector<16xi32> -> vector<16xf32>
    %add3A_943 = arith.addf %add3A_936, %gather3A_942 : vector<16xf32>
    %xor3A_944 = arith.constant 2 : i32
    %xor3A_945 = vector.broadcast %xor3A_944 : i32 to vector<16xi32>
    %xor3A_946 = arith.xori %iota3A_929, %xor3A_945 : vector<16xi32>
    %broadcast_in_dim3A_947 = vector.shape_cast %xor3A_946 : vector<16xi32> to vector<16x1xi32>
    %gather3A_948 = vector.shape_cast %broadcast_in_dim3A_947 : vector<16x1xi32> to vector<16xi32>
    %gather3A_949 = tpu.dynamic_gather %add3A_943[%gather3A_948] in [0] : vector<16xf32>, vector<16xi32> -> vector<16xf32>
    %add3A_950 = arith.addf %add3A_943, %gather3A_949 : vector<16xf32>
    %xor3A_951 = arith.constant 1 : i32
    %xor3A_952 = vector.broadcast %xor3A_951 : i32 to vector<16xi32>
    %xor3A_953 = arith.xori %iota3A_929, %xor3A_952 : vector<16xi32>
    %broadcast_in_dim3A_954 = vector.shape_cast %xor3A_953 : vector<16xi32> to vector<16x1xi32>
    %gather3A_955 = vector.shape_cast %broadcast_in_dim3A_954 : vector<16x1xi32> to vector<16xi32>
    %gather3A_956 = tpu.dynamic_gather %add3A_950[%gather3A_955] in [0] : vector<16xf32>, vector<16xi32> -> vector<16xf32>
    %add3A_957 = arith.addf %add3A_950, %gather3A_956 : vector<16xf32>
    %iota3A_958 = tpu.iota {dimensions = array<i32: 0>} : vector<16xi32>
    %xor3A_959 = arith.constant 8 : i32
    %xor3A_960 = vector.broadcast %xor3A_959 : i32 to vector<16xi32>
    %xor3A_961 = arith.xori %iota3A_958, %xor3A_960 : vector<16xi32>
    %broadcast_in_dim3A_962 = vector.shape_cast %xor3A_961 : vector<16xi32> to vector<16x1xi32>
    %gather3A_963 = vector.shape_cast %broadcast_in_dim3A_962 : vector<16x1xi32> to vector<16xi32>
    %gather3A_964 = tpu.dynamic_gather %add3A_928[%gather3A_963] in [0] : vector<16xf32>, vector<16xi32> -> vector<16xf32>
    %add3A_965 = arith.addf %add3A_928, %gather3A_964 : vector<16xf32>
    %xor3A_966 = arith.constant 4 : i32
    %xor3A_967 = vector.broadcast %xor3A_966 : i32 to vector<16xi32>
    %xor3A_968 = arith.xori %iota3A_958, %xor3A_967 : vector<16xi32>
    %broadcast_in_dim3A_969 = vector.shape_cast %xor3A_968 : vector<16xi32> to vector<16x1xi32>
    %gather3A_970 = vector.shape_cast %broadcast_in_dim3A_969 : vector<16x1xi32> to vector<16xi32>
    %gather3A_971 = tpu.dynamic_gather %add3A_965[%gather3A_970] in [0] : vector<16xf32>, vector<16xi32> -> vector<16xf32>
    %add3A_972 = arith.addf %add3A_965, %gather3A_971 : vector<16xf32>
    %xor3A_973 = arith.constant 2 : i32
    %xor3A_974 = vector.broadcast %xor3A_973 : i32 to vector<16xi32>
    %xor3A_975 = arith.xori %iota3A_958, %xor3A_974 : vector<16xi32>
    %broadcast_in_dim3A_976 = vector.shape_cast %xor3A_975 : vector<16xi32> to vector<16x1xi32>
    %gather3A_977 = vector.shape_cast %broadcast_in_dim3A_976 : vector<16x1xi32> to vector<16xi32>
    %gather3A_978 = tpu.dynamic_gather %add3A_972[%gather3A_977] in [0] : vector<16xf32>, vector<16xi32> -> vector<16xf32>
    %add3A_979 = arith.addf %add3A_972, %gather3A_978 : vector<16xf32>
    %xor3A_980 = arith.constant 1 : i32
    %xor3A_981 = vector.broadcast %xor3A_980 : i32 to vector<16xi32>
    %xor3A_982 = arith.xori %iota3A_958, %xor3A_981 : vector<16xi32>
    %broadcast_in_dim3A_983 = vector.shape_cast %xor3A_982 : vector<16xi32> to vector<16x1xi32>
    %gather3A_984 = vector.shape_cast %broadcast_in_dim3A_983 : vector<16x1xi32> to vector<16xi32>
    %gather3A_985 = tpu.dynamic_gather %add3A_979[%gather3A_984] in [0] : vector<16xf32>, vector<16xi32> -> vector<16xf32>
    %add3A_986 = arith.addf %add3A_979, %gather3A_985 : vector<16xf32>
    %sub3A_987 = arith.constant 1.000000e+00 : f32
    %sub3A_988 = vector.broadcast %sub3A_987 : f32 to vector<16xf32>
    %sub3A_989 = arith.subf %add3A_957, %sub3A_988 : vector<16xf32>
    %gt3A_990 = arith.constant 0.000000e+00 : f32
    %gt3A_991 = vector.broadcast %gt3A_990 : f32 to vector<16xf32>
    %gt3A_992 = arith.cmpf ogt, %sub3A_989, %gt3A_991 : vector<16xf32>
    %select_n3A_993 = arith.select %gt3A_992, %select_n3A_864, %select_n3A_911 : vector<16xi1>, vector<16xf32>
    %select_n3A_994 = arith.select %gt3A_992, %select_n3A_912, %select_n3A_864 : vector<16xi1>, vector<16xf32>
    %max3A_995 = arith.constant 1.000000e+00 : f32
    %max3A_996 = vector.broadcast %max3A_995 : f32 to vector<16xf32>
    %max3A_997 = arith.maximumf %add3A_986, %max3A_996 : vector<16xf32>
    %div3A_998 = arith.divf %sub3A_989, %max3A_997 : vector<16xf32>
    %add3A_999 = arith.addf %select_n3A_864, %div3A_998 : vector<16xf32>
    %gt3A_1000 = arith.constant 0.000000e+00 : f32
    %gt3A_1001 = vector.broadcast %gt3A_1000 : f32 to vector<16xf32>
    %gt3A_1002 = arith.cmpf ogt, %add3A_986, %gt3A_1001 : vector<16xf32>
    %gt3A_1003 = arith.cmpf ogt, %add3A_999, %select_n3A_993 : vector<16xf32>
    %lt3A_1004 = arith.cmpf olt, %add3A_999, %select_n3A_994 : vector<16xf32>
    %and3A_1005 = arith.andi %gt3A_1003, %lt3A_1004 : vector<16xi1>
    %eq3A = arith.cmpf oeq, %add3A_999, %select_n3A_864 : vector<16xf32>
    %or3A = arith.ori %and3A_1005, %eq3A : vector<16xi1>
    %and3A_1006 = arith.andi %gt3A_1002, %or3A : vector<16xi1>
    %add3A_1007 = arith.addf %select_n3A_993, %select_n3A_994 : vector<16xf32>
    %mul3A_1008 = arith.constant 5.000000e-01 : f32
    %mul3A_1009 = vector.broadcast %mul3A_1008 : f32 to vector<16xf32>
    %mul3A_1010 = arith.mulf %mul3A_1009, %add3A_1007 : vector<16xf32>
    %select_n3A_1011 = arith.select %and3A_1006, %add3A_999, %mul3A_1010 : vector<16xi1>, vector<16xf32>
    %broadcast_in_dim3A_1012 = arith.constant 0.000000e+00 : f32
    %broadcast_in_dim3A_1013 = vector.broadcast %broadcast_in_dim3A_1012 : f32 to vector<16xf32>
    %broadcast_in_dim3A_1014 = arith.constant 0.000000e+00 : f32
    %broadcast_in_dim3A_1015 = vector.broadcast %broadcast_in_dim3A_1014 : f32 to vector<16xf32>
    %scan3A_1016 = arith.constant 0 : i32
    %scan3A_1017 = arith.constant 512 : i32
    %scan3A_1018 = arith.addi %scan3A_1016, %scan3A_1017 : i32
    %scan3A_1019 = arith.constant 2 : i32
    %scan3A_1020:8 = scf.for %scan3A_1115 = %scan3A_1016 to %scan3A_1018 step %scan3A_1019 iter_args(%scan3A_1116 = %broadcast_in_dim3A_1013, %scan3A_1117 = %broadcast_in_dim3A_1015, %scan3A_1118 = %broadcast_in_dim3A_1013, %scan3A_1119 = %broadcast_in_dim3A_1015, %scan3A_1120 = %broadcast_in_dim3A_1013, %scan3A_1121 = %broadcast_in_dim3A_1015, %scan3A_1122 = %broadcast_in_dim3A_1013, %scan3A_1123 = %broadcast_in_dim3A_1015) -> (vector<16xf32>, vector<16xf32>, vector<16xf32>, vector<16xf32>, vector<16xf32>, vector<16xf32>, vector<16xf32>, vector<16xf32>)  : i32 {
      %mul3A_1124 = arith.constant 4 : i32
      %mul3A_1125 = arith.muli %scan3A_1115, %mul3A_1124 : i32
      %add3A_1126 = arith.constant 0 : i32
      %add3A_1127 = arith.addi %mul3A_1125, %add3A_1126 : i32
      %mul3A_1128 = arith.constant 16 : i32
      %mul3A_1129 = arith.muli %add3A_1127, %mul3A_1128 : i32
      %get3A = arith.index_cast %mul3A_1129 : i32 to index
      %get3A_1130 = tpu.vector_load %arg5[%get3A] {strides = array<i32>} : memref<32768xf32, #tpu.memory_space<vmem>>, vector<16xf32>,
      %get3A_1131 = vector.shape_cast %get3A_1130 : vector<16xf32> to vector<16xf32>
      %get3A_1132 = arith.index_cast %mul3A_1129 : i32 to index
      %get3A_1133 = tpu.vector_load %arg6[%get3A_1132] {strides = array<i32>} : memref<32768xf32, #tpu.memory_space<vmem>>, vector<16xf32>,
      %get3A_1134 = vector.shape_cast %get3A_1133 : vector<16xf32> to vector<16xf32>
      %sub3A_1135 = arith.subf %get3A_1131, %select_n3A_1011 : vector<16xf32>
      %lt3A_1136 = arith.cmpf olt, %sub3A_1135, %get3A_1134 : vector<16xf32>
      %gt3A_1137 = arith.constant 0.000000e+00 : f32
      %gt3A_1138 = vector.broadcast %gt3A_1137 : f32 to vector<16xf32>
      %gt3A_1139 = arith.cmpf ogt, %sub3A_1135, %gt3A_1138 : vector<16xf32>
      %and3A_1140 = arith.andi %gt3A_1139, %lt3A_1136 : vector<16xi1>
      %jit3A_1141 = arith.constant 1.000000e+00 : f32
      %jit3A_1142 = arith.constant 0.000000e+00 : f32
      %broadcast_in_dim3A_1143 = vector.broadcast %jit3A_1141 : f32 to vector<16xf32>
      %broadcast_in_dim3A_1144 = vector.broadcast %jit3A_1142 : f32 to vector<16xf32>
      %select_n3A_1145 = arith.select %and3A_1140, %broadcast_in_dim3A_1143, %broadcast_in_dim3A_1144 : vector<16xi1>, vector<16xf32>
      %gt3A_1146 = arith.constant 0.000000e+00 : f32
      %gt3A_1147 = vector.broadcast %gt3A_1146 : f32 to vector<16xf32>
      %gt3A_1148 = arith.cmpf ogt, %sub3A_1135, %gt3A_1147 : vector<16xf32>
      %and3A_1149 = arith.andi %gt3A_1148, %lt3A_1136 : vector<16xi1>
      %jit3A_1150 = arith.constant 0.000000e+00 : f32
      %broadcast_in_dim3A_1151 = vector.broadcast %jit3A_1150 : f32 to vector<16xf32>
      %select_n3A_1152 = arith.select %lt3A_1136, %broadcast_in_dim3A_1151, %get3A_1134 : vector<16xi1>, vector<16xf32>
      %select_n3A_1153 = arith.select %and3A_1149, %get3A_1131, %select_n3A_1152 : vector<16xi1>, vector<16xf32>
      %add3A_1154 = arith.addf %scan3A_1116, %select_n3A_1153 : vector<16xf32>
      %add3A_1155 = arith.addf %scan3A_1117, %select_n3A_1145 : vector<16xf32>
      %mul3A_1156 = arith.constant 4 : i32
      %mul3A_1157 = arith.muli %scan3A_1115, %mul3A_1156 : i32
      %add3A_1158 = arith.constant 1 : i32
      %add3A_1159 = arith.addi %mul3A_1157, %add3A_1158 : i32
      %mul3A_1160 = arith.constant 16 : i32
      %mul3A_1161 = arith.muli %add3A_1159, %mul3A_1160 : i32
      %get3A_1162 = arith.index_cast %mul3A_1161 : i32 to index
      %get3A_1163 = tpu.vector_load %arg5[%get3A_1162] {strides = array<i32>} : memref<32768xf32, #tpu.memory_space<vmem>>, vector<16xf32>,
      %get3A_1164 = vector.shape_cast %get3A_1163 : vector<16xf32> to vector<16xf32>
      %get3A_1165 = arith.index_cast %mul3A_1161 : i32 to index
      %get3A_1166 = tpu.vector_load %arg6[%get3A_1165] {strides = array<i32>} : memref<32768xf32, #tpu.memory_space<vmem>>, vector<16xf32>,
      %get3A_1167 = vector.shape_cast %get3A_1166 : vector<16xf32> to vector<16xf32>
      %sub3A_1168 = arith.subf %get3A_1164, %select_n3A_1011 : vector<16xf32>
      %lt3A_1169 = arith.cmpf olt, %sub3A_1168, %get3A_1167 : vector<16xf32>
      %gt3A_1170 = arith.constant 0.000000e+00 : f32
      %gt3A_1171 = vector.broadcast %gt3A_1170 : f32 to vector<16xf32>
      %gt3A_1172 = arith.cmpf ogt, %sub3A_1168, %gt3A_1171 : vector<16xf32>
      %and3A_1173 = arith.andi %gt3A_1172, %lt3A_1169 : vector<16xi1>
      %jit3A_1174 = arith.constant 1.000000e+00 : f32
      %jit3A_1175 = arith.constant 0.000000e+00 : f32
      %broadcast_in_dim3A_1176 = vector.broadcast %jit3A_1174 : f32 to vector<16xf32>
      %broadcast_in_dim3A_1177 = vector.broadcast %jit3A_1175 : f32 to vector<16xf32>
      %select_n3A_1178 = arith.select %and3A_1173, %broadcast_in_dim3A_1176, %broadcast_in_dim3A_1177 : vector<16xi1>, vector<16xf32>
      %gt3A_1179 = arith.constant 0.000000e+00 : f32
      %gt3A_1180 = vector.broadcast %gt3A_1179 : f32 to vector<16xf32>
      %gt3A_1181 = arith.cmpf ogt, %sub3A_1168, %gt3A_1180 : vector<16xf32>
      %and3A_1182 = arith.andi %gt3A_1181, %lt3A_1169 : vector<16xi1>
      %jit3A_1183 = arith.constant 0.000000e+00 : f32
      %broadcast_in_dim3A_1184 = vector.broadcast %jit3A_1183 : f32 to vector<16xf32>
      %select_n3A_1185 = arith.select %lt3A_1169, %broadcast_in_dim3A_1184, %get3A_1167 : vector<16xi1>, vector<16xf32>
      %select_n3A_1186 = arith.select %and3A_1182, %get3A_1164, %select_n3A_1185 : vector<16xi1>, vector<16xf32>
      %add3A_1187 = arith.addf %scan3A_1118, %select_n3A_1186 : vector<16xf32>
      %add3A_1188 = arith.addf %scan3A_1119, %select_n3A_1178 : vector<16xf32>
      %mul3A_1189 = arith.constant 4 : i32
      %mul3A_1190 = arith.muli %scan3A_1115, %mul3A_1189 : i32
      %add3A_1191 = arith.constant 2 : i32
      %add3A_1192 = arith.addi %mul3A_1190, %add3A_1191 : i32
      %mul3A_1193 = arith.constant 16 : i32
      %mul3A_1194 = arith.muli %add3A_1192, %mul3A_1193 : i32
      %get3A_1195 = arith.index_cast %mul3A_1194 : i32 to index
      %get3A_1196 = tpu.vector_load %arg5[%get3A_1195] {strides = array<i32>} : memref<32768xf32, #tpu.memory_space<vmem>>, vector<16xf32>,
      %get3A_1197 = vector.shape_cast %get3A_1196 : vector<16xf32> to vector<16xf32>
      %get3A_1198 = arith.index_cast %mul3A_1194 : i32 to index
      %get3A_1199 = tpu.vector_load %arg6[%get3A_1198] {strides = array<i32>} : memref<32768xf32, #tpu.memory_space<vmem>>, vector<16xf32>,
      %get3A_1200 = vector.shape_cast %get3A_1199 : vector<16xf32> to vector<16xf32>
      %sub3A_1201 = arith.subf %get3A_1197, %select_n3A_1011 : vector<16xf32>
      %lt3A_1202 = arith.cmpf olt, %sub3A_1201, %get3A_1200 : vector<16xf32>
      %gt3A_1203 = arith.constant 0.000000e+00 : f32
      %gt3A_1204 = vector.broadcast %gt3A_1203 : f32 to vector<16xf32>
      %gt3A_1205 = arith.cmpf ogt, %sub3A_1201, %gt3A_1204 : vector<16xf32>
      %and3A_1206 = arith.andi %gt3A_1205, %lt3A_1202 : vector<16xi1>
      %jit3A_1207 = arith.constant 1.000000e+00 : f32
      %jit3A_1208 = arith.constant 0.000000e+00 : f32
      %broadcast_in_dim3A_1209 = vector.broadcast %jit3A_1207 : f32 to vector<16xf32>
      %broadcast_in_dim3A_1210 = vector.broadcast %jit3A_1208 : f32 to vector<16xf32>
      %select_n3A_1211 = arith.select %and3A_1206, %broadcast_in_dim3A_1209, %broadcast_in_dim3A_1210 : vector<16xi1>, vector<16xf32>
      %gt3A_1212 = arith.constant 0.000000e+00 : f32
      %gt3A_1213 = vector.broadcast %gt3A_1212 : f32 to vector<16xf32>
      %gt3A_1214 = arith.cmpf ogt, %sub3A_1201, %gt3A_1213 : vector<16xf32>
      %and3A_1215 = arith.andi %gt3A_1214, %lt3A_1202 : vector<16xi1>
      %jit3A_1216 = arith.constant 0.000000e+00 : f32
      %broadcast_in_dim3A_1217 = vector.broadcast %jit3A_1216 : f32 to vector<16xf32>
      %select_n3A_1218 = arith.select %lt3A_1202, %broadcast_in_dim3A_1217, %get3A_1200 : vector<16xi1>, vector<16xf32>
      %select_n3A_1219 = arith.select %and3A_1215, %get3A_1197, %select_n3A_1218 : vector<16xi1>, vector<16xf32>
      %add3A_1220 = arith.addf %scan3A_1120, %select_n3A_1219 : vector<16xf32>
      %add3A_1221 = arith.addf %scan3A_1121, %select_n3A_1211 : vector<16xf32>
      %mul3A_1222 = arith.constant 4 : i32
      %mul3A_1223 = arith.muli %scan3A_1115, %mul3A_1222 : i32
      %add3A_1224 = arith.constant 3 : i32
      %add3A_1225 = arith.addi %mul3A_1223, %add3A_1224 : i32
      %mul3A_1226 = arith.constant 16 : i32
      %mul3A_1227 = arith.muli %add3A_1225, %mul3A_1226 : i32
      %get3A_1228 = arith.index_cast %mul3A_1227 : i32 to index
      %get3A_1229 = tpu.vector_load %arg5[%get3A_1228] {strides = array<i32>} : memref<32768xf32, #tpu.memory_space<vmem>>, vector<16xf32>,
      %get3A_1230 = vector.shape_cast %get3A_1229 : vector<16xf32> to vector<16xf32>
      %get3A_1231 = arith.index_cast %mul3A_1227 : i32 to index
      %get3A_1232 = tpu.vector_load %arg6[%get3A_1231] {strides = array<i32>} : memref<32768xf32, #tpu.memory_space<vmem>>, vector<16xf32>,
      %get3A_1233 = vector.shape_cast %get3A_1232 : vector<16xf32> to vector<16xf32>
      %sub3A_1234 = arith.subf %get3A_1230, %select_n3A_1011 : vector<16xf32>
      %lt3A_1235 = arith.cmpf olt, %sub3A_1234, %get3A_1233 : vector<16xf32>
      %gt3A_1236 = arith.constant 0.000000e+00 : f32
      %gt3A_1237 = vector.broadcast %gt3A_1236 : f32 to vector<16xf32>
      %gt3A_1238 = arith.cmpf ogt, %sub3A_1234, %gt3A_1237 : vector<16xf32>
      %and3A_1239 = arith.andi %gt3A_1238, %lt3A_1235 : vector<16xi1>
      %jit3A_1240 = arith.constant 1.000000e+00 : f32
      %jit3A_1241 = arith.constant 0.000000e+00 : f32
      %broadcast_in_dim3A_1242 = vector.broadcast %jit3A_1240 : f32 to vector<16xf32>
      %broadcast_in_dim3A_1243 = vector.broadcast %jit3A_1241 : f32 to vector<16xf32>
      %select_n3A_1244 = arith.select %and3A_1239, %broadcast_in_dim3A_1242, %broadcast_in_dim3A_1243 : vector<16xi1>, vector<16xf32>
      %gt3A_1245 = arith.constant 0.000000e+00 : f32
      %gt3A_1246 = vector.broadcast %gt3A_1245 : f32 to vector<16xf32>
      %gt3A_1247 = arith.cmpf ogt, %sub3A_1234, %gt3A_1246 : vector<16xf32>
      %and3A_1248 = arith.andi %gt3A_1247, %lt3A_1235 : vector<16xi1>
      %jit3A_1249 = arith.constant 0.000000e+00 : f32
      %broadcast_in_dim3A_1250 = vector.broadcast %jit3A_1249 : f32 to vector<16xf32>
      %select_n3A_1251 = arith.select %lt3A_1235, %broadcast_in_dim3A_1250, %get3A_1233 : vector<16xi1>, vector<16xf32>
      %select_n3A_1252 = arith.select %and3A_1248, %get3A_1230, %select_n3A_1251 : vector<16xi1>, vector<16xf32>
      %add3A_1253 = arith.addf %scan3A_1122, %select_n3A_1252 : vector<16xf32>
      %add3A_1254 = arith.addf %scan3A_1123, %select_n3A_1244 : vector<16xf32>
      %scan3A_1255 = arith.constant 1 : i32
      %scan3A_1256 = arith.addi %scan3A_1115, %scan3A_1255 : i32
      %mul3A_1257 = arith.constant 4 : i32
      %mul3A_1258 = arith.muli %scan3A_1256, %mul3A_1257 : i32
      %add3A_1259 = arith.constant 0 : i32
      %add3A_1260 = arith.addi %mul3A_1258, %add3A_1259 : i32
      %mul3A_1261 = arith.constant 16 : i32
      %mul3A_1262 = arith.muli %add3A_1260, %mul3A_1261 : i32
      %get3A_1263 = arith.index_cast %mul3A_1262 : i32 to index
      %get3A_1264 = tpu.vector_load %arg5[%get3A_1263] {strides = array<i32>} : memref<32768xf32, #tpu.memory_space<vmem>>, vector<16xf32>,
      %get3A_1265 = vector.shape_cast %get3A_1264 : vector<16xf32> to vector<16xf32>
      %get3A_1266 = arith.index_cast %mul3A_1262 : i32 to index
      %get3A_1267 = tpu.vector_load %arg6[%get3A_1266] {strides = array<i32>} : memref<32768xf32, #tpu.memory_space<vmem>>, vector<16xf32>,
      %get3A_1268 = vector.shape_cast %get3A_1267 : vector<16xf32> to vector<16xf32>
      %sub3A_1269 = arith.subf %get3A_1265, %select_n3A_1011 : vector<16xf32>
      %lt3A_1270 = arith.cmpf olt, %sub3A_1269, %get3A_1268 : vector<16xf32>
      %gt3A_1271 = arith.constant 0.000000e+00 : f32
      %gt3A_1272 = vector.broadcast %gt3A_1271 : f32 to vector<16xf32>
      %gt3A_1273 = arith.cmpf ogt, %sub3A_1269, %gt3A_1272 : vector<16xf32>
      %and3A_1274 = arith.andi %gt3A_1273, %lt3A_1270 : vector<16xi1>
      %jit3A_1275 = arith.constant 1.000000e+00 : f32
      %jit3A_1276 = arith.constant 0.000000e+00 : f32
      %broadcast_in_dim3A_1277 = vector.broadcast %jit3A_1275 : f32 to vector<16xf32>
      %broadcast_in_dim3A_1278 = vector.broadcast %jit3A_1276 : f32 to vector<16xf32>
      %select_n3A_1279 = arith.select %and3A_1274, %broadcast_in_dim3A_1277, %broadcast_in_dim3A_1278 : vector<16xi1>, vector<16xf32>
      %gt3A_1280 = arith.constant 0.000000e+00 : f32
      %gt3A_1281 = vector.broadcast %gt3A_1280 : f32 to vector<16xf32>
      %gt3A_1282 = arith.cmpf ogt, %sub3A_1269, %gt3A_1281 : vector<16xf32>
      %and3A_1283 = arith.andi %gt3A_1282, %lt3A_1270 : vector<16xi1>
      %jit3A_1284 = arith.constant 0.000000e+00 : f32
      %broadcast_in_dim3A_1285 = vector.broadcast %jit3A_1284 : f32 to vector<16xf32>
      %select_n3A_1286 = arith.select %lt3A_1270, %broadcast_in_dim3A_1285, %get3A_1268 : vector<16xi1>, vector<16xf32>
      %select_n3A_1287 = arith.select %and3A_1283, %get3A_1265, %select_n3A_1286 : vector<16xi1>, vector<16xf32>
      %add3A_1288 = arith.addf %add3A_1154, %select_n3A_1287 : vector<16xf32>
      %add3A_1289 = arith.addf %add3A_1155, %select_n3A_1279 : vector<16xf32>
      %mul3A_1290 = arith.constant 4 : i32
      %mul3A_1291 = arith.muli %scan3A_1256, %mul3A_1290 : i32
      %add3A_1292 = arith.constant 1 : i32
      %add3A_1293 = arith.addi %mul3A_1291, %add3A_1292 : i32
      %mul3A_1294 = arith.constant 16 : i32
      %mul3A_1295 = arith.muli %add3A_1293, %mul3A_1294 : i32
      %get3A_1296 = arith.index_cast %mul3A_1295 : i32 to index
      %get3A_1297 = tpu.vector_load %arg5[%get3A_1296] {strides = array<i32>} : memref<32768xf32, #tpu.memory_space<vmem>>, vector<16xf32>,
      %get3A_1298 = vector.shape_cast %get3A_1297 : vector<16xf32> to vector<16xf32>
      %get3A_1299 = arith.index_cast %mul3A_1295 : i32 to index
      %get3A_1300 = tpu.vector_load %arg6[%get3A_1299] {strides = array<i32>} : memref<32768xf32, #tpu.memory_space<vmem>>, vector<16xf32>,
      %get3A_1301 = vector.shape_cast %get3A_1300 : vector<16xf32> to vector<16xf32>
      %sub3A_1302 = arith.subf %get3A_1298, %select_n3A_1011 : vector<16xf32>
      %lt3A_1303 = arith.cmpf olt, %sub3A_1302, %get3A_1301 : vector<16xf32>
      %gt3A_1304 = arith.constant 0.000000e+00 : f32
      %gt3A_1305 = vector.broadcast %gt3A_1304 : f32 to vector<16xf32>
      %gt3A_1306 = arith.cmpf ogt, %sub3A_1302, %gt3A_1305 : vector<16xf32>
      %and3A_1307 = arith.andi %gt3A_1306, %lt3A_1303 : vector<16xi1>
      %jit3A_1308 = arith.constant 1.000000e+00 : f32
      %jit3A_1309 = arith.constant 0.000000e+00 : f32
      %broadcast_in_dim3A_1310 = vector.broadcast %jit3A_1308 : f32 to vector<16xf32>
      %broadcast_in_dim3A_1311 = vector.broadcast %jit3A_1309 : f32 to vector<16xf32>
      %select_n3A_1312 = arith.select %and3A_1307, %broadcast_in_dim3A_1310, %broadcast_in_dim3A_1311 : vector<16xi1>, vector<16xf32>
      %gt3A_1313 = arith.constant 0.000000e+00 : f32
      %gt3A_1314 = vector.broadcast %gt3A_1313 : f32 to vector<16xf32>
      %gt3A_1315 = arith.cmpf ogt, %sub3A_1302, %gt3A_1314 : vector<16xf32>
      %and3A_1316 = arith.andi %gt3A_1315, %lt3A_1303 : vector<16xi1>
      %jit3A_1317 = arith.constant 0.000000e+00 : f32
      %broadcast_in_dim3A_1318 = vector.broadcast %jit3A_1317 : f32 to vector<16xf32>
      %select_n3A_1319 = arith.select %lt3A_1303, %broadcast_in_dim3A_1318, %get3A_1301 : vector<16xi1>, vector<16xf32>
      %select_n3A_1320 = arith.select %and3A_1316, %get3A_1298, %select_n3A_1319 : vector<16xi1>, vector<16xf32>
      %add3A_1321 = arith.addf %add3A_1187, %select_n3A_1320 : vector<16xf32>
      %add3A_1322 = arith.addf %add3A_1188, %select_n3A_1312 : vector<16xf32>
      %mul3A_1323 = arith.constant 4 : i32
      %mul3A_1324 = arith.muli %scan3A_1256, %mul3A_1323 : i32
      %add3A_1325 = arith.constant 2 : i32
      %add3A_1326 = arith.addi %mul3A_1324, %add3A_1325 : i32
      %mul3A_1327 = arith.constant 16 : i32
      %mul3A_1328 = arith.muli %add3A_1326, %mul3A_1327 : i32
      %get3A_1329 = arith.index_cast %mul3A_1328 : i32 to index
      %get3A_1330 = tpu.vector_load %arg5[%get3A_1329] {strides = array<i32>} : memref<32768xf32, #tpu.memory_space<vmem>>, vector<16xf32>,
      %get3A_1331 = vector.shape_cast %get3A_1330 : vector<16xf32> to vector<16xf32>
      %get3A_1332 = arith.index_cast %mul3A_1328 : i32 to index
      %get3A_1333 = tpu.vector_load %arg6[%get3A_1332] {strides = array<i32>} : memref<32768xf32, #tpu.memory_space<vmem>>, vector<16xf32>,
      %get3A_1334 = vector.shape_cast %get3A_1333 : vector<16xf32> to vector<16xf32>
      %sub3A_1335 = arith.subf %get3A_1331, %select_n3A_1011 : vector<16xf32>
      %lt3A_1336 = arith.cmpf olt, %sub3A_1335, %get3A_1334 : vector<16xf32>
      %gt3A_1337 = arith.constant 0.000000e+00 : f32
      %gt3A_1338 = vector.broadcast %gt3A_1337 : f32 to vector<16xf32>
      %gt3A_1339 = arith.cmpf ogt, %sub3A_1335, %gt3A_1338 : vector<16xf32>
      %and3A_1340 = arith.andi %gt3A_1339, %lt3A_1336 : vector<16xi1>
      %jit3A_1341 = arith.constant 1.000000e+00 : f32
      %jit3A_1342 = arith.constant 0.000000e+00 : f32
      %broadcast_in_dim3A_1343 = vector.broadcast %jit3A_1341 : f32 to vector<16xf32>
      %broadcast_in_dim3A_1344 = vector.broadcast %jit3A_1342 : f32 to vector<16xf32>
      %select_n3A_1345 = arith.select %and3A_1340, %broadcast_in_dim3A_1343, %broadcast_in_dim3A_1344 : vector<16xi1>, vector<16xf32>
      %gt3A_1346 = arith.constant 0.000000e+00 : f32
      %gt3A_1347 = vector.broadcast %gt3A_1346 : f32 to vector<16xf32>
      %gt3A_1348 = arith.cmpf ogt, %sub3A_1335, %gt3A_1347 : vector<16xf32>
      %and3A_1349 = arith.andi %gt3A_1348, %lt3A_1336 : vector<16xi1>
      %jit3A_1350 = arith.constant 0.000000e+00 : f32
      %broadcast_in_dim3A_1351 = vector.broadcast %jit3A_1350 : f32 to vector<16xf32>
      %select_n3A_1352 = arith.select %lt3A_1336, %broadcast_in_dim3A_1351, %get3A_1334 : vector<16xi1>, vector<16xf32>
      %select_n3A_1353 = arith.select %and3A_1349, %get3A_1331, %select_n3A_1352 : vector<16xi1>, vector<16xf32>
      %add3A_1354 = arith.addf %add3A_1220, %select_n3A_1353 : vector<16xf32>
      %add3A_1355 = arith.addf %add3A_1221, %select_n3A_1345 : vector<16xf32>
      %mul3A_1356 = arith.constant 4 : i32
      %mul3A_1357 = arith.muli %scan3A_1256, %mul3A_1356 : i32
      %add3A_1358 = arith.constant 3 : i32
      %add3A_1359 = arith.addi %mul3A_1357, %add3A_1358 : i32
      %mul3A_1360 = arith.constant 16 : i32
      %mul3A_1361 = arith.muli %add3A_1359, %mul3A_1360 : i32
      %get3A_1362 = arith.index_cast %mul3A_1361 : i32 to index
      %get3A_1363 = tpu.vector_load %arg5[%get3A_1362] {strides = array<i32>} : memref<32768xf32, #tpu.memory_space<vmem>>, vector<16xf32>,
      %get3A_1364 = vector.shape_cast %get3A_1363 : vector<16xf32> to vector<16xf32>
      %get3A_1365 = arith.index_cast %mul3A_1361 : i32 to index
      %get3A_1366 = tpu.vector_load %arg6[%get3A_1365] {strides = array<i32>} : memref<32768xf32, #tpu.memory_space<vmem>>, vector<16xf32>,
      %get3A_1367 = vector.shape_cast %get3A_1366 : vector<16xf32> to vector<16xf32>
      %sub3A_1368 = arith.subf %get3A_1364, %select_n3A_1011 : vector<16xf32>
      %lt3A_1369 = arith.cmpf olt, %sub3A_1368, %get3A_1367 : vector<16xf32>
      %gt3A_1370 = arith.constant 0.000000e+00 : f32
      %gt3A_1371 = vector.broadcast %gt3A_1370 : f32 to vector<16xf32>
      %gt3A_1372 = arith.cmpf ogt, %sub3A_1368, %gt3A_1371 : vector<16xf32>
      %and3A_1373 = arith.andi %gt3A_1372, %lt3A_1369 : vector<16xi1>
      %jit3A_1374 = arith.constant 1.000000e+00 : f32
      %jit3A_1375 = arith.constant 0.000000e+00 : f32
      %broadcast_in_dim3A_1376 = vector.broadcast %jit3A_1374 : f32 to vector<16xf32>
      %broadcast_in_dim3A_1377 = vector.broadcast %jit3A_1375 : f32 to vector<16xf32>
      %select_n3A_1378 = arith.select %and3A_1373, %broadcast_in_dim3A_1376, %broadcast_in_dim3A_1377 : vector<16xi1>, vector<16xf32>
      %gt3A_1379 = arith.constant 0.000000e+00 : f32
      %gt3A_1380 = vector.broadcast %gt3A_1379 : f32 to vector<16xf32>
      %gt3A_1381 = arith.cmpf ogt, %sub3A_1368, %gt3A_1380 : vector<16xf32>
      %and3A_1382 = arith.andi %gt3A_1381, %lt3A_1369 : vector<16xi1>
      %jit3A_1383 = arith.constant 0.000000e+00 : f32
      %broadcast_in_dim3A_1384 = vector.broadcast %jit3A_1383 : f32 to vector<16xf32>
      %select_n3A_1385 = arith.select %lt3A_1369, %broadcast_in_dim3A_1384, %get3A_1367 : vector<16xi1>, vector<16xf32>
      %select_n3A_1386 = arith.select %and3A_1382, %get3A_1364, %select_n3A_1385 : vector<16xi1>, vector<16xf32>
      %add3A_1387 = arith.addf %add3A_1253, %select_n3A_1386 : vector<16xf32>
      %add3A_1388 = arith.addf %add3A_1254, %select_n3A_1378 : vector<16xf32>
      scf.yield %add3A_1288, %add3A_1289, %add3A_1321, %add3A_1322, %add3A_1354, %add3A_1355, %add3A_1387, %add3A_1388 : vector<16xf32>, vector<16xf32>, vector<16xf32>, vector<16xf32>, vector<16xf32>, vector<16xf32>, vector<16xf32>, vector<16xf32>
    }
    %scan3A_1021 = arith.constant 512 : i32
    %add3A_1022 = arith.addf %scan3A_1020#0, %scan3A_1020#2 : vector<16xf32>
    %add3A_1023 = arith.addf %scan3A_1020#4, %scan3A_1020#6 : vector<16xf32>
    %add3A_1024 = arith.addf %add3A_1022, %add3A_1023 : vector<16xf32>
    %add3A_1025 = arith.addf %scan3A_1020#1, %scan3A_1020#3 : vector<16xf32>
    %add3A_1026 = arith.addf %scan3A_1020#5, %scan3A_1020#7 : vector<16xf32>
    %add3A_1027 = arith.addf %add3A_1025, %add3A_1026 : vector<16xf32>
    %iota3A_1028 = tpu.iota {dimensions = array<i32: 0>} : vector<16xi32>
    %xor3A_1029 = arith.constant 8 : i32
    %xor3A_1030 = vector.broadcast %xor3A_1029 : i32 to vector<16xi32>
    %xor3A_1031 = arith.xori %iota3A_1028, %xor3A_1030 : vector<16xi32>
    %broadcast_in_dim3A_1032 = vector.shape_cast %xor3A_1031 : vector<16xi32> to vector<16x1xi32>
    %gather3A_1033 = vector.shape_cast %broadcast_in_dim3A_1032 : vector<16x1xi32> to vector<16xi32>
    %gather3A_1034 = tpu.dynamic_gather %add3A_1024[%gather3A_1033] in [0] : vector<16xf32>, vector<16xi32> -> vector<16xf32>
    %add3A_1035 = arith.addf %add3A_1024, %gather3A_1034 : vector<16xf32>
    %xor3A_1036 = arith.constant 4 : i32
    %xor3A_1037 = vector.broadcast %xor3A_1036 : i32 to vector<16xi32>
    %xor3A_1038 = arith.xori %iota3A_1028, %xor3A_1037 : vector<16xi32>
    %broadcast_in_dim3A_1039 = vector.shape_cast %xor3A_1038 : vector<16xi32> to vector<16x1xi32>
    %gather3A_1040 = vector.shape_cast %broadcast_in_dim3A_1039 : vector<16x1xi32> to vector<16xi32>
    %gather3A_1041 = tpu.dynamic_gather %add3A_1035[%gather3A_1040] in [0] : vector<16xf32>, vector<16xi32> -> vector<16xf32>
    %add3A_1042 = arith.addf %add3A_1035, %gather3A_1041 : vector<16xf32>
    %xor3A_1043 = arith.constant 2 : i32
    %xor3A_1044 = vector.broadcast %xor3A_1043 : i32 to vector<16xi32>
    %xor3A_1045 = arith.xori %iota3A_1028, %xor3A_1044 : vector<16xi32>
    %broadcast_in_dim3A_1046 = vector.shape_cast %xor3A_1045 : vector<16xi32> to vector<16x1xi32>
    %gather3A_1047 = vector.shape_cast %broadcast_in_dim3A_1046 : vector<16x1xi32> to vector<16xi32>
    %gather3A_1048 = tpu.dynamic_gather %add3A_1042[%gather3A_1047] in [0] : vector<16xf32>, vector<16xi32> -> vector<16xf32>
    %add3A_1049 = arith.addf %add3A_1042, %gather3A_1048 : vector<16xf32>
    %xor3A_1050 = arith.constant 1 : i32
    %xor3A_1051 = vector.broadcast %xor3A_1050 : i32 to vector<16xi32>
    %xor3A_1052 = arith.xori %iota3A_1028, %xor3A_1051 : vector<16xi32>
    %broadcast_in_dim3A_1053 = vector.shape_cast %xor3A_1052 : vector<16xi32> to vector<16x1xi32>
    %gather3A_1054 = vector.shape_cast %broadcast_in_dim3A_1053 : vector<16x1xi32> to vector<16xi32>
    %gather3A_1055 = tpu.dynamic_gather %add3A_1049[%gather3A_1054] in [0] : vector<16xf32>, vector<16xi32> -> vector<16xf32>
    %add3A_1056 = arith.addf %add3A_1049, %gather3A_1055 : vector<16xf32>
    %iota3A_1057 = tpu.iota {dimensions = array<i32: 0>} : vector<16xi32>
    %xor3A_1058 = arith.constant 8 : i32
    %xor3A_1059 = vector.broadcast %xor3A_1058 : i32 to vector<16xi32>
    %xor3A_1060 = arith.xori %iota3A_1057, %xor3A_1059 : vector<16xi32>
    %broadcast_in_dim3A_1061 = vector.shape_cast %xor3A_1060 : vector<16xi32> to vector<16x1xi32>
    %gather3A_1062 = vector.shape_cast %broadcast_in_dim3A_1061 : vector<16x1xi32> to vector<16xi32>
    %gather3A_1063 = tpu.dynamic_gather %add3A_1027[%gather3A_1062] in [0] : vector<16xf32>, vector<16xi32> -> vector<16xf32>
    %add3A_1064 = arith.addf %add3A_1027, %gather3A_1063 : vector<16xf32>
    %xor3A_1065 = arith.constant 4 : i32
    %xor3A_1066 = vector.broadcast %xor3A_1065 : i32 to vector<16xi32>
    %xor3A_1067 = arith.xori %iota3A_1057, %xor3A_1066 : vector<16xi32>
    %broadcast_in_dim3A_1068 = vector.shape_cast %xor3A_1067 : vector<16xi32> to vector<16x1xi32>
    %gather3A_1069 = vector.shape_cast %broadcast_in_dim3A_1068 : vector<16x1xi32> to vector<16xi32>
    %gather3A_1070 = tpu.dynamic_gather %add3A_1064[%gather3A_1069] in [0] : vector<16xf32>, vector<16xi32> -> vector<16xf32>
    %add3A_1071 = arith.addf %add3A_1064, %gather3A_1070 : vector<16xf32>
    %xor3A_1072 = arith.constant 2 : i32
    %xor3A_1073 = vector.broadcast %xor3A_1072 : i32 to vector<16xi32>
    %xor3A_1074 = arith.xori %iota3A_1057, %xor3A_1073 : vector<16xi32>
    %broadcast_in_dim3A_1075 = vector.shape_cast %xor3A_1074 : vector<16xi32> to vector<16x1xi32>
    %gather3A_1076 = vector.shape_cast %broadcast_in_dim3A_1075 : vector<16x1xi32> to vector<16xi32>
    %gather3A_1077 = tpu.dynamic_gather %add3A_1071[%gather3A_1076] in [0] : vector<16xf32>, vector<16xi32> -> vector<16xf32>
    %add3A_1078 = arith.addf %add3A_1071, %gather3A_1077 : vector<16xf32>
    %xor3A_1079 = arith.constant 1 : i32
    %xor3A_1080 = vector.broadcast %xor3A_1079 : i32 to vector<16xi32>
    %xor3A_1081 = arith.xori %iota3A_1057, %xor3A_1080 : vector<16xi32>
    %broadcast_in_dim3A_1082 = vector.shape_cast %xor3A_1081 : vector<16xi32> to vector<16x1xi32>
    %gather3A_1083 = vector.shape_cast %broadcast_in_dim3A_1082 : vector<16x1xi32> to vector<16xi32>
    %gather3A_1084 = tpu.dynamic_gather %add3A_1078[%gather3A_1083] in [0] : vector<16xf32>, vector<16xi32> -> vector<16xf32>
    %add3A_1085 = arith.addf %add3A_1078, %gather3A_1084 : vector<16xf32>
    %sub3A_1086 = arith.constant 1.000000e+00 : f32
    %sub3A_1087 = vector.broadcast %sub3A_1086 : f32 to vector<16xf32>
    %sub3A_1088 = arith.subf %add3A_1056, %sub3A_1087 : vector<16xf32>
    %max3A_1089 = arith.constant 1.000000e+00 : f32
    %max3A_1090 = vector.broadcast %max3A_1089 : f32 to vector<16xf32>
    %max3A_1091 = arith.maximumf %add3A_1085, %max3A_1090 : vector<16xf32>
    %div3A_1092 = arith.divf %sub3A_1088, %max3A_1091 : vector<16xf32>
    %gt3A_1093 = arith.constant 0.000000e+00 : f32
    %gt3A_1094 = vector.broadcast %gt3A_1093 : f32 to vector<16xf32>
    %gt3A_1095 = arith.cmpf ogt, %add3A_1085, %gt3A_1094 : vector<16xf32>
    %select_n3A_1096 = arith.select %gt3A_1095, %div3A_1092, %select_n3A_1011 : vector<16xi1>, vector<16xf32>
    %scan3A_1097 = arith.constant 0 : i32
    %scan3A_1098 = arith.constant 0 : i32
    %scan3A_1099 = arith.constant 2048 : i32
    %scan3A_1100 = arith.addi %scan3A_1098, %scan3A_1099 : i32
    %scan3A_1101 = arith.constant 8 : i32
    scf.for %scan3A_1115 = %scan3A_1098 to %scan3A_1100 step %scan3A_1101  : i32 {
      %mul3A_1116 = arith.constant 16 : i32
      %mul3A_1117 = arith.muli %scan3A_1115, %mul3A_1116 : i32
      %get3A = arith.index_cast %mul3A_1117 : i32 to index
      %get3A_1118 = tpu.vector_load %arg5[%get3A] {strides = array<i32>} : memref<32768xf32, #tpu.memory_space<vmem>>, vector<16xf32>,
      %get3A_1119 = vector.shape_cast %get3A_1118 : vector<16xf32> to vector<16xf32>
      %mul3A_1120 = arith.constant 16 : i32
      %mul3A_1121 = arith.muli %scan3A_1115, %mul3A_1120 : i32
      %get3A_1122 = arith.index_cast %mul3A_1121 : i32 to index
      %get3A_1123 = tpu.vector_load %arg6[%get3A_1122] {strides = array<i32>} : memref<32768xf32, #tpu.memory_space<vmem>>, vector<16xf32>,
      %get3A_1124 = vector.shape_cast %get3A_1123 : vector<16xf32> to vector<16xf32>
      %sub3A_1125 = arith.subf %get3A_1119, %select_n3A_1011 : vector<16xf32>
      %lt3A_1126 = arith.cmpf olt, %sub3A_1125, %get3A_1124 : vector<16xf32>
      %gt3A_1127 = arith.constant 0.000000e+00 : f32
      %gt3A_1128 = vector.broadcast %gt3A_1127 : f32 to vector<16xf32>
      %gt3A_1129 = arith.cmpf ogt, %sub3A_1125, %gt3A_1128 : vector<16xf32>
      %and3A_1130 = arith.andi %gt3A_1129, %lt3A_1126 : vector<16xi1>
      %sub3A_1131 = arith.subf %get3A_1119, %select_n3A_1096 : vector<16xf32>
      %jit3A_1132 = arith.constant 0.000000e+00 : f32
      %broadcast_in_dim3A_1133 = vector.broadcast %jit3A_1132 : f32 to vector<16xf32>
      %select_n3A_1134 = arith.select %lt3A_1126, %broadcast_in_dim3A_1133, %get3A_1124 : vector<16xi1>, vector<16xf32>
      %select_n3A_1135 = arith.select %and3A_1130, %sub3A_1131, %select_n3A_1134 : vector<16xi1>, vector<16xf32>
      %mul3A_1136 = arith.constant 16 : i32
      %mul3A_1137 = arith.muli %scan3A_1115, %mul3A_1136 : i32
      %swap3A = arith.index_cast %mul3A_1137 : i32 to index
      %swap3A_1138 = tpu.vector_load %arg7[%swap3A] {strides = array<i32>} : memref<32768xf32, #tpu.memory_space<vmem>>, vector<16xf32>,
      %swap3A_1139 = vector.shape_cast %swap3A_1138 : vector<16xf32> to vector<16xf32>
      %swap3A_1140 = vector.shape_cast %select_n3A_1135 : vector<16xf32> to vector<16xf32>
      tpu.vector_store %arg7[%swap3A], %swap3A_1140 {strides = array<i32>} : memref<32768xf32, #tpu.memory_space<vmem>>, vector<16xf32>,
      %scan3A_1141 = arith.constant 1 : i32
      %scan3A_1142 = arith.addi %scan3A_1115, %scan3A_1141 : i32
      %mul3A_1143 = arith.constant 16 : i32
      %mul3A_1144 = arith.muli %scan3A_1142, %mul3A_1143 : i32
      %get3A_1145 = arith.index_cast %mul3A_1144 : i32 to index
      %get3A_1146 = tpu.vector_load %arg5[%get3A_1145] {strides = array<i32>} : memref<32768xf32, #tpu.memory_space<vmem>>, vector<16xf32>,
      %get3A_1147 = vector.shape_cast %get3A_1146 : vector<16xf32> to vector<16xf32>
      %mul3A_1148 = arith.constant 16 : i32
      %mul3A_1149 = arith.muli %scan3A_1142, %mul3A_1148 : i32
      %get3A_1150 = arith.index_cast %mul3A_1149 : i32 to index
      %get3A_1151 = tpu.vector_load %arg6[%get3A_1150] {strides = array<i32>} : memref<32768xf32, #tpu.memory_space<vmem>>, vector<16xf32>,
      %get3A_1152 = vector.shape_cast %get3A_1151 : vector<16xf32> to vector<16xf32>
      %sub3A_1153 = arith.subf %get3A_1147, %select_n3A_1011 : vector<16xf32>
      %lt3A_1154 = arith.cmpf olt, %sub3A_1153, %get3A_1152 : vector<16xf32>
      %gt3A_1155 = arith.constant 0.000000e+00 : f32
      %gt3A_1156 = vector.broadcast %gt3A_1155 : f32 to vector<16xf32>
      %gt3A_1157 = arith.cmpf ogt, %sub3A_1153, %gt3A_1156 : vector<16xf32>
      %and3A_1158 = arith.andi %gt3A_1157, %lt3A_1154 : vector<16xi1>
      %sub3A_1159 = arith.subf %get3A_1147, %select_n3A_1096 : vector<16xf32>
      %jit3A_1160 = arith.constant 0.000000e+00 : f32
      %broadcast_in_dim3A_1161 = vector.broadcast %jit3A_1160 : f32 to vector<16xf32>
      %select_n3A_1162 = arith.select %lt3A_1154, %broadcast_in_dim3A_1161, %get3A_1152 : vector<16xi1>, vector<16xf32>
      %select_n3A_1163 = arith.select %and3A_1158, %sub3A_1159, %select_n3A_1162 : vector<16xi1>, vector<16xf32>
      %mul3A_1164 = arith.constant 16 : i32
      %mul3A_1165 = arith.muli %scan3A_1142, %mul3A_1164 : i32
      %swap3A_1166 = arith.index_cast %mul3A_1165 : i32 to index
      %swap3A_1167 = tpu.vector_load %arg7[%swap3A_1166] {strides = array<i32>} : memref<32768xf32, #tpu.memory_space<vmem>>, vector<16xf32>,
      %swap3A_1168 = vector.shape_cast %swap3A_1167 : vector<16xf32> to vector<16xf32>
      %swap3A_1169 = vector.shape_cast %select_n3A_1163 : vector<16xf32> to vector<16xf32>
      tpu.vector_store %arg7[%swap3A_1166], %swap3A_1169 {strides = array<i32>} : memref<32768xf32, #tpu.memory_space<vmem>>, vector<16xf32>,
      %scan3A_1170 = arith.constant 2 : i32
      %scan3A_1171 = arith.addi %scan3A_1115, %scan3A_1170 : i32
      %mul3A_1172 = arith.constant 16 : i32
      %mul3A_1173 = arith.muli %scan3A_1171, %mul3A_1172 : i32
      %get3A_1174 = arith.index_cast %mul3A_1173 : i32 to index
      %get3A_1175 = tpu.vector_load %arg5[%get3A_1174] {strides = array<i32>} : memref<32768xf32, #tpu.memory_space<vmem>>, vector<16xf32>,
      %get3A_1176 = vector.shape_cast %get3A_1175 : vector<16xf32> to vector<16xf32>
      %mul3A_1177 = arith.constant 16 : i32
      %mul3A_1178 = arith.muli %scan3A_1171, %mul3A_1177 : i32
      %get3A_1179 = arith.index_cast %mul3A_1178 : i32 to index
      %get3A_1180 = tpu.vector_load %arg6[%get3A_1179] {strides = array<i32>} : memref<32768xf32, #tpu.memory_space<vmem>>, vector<16xf32>,
      %get3A_1181 = vector.shape_cast %get3A_1180 : vector<16xf32> to vector<16xf32>
      %sub3A_1182 = arith.subf %get3A_1176, %select_n3A_1011 : vector<16xf32>
      %lt3A_1183 = arith.cmpf olt, %sub3A_1182, %get3A_1181 : vector<16xf32>
      %gt3A_1184 = arith.constant 0.000000e+00 : f32
      %gt3A_1185 = vector.broadcast %gt3A_1184 : f32 to vector<16xf32>
      %gt3A_1186 = arith.cmpf ogt, %sub3A_1182, %gt3A_1185 : vector<16xf32>
      %and3A_1187 = arith.andi %gt3A_1186, %lt3A_1183 : vector<16xi1>
      %sub3A_1188 = arith.subf %get3A_1176, %select_n3A_1096 : vector<16xf32>
      %jit3A_1189 = arith.constant 0.000000e+00 : f32
      %broadcast_in_dim3A_1190 = vector.broadcast %jit3A_1189 : f32 to vector<16xf32>
      %select_n3A_1191 = arith.select %lt3A_1183, %broadcast_in_dim3A_1190, %get3A_1181 : vector<16xi1>, vector<16xf32>
      %select_n3A_1192 = arith.select %and3A_1187, %sub3A_1188, %select_n3A_1191 : vector<16xi1>, vector<16xf32>
      %mul3A_1193 = arith.constant 16 : i32
      %mul3A_1194 = arith.muli %scan3A_1171, %mul3A_1193 : i32
      %swap3A_1195 = arith.index_cast %mul3A_1194 : i32 to index
      %swap3A_1196 = tpu.vector_load %arg7[%swap3A_1195] {strides = array<i32>} : memref<32768xf32, #tpu.memory_space<vmem>>, vector<16xf32>,
      %swap3A_1197 = vector.shape_cast %swap3A_1196 : vector<16xf32> to vector<16xf32>
      %swap3A_1198 = vector.shape_cast %select_n3A_1192 : vector<16xf32> to vector<16xf32>
      tpu.vector_store %arg7[%swap3A_1195], %swap3A_1198 {strides = array<i32>} : memref<32768xf32, #tpu.memory_space<vmem>>, vector<16xf32>,
      %scan3A_1199 = arith.constant 3 : i32
      %scan3A_1200 = arith.addi %scan3A_1115, %scan3A_1199 : i32
      %mul3A_1201 = arith.constant 16 : i32
      %mul3A_1202 = arith.muli %scan3A_1200, %mul3A_1201 : i32
      %get3A_1203 = arith.index_cast %mul3A_1202 : i32 to index
      %get3A_1204 = tpu.vector_load %arg5[%get3A_1203] {strides = array<i32>} : memref<32768xf32, #tpu.memory_space<vmem>>, vector<16xf32>,
      %get3A_1205 = vector.shape_cast %get3A_1204 : vector<16xf32> to vector<16xf32>
      %mul3A_1206 = arith.constant 16 : i32
      %mul3A_1207 = arith.muli %scan3A_1200, %mul3A_1206 : i32
      %get3A_1208 = arith.index_cast %mul3A_1207 : i32 to index
      %get3A_1209 = tpu.vector_load %arg6[%get3A_1208] {strides = array<i32>} : memref<32768xf32, #tpu.memory_space<vmem>>, vector<16xf32>,
      %get3A_1210 = vector.shape_cast %get3A_1209 : vector<16xf32> to vector<16xf32>
      %sub3A_1211 = arith.subf %get3A_1205, %select_n3A_1011 : vector<16xf32>
      %lt3A_1212 = arith.cmpf olt, %sub3A_1211, %get3A_1210 : vector<16xf32>
      %gt3A_1213 = arith.constant 0.000000e+00 : f32
      %gt3A_1214 = vector.broadcast %gt3A_1213 : f32 to vector<16xf32>
      %gt3A_1215 = arith.cmpf ogt, %sub3A_1211, %gt3A_1214 : vector<16xf32>
      %and3A_1216 = arith.andi %gt3A_1215, %lt3A_1212 : vector<16xi1>
      %sub3A_1217 = arith.subf %get3A_1205, %select_n3A_1096 : vector<16xf32>
      %jit3A_1218 = arith.constant 0.000000e+00 : f32
      %broadcast_in_dim3A_1219 = vector.broadcast %jit3A_1218 : f32 to vector<16xf32>
      %select_n3A_1220 = arith.select %lt3A_1212, %broadcast_in_dim3A_1219, %get3A_1210 : vector<16xi1>, vector<16xf32>
      %select_n3A_1221 = arith.select %and3A_1216, %sub3A_1217, %select_n3A_1220 : vector<16xi1>, vector<16xf32>
      %mul3A_1222 = arith.constant 16 : i32
      %mul3A_1223 = arith.muli %scan3A_1200, %mul3A_1222 : i32
      %swap3A_1224 = arith.index_cast %mul3A_1223 : i32 to index
      %swap3A_1225 = tpu.vector_load %arg7[%swap3A_1224] {strides = array<i32>} : memref<32768xf32, #tpu.memory_space<vmem>>, vector<16xf32>,
      %swap3A_1226 = vector.shape_cast %swap3A_1225 : vector<16xf32> to vector<16xf32>
      %swap3A_1227 = vector.shape_cast %select_n3A_1221 : vector<16xf32> to vector<16xf32>
      tpu.vector_store %arg7[%swap3A_1224], %swap3A_1227 {strides = array<i32>} : memref<32768xf32, #tpu.memory_space<vmem>>, vector<16xf32>,
      %scan3A_1228 = arith.constant 4 : i32
      %scan3A_1229 = arith.addi %scan3A_1115, %scan3A_1228 : i32
      %mul3A_1230 = arith.constant 16 : i32
      %mul3A_1231 = arith.muli %scan3A_1229, %mul3A_1230 : i32
      %get3A_1232 = arith.index_cast %mul3A_1231 : i32 to index
      %get3A_1233 = tpu.vector_load %arg5[%get3A_1232] {strides = array<i32>} : memref<32768xf32, #tpu.memory_space<vmem>>, vector<16xf32>,
      %get3A_1234 = vector.shape_cast %get3A_1233 : vector<16xf32> to vector<16xf32>
      %mul3A_1235 = arith.constant 16 : i32
      %mul3A_1236 = arith.muli %scan3A_1229, %mul3A_1235 : i32
      %get3A_1237 = arith.index_cast %mul3A_1236 : i32 to index
      %get3A_1238 = tpu.vector_load %arg6[%get3A_1237] {strides = array<i32>} : memref<32768xf32, #tpu.memory_space<vmem>>, vector<16xf32>,
      %get3A_1239 = vector.shape_cast %get3A_1238 : vector<16xf32> to vector<16xf32>
      %sub3A_1240 = arith.subf %get3A_1234, %select_n3A_1011 : vector<16xf32>
      %lt3A_1241 = arith.cmpf olt, %sub3A_1240, %get3A_1239 : vector<16xf32>
      %gt3A_1242 = arith.constant 0.000000e+00 : f32
      %gt3A_1243 = vector.broadcast %gt3A_1242 : f32 to vector<16xf32>
      %gt3A_1244 = arith.cmpf ogt, %sub3A_1240, %gt3A_1243 : vector<16xf32>
      %and3A_1245 = arith.andi %gt3A_1244, %lt3A_1241 : vector<16xi1>
      %sub3A_1246 = arith.subf %get3A_1234, %select_n3A_1096 : vector<16xf32>
      %jit3A_1247 = arith.constant 0.000000e+00 : f32
      %broadcast_in_dim3A_1248 = vector.broadcast %jit3A_1247 : f32 to vector<16xf32>
      %select_n3A_1249 = arith.select %lt3A_1241, %broadcast_in_dim3A_1248, %get3A_1239 : vector<16xi1>, vector<16xf32>
      %select_n3A_1250 = arith.select %and3A_1245, %sub3A_1246, %select_n3A_1249 : vector<16xi1>, vector<16xf32>
      %mul3A_1251 = arith.constant 16 : i32
      %mul3A_1252 = arith.muli %scan3A_1229, %mul3A_1251 : i32
      %swap3A_1253 = arith.index_cast %mul3A_1252 : i32 to index
      %swap3A_1254 = tpu.vector_load %arg7[%swap3A_1253] {strides = array<i32>} : memref<32768xf32, #tpu.memory_space<vmem>>, vector<16xf32>,
      %swap3A_1255 = vector.shape_cast %swap3A_1254 : vector<16xf32> to vector<16xf32>
      %swap3A_1256 = vector.shape_cast %select_n3A_1250 : vector<16xf32> to vector<16xf32>
      tpu.vector_store %arg7[%swap3A_1253], %swap3A_1256 {strides = array<i32>} : memref<32768xf32, #tpu.memory_space<vmem>>, vector<16xf32>,
      %scan3A_1257 = arith.constant 5 : i32
      %scan3A_1258 = arith.addi %scan3A_1115, %scan3A_1257 : i32
      %mul3A_1259 = arith.constant 16 : i32
      %mul3A_1260 = arith.muli %scan3A_1258, %mul3A_1259 : i32
      %get3A_1261 = arith.index_cast %mul3A_1260 : i32 to index
      %get3A_1262 = tpu.vector_load %arg5[%get3A_1261] {strides = array<i32>} : memref<32768xf32, #tpu.memory_space<vmem>>, vector<16xf32>,
      %get3A_1263 = vector.shape_cast %get3A_1262 : vector<16xf32> to vector<16xf32>
      %mul3A_1264 = arith.constant 16 : i32
      %mul3A_1265 = arith.muli %scan3A_1258, %mul3A_1264 : i32
      %get3A_1266 = arith.index_cast %mul3A_1265 : i32 to index
      %get3A_1267 = tpu.vector_load %arg6[%get3A_1266] {strides = array<i32>} : memref<32768xf32, #tpu.memory_space<vmem>>, vector<16xf32>,
      %get3A_1268 = vector.shape_cast %get3A_1267 : vector<16xf32> to vector<16xf32>
      %sub3A_1269 = arith.subf %get3A_1263, %select_n3A_1011 : vector<16xf32>
      %lt3A_1270 = arith.cmpf olt, %sub3A_1269, %get3A_1268 : vector<16xf32>
      %gt3A_1271 = arith.constant 0.000000e+00 : f32
      %gt3A_1272 = vector.broadcast %gt3A_1271 : f32 to vector<16xf32>
      %gt3A_1273 = arith.cmpf ogt, %sub3A_1269, %gt3A_1272 : vector<16xf32>
      %and3A_1274 = arith.andi %gt3A_1273, %lt3A_1270 : vector<16xi1>
      %sub3A_1275 = arith.subf %get3A_1263, %select_n3A_1096 : vector<16xf32>
      %jit3A_1276 = arith.constant 0.000000e+00 : f32
      %broadcast_in_dim3A_1277 = vector.broadcast %jit3A_1276 : f32 to vector<16xf32>
      %select_n3A_1278 = arith.select %lt3A_1270, %broadcast_in_dim3A_1277, %get3A_1268 : vector<16xi1>, vector<16xf32>
      %select_n3A_1279 = arith.select %and3A_1274, %sub3A_1275, %select_n3A_1278 : vector<16xi1>, vector<16xf32>
      %mul3A_1280 = arith.constant 16 : i32
      %mul3A_1281 = arith.muli %scan3A_1258, %mul3A_1280 : i32
      %swap3A_1282 = arith.index_cast %mul3A_1281 : i32 to index
      %swap3A_1283 = tpu.vector_load %arg7[%swap3A_1282] {strides = array<i32>} : memref<32768xf32, #tpu.memory_space<vmem>>, vector<16xf32>,
      %swap3A_1284 = vector.shape_cast %swap3A_1283 : vector<16xf32> to vector<16xf32>
      %swap3A_1285 = vector.shape_cast %select_n3A_1279 : vector<16xf32> to vector<16xf32>
      tpu.vector_store %arg7[%swap3A_1282], %swap3A_1285 {strides = array<i32>} : memref<32768xf32, #tpu.memory_space<vmem>>, vector<16xf32>,
      %scan3A_1286 = arith.constant 6 : i32
      %scan3A_1287 = arith.addi %scan3A_1115, %scan3A_1286 : i32
      %mul3A_1288 = arith.constant 16 : i32
      %mul3A_1289 = arith.muli %scan3A_1287, %mul3A_1288 : i32
      %get3A_1290 = arith.index_cast %mul3A_1289 : i32 to index
      %get3A_1291 = tpu.vector_load %arg5[%get3A_1290] {strides = array<i32>} : memref<32768xf32, #tpu.memory_space<vmem>>, vector<16xf32>,
      %get3A_1292 = vector.shape_cast %get3A_1291 : vector<16xf32> to vector<16xf32>
      %mul3A_1293 = arith.constant 16 : i32
      %mul3A_1294 = arith.muli %scan3A_1287, %mul3A_1293 : i32
      %get3A_1295 = arith.index_cast %mul3A_1294 : i32 to index
      %get3A_1296 = tpu.vector_load %arg6[%get3A_1295] {strides = array<i32>} : memref<32768xf32, #tpu.memory_space<vmem>>, vector<16xf32>,
      %get3A_1297 = vector.shape_cast %get3A_1296 : vector<16xf32> to vector<16xf32>
      %sub3A_1298 = arith.subf %get3A_1292, %select_n3A_1011 : vector<16xf32>
      %lt3A_1299 = arith.cmpf olt, %sub3A_1298, %get3A_1297 : vector<16xf32>
      %gt3A_1300 = arith.constant 0.000000e+00 : f32
      %gt3A_1301 = vector.broadcast %gt3A_1300 : f32 to vector<16xf32>
      %gt3A_1302 = arith.cmpf ogt, %sub3A_1298, %gt3A_1301 : vector<16xf32>
      %and3A_1303 = arith.andi %gt3A_1302, %lt3A_1299 : vector<16xi1>
      %sub3A_1304 = arith.subf %get3A_1292, %select_n3A_1096 : vector<16xf32>
      %jit3A_1305 = arith.constant 0.000000e+00 : f32
      %broadcast_in_dim3A_1306 = vector.broadcast %jit3A_1305 : f32 to vector<16xf32>
      %select_n3A_1307 = arith.select %lt3A_1299, %broadcast_in_dim3A_1306, %get3A_1297 : vector<16xi1>, vector<16xf32>
      %select_n3A_1308 = arith.select %and3A_1303, %sub3A_1304, %select_n3A_1307 : vector<16xi1>, vector<16xf32>
      %mul3A_1309 = arith.constant 16 : i32
      %mul3A_1310 = arith.muli %scan3A_1287, %mul3A_1309 : i32
      %swap3A_1311 = arith.index_cast %mul3A_1310 : i32 to index
      %swap3A_1312 = tpu.vector_load %arg7[%swap3A_1311] {strides = array<i32>} : memref<32768xf32, #tpu.memory_space<vmem>>, vector<16xf32>,
      %swap3A_1313 = vector.shape_cast %swap3A_1312 : vector<16xf32> to vector<16xf32>
      %swap3A_1314 = vector.shape_cast %select_n3A_1308 : vector<16xf32> to vector<16xf32>
      tpu.vector_store %arg7[%swap3A_1311], %swap3A_1314 {strides = array<i32>} : memref<32768xf32, #tpu.memory_space<vmem>>, vector<16xf32>,
      %scan3A_1315 = arith.constant 7 : i32
      %scan3A_1316 = arith.addi %scan3A_1115, %scan3A_1315 : i32
      %mul3A_1317 = arith.constant 16 : i32
      %mul3A_1318 = arith.muli %scan3A_1316, %mul3A_1317 : i32
      %get3A_1319 = arith.index_cast %mul3A_1318 : i32 to index
      %get3A_1320 = tpu.vector_load %arg5[%get3A_1319] {strides = array<i32>} : memref<32768xf32, #tpu.memory_space<vmem>>, vector<16xf32>,
      %get3A_1321 = vector.shape_cast %get3A_1320 : vector<16xf32> to vector<16xf32>
      %mul3A_1322 = arith.constant 16 : i32
      %mul3A_1323 = arith.muli %scan3A_1316, %mul3A_1322 : i32
      %get3A_1324 = arith.index_cast %mul3A_1323 : i32 to index
      %get3A_1325 = tpu.vector_load %arg6[%get3A_1324] {strides = array<i32>} : memref<32768xf32, #tpu.memory_space<vmem>>, vector<16xf32>,
      %get3A_1326 = vector.shape_cast %get3A_1325 : vector<16xf32> to vector<16xf32>
      %sub3A_1327 = arith.subf %get3A_1321, %select_n3A_1011 : vector<16xf32>
      %lt3A_1328 = arith.cmpf olt, %sub3A_1327, %get3A_1326 : vector<16xf32>
      %gt3A_1329 = arith.constant 0.000000e+00 : f32
      %gt3A_1330 = vector.broadcast %gt3A_1329 : f32 to vector<16xf32>
      %gt3A_1331 = arith.cmpf ogt, %sub3A_1327, %gt3A_1330 : vector<16xf32>
      %and3A_1332 = arith.andi %gt3A_1331, %lt3A_1328 : vector<16xi1>
      %sub3A_1333 = arith.subf %get3A_1321, %select_n3A_1096 : vector<16xf32>
      %jit3A_1334 = arith.constant 0.000000e+00 : f32
      %broadcast_in_dim3A_1335 = vector.broadcast %jit3A_1334 : f32 to vector<16xf32>
      %select_n3A_1336 = arith.select %lt3A_1328, %broadcast_in_dim3A_1335, %get3A_1326 : vector<16xi1>, vector<16xf32>
      %select_n3A_1337 = arith.select %and3A_1332, %sub3A_1333, %select_n3A_1336 : vector<16xi1>, vector<16xf32>
      %mul3A_1338 = arith.constant 16 : i32
      %mul3A_1339 = arith.muli %scan3A_1316, %mul3A_1338 : i32
      %swap3A_1340 = arith.index_cast %mul3A_1339 : i32 to index
      %swap3A_1341 = tpu.vector_load %arg7[%swap3A_1340] {strides = array<i32>} : memref<32768xf32, #tpu.memory_space<vmem>>, vector<16xf32>,
      %swap3A_1342 = vector.shape_cast %swap3A_1341 : vector<16xf32> to vector<16xf32>
      %swap3A_1343 = vector.shape_cast %select_n3A_1337 : vector<16xf32> to vector<16xf32>
      tpu.vector_store %arg7[%swap3A_1340], %swap3A_1343 {strides = array<i32>} : memref<32768xf32, #tpu.memory_space<vmem>>, vector<16xf32>,
    }
    %scan3A_1102 = arith.constant 2048 : i32
    %dma_start3A_1103 = arith.constant 0 : i32
    %dma_start3A_1104 = tpu.memref_slice %arg4[%add3A, %dma_start3A_1103] : memref<32x32768xf32, #tpu.memory_space<hbm>> -> memref<1x32768xf32, #tpu.memory_space<hbm>>
    %dma_start3A_1105 = tpu.memref_squeeze %dma_start3A_1104 : memref<1x32768xf32, #tpu.memory_space<hbm>> -> memref<32768xf32, #tpu.memory_space<hbm>>
    %dma_start3A_1106 = arith.constant 0 : i32
    %dma_start3A_1107 = tpu.memref_slice %arg4[%add3A, %dma_start3A_1106] : memref<32x32768xf32, #tpu.memory_space<hbm>> -> memref<1x32768xf32, #tpu.memory_space<hbm>>
    %dma_start3A_1108 = tpu.memref_squeeze %dma_start3A_1107 : memref<1x32768xf32, #tpu.memory_space<hbm>> -> memref<32768xf32, #tpu.memory_space<hbm>>
    tpu.enqueue_dma source(%arg7 : memref<32768xf32, #tpu.memory_space<vmem>>) target(%dma_start3A_1108 : memref<32768xf32, #tpu.memory_space<hbm>>) target_semaphore(%arg9 : memref<!tpu.dma_semaphore, #tpu.memory_space<semaphore_mem>>)
    %dma_wait3A_1109 = arith.constant 0 : i32
    %dma_wait3A_1110 = tpu.memref_slice %arg4[%add3A, %dma_wait3A_1109] : memref<32x32768xf32, #tpu.memory_space<hbm>> -> memref<1x32768xf32, #tpu.memory_space<hbm>>
    %dma_wait3A_1111 = tpu.memref_squeeze %dma_wait3A_1110 : memref<1x32768xf32, #tpu.memory_space<hbm>> -> memref<32768xf32, #tpu.memory_space<hbm>>
    %dma_wait3A_1112 = arith.constant 0 : i32
    %dma_wait3A_1113 = tpu.memref_slice %arg4[%add3A, %dma_wait3A_1112] : memref<32x32768xf32, #tpu.memory_space<hbm>> -> memref<1x32768xf32, #tpu.memory_space<hbm>>
    %dma_wait3A_1114 = tpu.memref_squeeze %dma_wait3A_1113 : memref<1x32768xf32, #tpu.memory_space<hbm>> -> memref<32768xf32, #tpu.memory_space<hbm>>
    tpu.wait_dma2 semaphore(%arg9 : memref<!tpu.dma_semaphore, #tpu.memory_space<semaphore_mem>>) src(%arg7 : memref<32768xf32, #tpu.memory_space<vmem>>) dst(%dma_wait3A_1114 : memref<32768xf32, #tpu.memory_space<hbm>>)
    return
  }
}

module attributes {stable_mosaic.version = 14 : i64} {
  func.func @_tc_block(%arg0: i32, %arg1: memref<32x32768xf32, #tpu.memory_space<vmem>>, %arg2: memref<32x32768xf32, #tpu.memory_space<vmem>>, %arg3: memref<32x32768xf32, #tpu.memory_space<vmem>>) attributes {dimension_semantics = [#tpu.dimension_semantics<arbitrary>], iteration_bounds = array<i64: 3>, scalar_prefetch = 0 : i64, scratch_operands = 0 : i64, tpu.core_type = #tpu.core_type<tc>, window_params = [{transform_indices = @transform_0, window_bounds = array<i64: 32, 32768>}, {transform_indices = @transform_1, window_bounds = array<i64: 32, 32768>}, {transform_indices = @transform_2, window_bounds = array<i64: 32, 32768>}]} {
    %get3A = arith.constant 0 : index
    %get3A_0 = arith.constant 0 : index
    %get3A_1 = vector.load %arg1[%get3A, %get3A_0] : memref<32x32768xf32, #tpu.memory_space<vmem>>, vector<32x32768xf32>
    %get3A_2 = arith.constant 0 : index
    %get3A_3 = arith.constant 0 : index
    %get3A_4 = vector.load %arg2[%get3A_2, %get3A_3] : memref<32x32768xf32, #tpu.memory_space<vmem>>, vector<32x32768xf32>
    %sub3A = arith.subf %get3A_1, %get3A_4 : vector<32x32768xf32>
    %reduce_min3A = arith.constant dense<0x7F800000> : vector<32xf32>
    %reduce_min3A_5 = vector.multi_reduction <minimumf>, %sub3A, %reduce_min3A [1] : vector<32x32768xf32> to vector<32xf32>
    %broadcast_in_dim3A = vector.shape_cast %reduce_min3A_5 : vector<32xf32> to vector<32x1xf32>
    %sub3A_6 = arith.constant 1.000000e+00 : f32
    %sub3A_7 = vector.broadcast %sub3A_6 : f32 to vector<32x1xf32>
    %sub3A_8 = arith.subf %broadcast_in_dim3A, %sub3A_7 : vector<32x1xf32>
    %reduce_max3A = arith.constant dense<0xFF800000> : vector<32xf32>
    %reduce_max3A_9 = vector.multi_reduction <maximumf>, %get3A_1, %reduce_max3A [1] : vector<32x32768xf32> to vector<32xf32>
    %broadcast_in_dim3A_10 = vector.shape_cast %reduce_max3A_9 : vector<32xf32> to vector<32x1xf32>
    %add3A = arith.addf %sub3A_8, %broadcast_in_dim3A_10 : vector<32x1xf32>
    %mul3A = arith.constant 5.000000e-01 : f32
    %mul3A_11 = vector.broadcast %mul3A : f32 to vector<32x1xf32>
    %mul3A_12 = arith.mulf %mul3A_11, %add3A : vector<32x1xf32>
    %sub3A_13 = vector.broadcast %mul3A_12 : vector<32x1xf32> to vector<32x32768xf32>
    %sub3A_14 = arith.subf %get3A_1, %sub3A_13 : vector<32x32768xf32>
    %jit3A = arith.constant 0.000000e+00 : f32
    %max3A = vector.broadcast %jit3A : f32 to vector<32x32768xf32>
    %max3A_15 = arith.maximumf %max3A, %sub3A_14 : vector<32x32768xf32>
    %min3A = arith.minimumf %get3A_4, %max3A_15 : vector<32x32768xf32>
    %reduce_sum3A = arith.constant dense<0.000000e+00> : vector<32xf32>
    %reduce_sum3A_16 = vector.multi_reduction <add>, %min3A, %reduce_sum3A [1] : vector<32x32768xf32> to vector<32xf32>
    %broadcast_in_dim3A_17 = vector.shape_cast %reduce_sum3A_16 : vector<32xf32> to vector<32x1xf32>
    %sub3A_18 = arith.constant 1.000000e+00 : f32
    %sub3A_19 = vector.broadcast %sub3A_18 : f32 to vector<32x1xf32>
    %sub3A_20 = arith.subf %broadcast_in_dim3A_17, %sub3A_19 : vector<32x1xf32>
    %gt3A = arith.constant 0.000000e+00 : f32
    %gt3A_21 = vector.broadcast %gt3A : f32 to vector<32x1xf32>
    %gt3A_22 = arith.cmpf ogt, %sub3A_20, %gt3A_21 : vector<32x1xf32>
    %select_n3A = arith.select %gt3A_22, %mul3A_12, %sub3A_8 : vector<32x1xi1>, vector<32x1xf32>
    %select_n3A_23 = arith.select %gt3A_22, %broadcast_in_dim3A_10, %mul3A_12 : vector<32x1xi1>, vector<32x1xf32>
    %add3A_24 = arith.addf %select_n3A, %select_n3A_23 : vector<32x1xf32>
    %mul3A_25 = arith.constant 5.000000e-01 : f32
    %mul3A_26 = vector.broadcast %mul3A_25 : f32 to vector<32x1xf32>
    %mul3A_27 = arith.mulf %mul3A_26, %add3A_24 : vector<32x1xf32>
    %sub3A_28 = vector.broadcast %mul3A_27 : vector<32x1xf32> to vector<32x32768xf32>
    %sub3A_29 = arith.subf %get3A_1, %sub3A_28 : vector<32x32768xf32>
    %jit3A_30 = arith.constant 0.000000e+00 : f32
    %max3A_31 = vector.broadcast %jit3A_30 : f32 to vector<32x32768xf32>
    %max3A_32 = arith.maximumf %max3A_31, %sub3A_29 : vector<32x32768xf32>
    %min3A_33 = arith.minimumf %get3A_4, %max3A_32 : vector<32x32768xf32>
    %reduce_sum3A_34 = arith.constant dense<0.000000e+00> : vector<32xf32>
    %reduce_sum3A_35 = vector.multi_reduction <add>, %min3A_33, %reduce_sum3A_34 [1] : vector<32x32768xf32> to vector<32xf32>
    %broadcast_in_dim3A_36 = vector.shape_cast %reduce_sum3A_35 : vector<32xf32> to vector<32x1xf32>
    %sub3A_37 = arith.constant 1.000000e+00 : f32
    %sub3A_38 = vector.broadcast %sub3A_37 : f32 to vector<32x1xf32>
    %sub3A_39 = arith.subf %broadcast_in_dim3A_36, %sub3A_38 : vector<32x1xf32>
    %gt3A_40 = arith.constant 0.000000e+00 : f32
    %gt3A_41 = vector.broadcast %gt3A_40 : f32 to vector<32x1xf32>
    %gt3A_42 = arith.cmpf ogt, %sub3A_39, %gt3A_41 : vector<32x1xf32>
    %select_n3A_43 = arith.select %gt3A_42, %mul3A_27, %select_n3A : vector<32x1xi1>, vector<32x1xf32>
    %select_n3A_44 = arith.select %gt3A_42, %select_n3A_23, %mul3A_27 : vector<32x1xi1>, vector<32x1xf32>
    %add3A_45 = arith.addf %select_n3A_43, %select_n3A_44 : vector<32x1xf32>
    %mul3A_46 = arith.constant 5.000000e-01 : f32
    %mul3A_47 = vector.broadcast %mul3A_46 : f32 to vector<32x1xf32>
    %mul3A_48 = arith.mulf %mul3A_47, %add3A_45 : vector<32x1xf32>
    %sub3A_49 = vector.broadcast %mul3A_48 : vector<32x1xf32> to vector<32x32768xf32>
    %sub3A_50 = arith.subf %get3A_1, %sub3A_49 : vector<32x32768xf32>
    %jit3A_51 = arith.constant 0.000000e+00 : f32
    %max3A_52 = vector.broadcast %jit3A_51 : f32 to vector<32x32768xf32>
    %max3A_53 = arith.maximumf %max3A_52, %sub3A_50 : vector<32x32768xf32>
    %min3A_54 = arith.minimumf %get3A_4, %max3A_53 : vector<32x32768xf32>
    %reduce_sum3A_55 = arith.constant dense<0.000000e+00> : vector<32xf32>
    %reduce_sum3A_56 = vector.multi_reduction <add>, %min3A_54, %reduce_sum3A_55 [1] : vector<32x32768xf32> to vector<32xf32>
    %broadcast_in_dim3A_57 = vector.shape_cast %reduce_sum3A_56 : vector<32xf32> to vector<32x1xf32>
    %sub3A_58 = arith.constant 1.000000e+00 : f32
    %sub3A_59 = vector.broadcast %sub3A_58 : f32 to vector<32x1xf32>
    %sub3A_60 = arith.subf %broadcast_in_dim3A_57, %sub3A_59 : vector<32x1xf32>
    %gt3A_61 = arith.constant 0.000000e+00 : f32
    %gt3A_62 = vector.broadcast %gt3A_61 : f32 to vector<32x1xf32>
    %gt3A_63 = arith.cmpf ogt, %sub3A_60, %gt3A_62 : vector<32x1xf32>
    %select_n3A_64 = arith.select %gt3A_63, %mul3A_48, %select_n3A_43 : vector<32x1xi1>, vector<32x1xf32>
    %select_n3A_65 = arith.select %gt3A_63, %select_n3A_44, %mul3A_48 : vector<32x1xi1>, vector<32x1xf32>
    %add3A_66 = arith.addf %select_n3A_64, %select_n3A_65 : vector<32x1xf32>
    %mul3A_67 = arith.constant 5.000000e-01 : f32
    %mul3A_68 = vector.broadcast %mul3A_67 : f32 to vector<32x1xf32>
    %mul3A_69 = arith.mulf %mul3A_68, %add3A_66 : vector<32x1xf32>
    %sub3A_70 = vector.broadcast %mul3A_69 : vector<32x1xf32> to vector<32x32768xf32>
    %sub3A_71 = arith.subf %get3A_1, %sub3A_70 : vector<32x32768xf32>
    %jit3A_72 = arith.constant 0.000000e+00 : f32
    %max3A_73 = vector.broadcast %jit3A_72 : f32 to vector<32x32768xf32>
    %max3A_74 = arith.maximumf %max3A_73, %sub3A_71 : vector<32x32768xf32>
    %min3A_75 = arith.minimumf %get3A_4, %max3A_74 : vector<32x32768xf32>
    %reduce_sum3A_76 = arith.constant dense<0.000000e+00> : vector<32xf32>
    %reduce_sum3A_77 = vector.multi_reduction <add>, %min3A_75, %reduce_sum3A_76 [1] : vector<32x32768xf32> to vector<32xf32>
    %broadcast_in_dim3A_78 = vector.shape_cast %reduce_sum3A_77 : vector<32xf32> to vector<32x1xf32>
    %sub3A_79 = arith.constant 1.000000e+00 : f32
    %sub3A_80 = vector.broadcast %sub3A_79 : f32 to vector<32x1xf32>
    %sub3A_81 = arith.subf %broadcast_in_dim3A_78, %sub3A_80 : vector<32x1xf32>
    %gt3A_82 = arith.constant 0.000000e+00 : f32
    %gt3A_83 = vector.broadcast %gt3A_82 : f32 to vector<32x1xf32>
    %gt3A_84 = arith.cmpf ogt, %sub3A_81, %gt3A_83 : vector<32x1xf32>
    %select_n3A_85 = arith.select %gt3A_84, %mul3A_69, %select_n3A_64 : vector<32x1xi1>, vector<32x1xf32>
    %select_n3A_86 = arith.select %gt3A_84, %select_n3A_65, %mul3A_69 : vector<32x1xi1>, vector<32x1xf32>
    %add3A_87 = arith.addf %select_n3A_85, %select_n3A_86 : vector<32x1xf32>
    %mul3A_88 = arith.constant 5.000000e-01 : f32
    %mul3A_89 = vector.broadcast %mul3A_88 : f32 to vector<32x1xf32>
    %mul3A_90 = arith.mulf %mul3A_89, %add3A_87 : vector<32x1xf32>
    %sub3A_91 = vector.broadcast %mul3A_90 : vector<32x1xf32> to vector<32x32768xf32>
    %sub3A_92 = arith.subf %get3A_1, %sub3A_91 : vector<32x32768xf32>
    %jit3A_93 = arith.constant 0.000000e+00 : f32
    %max3A_94 = vector.broadcast %jit3A_93 : f32 to vector<32x32768xf32>
    %max3A_95 = arith.maximumf %max3A_94, %sub3A_92 : vector<32x32768xf32>
    %min3A_96 = arith.minimumf %get3A_4, %max3A_95 : vector<32x32768xf32>
    %reduce_sum3A_97 = arith.constant dense<0.000000e+00> : vector<32xf32>
    %reduce_sum3A_98 = vector.multi_reduction <add>, %min3A_96, %reduce_sum3A_97 [1] : vector<32x32768xf32> to vector<32xf32>
    %broadcast_in_dim3A_99 = vector.shape_cast %reduce_sum3A_98 : vector<32xf32> to vector<32x1xf32>
    %sub3A_100 = arith.constant 1.000000e+00 : f32
    %sub3A_101 = vector.broadcast %sub3A_100 : f32 to vector<32x1xf32>
    %sub3A_102 = arith.subf %broadcast_in_dim3A_99, %sub3A_101 : vector<32x1xf32>
    %gt3A_103 = arith.constant 0.000000e+00 : f32
    %gt3A_104 = vector.broadcast %gt3A_103 : f32 to vector<32x1xf32>
    %gt3A_105 = arith.cmpf ogt, %sub3A_102, %gt3A_104 : vector<32x1xf32>
    %select_n3A_106 = arith.select %gt3A_105, %mul3A_90, %select_n3A_85 : vector<32x1xi1>, vector<32x1xf32>
    %select_n3A_107 = arith.select %gt3A_105, %select_n3A_86, %mul3A_90 : vector<32x1xi1>, vector<32x1xf32>
    %add3A_108 = arith.addf %select_n3A_106, %select_n3A_107 : vector<32x1xf32>
    %mul3A_109 = arith.constant 5.000000e-01 : f32
    %mul3A_110 = vector.broadcast %mul3A_109 : f32 to vector<32x1xf32>
    %mul3A_111 = arith.mulf %mul3A_110, %add3A_108 : vector<32x1xf32>
    %sub3A_112 = vector.broadcast %mul3A_111 : vector<32x1xf32> to vector<32x32768xf32>
    %sub3A_113 = arith.subf %get3A_1, %sub3A_112 : vector<32x32768xf32>
    %jit3A_114 = arith.constant 0.000000e+00 : f32
    %max3A_115 = vector.broadcast %jit3A_114 : f32 to vector<32x32768xf32>
    %max3A_116 = arith.maximumf %max3A_115, %sub3A_113 : vector<32x32768xf32>
    %min3A_117 = arith.minimumf %get3A_4, %max3A_116 : vector<32x32768xf32>
    %reduce_sum3A_118 = arith.constant dense<0.000000e+00> : vector<32xf32>
    %reduce_sum3A_119 = vector.multi_reduction <add>, %min3A_117, %reduce_sum3A_118 [1] : vector<32x32768xf32> to vector<32xf32>
    %broadcast_in_dim3A_120 = vector.shape_cast %reduce_sum3A_119 : vector<32xf32> to vector<32x1xf32>
    %sub3A_121 = arith.constant 1.000000e+00 : f32
    %sub3A_122 = vector.broadcast %sub3A_121 : f32 to vector<32x1xf32>
    %sub3A_123 = arith.subf %broadcast_in_dim3A_120, %sub3A_122 : vector<32x1xf32>
    %gt3A_124 = arith.constant 0.000000e+00 : f32
    %gt3A_125 = vector.broadcast %gt3A_124 : f32 to vector<32x1xf32>
    %gt3A_126 = arith.cmpf ogt, %sub3A_123, %gt3A_125 : vector<32x1xf32>
    %select_n3A_127 = arith.select %gt3A_126, %mul3A_111, %select_n3A_106 : vector<32x1xi1>, vector<32x1xf32>
    %select_n3A_128 = arith.select %gt3A_126, %select_n3A_107, %mul3A_111 : vector<32x1xi1>, vector<32x1xf32>
    %add3A_129 = arith.addf %select_n3A_127, %select_n3A_128 : vector<32x1xf32>
    %mul3A_130 = arith.constant 5.000000e-01 : f32
    %mul3A_131 = vector.broadcast %mul3A_130 : f32 to vector<32x1xf32>
    %mul3A_132 = arith.mulf %mul3A_131, %add3A_129 : vector<32x1xf32>
    %sub3A_133 = vector.broadcast %mul3A_132 : vector<32x1xf32> to vector<32x32768xf32>
    %sub3A_134 = arith.subf %get3A_1, %sub3A_133 : vector<32x32768xf32>
    %jit3A_135 = arith.constant 0.000000e+00 : f32
    %max3A_136 = vector.broadcast %jit3A_135 : f32 to vector<32x32768xf32>
    %max3A_137 = arith.maximumf %max3A_136, %sub3A_134 : vector<32x32768xf32>
    %min3A_138 = arith.minimumf %get3A_4, %max3A_137 : vector<32x32768xf32>
    %reduce_sum3A_139 = arith.constant dense<0.000000e+00> : vector<32xf32>
    %reduce_sum3A_140 = vector.multi_reduction <add>, %min3A_138, %reduce_sum3A_139 [1] : vector<32x32768xf32> to vector<32xf32>
    %broadcast_in_dim3A_141 = vector.shape_cast %reduce_sum3A_140 : vector<32xf32> to vector<32x1xf32>
    %sub3A_142 = arith.constant 1.000000e+00 : f32
    %sub3A_143 = vector.broadcast %sub3A_142 : f32 to vector<32x1xf32>
    %sub3A_144 = arith.subf %broadcast_in_dim3A_141, %sub3A_143 : vector<32x1xf32>
    %gt3A_145 = arith.constant 0.000000e+00 : f32
    %gt3A_146 = vector.broadcast %gt3A_145 : f32 to vector<32x1xf32>
    %gt3A_147 = arith.cmpf ogt, %sub3A_144, %gt3A_146 : vector<32x1xf32>
    %select_n3A_148 = arith.select %gt3A_147, %mul3A_132, %select_n3A_127 : vector<32x1xi1>, vector<32x1xf32>
    %select_n3A_149 = arith.select %gt3A_147, %select_n3A_128, %mul3A_132 : vector<32x1xi1>, vector<32x1xf32>
    %add3A_150 = arith.addf %select_n3A_148, %select_n3A_149 : vector<32x1xf32>
    %mul3A_151 = arith.constant 5.000000e-01 : f32
    %mul3A_152 = vector.broadcast %mul3A_151 : f32 to vector<32x1xf32>
    %mul3A_153 = arith.mulf %mul3A_152, %add3A_150 : vector<32x1xf32>
    %sub3A_154 = vector.broadcast %mul3A_153 : vector<32x1xf32> to vector<32x32768xf32>
    %sub3A_155 = arith.subf %get3A_1, %sub3A_154 : vector<32x32768xf32>
    %jit3A_156 = arith.constant 0.000000e+00 : f32
    %max3A_157 = vector.broadcast %jit3A_156 : f32 to vector<32x32768xf32>
    %max3A_158 = arith.maximumf %max3A_157, %sub3A_155 : vector<32x32768xf32>
    %min3A_159 = arith.minimumf %get3A_4, %max3A_158 : vector<32x32768xf32>
    %reduce_sum3A_160 = arith.constant dense<0.000000e+00> : vector<32xf32>
    %reduce_sum3A_161 = vector.multi_reduction <add>, %min3A_159, %reduce_sum3A_160 [1] : vector<32x32768xf32> to vector<32xf32>
    %broadcast_in_dim3A_162 = vector.shape_cast %reduce_sum3A_161 : vector<32xf32> to vector<32x1xf32>
    %sub3A_163 = arith.constant 1.000000e+00 : f32
    %sub3A_164 = vector.broadcast %sub3A_163 : f32 to vector<32x1xf32>
    %sub3A_165 = arith.subf %broadcast_in_dim3A_162, %sub3A_164 : vector<32x1xf32>
    %gt3A_166 = arith.constant 0.000000e+00 : f32
    %gt3A_167 = vector.broadcast %gt3A_166 : f32 to vector<32x1xf32>
    %gt3A_168 = arith.cmpf ogt, %sub3A_165, %gt3A_167 : vector<32x1xf32>
    %select_n3A_169 = arith.select %gt3A_168, %mul3A_153, %select_n3A_148 : vector<32x1xi1>, vector<32x1xf32>
    %select_n3A_170 = arith.select %gt3A_168, %select_n3A_149, %mul3A_153 : vector<32x1xi1>, vector<32x1xf32>
    %add3A_171 = arith.addf %select_n3A_169, %select_n3A_170 : vector<32x1xf32>
    %mul3A_172 = arith.constant 5.000000e-01 : f32
    %mul3A_173 = vector.broadcast %mul3A_172 : f32 to vector<32x1xf32>
    %mul3A_174 = arith.mulf %mul3A_173, %add3A_171 : vector<32x1xf32>
    %sub3A_175 = vector.broadcast %mul3A_174 : vector<32x1xf32> to vector<32x32768xf32>
    %sub3A_176 = arith.subf %get3A_1, %sub3A_175 : vector<32x32768xf32>
    %jit3A_177 = arith.constant 0.000000e+00 : f32
    %max3A_178 = vector.broadcast %jit3A_177 : f32 to vector<32x32768xf32>
    %max3A_179 = arith.maximumf %max3A_178, %sub3A_176 : vector<32x32768xf32>
    %min3A_180 = arith.minimumf %get3A_4, %max3A_179 : vector<32x32768xf32>
    %reduce_sum3A_181 = arith.constant dense<0.000000e+00> : vector<32xf32>
    %reduce_sum3A_182 = vector.multi_reduction <add>, %min3A_180, %reduce_sum3A_181 [1] : vector<32x32768xf32> to vector<32xf32>
    %broadcast_in_dim3A_183 = vector.shape_cast %reduce_sum3A_182 : vector<32xf32> to vector<32x1xf32>
    %sub3A_184 = arith.constant 1.000000e+00 : f32
    %sub3A_185 = vector.broadcast %sub3A_184 : f32 to vector<32x1xf32>
    %sub3A_186 = arith.subf %broadcast_in_dim3A_183, %sub3A_185 : vector<32x1xf32>
    %gt3A_187 = arith.constant 0.000000e+00 : f32
    %gt3A_188 = vector.broadcast %gt3A_187 : f32 to vector<32x1xf32>
    %gt3A_189 = arith.cmpf ogt, %sub3A_186, %gt3A_188 : vector<32x1xf32>
    %select_n3A_190 = arith.select %gt3A_189, %mul3A_174, %select_n3A_169 : vector<32x1xi1>, vector<32x1xf32>
    %select_n3A_191 = arith.select %gt3A_189, %select_n3A_170, %mul3A_174 : vector<32x1xi1>, vector<32x1xf32>
    %add3A_192 = arith.addf %select_n3A_190, %select_n3A_191 : vector<32x1xf32>
    %mul3A_193 = arith.constant 5.000000e-01 : f32
    %mul3A_194 = vector.broadcast %mul3A_193 : f32 to vector<32x1xf32>
    %mul3A_195 = arith.mulf %mul3A_194, %add3A_192 : vector<32x1xf32>
    %sub3A_196 = vector.broadcast %mul3A_195 : vector<32x1xf32> to vector<32x32768xf32>
    %sub3A_197 = arith.subf %get3A_1, %sub3A_196 : vector<32x32768xf32>
    %jit3A_198 = arith.constant 0.000000e+00 : f32
    %max3A_199 = vector.broadcast %jit3A_198 : f32 to vector<32x32768xf32>
    %max3A_200 = arith.maximumf %max3A_199, %sub3A_197 : vector<32x32768xf32>
    %min3A_201 = arith.minimumf %get3A_4, %max3A_200 : vector<32x32768xf32>
    %reduce_sum3A_202 = arith.constant dense<0.000000e+00> : vector<32xf32>
    %reduce_sum3A_203 = vector.multi_reduction <add>, %min3A_201, %reduce_sum3A_202 [1] : vector<32x32768xf32> to vector<32xf32>
    %broadcast_in_dim3A_204 = vector.shape_cast %reduce_sum3A_203 : vector<32xf32> to vector<32x1xf32>
    %sub3A_205 = arith.constant 1.000000e+00 : f32
    %sub3A_206 = vector.broadcast %sub3A_205 : f32 to vector<32x1xf32>
    %sub3A_207 = arith.subf %broadcast_in_dim3A_204, %sub3A_206 : vector<32x1xf32>
    %gt3A_208 = arith.constant 0.000000e+00 : f32
    %gt3A_209 = vector.broadcast %gt3A_208 : f32 to vector<32x1xf32>
    %gt3A_210 = arith.cmpf ogt, %sub3A_207, %gt3A_209 : vector<32x1xf32>
    %select_n3A_211 = arith.select %gt3A_210, %mul3A_195, %select_n3A_190 : vector<32x1xi1>, vector<32x1xf32>
    %select_n3A_212 = arith.select %gt3A_210, %select_n3A_191, %mul3A_195 : vector<32x1xi1>, vector<32x1xf32>
    %add3A_213 = arith.addf %select_n3A_211, %select_n3A_212 : vector<32x1xf32>
    %mul3A_214 = arith.constant 5.000000e-01 : f32
    %mul3A_215 = vector.broadcast %mul3A_214 : f32 to vector<32x1xf32>
    %mul3A_216 = arith.mulf %mul3A_215, %add3A_213 : vector<32x1xf32>
    %sub3A_217 = vector.broadcast %mul3A_216 : vector<32x1xf32> to vector<32x32768xf32>
    %sub3A_218 = arith.subf %get3A_1, %sub3A_217 : vector<32x32768xf32>
    %jit3A_219 = arith.constant 0.000000e+00 : f32
    %max3A_220 = vector.broadcast %jit3A_219 : f32 to vector<32x32768xf32>
    %max3A_221 = arith.maximumf %max3A_220, %sub3A_218 : vector<32x32768xf32>
    %min3A_222 = arith.minimumf %get3A_4, %max3A_221 : vector<32x32768xf32>
    %reduce_sum3A_223 = arith.constant dense<0.000000e+00> : vector<32xf32>
    %reduce_sum3A_224 = vector.multi_reduction <add>, %min3A_222, %reduce_sum3A_223 [1] : vector<32x32768xf32> to vector<32xf32>
    %broadcast_in_dim3A_225 = vector.shape_cast %reduce_sum3A_224 : vector<32xf32> to vector<32x1xf32>
    %sub3A_226 = arith.constant 1.000000e+00 : f32
    %sub3A_227 = vector.broadcast %sub3A_226 : f32 to vector<32x1xf32>
    %sub3A_228 = arith.subf %broadcast_in_dim3A_225, %sub3A_227 : vector<32x1xf32>
    %gt3A_229 = arith.constant 0.000000e+00 : f32
    %gt3A_230 = vector.broadcast %gt3A_229 : f32 to vector<32x1xf32>
    %gt3A_231 = arith.cmpf ogt, %sub3A_228, %gt3A_230 : vector<32x1xf32>
    %select_n3A_232 = arith.select %gt3A_231, %mul3A_216, %select_n3A_211 : vector<32x1xi1>, vector<32x1xf32>
    %select_n3A_233 = arith.select %gt3A_231, %select_n3A_212, %mul3A_216 : vector<32x1xi1>, vector<32x1xf32>
    %add3A_234 = arith.addf %select_n3A_232, %select_n3A_233 : vector<32x1xf32>
    %mul3A_235 = arith.constant 5.000000e-01 : f32
    %mul3A_236 = vector.broadcast %mul3A_235 : f32 to vector<32x1xf32>
    %mul3A_237 = arith.mulf %mul3A_236, %add3A_234 : vector<32x1xf32>
    %sub3A_238 = vector.broadcast %mul3A_237 : vector<32x1xf32> to vector<32x32768xf32>
    %sub3A_239 = arith.subf %get3A_1, %sub3A_238 : vector<32x32768xf32>
    %jit3A_240 = arith.constant 0.000000e+00 : f32
    %max3A_241 = vector.broadcast %jit3A_240 : f32 to vector<32x32768xf32>
    %max3A_242 = arith.maximumf %max3A_241, %sub3A_239 : vector<32x32768xf32>
    %min3A_243 = arith.minimumf %get3A_4, %max3A_242 : vector<32x32768xf32>
    %reduce_sum3A_244 = arith.constant dense<0.000000e+00> : vector<32xf32>
    %reduce_sum3A_245 = vector.multi_reduction <add>, %min3A_243, %reduce_sum3A_244 [1] : vector<32x32768xf32> to vector<32xf32>
    %broadcast_in_dim3A_246 = vector.shape_cast %reduce_sum3A_245 : vector<32xf32> to vector<32x1xf32>
    %sub3A_247 = arith.constant 1.000000e+00 : f32
    %sub3A_248 = vector.broadcast %sub3A_247 : f32 to vector<32x1xf32>
    %sub3A_249 = arith.subf %broadcast_in_dim3A_246, %sub3A_248 : vector<32x1xf32>
    %gt3A_250 = arith.constant 0.000000e+00 : f32
    %gt3A_251 = vector.broadcast %gt3A_250 : f32 to vector<32x1xf32>
    %gt3A_252 = arith.cmpf ogt, %sub3A_249, %gt3A_251 : vector<32x1xf32>
    %select_n3A_253 = arith.select %gt3A_252, %mul3A_237, %select_n3A_232 : vector<32x1xi1>, vector<32x1xf32>
    %select_n3A_254 = arith.select %gt3A_252, %select_n3A_233, %mul3A_237 : vector<32x1xi1>, vector<32x1xf32>
    %add3A_255 = arith.addf %select_n3A_253, %select_n3A_254 : vector<32x1xf32>
    %mul3A_256 = arith.constant 5.000000e-01 : f32
    %mul3A_257 = vector.broadcast %mul3A_256 : f32 to vector<32x1xf32>
    %mul3A_258 = arith.mulf %mul3A_257, %add3A_255 : vector<32x1xf32>
    %sub3A_259 = vector.broadcast %mul3A_258 : vector<32x1xf32> to vector<32x32768xf32>
    %sub3A_260 = arith.subf %get3A_1, %sub3A_259 : vector<32x32768xf32>
    %jit3A_261 = arith.constant 0.000000e+00 : f32
    %max3A_262 = vector.broadcast %jit3A_261 : f32 to vector<32x32768xf32>
    %max3A_263 = arith.maximumf %max3A_262, %sub3A_260 : vector<32x32768xf32>
    %min3A_264 = arith.minimumf %get3A_4, %max3A_263 : vector<32x32768xf32>
    %reduce_sum3A_265 = arith.constant dense<0.000000e+00> : vector<32xf32>
    %reduce_sum3A_266 = vector.multi_reduction <add>, %min3A_264, %reduce_sum3A_265 [1] : vector<32x32768xf32> to vector<32xf32>
    %broadcast_in_dim3A_267 = vector.shape_cast %reduce_sum3A_266 : vector<32xf32> to vector<32x1xf32>
    %sub3A_268 = arith.constant 1.000000e+00 : f32
    %sub3A_269 = vector.broadcast %sub3A_268 : f32 to vector<32x1xf32>
    %sub3A_270 = arith.subf %broadcast_in_dim3A_267, %sub3A_269 : vector<32x1xf32>
    %gt3A_271 = arith.constant 0.000000e+00 : f32
    %gt3A_272 = vector.broadcast %gt3A_271 : f32 to vector<32x1xf32>
    %gt3A_273 = arith.cmpf ogt, %sub3A_270, %gt3A_272 : vector<32x1xf32>
    %select_n3A_274 = arith.select %gt3A_273, %mul3A_258, %select_n3A_253 : vector<32x1xi1>, vector<32x1xf32>
    %select_n3A_275 = arith.select %gt3A_273, %select_n3A_254, %mul3A_258 : vector<32x1xi1>, vector<32x1xf32>
    %sub3A_276 = arith.subf %sub3A_270, %sub3A_249 : vector<32x1xf32>
    %ne3A = arith.constant 0.000000e+00 : f32
    %ne3A_277 = vector.broadcast %ne3A : f32 to vector<32x1xf32>
    %ne3A_278 = arith.cmpf one, %sub3A_276, %ne3A_277 : vector<32x1xf32>
    %sub3A_279 = arith.subf %mul3A_258, %mul3A_237 : vector<32x1xf32>
    %mul3A_280 = arith.mulf %sub3A_270, %sub3A_279 : vector<32x1xf32>
    %jit3A_281 = arith.constant 1.000000e+00 : f32
    %broadcast_in_dim3A_282 = vector.broadcast %jit3A_281 : f32 to vector<32x1xf32>
    %select_n3A_283 = arith.select %ne3A_278, %sub3A_276, %broadcast_in_dim3A_282 : vector<32x1xi1>, vector<32x1xf32>
    %div3A = arith.divf %mul3A_280, %select_n3A_283 : vector<32x1xf32>
    %sub3A_284 = arith.subf %mul3A_258, %div3A : vector<32x1xf32>
    %gt3A_285 = arith.cmpf ogt, %sub3A_284, %select_n3A_274 : vector<32x1xf32>
    %and3A = arith.andi %ne3A_278, %gt3A_285 : vector<32x1xi1>
    %lt3A = arith.cmpf olt, %sub3A_284, %select_n3A_275 : vector<32x1xf32>
    %and3A_286 = arith.andi %and3A, %lt3A : vector<32x1xi1>
    %add3A_287 = arith.addf %select_n3A_274, %select_n3A_275 : vector<32x1xf32>
    %mul3A_288 = arith.constant 5.000000e-01 : f32
    %mul3A_289 = vector.broadcast %mul3A_288 : f32 to vector<32x1xf32>
    %mul3A_290 = arith.mulf %mul3A_289, %add3A_287 : vector<32x1xf32>
    %select_n3A_291 = arith.select %and3A_286, %sub3A_284, %mul3A_290 : vector<32x1xi1>, vector<32x1xf32>
    %sub3A_292 = vector.broadcast %select_n3A_291 : vector<32x1xf32> to vector<32x32768xf32>
    %sub3A_293 = arith.subf %get3A_1, %sub3A_292 : vector<32x32768xf32>
    %jit3A_294 = arith.constant 0.000000e+00 : f32
    %max3A_295 = vector.broadcast %jit3A_294 : f32 to vector<32x32768xf32>
    %max3A_296 = arith.maximumf %max3A_295, %sub3A_293 : vector<32x32768xf32>
    %min3A_297 = arith.minimumf %get3A_4, %max3A_296 : vector<32x32768xf32>
    %reduce_sum3A_298 = arith.constant dense<0.000000e+00> : vector<32xf32>
    %reduce_sum3A_299 = vector.multi_reduction <add>, %min3A_297, %reduce_sum3A_298 [1] : vector<32x32768xf32> to vector<32xf32>
    %broadcast_in_dim3A_300 = vector.shape_cast %reduce_sum3A_299 : vector<32xf32> to vector<32x1xf32>
    %sub3A_301 = arith.constant 1.000000e+00 : f32
    %sub3A_302 = vector.broadcast %sub3A_301 : f32 to vector<32x1xf32>
    %sub3A_303 = arith.subf %broadcast_in_dim3A_300, %sub3A_302 : vector<32x1xf32>
    %gt3A_304 = arith.constant 0.000000e+00 : f32
    %gt3A_305 = vector.broadcast %gt3A_304 : f32 to vector<32x1xf32>
    %gt3A_306 = arith.cmpf ogt, %sub3A_303, %gt3A_305 : vector<32x1xf32>
    %select_n3A_307 = arith.select %gt3A_306, %select_n3A_291, %select_n3A_274 : vector<32x1xi1>, vector<32x1xf32>
    %select_n3A_308 = arith.select %gt3A_306, %select_n3A_275, %select_n3A_291 : vector<32x1xi1>, vector<32x1xf32>
    %sub3A_309 = arith.subf %sub3A_303, %sub3A_270 : vector<32x1xf32>
    %ne3A_310 = arith.constant 0.000000e+00 : f32
    %ne3A_311 = vector.broadcast %ne3A_310 : f32 to vector<32x1xf32>
    %ne3A_312 = arith.cmpf one, %sub3A_309, %ne3A_311 : vector<32x1xf32>
    %sub3A_313 = arith.subf %select_n3A_291, %mul3A_258 : vector<32x1xf32>
    %mul3A_314 = arith.mulf %sub3A_303, %sub3A_313 : vector<32x1xf32>
    %jit3A_315 = arith.constant 1.000000e+00 : f32
    %broadcast_in_dim3A_316 = vector.broadcast %jit3A_315 : f32 to vector<32x1xf32>
    %select_n3A_317 = arith.select %ne3A_312, %sub3A_309, %broadcast_in_dim3A_316 : vector<32x1xi1>, vector<32x1xf32>
    %div3A_318 = arith.divf %mul3A_314, %select_n3A_317 : vector<32x1xf32>
    %sub3A_319 = arith.subf %select_n3A_291, %div3A_318 : vector<32x1xf32>
    %gt3A_320 = arith.cmpf ogt, %sub3A_319, %select_n3A_307 : vector<32x1xf32>
    %and3A_321 = arith.andi %ne3A_312, %gt3A_320 : vector<32x1xi1>
    %lt3A_322 = arith.cmpf olt, %sub3A_319, %select_n3A_308 : vector<32x1xf32>
    %and3A_323 = arith.andi %and3A_321, %lt3A_322 : vector<32x1xi1>
    %add3A_324 = arith.addf %select_n3A_307, %select_n3A_308 : vector<32x1xf32>
    %mul3A_325 = arith.constant 5.000000e-01 : f32
    %mul3A_326 = vector.broadcast %mul3A_325 : f32 to vector<32x1xf32>
    %mul3A_327 = arith.mulf %mul3A_326, %add3A_324 : vector<32x1xf32>
    %select_n3A_328 = arith.select %and3A_323, %sub3A_319, %mul3A_327 : vector<32x1xi1>, vector<32x1xf32>
    %sub3A_329 = vector.broadcast %select_n3A_328 : vector<32x1xf32> to vector<32x32768xf32>
    %sub3A_330 = arith.subf %get3A_1, %sub3A_329 : vector<32x32768xf32>
    %jit3A_331 = arith.constant 0.000000e+00 : f32
    %max3A_332 = vector.broadcast %jit3A_331 : f32 to vector<32x32768xf32>
    %max3A_333 = arith.maximumf %max3A_332, %sub3A_330 : vector<32x32768xf32>
    %min3A_334 = arith.minimumf %get3A_4, %max3A_333 : vector<32x32768xf32>
    %reduce_sum3A_335 = arith.constant dense<0.000000e+00> : vector<32xf32>
    %reduce_sum3A_336 = vector.multi_reduction <add>, %min3A_334, %reduce_sum3A_335 [1] : vector<32x32768xf32> to vector<32xf32>
    %broadcast_in_dim3A_337 = vector.shape_cast %reduce_sum3A_336 : vector<32xf32> to vector<32x1xf32>
    %sub3A_338 = arith.constant 1.000000e+00 : f32
    %sub3A_339 = vector.broadcast %sub3A_338 : f32 to vector<32x1xf32>
    %sub3A_340 = arith.subf %broadcast_in_dim3A_337, %sub3A_339 : vector<32x1xf32>
    %gt3A_341 = arith.constant 0.000000e+00 : f32
    %gt3A_342 = vector.broadcast %gt3A_341 : f32 to vector<32x1xf32>
    %gt3A_343 = arith.cmpf ogt, %sub3A_340, %gt3A_342 : vector<32x1xf32>
    %select_n3A_344 = arith.select %gt3A_343, %select_n3A_328, %select_n3A_307 : vector<32x1xi1>, vector<32x1xf32>
    %select_n3A_345 = arith.select %gt3A_343, %select_n3A_308, %select_n3A_328 : vector<32x1xi1>, vector<32x1xf32>
    %sub3A_346 = vector.broadcast %select_n3A_328 : vector<32x1xf32> to vector<32x32768xf32>
    %sub3A_347 = arith.subf %get3A_1, %sub3A_346 : vector<32x32768xf32>
    %gt3A_348 = arith.constant 0.000000e+00 : f32
    %gt3A_349 = vector.broadcast %gt3A_348 : f32 to vector<32x32768xf32>
    %gt3A_350 = arith.cmpf ogt, %sub3A_347, %gt3A_349 : vector<32x32768xf32>
    %lt3A_351 = arith.cmpf olt, %sub3A_347, %get3A_4 : vector<32x32768xf32>
    %and3A_352 = arith.andi %gt3A_350, %lt3A_351 : vector<32x32768xi1>
    %convert_element_type3A = arith.extui %and3A_352 : vector<32x32768xi1> to vector<32x32768xi32>
    %convert_element_type3A_353 = arith.sitofp %convert_element_type3A : vector<32x32768xi32> to vector<32x32768xf32>
    %reduce_sum3A_354 = arith.constant dense<0.000000e+00> : vector<32xf32>
    %reduce_sum3A_355 = vector.multi_reduction <add>, %convert_element_type3A_353, %reduce_sum3A_354 [1] : vector<32x32768xf32> to vector<32xf32>
    %broadcast_in_dim3A_356 = vector.shape_cast %reduce_sum3A_355 : vector<32xf32> to vector<32x1xf32>
    %jit3A_357 = arith.constant 0.000000e+00 : f32
    %max3A_358 = vector.broadcast %jit3A_357 : f32 to vector<32x32768xf32>
    %max3A_359 = arith.maximumf %max3A_358, %sub3A_347 : vector<32x32768xf32>
    %min3A_360 = arith.minimumf %get3A_4, %max3A_359 : vector<32x32768xf32>
    %reduce_sum3A_361 = arith.constant dense<0.000000e+00> : vector<32xf32>
    %reduce_sum3A_362 = vector.multi_reduction <add>, %min3A_360, %reduce_sum3A_361 [1] : vector<32x32768xf32> to vector<32xf32>
    %broadcast_in_dim3A_363 = vector.shape_cast %reduce_sum3A_362 : vector<32xf32> to vector<32x1xf32>
    %sub3A_364 = arith.constant 1.000000e+00 : f32
    %sub3A_365 = vector.broadcast %sub3A_364 : f32 to vector<32x1xf32>
    %sub3A_366 = arith.subf %broadcast_in_dim3A_363, %sub3A_365 : vector<32x1xf32>
    %gt3A_367 = arith.constant 0.000000e+00 : f32
    %gt3A_368 = vector.broadcast %gt3A_367 : f32 to vector<32x1xf32>
    %gt3A_369 = arith.cmpf ogt, %sub3A_366, %gt3A_368 : vector<32x1xf32>
    %select_n3A_370 = arith.select %gt3A_369, %select_n3A_328, %select_n3A_344 : vector<32x1xi1>, vector<32x1xf32>
    %select_n3A_371 = arith.select %gt3A_369, %select_n3A_345, %select_n3A_328 : vector<32x1xi1>, vector<32x1xf32>
    %max3A_372 = arith.constant 1.000000e+00 : f32
    %max3A_373 = vector.broadcast %max3A_372 : f32 to vector<32x1xf32>
    %max3A_374 = arith.maximumf %broadcast_in_dim3A_356, %max3A_373 : vector<32x1xf32>
    %div3A_375 = arith.divf %sub3A_366, %max3A_374 : vector<32x1xf32>
    %add3A_376 = arith.addf %select_n3A_328, %div3A_375 : vector<32x1xf32>
    %gt3A_377 = arith.constant 0.000000e+00 : f32
    %gt3A_378 = vector.broadcast %gt3A_377 : f32 to vector<32x1xf32>
    %gt3A_379 = arith.cmpf ogt, %broadcast_in_dim3A_356, %gt3A_378 : vector<32x1xf32>
    %gt3A_380 = arith.cmpf ogt, %add3A_376, %select_n3A_370 : vector<32x1xf32>
    %lt3A_381 = arith.cmpf olt, %add3A_376, %select_n3A_371 : vector<32x1xf32>
    %and3A_382 = arith.andi %gt3A_380, %lt3A_381 : vector<32x1xi1>
    %eq3A = arith.cmpf oeq, %add3A_376, %select_n3A_328 : vector<32x1xf32>
    %or3A = arith.ori %and3A_382, %eq3A : vector<32x1xi1>
    %and3A_383 = arith.andi %gt3A_379, %or3A : vector<32x1xi1>
    %add3A_384 = arith.addf %select_n3A_370, %select_n3A_371 : vector<32x1xf32>
    %mul3A_385 = arith.constant 5.000000e-01 : f32
    %mul3A_386 = vector.broadcast %mul3A_385 : f32 to vector<32x1xf32>
    %mul3A_387 = arith.mulf %mul3A_386, %add3A_384 : vector<32x1xf32>
    %select_n3A_388 = arith.select %and3A_383, %add3A_376, %mul3A_387 : vector<32x1xi1>, vector<32x1xf32>
    %sub3A_389 = vector.broadcast %select_n3A_388 : vector<32x1xf32> to vector<32x32768xf32>
    %sub3A_390 = arith.subf %get3A_1, %sub3A_389 : vector<32x32768xf32>
    %lt3A_391 = arith.cmpf olt, %sub3A_390, %get3A_4 : vector<32x32768xf32>
    %gt3A_392 = arith.constant 0.000000e+00 : f32
    %gt3A_393 = vector.broadcast %gt3A_392 : f32 to vector<32x32768xf32>
    %gt3A_394 = arith.cmpf ogt, %sub3A_390, %gt3A_393 : vector<32x32768xf32>
    %and3A_395 = arith.andi %gt3A_394, %lt3A_391 : vector<32x32768xi1>
    %convert_element_type3A_396 = arith.extui %and3A_395 : vector<32x32768xi1> to vector<32x32768xi32>
    %convert_element_type3A_397 = arith.sitofp %convert_element_type3A_396 : vector<32x32768xi32> to vector<32x32768xf32>
    %reduce_sum3A_398 = arith.constant dense<0.000000e+00> : vector<32xf32>
    %reduce_sum3A_399 = vector.multi_reduction <add>, %convert_element_type3A_397, %reduce_sum3A_398 [1] : vector<32x32768xf32> to vector<32xf32>
    %broadcast_in_dim3A_400 = vector.shape_cast %reduce_sum3A_399 : vector<32xf32> to vector<32x1xf32>
    %jit3A_401 = arith.constant 0.000000e+00 : f32
    %broadcast_in_dim3A_402 = vector.broadcast %jit3A_401 : f32 to vector<32x32768xf32>
    %select_n3A_403 = arith.select %lt3A_391, %broadcast_in_dim3A_402, %get3A_4 : vector<32x32768xi1>, vector<32x32768xf32>
    %select_n3A_404 = arith.select %and3A_395, %get3A_1, %select_n3A_403 : vector<32x32768xi1>, vector<32x32768xf32>
    %reduce_sum3A_405 = arith.constant dense<0.000000e+00> : vector<32xf32>
    %reduce_sum3A_406 = vector.multi_reduction <add>, %select_n3A_404, %reduce_sum3A_405 [1] : vector<32x32768xf32> to vector<32xf32>
    %broadcast_in_dim3A_407 = vector.shape_cast %reduce_sum3A_406 : vector<32xf32> to vector<32x1xf32>
    %sub3A_408 = arith.constant 1.000000e+00 : f32
    %sub3A_409 = vector.broadcast %sub3A_408 : f32 to vector<32x1xf32>
    %sub3A_410 = arith.subf %broadcast_in_dim3A_407, %sub3A_409 : vector<32x1xf32>
    %max3A_411 = arith.constant 1.000000e+00 : f32
    %max3A_412 = vector.broadcast %max3A_411 : f32 to vector<32x1xf32>
    %max3A_413 = arith.maximumf %broadcast_in_dim3A_400, %max3A_412 : vector<32x1xf32>
    %div3A_414 = arith.divf %sub3A_410, %max3A_413 : vector<32x1xf32>
    %gt3A_415 = arith.constant 0.000000e+00 : f32
    %gt3A_416 = vector.broadcast %gt3A_415 : f32 to vector<32x1xf32>
    %gt3A_417 = arith.cmpf ogt, %broadcast_in_dim3A_400, %gt3A_416 : vector<32x1xf32>
    %select_n3A_418 = arith.select %gt3A_417, %div3A_414, %select_n3A_388 : vector<32x1xi1>, vector<32x1xf32>
    %sub3A_419 = vector.broadcast %select_n3A_418 : vector<32x1xf32> to vector<32x32768xf32>
    %sub3A_420 = arith.subf %get3A_1, %sub3A_419 : vector<32x32768xf32>
    %jit3A_421 = arith.constant 0.000000e+00 : f32
    %broadcast_in_dim3A_422 = vector.broadcast %jit3A_421 : f32 to vector<32x32768xf32>
    %select_n3A_423 = arith.select %lt3A_391, %broadcast_in_dim3A_422, %get3A_4 : vector<32x32768xi1>, vector<32x32768xf32>
    %select_n3A_424 = arith.select %and3A_395, %sub3A_420, %select_n3A_423 : vector<32x32768xi1>, vector<32x32768xf32>
    %swap3A = arith.constant 0 : index
    %swap3A_425 = arith.constant 0 : index
    %swap3A_426 = vector.load %arg3[%swap3A, %swap3A_425] : memref<32x32768xf32, #tpu.memory_space<vmem>>, vector<32x32768xf32>
    tpu.vector_store %arg3[%swap3A, %swap3A_425], %select_n3A_424 {strides = array<i32>} : memref<32x32768xf32, #tpu.memory_space<vmem>>, vector<32x32768xf32>,
    return
  }
  func.func @transform_0(%arg0: i32) -> (i32, i32) {
    %c0_i32 = arith.constant 0 : i32
    %c0_i32_0 = arith.constant 0 : i32
    return %arg0, %c0_i32 : i32, i32
  }
  func.func @transform_1(%arg0: i32) -> (i32, i32) {
    %c0_i32 = arith.constant 0 : i32
    %c0_i32_0 = arith.constant 0 : i32
    return %arg0, %c0_i32 : i32, i32
  }
  func.func @transform_2(%arg0: i32) -> (i32, i32) {
    %c0_i32 = arith.constant 0 : i32
    %c0_i32_0 = arith.constant 0 : i32
    return %arg0, %c0_i32 : i32, i32
  }
}

</mosaic_0001>

<sc_bundles>
// kernel: _hybrid.4.cloned.1.call-start
scs
__scs_entry_jumppad:
0x0: {  	(pc) =	sbr.rel $0x88, $3  }
0x1: {  	(tag) =	ssettag $0x0;
	lr =	simm.s32 $0x1  }
0x2: {  	[smem:$0x3F9F] =	sst lr;
	_ =	strace $0xD0000000  }
0x3: {  	_ = 	snop  }
0x4: {  	_ = 	snop  }
0x5: {  	_ = 	snop  }
0x6: {  	_ = 	snop  }
0x7: {  	_ = 	snop  }
__scs_overlays_trampoline_lowered:
0x8: {  	[smem:$0x3FAE] =	sst s0  }
0x9: {  	[smem:$0x3FAF] =	sst s1  }
0xa: {  	[smem:$0x3FB0] =	sst s2  }
0xb: {  	[smem:$0x3FB1] =	sst s3  }
0xc: {  	[smem:$0x3FB2] =	sst s4  }
0xd: {  	[smem:$0x3FB3] =	sst s5  }
0xe: {  	[smem:$0x3FB4] =	sst s6  }
0xf: {  	[smem:$0x3FB5] =	sst s7  }
0x10: {  	[smem:$0x3FB6] =	sst s8  }
0x11: {  	[smem:$0x3FB7] =	sst s9;
	s0 =	simm.s32 @!p0 $0x0  }
0x12: {  	s1 =	sld [smem:$0x3F9D];
	s0 =	simm.s32 @p0 $0x1  }
0x13: {  	[smem:$0x3FB8] =	sst s0;
	s0 =	simm.s32 @!p1 $0x0  }
0x14: {  	s2 =	sld [smem:$0x3F9C];
	s0 =	simm.s32 @p1 $0x1  }
0x15: {  	[smem:$0x3FB9] =	sst s0;
	s0 =	simm.s32 @!p2 $0x0  }
0x16: {  	s3 =	sld [smem:$0x3FDB];
	s0 =	simm.s32 @p2 $0x1  }
0x17: {  	s4 =	simm.s32 $0x1BF5;
	[smem:$0x3FBB] =	sst s0  }
0x18: {  	s0 =	sld [smem:$0x3F9E];
	_ =	swait.ge [sflag:s4], $0x0  }
0x19: {  	s7 =	sld [smem:$0x3F9F]  }
0x1a: {  	s8 =	sadd.s32 $0xFFFFE003, lr  }
0x1b: {  	s9 =	sadd.s32 $0xFFFFFEF7, lr;
	s5 =	simm.s32 $0xFFFFFFFF;
	p2 =	slt.u32 s8, $0xFFFFF086  }
0x1c: {  	p1 =	slt.u32 s9, $0xF7A;
	s5 =	simm.s32 @!p2 $0x0  }
0x1d: {  	s5 =	simm.s32 @p1 $0x1;
	p0 =	seq.s32 s7, s2  }
0x1e: {  	s7 =	smul.u32 @!p0 $0xF7A, s2;
	p2 =	seq.s32 @!p0 s5, $0x0  }
0x1f: {  	s9 =	smul.u32 $0xF7A, s1;
	s8 =	simm.s32 @!p0 $0x1BF5;
	p2 =	por !p2, p0  }
0x20: {  	[sflag:s8] =	ssyncset.s32 @!p0 $0xFFFFF086;
	s6 =	sadd.s32 @!p0 s3, s7;
	s7 =	simm.s32 @!p0 $0x108  }
0x21: {  	s3 =	sadd.s32 s3, s9;
	s6 =	sadd.s32 @!p0 $0x88, s6;
	s7 =	simm.s32 @p2 $0x1082  }
0x22: {  	[simem:s7], [sflag:s8] =	dma.local @!p0 [hbm:s6], $0xF7A  }
0x23: {  	s9 =	sor.u32 $0xD0000000, s2;
	s6 =	simm.s32 $0x108;
	_ =	swait.ge @!p0 [sflag:s8], $0x0  }
0x24: {  	s3 =	sadd.s32 $0x88, s3;
	s6 =	simm.s32 @!p1 $0x1082;
	[sflag:s4] =	ssyncset.s32 $0xFFFFF086  }
0x25: {  	[simem:s6], [sflag:s4] =	dma.local [hbm:s3], $0xF7A  }
0x26: {  	[smem:$0x3F9F] =	sst s1;
	(tag) =	ssettag s2;
	_ =	strace s9  }
0x27: {  	s1 =	sld [smem:$0x3FAF]  }
0x28: {  	s2 =	sld [smem:$0x3FB0]  }
0x29: {  	s4 =	sld [smem:$0x3FB2]  }
0x2a: {  	p0 =	seq.s32 s5, $0x0;
	s5 =	sld [smem:$0x3FB3]  }
0x2b: {  	s6 =	sld [smem:$0x3FB4]  }
0x2c: {  	s7 =	sld [smem:$0x3FB5]  }
0x2d: {  	s3 =	simm.s32 $0x108;
	s8 =	sld [smem:$0x3FB6]  }
0x2e: {  	s3 =	simm.s32 @!p0 $0x1082;
	s9 =	sld [smem:$0x3FB7]  }
0x2f: {  	lr =	sadd.s32 s0, s3;
	s0 =	sld [smem:$0x3FAE]  }
0x30: {  	s3 =	sld [smem:$0x3FB1]  }
0x31: {  	[smem:$0x3FBA] =	sst s10  }
0x32: {  	s10 =	sld [smem:$0x3FB8];
	_ =	sdelay $0x3  }
0x33: {  	p0 =	seq.s32 s10, $0x1;
	s10 =	sld [smem:$0x3FBA];
	_ =	sdelay $0x3  }
0x34: {  	[smem:$0x3FBA] =	sst s10  }
0x35: {  	s10 =	sld [smem:$0x3FB9];
	_ =	sdelay $0x3  }
0x36: {  	p1 =	seq.s32 s10, $0x1;
	s10 =	sld [smem:$0x3FBA];
	_ =	sdelay $0x3  }
0x37: {  	[smem:$0x3FBA] =	sst s10  }
0x38: {  	s10 =	sld [smem:$0x3FBB]  }
0x39: {  	_ = 	snop;
	(pc) =	sbr.ind lr, $3  }
0x3a: {  	_ = 	snop  }
0x3b: {  	_ = 	snop  }
0x3c: {  	p2 =	seq.s32 s10, $0x1;
	s10 =	sld [smem:$0x3FBA]  }
0x3d: {  	_ =	shalt  }
0x3e: {  	_ =	shalt  }
0x3f: {  	_ =	shalt  }
0x40: {  	_ =	shalt  }
0x41: {  	_ =	shalt  }
0x42: {  	_ =	shalt  }
0x43: {  	_ =	shalt  }
0x44: {  	_ =	shalt  }
0x45: {  	_ =	shalt  }
0x46: {  	_ =	shalt  }
0x47: {  	_ =	shalt  }
0x48: {  	_ =	shalt  }
0x49: {  	_ =	shalt  }
0x4a: {  	_ =	shalt  }
0x4b: {  	_ =	shalt  }
0x4c: {  	_ =	shalt  }
0x4d: {  	_ =	shalt  }
0x4e: {  	_ =	shalt  }
0x4f: {  	_ =	shalt  }
0x50: {  	_ =	shalt  }
0x51: {  	_ =	shalt  }
0x52: {  	_ =	shalt  }
0x53: {  	_ =	shalt  }
0x54: {  	_ =	shalt  }
0x55: {  	_ =	shalt  }
0x56: {  	_ =	shalt  }
0x57: {  	_ =	shalt  }
0x58: {  	_ =	shalt  }
0x59: {  	_ =	shalt  }
0x5a: {  	_ =	shalt  }
0x5b: {  	_ =	shalt  }
0x5c: {  	_ =	shalt  }
0x5d: {  	_ =	shalt  }
0x5e: {  	_ =	shalt  }
0x5f: {  	_ =	shalt  }
0x60: {  	_ =	shalt  }
0x61: {  	_ =	shalt  }
0x62: {  	_ =	shalt  }
0x63: {  	_ =	shalt  }
0x64: {  	_ =	shalt  }
0x65: {  	_ =	shalt  }
0x66: {  	_ =	shalt  }
0x67: {  	_ =	shalt  }
0x68: {  	_ =	shalt  }
0x69: {  	_ =	shalt  }
0x6a: {  	_ =	shalt  }
0x6b: {  	_ =	shalt  }
0x6c: {  	_ =	shalt  }
0x6d: {  	_ =	shalt  }
0x6e: {  	_ =	shalt  }
0x6f: {  	_ =	shalt  }
0x70: {  	_ =	shalt  }
0x71: {  	_ =	shalt  }
0x72: {  	_ =	shalt  }
0x73: {  	_ =	shalt  }
0x74: {  	_ =	shalt  }
0x75: {  	_ =	shalt  }
0x76: {  	_ =	shalt  }
0x77: {  	_ =	shalt  }
0x78: {  	_ =	shalt  }
0x79: {  	_ =	shalt  }
0x7a: {  	_ =	shalt  }
0x7b: {  	_ =	shalt  }
0x7c: {  	_ =	shalt  }
0x7d: {  	_ =	shalt  }
0x7e: {  	_ =	shalt  }
0x7f: {  	_ =	shalt  }
0x80: {  	_ =	shalt  }
0x81: {  	_ =	shalt  }
0x82: {  	_ =	shalt  }
0x83: {  	_ =	shalt  }
0x84: {  	_ =	shalt  }
0x85: {  	_ =	shalt  }
0x86: {  	_ =	shalt  }
0x87: {  	_ =	shalt  }
.Lfunc_end0:
.L_simem_size_0:
called_computation_lowered:
.L_overlay_start_0:
0x88: {  	s2 =	sld [smem:$0x3FD9]  }
0x89: {  	s3 =	sld [smem:$0x3FFE];
	_ =	sdelay $0x1  }
0x8a: {  	s1 =	srdreg.scid  }
0x8b: {  	s0 =	sand.u32 $0x1, s1  }
0x8c: {  	s16 =	sshll.u32 s0, $0xA;
	s2 =	sadd.s32 s3, s2  }
0x8d: {  	s2 =	sadd.s32 s2, s16  }
0x8e: {  	[smem:$0x3FC6] =	sst s2  }
0x8f: {  	_ = 	snop  }
0x90: {  	(tm) =	ssettm $0x1  }
0x91: {  	s17 =	sld [smem:$0x3FFB];
	_ =	sdelay $0x3  }
0x92: {  	_ =	strace s17  }
0x93: {  	s2 =	sld [smem:$0x3FFC];
	_ =	sdelay $0x3  }
0x94: {  	_ =	strace s2  }
0x95: {  	s2 =	sld [smem:$0x3FFD];
	_ =	sdelay $0x3  }
0x96: {  	_ =	strace s2  }
0x97: {  	_ =	strace $0x8FFFFFFF  }
0x98: {  	s18 =	sld [smem:$0x3FDB];
	_ =	sdelay $0x1  }
0x99: {  	s19 =	simm.s32 $_scs_section_size  }
0x9a: {  	s4 =	simm.s32 $_size__tile_overlayer_lowered;
	s5 =	simm.s32 $_tile_overlayer_lowered  }
0x9b: {  	s22 =	simm.s32 $0x1BFF;
	s21 =	sshll.u32 s5, $0x1;
	s2 =	sadd.s32 s19, s18  }
0x9c: {  	s6 =	simm.s32 $0x0;
	s20 =	sshll.u32 s4, $0x1;
	s4 =	sadd.s32 s21, s2  }
0x9d: {  	[timem:s6], [sflag:s22] =	dma.local [hbm:s4], s20  }
0x9e: {  	_ =	swait.ge [sflag:s22], s20  }
0x9f: {  	s3 =	ssub.s32 $0x0, s20;
	[sflag:s22] =	ssyncset.done $0x0  }
0xa0: {  	[sflag:s22] =	ssyncadd.s32 s3;
	_ =	sdelay $0x1  }
0xa1: {  	s23 =	simm.s32 $0x1B8B  }
0xa2: {  	_ =	swait.ge [sflag:s23], $0x1  }
0xa3: {  	[sflag:s23] =	ssyncset.done $0x0  }
0xa4: {  	s25 =	simm.s32 $0x1B8E;
	s24 =	sld [smem:$0x3FFE];
	[sflag:s23] =	ssyncadd.s32 $0xFFFFFFFF  }
0xa5: {  	s26 =	simm.s32 $execute0_lowered;
	[smem:$0x3FD2] =	sst s25  }
0xa6: {  	s4 =	sshll.u32 s26, $0x1;
	_ =	strace $0x80000046;
	[dreg:$0x1] =	wrdreg $0xFFFFFFFF  }
0xa7: {  	s28 =	simm.s32 $_size_execute0_lowered;
	s2 =	sadd.s32 s2, s4;
	[dreg:$0x0] =	wrdreg $0x0  }
0xa8: {  	s4 =	sshll.u32 s28, $0x1;
	[dreg:$0x2] =	wrdreg s2  }
0xa9: {  	[dreg:$0x3] =	wrdreg s4  }
0xaa: {  	[dreg:$0x4] =	wrdreg $0xC0  }
0xab: {  	_ =	task [dreg:s6], $0x5FFFF  }
0xac: {  	[dreg:$0x1] =	wrdreg $0xFFFFFFFF  }
0xad: {  	[dreg:$0x0] =	wrdreg $0x60  }
0xae: {  	[dreg:$0x2] =	wrdreg s24  }
0xaf: {  	[dreg:$0x3] =	wrdreg $0x9  }
0xb0: {  	_ =	task.clear_ibuf [dreg:s6], $0x4FFFF;
	_ =	strace $0x90000046  }
0xb1: {  	s29 =	simm.s32 $0x9;
	_ =	strace $0x80000048  }
0xb2: {  	_ =	swait.ge [sflag:s29], $0x1  }
0xb3: {  	[sflag:s29] =	ssyncadd.s32 $0xFFFFFFFF  }
0xb4: {  	_ =	strace $0x90000048  }
0xb5: {  	_ =	sfence  }
0xb6: {  	s30 =	sld [smem:$0x0];
	_ =	sdelay $0x2  }
0xb7: {  	s31 =	sshll.u32 s1, $0xD;
	s1 =	sshrl.u32 s1, $0x2  }
0xb8: {  	s3 =	sand.u32 $0x4000, s31;
	s1 =	sadd.s32 s1, s30  }
0xb9: {  	s0 =	sor.u32 s3, s0;
	s1 =	sshll.u32 s1, $0x11  }
0xba: {  	s0 =	sor.u32 s1, s0  }
0xbb: {  	s0 =	sadd.s32 $0x8F2B, s0  }
0xbc: {  	[sflag:s0] =	ssyncadd.remote.s32 $0x1  }
0xbd: {  	_ =	sfence.sel $0xFFFF  }
0xbe: {  	[dreg:$0x0] =	wrdreg $0xFFFFFFFF;
	(pc) =	sbr.abs _section_cstart, $3  }
0xbf: {  	[dreg:$0x1] =	wrdreg $0xFFFFFFFF  }
0xc0: {  	_ =	task.clear_ibuf [dreg:s6], $0x2FFFF;
	_ =	strace $0x9FFFFFFF  }
0xc1: {  	(tm) =	ssettm $0x7FFFFFFF  }
tec
execute0_lowered:
.L_overlay_start_1:
0x0: {  	(tag) =	ssettag $0x1  }
0x1: {  	v0 =	vimm.s32 $0xFEDCBA98;
	v1 =	vimm.s32 $0x76543210  }
0x2: {  	s0 =	stileid.u32;
	v3 =	vimm.s32 $0x32107654;
	v4 =	vimm.s32 $0xDCFE98BA;
	v5 =	vimm.s32 $0x54761032  }
0x3: {  	s2 =	srdreg.scid;
	s3 =	rddreg [dreg:$0x0];
	v6 =	vimm.s32 $0xEFCDAB89;
	v7 =	vimm.s32 $0x67452301;
	v0 =	vunpack.c.l.s4.s8 v0  }
0x4: {  	s8 =	simm.s32 $0x400;
	s9 =	simm.s32 $0x8000;
	s10 =	simm.s32 $0x1;
	v1 =	vunpack.c.l.s4.s8 v1;
	v3 =	vunpack.c.l.s4.s8 v3;
	v4 =	vunpack.c.l.s4.s8 v4  }
0x5: {  	s11 =	simm.s32 $0x10000;
	s12 =	simm.s32 $0x2;
	s13 =	simm.s32 $0x0;
	v5 =	vunpack.c.l.s4.s8 v5;
	v2 =	vunpack.c.0.s8.s32 v0;
	v0 =	vimm.s32 $0xBA98FEDC  }
0x6: {  	s1 =	sshll.u32 s0, $0xC;
	s4 =	sand.u32 $0x1, s2;
	s7 =	sshll.u32 s0, $0x4;
	v6 =	vunpack.c.l.s4.s8 v6;
	v7 =	vunpack.c.l.s4.s8 v7;
	v0 =	vunpack.c.l.s4.s8 v0  }
0x7: {  	s2 =	simm.s32 $0x0;
	s5 =	sand.u32 $0x8000, s1;
	s1 =	rddreg [dreg:$0x1];
	v3 =	vunpack.c.0.s8.s32 v3;
	v4 =	vunpack.c.0.s8.s32 v4;
	v5 =	vunpack.c.0.s8.s32 v5  }
0x8: {  	s6 =	sshll.u32 s4, $0x10;
	s29 =	sand.u32 $0x70, s7;
	s4 =	ssub.s32 $0x2, s4;
	v6 =	vunpack.c.0.s8.s32 v6;
	v7 =	vunpack.c.0.s8.s32 v7;
	v0 =	vunpack.c.0.s8.s32 v0  }
0x9: {  	[smem:$0x7FF] =	sst s2;
	s5 =	sor.u32 s6, s5;
	s30 =	sshrl.u32 s4, $0x1;
	v8 =	vunpack.c.0.s8.s32 v1;
	v1 =	vcombine.low v5, v4  }
0xa: {  	s7 =	simm.s32 $0x80;
	s5 =	sor.u32 s29, s5;
	s31 =	ssub.s32 s4, s30;
	v0 =	vcombine.low v3, v0;
	v3 =	vand.u32 $0xF, v2;
	v2 =	vcombine.low v7, v6  }
0xb: {  	_ =	strace $0x80000047;
	s5 =	sadd.s32 s5, s3;
	s6 =	smax.u32 s31, $0x1;
	v5 =	vand.u32 $0xF, v1;
	v7 =	vimm.f32 $0.0e+00  }
0xc: {  	s3 =	sadd.s32 $0x2400, s5;
	s4 =	sadd.s32 $0x22400, s5;
	s5 =	sadd.s32 $0x42400, s5;
	v3 =	vcombine.low v3, v8;
	v4 =	vand.u32 $0xF, v0;
	v6 =	vand.u32 $0xF, v2  }
.LBB2_1:
0xd: {  	[tilespmem:s2], [sflag:$0x1] =	stream.strided.gather [hbm4b:s3+s7], $0x8000, s8, s7, $0x38;
	[tilespmem:$0x18000] =	vst v63  }
0xe: {  	_ = 	snop  }
0xf: {  	[tilespmem:s9], [sflag:$0x1] =	stream.strided.gather [hbm4b:s4+s7], $0x8000, s8, s7, $0x38;
	[tilespmem:$0x18000] =	vst v63  }
0x10: {  	_ =	swait.ge [sflag:s10], $0x8000  }
0x11: {  	[sflag:s10] =	ssyncset.done $0x0  }
0x12: {  	[sflag:s10] =	ssyncadd.s32 $0xFFFF8000  }
0x13: {  	_ =	swait.ge [sflag:s10], $0x8000  }
0x14: {  	[sflag:s10] =	ssyncset.done $0x0  }
0x15: {  	s15 =	simm.s32 $0x8040;
	[sflag:s10] =	ssyncadd.s32 $0xFFFF8000  }
0x16: {  	v11 =	vld [tilespmem:s15+$0x20]  }
0x17: {  	v9 =	vld [tilespmem:s15+$0x30]  }
0x18: {  	s14 =	simm.s32 $0x40;
	v15 =	vld [tilespmem:s15+$0x0]  }
0x19: {  	v17 =	vld [tilespmem:s14+$0x0]  }
0x1a: {  	v16 =	vld [tilespmem:s14+$0xFFFFFFC0]  }
0x1b: {  	v20 =	vld [tilespmem:s15+$0xFFFFFFC0]  }
0x1c: {  	v21 =	vld [tilespmem:s14+$0xFFFFFFD0]  }
0x1d: {  	v22 =	vld [tilespmem:s15+$0xFFFFFFD0]  }
0x1e: {  	v18 =	vld [tilespmem:s14+$0xFFFFFFE0]  }
0x1f: {  	v27 =	vld [tilespmem:s14+$0x20]  }
0x20: {  	v12 =	vld [tilespmem:s15+$0x10]  }
0x21: {  	v10 =	vimm.f32 $-3.000000010e+38;
	v13 =	vimm.f32 $3.000000010e+38;
	v19 =	vld [tilespmem:s15+$0xFFFFFFF0]  }
0x22: {  	v14 =	vld [tilespmem:s14+$0x10];
	v8 =	vmax.f32 v10, v16;
	v20 =	vsub.f32 v16, v20;
	v16 =	vmax.f32 v10, v21  }
0x23: {  	v24 =	vld [tilespmem:s15+$0xFFFFFFE0];
	v23 =	vsub.f32 v21, v22;
	v28 =	vmax.f32 v10, v18;
	v25 =	vsub.f32 v17, v15  }
0x24: {  	v21 =	vld [tilespmem:s14+$0xFFFFFFF0];
	v22 =	vsub.f32 v27, v11;
	v15 =	vimm.f32 $3.000000010e+38;
	v8 =	vmax.f32 v8, v17  }
0x25: {  	s16 =	simm.s32 $0x80C0;
	s15 =	simm.s32 $0x0;
	v11 =	vmax.f32 v28, v27;
	v17 =	vimm.f32 $3.000000010e+38;
	v26 =	vmin.f32 v13, v20;
	v20 =	vld [tilespmem:s14+$0x30]  }
.LBB2_2:
0x26: {  	v27 =	vld [tilespmem:s16+$0x20];
	s15 =	sadd.s32 $0x2, s15;
	v26 =	vmin.f32 v26, v25;
	s14 =	sadd.s32 $0x80, s14  }
0x27: {  	v13 =	vmin.f32 v13, v23;
	v25 =	vld [tilespmem:s16+$0x30];
	p0 =	slt.u32 s15, $0x1FE  }
0x28: {  	v12 =	vsub.f32 v14, v12;
	v28 =	vld [tilespmem:s16+$0x0];
	v18 =	vsub.f32 v18, v24  }
0x29: {  	v14 =	vmax.f32 v16, v14;
	v29 =	vld [tilespmem:s14+$0x0];
	v19 =	vsub.f32 v21, v19;
	v10 =	vmax.f32 v10, v21  }
0x2a: {  	v13 =	vmin.f32 v13, v12;
	v21 =	vld [tilespmem:s14+$0xFFFFFFC0];
	v16 =	vmin.f32 v17, v18;
	v18 =	vsub.f32 v20, v9  }
0x2b: {  	v10 =	vmax.f32 v10, v20;
	v12 =	vld [tilespmem:s16+$0x10];
	v15 =	vmin.f32 v15, v19;
	v17 =	vmin.f32 v16, v22  }
0x2c: {  	v20 =	vld [tilespmem:s16+$0xFFFFFFC0];
	v15 =	vmin.f32 v15, v18;
	v9 =	vmov v25  }
0x2d: {  	v22 =	vld [tilespmem:s14+$0xFFFFFFD0]  }
0x2e: {  	v23 =	vld [tilespmem:s16+$0xFFFFFFD0]  }
0x2f: {  	v8 =	vmax.f32 v8, v21;
	v18 =	vld [tilespmem:s14+$0xFFFFFFE0]  }
0x30: {  	v8 =	vmax.f32 v8, v29;
	v30 =	vld [tilespmem:s14+$0x20]  }
.Ltmp0:
0x31: {  	v19 =	vld [tilespmem:s16+$0xFFFFFFF0];
	(pc) =	sbr.rel @p0 .LBB2_2-.Ltmp0, $4  }
0x32: {  	v16 =	vmax.f32 v14, v22;
	v14 =	vld [tilespmem:s14+$0x10]  }
0x33: {  	v20 =	vsub.f32 v21, v20;
	v23 =	vsub.f32 v22, v23;
	v24 =	vld [tilespmem:s16+$0xFFFFFFE0]  }
0x34: {  	v25 =	vsub.f32 v29, v28;
	v11 =	vmax.f32 v11, v18;
	v21 =	vld [tilespmem:s14+$0xFFFFFFF0]  }
0x35: {  	v26 =	vmin.f32 v26, v20;
	s16 =	sadd.s32 $0x80, s16;
	v22 =	vsub.f32 v30, v27;
	v11 =	vmax.f32 v11, v30;
	v20 =	vld [tilespmem:s14+$0x30]  }
0x36: {  	_ =	sdelay $0x2  }
0x37: {  	v18 =	vsub.f32 v18, v24;
	v19 =	vsub.f32 v21, v19  }
0x38: {  	v13 =	vmin.f32 v13, v23;
	v12 =	vsub.f32 v14, v12;
	v9 =	vsub.f32 v20, v9  }
0x39: {  	v24 =	vmin.f32 v26, v25;
	v17 =	vmin.f32 v17, v18;
	v15 =	vmin.f32 v15, v19  }
0x3a: {  	v12 =	vmin.f32 v13, v12;
	v13 =	vmin.f32 v17, v22;
	v9 =	vmin.f32 v15, v9  }
0x3b: {  	v12 =	vadd.f32 v12, v24;
	v9 =	vadd.f32 v9, v13;
	_ =	sdelay $0x1  }
0x3c: {  	v9 =	vadd.f32 v9, v12;
	_ =	sdelay $0x1  }
0x3d: {  	v10 =	vmax.f32 v10, v21;
	v9 =	vsub.f32 $0.0e+00, v9  }
0x3e: {  	v10 =	vmax.f32 v10, v20;
	v12 =	vmax.f32 v16, v14  }
0x3f: {  	v10 =	vadd.f32 v10, v11;
	v8 =	vadd.f32 v12, v8;
	v11 =	vperm.xlane v9, v3;
	_ =	sdelay $0x1  }
0x40: {  	v8 =	vadd.f32 v10, v8;
	v9 =	vmax.f32 v9, v11  }
0x41: {  	v10 =	vperm.xlane v9, v4  }
0x42: {  	v11 =	vperm.xlane v8, v3  }
0x43: {  	v9 =	vmax.f32 v9, v10  }
0x44: {  	v8 =	vmax.f32 v8, v11;
	v10 =	vperm.xlane v9, v5  }
0x45: {  	v11 =	vperm.xlane v8, v4  }
0x46: {  	v9 =	vmax.f32 v9, v10  }
0x47: {  	v8 =	vmax.f32 v8, v11;
	v10 =	vperm.xlane v9, v6  }
0x48: {  	s14 =	simm.s32 $0x40;
	v11 =	vperm.xlane v8, v5  }
0x49: {  	v23 =	vld [tilespmem:s14+$0xFFFFFFF0];
	v9 =	vmax.f32 v9, v10  }
0x4a: {  	v20 =	vld [tilespmem:s14+$0xFFFFFFD0];
	v10 =	vmax.f32 v8, v11;
	v9 =	vsub.f32 $0.0e+00, v9  }
0x4b: {  	v15 =	vld [tilespmem:s14+$0x30];
	v11 =	vperm.xlane v10, v6  }
0x4c: {  	v13 =	vld [tilespmem:s14+$0x10];
	v8 =	vadd.f32 $-1.000000000e+00, v9  }
0x4d: {  	v12 =	vld [tilespmem:s14+$0x0];
	v9 =	vmax.f32 v10, v11  }
0x4e: {  	v14 =	vld [tilespmem:s14+$0x20];
	v10 =	vadd.f32 v9, v8  }
0x4f: {  	v19 =	vld [tilespmem:s14+$0xFFFFFFC0]  }
0x50: {  	s16 =	simm.s32 $0x8040;
	v21 =	vld [tilespmem:s14+$0xFFFFFFE0];
	v10 =	vmul.f32 $5.000000000e-01, v10  }
0x51: {  	v18 =	vld [tilespmem:s16+$0xFFFFFFD0]  }
0x52: {  	v17 =	vld [tilespmem:s16+$0xFFFFFFC0];
	v24 =	vsub.f32 v12, v10;
	v13 =	vsub.f32 v13, v10  }
0x53: {  	v16 =	vld [tilespmem:s16+$0x10];
	v14 =	vsub.f32 v14, v10;
	v15 =	vsub.f32 v15, v10  }
0x54: {  	v11 =	vld [tilespmem:s16+$0x0];
	v12 =	vimm.f32 $0.0e+00;
	v28 =	vsub.f32 v19, v10;
	v29 =	vsub.f32 v20, v10  }
0x55: {  	v22 =	vld [tilespmem:s16+$0xFFFFFFE0];
	v30 =	vsub.f32 v21, v10;
	v25 =	vsub.f32 v23, v10;
	v26 =	vmax.f32 v24, $0.0e+00  }
0x56: {  	v20 =	vld [tilespmem:s16+$0xFFFFFFF0];
	v27 =	vmax.f32 v13, $0.0e+00;
	v21 =	vmax.f32 v14, $0.0e+00;
	v19 =	vmax.f32 v15, $0.0e+00  }
0x57: {  	v23 =	vld [tilespmem:s16+$0x20];
	v28 =	vmax.f32 v28, $0.0e+00;
	v29 =	vmax.f32 v29, $0.0e+00;
	v30 =	vmax.f32 v30, $0.0e+00  }
0x58: {  	s15 =	simm.s32 $0x0;
	v24 =	vld [tilespmem:s16+$0x30];
	s16 =	simm.s32 $0x80C0;
	v15 =	vimm.f32 $0.0e+00;
	v13 =	vimm.f32 $0.0e+00;
	v14 =	vimm.f32 $0.0e+00  }
.LBB2_4:
0x59: {  	v25 =	vmax.f32 v25, $0.0e+00;
	v26 =	vmin.f32 v11, v26;
	v11 =	vld [tilespmem:s16+$0x0];
	v16 =	vmin.f32 v16, v27;
	s14 =	sadd.s32 $0x80, s14  }
0x5a: {  	v17 =	vmin.f32 v17, v28;
	v18 =	vmin.f32 v18, v29;
	v27 =	vld [tilespmem:s14+$0x0];
	v22 =	vmin.f32 v22, v30  }
0x5b: {  	v12 =	vadd.f32 v17, v12;
	v15 =	vadd.f32 v18, v15;
	v28 =	vld [tilespmem:s14+$0x10];
	v17 =	vmin.f32 v20, v25  }
0x5c: {  	v13 =	vadd.f32 v22, v13;
	v20 =	vld [tilespmem:s14+$0x20];
	v14 =	vadd.f32 v17, v14;
	v17 =	vmin.f32 v23, v21  }
0x5d: {  	v12 =	vadd.f32 v26, v12;
	v15 =	vadd.f32 v16, v15;
	v21 =	vld [tilespmem:s14+$0x30];
	v16 =	vmin.f32 v24, v19  }
0x5e: {  	v13 =	vadd.f32 v17, v13;
	v19 =	vld [tilespmem:s14+$0xFFFFFFC0];
	v14 =	vadd.f32 v16, v14  }
0x5f: {  	v22 =	vld [tilespmem:s14+$0xFFFFFFD0]  }
0x60: {  	v23 =	vld [tilespmem:s14+$0xFFFFFFE0]  }
0x61: {  	v24 =	vld [tilespmem:s14+$0xFFFFFFF0]  }
0x62: {  	s15 =	sadd.s32 $0x2, s15;
	v16 =	vld [tilespmem:s16+$0x10]  }
0x63: {  	p0 =	slt.u32 s15, $0x1FE;
	v26 =	vsub.f32 v27, v10;
	v27 =	vsub.f32 v28, v10;
	v17 =	vld [tilespmem:s16+$0xFFFFFFC0]  }
.Ltmp1:
0x64: {  	v28 =	vsub.f32 v20, v10;
	v29 =	vsub.f32 v21, v10;
	v18 =	vld [tilespmem:s16+$0xFFFFFFD0];
	(pc) =	sbr.rel @p0 .LBB2_4-.Ltmp1, $4  }
0x65: {  	v30 =	vsub.f32 v19, v10;
	v31 =	vsub.f32 v22, v10;
	v22 =	vld [tilespmem:s16+$0xFFFFFFE0]  }
0x66: {  	v26 =	vmax.f32 v26, $0.0e+00;
	v32 =	vsub.f32 v23, v10;
	v20 =	vld [tilespmem:s16+$0xFFFFFFF0];
	v25 =	vsub.f32 v24, v10  }
0x67: {  	v27 =	vmax.f32 v27, $0.0e+00;
	v21 =	vmax.f32 v28, $0.0e+00;
	v19 =	vmax.f32 v29, $0.0e+00;
	v23 =	vld [tilespmem:s16+$0x20]  }
0x68: {  	v28 =	vmax.f32 v30, $0.0e+00;
	v29 =	vmax.f32 v31, $0.0e+00;
	v30 =	vmax.f32 v32, $0.0e+00;
	v24 =	vld [tilespmem:s16+$0x30];
	s16 =	sadd.s32 $0x80, s16  }
0x69: {  	v25 =	vmax.f32 v25, $0.0e+00;
	v11 =	vmin.f32 v11, v26;
	v16 =	vmin.f32 v16, v27  }
0x6a: {  	v17 =	vmin.f32 v17, v28;
	v18 =	vmin.f32 v18, v29;
	v22 =	vmin.f32 v22, v30  }
0x6b: {  	v12 =	vadd.f32 v17, v12;
	v15 =	vadd.f32 v18, v15;
	v17 =	vmin.f32 v20, v25  }
0x6c: {  	v13 =	vadd.f32 v22, v13;
	v14 =	vadd.f32 v17, v14;
	v17 =	vmin.f32 v23, v21  }
0x6d: {  	v11 =	vadd.f32 v11, v12;
	v12 =	vadd.f32 v16, v15;
	v15 =	vmin.f32 v24, v19  }
0x6e: {  	v13 =	vadd.f32 v17, v13;
	v14 =	vadd.f32 v15, v14;
	_ =	sdelay $0x1  }
0x6f: {  	v11 =	vadd.f32 v12, v11;
	v12 =	vadd.f32 v14, v13;
	_ =	sdelay $0x1  }
0x70: {  	v11 =	vadd.f32 v12, v11;
	_ =	sdelay $0x1  }
0x71: {  	v12 =	vperm.xlane v11, v3;
	_ =	sdelay $0x1  }
0x72: {  	v11 =	vadd.f32 v12, v11;
	_ =	sdelay $0x1  }
0x73: {  	v12 =	vperm.xlane v11, v0;
	_ =	sdelay $0x1  }
0x74: {  	v11 =	vadd.f32 v12, v11;
	_ =	sdelay $0x1  }
0x75: {  	v12 =	vperm.xlane v11, v1;
	_ =	sdelay $0x1  }
0x76: {  	v11 =	vadd.f32 v12, v11;
	_ =	sdelay $0x1  }
0x77: {  	v12 =	vperm.xlane v11, v2;
	_ =	sdelay $0x1  }
0x78: {  	s14 =	simm.s32 $0x40;
	v11 =	vadd.f32 v12, v11  }
0x79: {  	v20 =	vld [tilespmem:s14+$0xFFFFFFD0]  }
0x7a: {  	v21 =	vld [tilespmem:s14+$0xFFFFFFE0];
	v11 =	vadd.f32 $-1.000000000e+00, v11  }
0x7b: {  	v15 =	vld [tilespmem:s14+$0x30]  }
0x7c: {  	v13 =	vld [tilespmem:s14+$0x10];
	vm0 =	vgt.f32 v11, $0.0e+00  }
0x7d: {  	v12 =	vld [tilespmem:s14+$0x0];
	v8 =	vsel vm0, v10, v8;
	v9 =	vsel vm0, v9, v10  }
0x7e: {  	v14 =	vld [tilespmem:s14+$0x20];
	v10 =	vadd.f32 v9, v8  }
0x7f: {  	v19 =	vld [tilespmem:s14+$0xFFFFFFC0]  }
0x80: {  	s16 =	simm.s32 $0x8040;
	v23 =	vld [tilespmem:s14+$0xFFFFFFF0];
	v10 =	vmul.f32 $5.000000000e-01, v10  }
0x81: {  	v18 =	vld [tilespmem:s16+$0xFFFFFFD0]  }
0x82: {  	v22 =	vld [tilespmem:s16+$0xFFFFFFE0];
	v24 =	vsub.f32 v12, v10;
	v13 =	vsub.f32 v13, v10  }
0x83: {  	v16 =	vld [tilespmem:s16+$0x10];
	v14 =	vsub.f32 v14, v10;
	v15 =	vsub.f32 v15, v10  }
0x84: {  	v11 =	vld [tilespmem:s16+$0x0];
	v12 =	vimm.f32 $0.0e+00;
	v28 =	vsub.f32 v19, v10;
	v29 =	vsub.f32 v20, v10  }
0x85: {  	v17 =	vld [tilespmem:s16+$0xFFFFFFC0];
	v30 =	vsub.f32 v21, v10;
	v25 =	vsub.f32 v23, v10;
	v26 =	vmax.f32 v24, $0.0e+00  }
0x86: {  	v20 =	vld [tilespmem:s16+$0xFFFFFFF0];
	v27 =	vmax.f32 v13, $0.0e+00;
	v21 =	vmax.f32 v14, $0.0e+00;
	v19 =	vmax.f32 v15, $0.0e+00  }
0x87: {  	v23 =	vld [tilespmem:s16+$0x20];
	v28 =	vmax.f32 v28, $0.0e+00;
	v29 =	vmax.f32 v29, $0.0e+00;
	v30 =	vmax.f32 v30, $0.0e+00  }
0x88: {  	s15 =	simm.s32 $0x0;
	v24 =	vld [tilespmem:s16+$0x30];
	s16 =	simm.s32 $0x80C0;
	v15 =	vimm.f32 $0.0e+00;
	v13 =	vimm.f32 $0.0e+00;
	v14 =	vimm.f32 $0.0e+00  }
.LBB2_6:
0x89: {  	v25 =	vmax.f32 v25, $0.0e+00;
	v26 =	vmin.f32 v11, v26;
	v11 =	vld [tilespmem:s16+$0x0];
	v16 =	vmin.f32 v16, v27;
	s14 =	sadd.s32 $0x80, s14  }
0x8a: {  	v17 =	vmin.f32 v17, v28;
	v18 =	vmin.f32 v18, v29;
	v27 =	vld [tilespmem:s14+$0x0];
	v22 =	vmin.f32 v22, v30  }
0x8b: {  	v12 =	vadd.f32 v17, v12;
	v15 =	vadd.f32 v18, v15;
	v28 =	vld [tilespmem:s14+$0x10];
	v17 =	vmin.f32 v20, v25  }
0x8c: {  	v13 =	vadd.f32 v22, v13;
	v20 =	vld [tilespmem:s14+$0x20];
	v14 =	vadd.f32 v17, v14;
	v17 =	vmin.f32 v23, v21  }
0x8d: {  	v12 =	vadd.f32 v26, v12;
	v15 =	vadd.f32 v16, v15;
	v21 =	vld [tilespmem:s14+$0x30];
	v16 =	vmin.f32 v24, v19  }
0x8e: {  	v13 =	vadd.f32 v17, v13;
	v19 =	vld [tilespmem:s14+$0xFFFFFFC0];
	v14 =	vadd.f32 v16, v14  }
0x8f: {  	v22 =	vld [tilespmem:s14+$0xFFFFFFD0]  }
0x90: {  	v23 =	vld [tilespmem:s14+$0xFFFFFFE0]  }
0x91: {  	v24 =	vld [tilespmem:s14+$0xFFFFFFF0]  }
0x92: {  	s15 =	sadd.s32 $0x2, s15;
	v16 =	vld [tilespmem:s16+$0x10]  }
0x93: {  	p0 =	slt.u32 s15, $0x1FE;
	v26 =	vsub.f32 v27, v10;
	v27 =	vsub.f32 v28, v10;
	v17 =	vld [tilespmem:s16+$0xFFFFFFC0]  }
.Ltmp2:
0x94: {  	v28 =	vsub.f32 v20, v10;
	v29 =	vsub.f32 v21, v10;
	v18 =	vld [tilespmem:s16+$0xFFFFFFD0];
	(pc) =	sbr.rel @p0 .LBB2_6-.Ltmp2, $4  }
0x95: {  	v30 =	vsub.f32 v19, v10;
	v31 =	vsub.f32 v22, v10;
	v22 =	vld [tilespmem:s16+$0xFFFFFFE0]  }
0x96: {  	v26 =	vmax.f32 v26, $0.0e+00;
	v32 =	vsub.f32 v23, v10;
	v20 =	vld [tilespmem:s16+$0xFFFFFFF0];
	v25 =	vsub.f32 v24, v10  }
0x97: {  	v27 =	vmax.f32 v27, $0.0e+00;
	v21 =	vmax.f32 v28, $0.0e+00;
	v19 =	vmax.f32 v29, $0.0e+00;
	v23 =	vld [tilespmem:s16+$0x20]  }
0x98: {  	v28 =	vmax.f32 v30, $0.0e+00;
	v29 =	vmax.f32 v31, $0.0e+00;
	v30 =	vmax.f32 v32, $0.0e+00;
	v24 =	vld [tilespmem:s16+$0x30];
	s16 =	sadd.s32 $0x80, s16  }
0x99: {  	v25 =	vmax.f32 v25, $0.0e+00;
	v11 =	vmin.f32 v11, v26;
	v16 =	vmin.f32 v16, v27  }
0x9a: {  	v17 =	vmin.f32 v17, v28;
	v18 =	vmin.f32 v18, v29;
	v22 =	vmin.f32 v22, v30  }
0x9b: {  	v12 =	vadd.f32 v17, v12;
	v15 =	vadd.f32 v18, v15;
	v17 =	vmin.f32 v20, v25  }
0x9c: {  	v13 =	vadd.f32 v22, v13;
	v14 =	vadd.f32 v17, v14;
	v17 =	vmin.f32 v23, v21  }
0x9d: {  	v11 =	vadd.f32 v11, v12;
	v12 =	vadd.f32 v16, v15;
	v15 =	vmin.f32 v24, v19  }
0x9e: {  	v13 =	vadd.f32 v17, v13;
	v14 =	vadd.f32 v15, v14;
	_ =	sdelay $0x1  }
0x9f: {  	v11 =	vadd.f32 v12, v11;
	v12 =	vadd.f32 v14, v13;
	_ =	sdelay $0x1  }
0xa0: {  	v11 =	vadd.f32 v12, v11;
	_ =	sdelay $0x1  }
0xa1: {  	v12 =	vperm.xlane v11, v3;
	_ =	sdelay $0x1  }
0xa2: {  	v11 =	vadd.f32 v12, v11;
	_ =	sdelay $0x1  }
0xa3: {  	v12 =	vperm.xlane v11, v0;
	_ =	sdelay $0x1  }
0xa4: {  	v11 =	vadd.f32 v12, v11;
	_ =	sdelay $0x1  }
0xa5: {  	v12 =	vperm.xlane v11, v1;
	_ =	sdelay $0x1  }
0xa6: {  	v11 =	vadd.f32 v12, v11;
	_ =	sdelay $0x1  }
0xa7: {  	v12 =	vperm.xlane v11, v2;
	_ =	sdelay $0x1  }
0xa8: {  	s14 =	simm.s32 $0x40;
	v11 =	vadd.f32 v12, v11  }
0xa9: {  	v20 =	vld [tilespmem:s14+$0xFFFFFFD0]  }
0xaa: {  	v21 =	vld [tilespmem:s14+$0xFFFFFFE0];
	v11 =	vadd.f32 $-1.000000000e+00, v11  }
0xab: {  	v15 =	vld [tilespmem:s14+$0x30]  }
0xac: {  	v13 =	vld [tilespmem:s14+$0x10];
	vm0 =	vgt.f32 v11, $0.0e+00  }
0xad: {  	v12 =	vld [tilespmem:s14+$0x0];
	v8 =	vsel vm0, v10, v8;
	v9 =	vsel vm0, v9, v10  }
0xae: {  	v14 =	vld [tilespmem:s14+$0x20];
	v10 =	vadd.f32 v9, v8  }
0xaf: {  	v19 =	vld [tilespmem:s14+$0xFFFFFFC0]  }
0xb0: {  	s16 =	simm.s32 $0x8040;
	v23 =	vld [tilespmem:s14+$0xFFFFFFF0];
	v10 =	vmul.f32 $5.000000000e-01, v10  }
0xb1: {  	v18 =	vld [tilespmem:s16+$0xFFFFFFD0]  }
0xb2: {  	v22 =	vld [tilespmem:s16+$0xFFFFFFE0];
	v24 =	vsub.f32 v12, v10;
	v13 =	vsub.f32 v13, v10  }
0xb3: {  	v16 =	vld [tilespmem:s16+$0x10];
	v14 =	vsub.f32 v14, v10;
	v15 =	vsub.f32 v15, v10  }
0xb4: {  	v11 =	vld [tilespmem:s16+$0x0];
	v12 =	vimm.f32 $0.0e+00;
	v28 =	vsub.f32 v19, v10;
	v29 =	vsub.f32 v20, v10  }
0xb5: {  	v17 =	vld [tilespmem:s16+$0xFFFFFFC0];
	v30 =	vsub.f32 v21, v10;
	v25 =	vsub.f32 v23, v10;
	v26 =	vmax.f32 v24, $0.0e+00  }
0xb6: {  	v20 =	vld [tilespmem:s16+$0xFFFFFFF0];
	v27 =	vmax.f32 v13, $0.0e+00;
	v21 =	vmax.f32 v14, $0.0e+00;
	v19 =	vmax.f32 v15, $0.0e+00  }
0xb7: {  	v23 =	vld [tilespmem:s16+$0x20];
	v28 =	vmax.f32 v28, $0.0e+00;
	v29 =	vmax.f32 v29, $0.0e+00;
	v30 =	vmax.f32 v30, $0.0e+00  }
0xb8: {  	s15 =	simm.s32 $0x0;
	v24 =	vld [tilespmem:s16+$0x30];
	s16 =	simm.s32 $0x80C0;
	v15 =	vimm.f32 $0.0e+00;
	v13 =	vimm.f32 $0.0e+00;
	v14 =	vimm.f32 $0.0e+00  }
.LBB2_8:
0xb9: {  	v25 =	vmax.f32 v25, $0.0e+00;
	v26 =	vmin.f32 v11, v26;
	v11 =	vld [tilespmem:s16+$0x0];
	v16 =	vmin.f32 v16, v27;
	s14 =	sadd.s32 $0x80, s14  }
0xba: {  	v17 =	vmin.f32 v17, v28;
	v18 =	vmin.f32 v18, v29;
	v27 =	vld [tilespmem:s14+$0x0];
	v22 =	vmin.f32 v22, v30  }
0xbb: {  	v12 =	vadd.f32 v17, v12;
	v15 =	vadd.f32 v18, v15;
	v28 =	vld [tilespmem:s14+$0x10];
	v17 =	vmin.f32 v20, v25  }
0xbc: {  	v13 =	vadd.f32 v22, v13;
	v20 =	vld [tilespmem:s14+$0x20];
	v14 =	vadd.f32 v17, v14;
	v17 =	vmin.f32 v23, v21  }
0xbd: {  	v12 =	vadd.f32 v26, v12;
	v15 =	vadd.f32 v16, v15;
	v21 =	vld [tilespmem:s14+$0x30];
	v16 =	vmin.f32 v24, v19  }
0xbe: {  	v13 =	vadd.f32 v17, v13;
	v19 =	vld [tilespmem:s14+$0xFFFFFFC0];
	v14 =	vadd.f32 v16, v14  }
0xbf: {  	v22 =	vld [tilespmem:s14+$0xFFFFFFD0]  }
0xc0: {  	v23 =	vld [tilespmem:s14+$0xFFFFFFE0]  }
0xc1: {  	v24 =	vld [tilespmem:s14+$0xFFFFFFF0]  }
0xc2: {  	s15 =	sadd.s32 $0x2, s15;
	v16 =	vld [tilespmem:s16+$0x10]  }
0xc3: {  	p0 =	slt.u32 s15, $0x1FE;
	v26 =	vsub.f32 v27, v10;
	v27 =	vsub.f32 v28, v10;
	v17 =	vld [tilespmem:s16+$0xFFFFFFC0]  }
.Ltmp3:
0xc4: {  	v28 =	vsub.f32 v20, v10;
	v29 =	vsub.f32 v21, v10;
	v18 =	vld [tilespmem:s16+$0xFFFFFFD0];
	(pc) =	sbr.rel @p0 .LBB2_8-.Ltmp3, $4  }
0xc5: {  	v30 =	vsub.f32 v19, v10;
	v31 =	vsub.f32 v22, v10;
	v22 =	vld [tilespmem:s16+$0xFFFFFFE0]  }
0xc6: {  	v26 =	vmax.f32 v26, $0.0e+00;
	v32 =	vsub.f32 v23, v10;
	v20 =	vld [tilespmem:s16+$0xFFFFFFF0];
	v25 =	vsub.f32 v24, v10  }
0xc7: {  	v27 =	vmax.f32 v27, $0.0e+00;
	v21 =	vmax.f32 v28, $0.0e+00;
	v19 =	vmax.f32 v29, $0.0e+00;
	v23 =	vld [tilespmem:s16+$0x20]  }
0xc8: {  	v28 =	vmax.f32 v30, $0.0e+00;
	v29 =	vmax.f32 v31, $0.0e+00;
	v30 =	vmax.f32 v32, $0.0e+00;
	v24 =	vld [tilespmem:s16+$0x30];
	s16 =	sadd.s32 $0x80, s16  }
0xc9: {  	v25 =	vmax.f32 v25, $0.0e+00;
	v11 =	vmin.f32 v11, v26;
	v16 =	vmin.f32 v16, v27  }
0xca: {  	v17 =	vmin.f32 v17, v28;
	v18 =	vmin.f32 v18, v29;
	v22 =	vmin.f32 v22, v30  }
0xcb: {  	v12 =	vadd.f32 v17, v12;
	v15 =	vadd.f32 v18, v15;
	v17 =	vmin.f32 v20, v25  }
0xcc: {  	v13 =	vadd.f32 v22, v13;
	v14 =	vadd.f32 v17, v14;
	v17 =	vmin.f32 v23, v21  }
0xcd: {  	v11 =	vadd.f32 v11, v12;
	v12 =	vadd.f32 v16, v15;
	v15 =	vmin.f32 v24, v19  }
0xce: {  	v13 =	vadd.f32 v17, v13;
	v14 =	vadd.f32 v15, v14;
	_ =	sdelay $0x1  }
0xcf: {  	v11 =	vadd.f32 v12, v11;
	v12 =	vadd.f32 v14, v13;
	_ =	sdelay $0x1  }
0xd0: {  	v11 =	vadd.f32 v12, v11;
	_ =	sdelay $0x1  }
0xd1: {  	v12 =	vperm.xlane v11, v3;
	_ =	sdelay $0x1  }
0xd2: {  	v11 =	vadd.f32 v12, v11;
	_ =	sdelay $0x1  }
0xd3: {  	v12 =	vperm.xlane v11, v0;
	_ =	sdelay $0x1  }
0xd4: {  	v11 =	vadd.f32 v12, v11;
	_ =	sdelay $0x1  }
0xd5: {  	v12 =	vperm.xlane v11, v1;
	_ =	sdelay $0x1  }
0xd6: {  	v11 =	vadd.f32 v12, v11;
	_ =	sdelay $0x1  }
0xd7: {  	v12 =	vperm.xlane v11, v2;
	_ =	sdelay $0x1  }
0xd8: {  	s14 =	simm.s32 $0x40;
	v11 =	vadd.f32 v12, v11  }
0xd9: {  	v20 =	vld [tilespmem:s14+$0xFFFFFFD0]  }
0xda: {  	v21 =	vld [tilespmem:s14+$0xFFFFFFE0];
	v11 =	vadd.f32 $-1.000000000e+00, v11  }
0xdb: {  	v15 =	vld [tilespmem:s14+$0x30]  }
0xdc: {  	v13 =	vld [tilespmem:s14+$0x10];
	vm0 =	vgt.f32 v11, $0.0e+00  }
0xdd: {  	v12 =	vld [tilespmem:s14+$0x0];
	v8 =	vsel vm0, v10, v8;
	v9 =	vsel vm0, v9, v10  }
0xde: {  	v14 =	vld [tilespmem:s14+$0x20];
	v10 =	vadd.f32 v9, v8  }
0xdf: {  	v19 =	vld [tilespmem:s14+$0xFFFFFFC0]  }
0xe0: {  	s16 =	simm.s32 $0x8040;
	v23 =	vld [tilespmem:s14+$0xFFFFFFF0];
	v10 =	vmul.f32 $5.000000000e-01, v10  }
0xe1: {  	v18 =	vld [tilespmem:s16+$0xFFFFFFD0]  }
0xe2: {  	v22 =	vld [tilespmem:s16+$0xFFFFFFE0];
	v24 =	vsub.f32 v12, v10;
	v13 =	vsub.f32 v13, v10  }
0xe3: {  	v16 =	vld [tilespmem:s16+$0x10];
	v14 =	vsub.f32 v14, v10;
	v15 =	vsub.f32 v15, v10  }
0xe4: {  	v11 =	vld [tilespmem:s16+$0x0];
	v12 =	vimm.f32 $0.0e+00;
	v28 =	vsub.f32 v19, v10;
	v29 =	vsub.f32 v20, v10  }
0xe5: {  	v17 =	vld [tilespmem:s16+$0xFFFFFFC0];
	v30 =	vsub.f32 v21, v10;
	v25 =	vsub.f32 v23, v10;
	v26 =	vmax.f32 v24, $0.0e+00  }
0xe6: {  	v20 =	vld [tilespmem:s16+$0xFFFFFFF0];
	v27 =	vmax.f32 v13, $0.0e+00;
	v21 =	vmax.f32 v14, $0.0e+00;
	v19 =	vmax.f32 v15, $0.0e+00  }
0xe7: {  	v23 =	vld [tilespmem:s16+$0x20];
	v28 =	vmax.f32 v28, $0.0e+00;
	v29 =	vmax.f32 v29, $0.0e+00;
	v30 =	vmax.f32 v30, $0.0e+00  }
0xe8: {  	s15 =	simm.s32 $0x0;
	v24 =	vld [tilespmem:s16+$0x30];
	s16 =	simm.s32 $0x80C0;
	v15 =	vimm.f32 $0.0e+00;
	v13 =	vimm.f32 $0.0e+00;
	v14 =	vimm.f32 $0.0e+00  }
.LBB2_10:
0xe9: {  	v25 =	vmax.f32 v25, $0.0e+00;
	v26 =	vmin.f32 v11, v26;
	v11 =	vld [tilespmem:s16+$0x0];
	v16 =	vmin.f32 v16, v27;
	s14 =	sadd.s32 $0x80, s14  }
0xea: {  	v17 =	vmin.f32 v17, v28;
	v18 =	vmin.f32 v18, v29;
	v27 =	vld [tilespmem:s14+$0x0];
	v22 =	vmin.f32 v22, v30  }
0xeb: {  	v12 =	vadd.f32 v17, v12;
	v15 =	vadd.f32 v18, v15;
	v28 =	vld [tilespmem:s14+$0x10];
	v17 =	vmin.f32 v20, v25  }
0xec: {  	v13 =	vadd.f32 v22, v13;
	v20 =	vld [tilespmem:s14+$0x20];
	v14 =	vadd.f32 v17, v14;
	v17 =	vmin.f32 v23, v21  }
0xed: {  	v12 =	vadd.f32 v26, v12;
	v15 =	vadd.f32 v16, v15;
	v21 =	vld [tilespmem:s14+$0x30];
	v16 =	vmin.f32 v24, v19  }
0xee: {  	v13 =	vadd.f32 v17, v13;
	v19 =	vld [tilespmem:s14+$0xFFFFFFC0];
	v14 =	vadd.f32 v16, v14  }
0xef: {  	v22 =	vld [tilespmem:s14+$0xFFFFFFD0]  }
0xf0: {  	v23 =	vld [tilespmem:s14+$0xFFFFFFE0]  }
0xf1: {  	v24 =	vld [tilespmem:s14+$0xFFFFFFF0]  }
0xf2: {  	s15 =	sadd.s32 $0x2, s15;
	v16 =	vld [tilespmem:s16+$0x10]  }
0xf3: {  	p0 =	slt.u32 s15, $0x1FE;
	v26 =	vsub.f32 v27, v10;
	v27 =	vsub.f32 v28, v10;
	v17 =	vld [tilespmem:s16+$0xFFFFFFC0]  }
.Ltmp4:
0xf4: {  	v28 =	vsub.f32 v20, v10;
	v29 =	vsub.f32 v21, v10;
	v18 =	vld [tilespmem:s16+$0xFFFFFFD0];
	(pc) =	sbr.rel @p0 .LBB2_10-.Ltmp4, $4  }
0xf5: {  	v30 =	vsub.f32 v19, v10;
	v31 =	vsub.f32 v22, v10;
	v22 =	vld [tilespmem:s16+$0xFFFFFFE0]  }
0xf6: {  	v26 =	vmax.f32 v26, $0.0e+00;
	v32 =	vsub.f32 v23, v10;
	v20 =	vld [tilespmem:s16+$0xFFFFFFF0];
	v25 =	vsub.f32 v24, v10  }
0xf7: {  	v27 =	vmax.f32 v27, $0.0e+00;
	v21 =	vmax.f32 v28, $0.0e+00;
	v19 =	vmax.f32 v29, $0.0e+00;
	v23 =	vld [tilespmem:s16+$0x20]  }
0xf8: {  	v28 =	vmax.f32 v30, $0.0e+00;
	v29 =	vmax.f32 v31, $0.0e+00;
	v30 =	vmax.f32 v32, $0.0e+00;
	v24 =	vld [tilespmem:s16+$0x30];
	s16 =	sadd.s32 $0x80, s16  }
0xf9: {  	v25 =	vmax.f32 v25, $0.0e+00;
	v11 =	vmin.f32 v11, v26;
	v16 =	vmin.f32 v16, v27  }
0xfa: {  	v17 =	vmin.f32 v17, v28;
	v18 =	vmin.f32 v18, v29;
	v22 =	vmin.f32 v22, v30  }
0xfb: {  	v12 =	vadd.f32 v17, v12;
	v15 =	vadd.f32 v18, v15;
	v17 =	vmin.f32 v20, v25  }
0xfc: {  	v13 =	vadd.f32 v22, v13;
	v14 =	vadd.f32 v17, v14;
	v17 =	vmin.f32 v23, v21  }
0xfd: {  	v11 =	vadd.f32 v11, v12;
	v12 =	vadd.f32 v16, v15;
	v15 =	vmin.f32 v24, v19  }
0xfe: {  	v13 =	vadd.f32 v17, v13;
	v14 =	vadd.f32 v15, v14;
	_ =	sdelay $0x1  }
0xff: {  	v11 =	vadd.f32 v12, v11;
	v12 =	vadd.f32 v14, v13;
	_ =	sdelay $0x1  }
0x100: {  	v11 =	vadd.f32 v12, v11;
	_ =	sdelay $0x1  }
0x101: {  	v12 =	vperm.xlane v11, v3;
	_ =	sdelay $0x1  }
0x102: {  	v11 =	vadd.f32 v12, v11;
	_ =	sdelay $0x1  }
0x103: {  	v12 =	vperm.xlane v11, v0;
	_ =	sdelay $0x1  }
0x104: {  	v11 =	vadd.f32 v12, v11;
	_ =	sdelay $0x1  }
0x105: {  	v12 =	vperm.xlane v11, v1;
	_ =	sdelay $0x1  }
0x106: {  	v11 =	vadd.f32 v12, v11;
	_ =	sdelay $0x1  }
0x107: {  	v12 =	vperm.xlane v11, v2;
	_ =	sdelay $0x1  }
0x108: {  	s14 =	simm.s32 $0x40;
	v11 =	vadd.f32 v12, v11  }
0x109: {  	v20 =	vld [tilespmem:s14+$0xFFFFFFD0]  }
0x10a: {  	v21 =	vld [tilespmem:s14+$0xFFFFFFE0];
	v11 =	vadd.f32 $-1.000000000e+00, v11  }
0x10b: {  	v15 =	vld [tilespmem:s14+$0x30]  }
0x10c: {  	v13 =	vld [tilespmem:s14+$0x10];
	vm0 =	vgt.f32 v11, $0.0e+00  }
0x10d: {  	v12 =	vld [tilespmem:s14+$0x0];
	v8 =	vsel vm0, v10, v8;
	v9 =	vsel vm0, v9, v10  }
0x10e: {  	v14 =	vld [tilespmem:s14+$0x20];
	v10 =	vadd.f32 v9, v8  }
0x10f: {  	v19 =	vld [tilespmem:s14+$0xFFFFFFC0]  }
0x110: {  	s16 =	simm.s32 $0x8040;
	v23 =	vld [tilespmem:s14+$0xFFFFFFF0];
	v10 =	vmul.f32 $5.000000000e-01, v10  }
0x111: {  	v18 =	vld [tilespmem:s16+$0xFFFFFFD0]  }
0x112: {  	v22 =	vld [tilespmem:s16+$0xFFFFFFE0];
	v24 =	vsub.f32 v12, v10;
	v13 =	vsub.f32 v13, v10  }
0x113: {  	v16 =	vld [tilespmem:s16+$0x10];
	v14 =	vsub.f32 v14, v10;
	v15 =	vsub.f32 v15, v10  }
0x114: {  	v11 =	vld [tilespmem:s16+$0x0];
	v12 =	vimm.f32 $0.0e+00;
	v28 =	vsub.f32 v19, v10;
	v29 =	vsub.f32 v20, v10  }
0x115: {  	v17 =	vld [tilespmem:s16+$0xFFFFFFC0];
	v30 =	vsub.f32 v21, v10;
	v25 =	vsub.f32 v23, v10;
	v26 =	vmax.f32 v24, $0.0e+00  }
0x116: {  	v20 =	vld [tilespmem:s16+$0xFFFFFFF0];
	v27 =	vmax.f32 v13, $0.0e+00;
	v21 =	vmax.f32 v14, $0.0e+00;
	v19 =	vmax.f32 v15, $0.0e+00  }
0x117: {  	v23 =	vld [tilespmem:s16+$0x20];
	v28 =	vmax.f32 v28, $0.0e+00;
	v29 =	vmax.f32 v29, $0.0e+00;
	v30 =	vmax.f32 v30, $0.0e+00  }
0x118: {  	s15 =	simm.s32 $0x0;
	v24 =	vld [tilespmem:s16+$0x30];
	s16 =	simm.s32 $0x80C0;
	v15 =	vimm.f32 $0.0e+00;
	v13 =	vimm.f32 $0.0e+00;
	v14 =	vimm.f32 $0.0e+00  }
.LBB2_12:
0x119: {  	v25 =	vmax.f32 v25, $0.0e+00;
	v26 =	vmin.f32 v11, v26;
	v11 =	vld [tilespmem:s16+$0x0];
	v16 =	vmin.f32 v16, v27;
	s14 =	sadd.s32 $0x80, s14  }
0x11a: {  	v17 =	vmin.f32 v17, v28;
	v18 =	vmin.f32 v18, v29;
	v27 =	vld [tilespmem:s14+$0x0];
	v22 =	vmin.f32 v22, v30  }
0x11b: {  	v12 =	vadd.f32 v17, v12;
	v15 =	vadd.f32 v18, v15;
	v28 =	vld [tilespmem:s14+$0x10];
	v17 =	vmin.f32 v20, v25  }
0x11c: {  	v13 =	vadd.f32 v22, v13;
	v20 =	vld [tilespmem:s14+$0x20];
	v14 =	vadd.f32 v17, v14;
	v17 =	vmin.f32 v23, v21  }
0x11d: {  	v12 =	vadd.f32 v26, v12;
	v15 =	vadd.f32 v16, v15;
	v21 =	vld [tilespmem:s14+$0x30];
	v16 =	vmin.f32 v24, v19  }
0x11e: {  	v13 =	vadd.f32 v17, v13;
	v19 =	vld [tilespmem:s14+$0xFFFFFFC0];
	v14 =	vadd.f32 v16, v14  }
0x11f: {  	v22 =	vld [tilespmem:s14+$0xFFFFFFD0]  }
0x120: {  	v23 =	vld [tilespmem:s14+$0xFFFFFFE0]  }
0x121: {  	v24 =	vld [tilespmem:s14+$0xFFFFFFF0]  }
0x122: {  	s15 =	sadd.s32 $0x2, s15;
	v16 =	vld [tilespmem:s16+$0x10]  }
0x123: {  	p0 =	slt.u32 s15, $0x1FE;
	v26 =	vsub.f32 v27, v10;
	v27 =	vsub.f32 v28, v10;
	v17 =	vld [tilespmem:s16+$0xFFFFFFC0]  }
.Ltmp5:
0x124: {  	v28 =	vsub.f32 v20, v10;
	v29 =	vsub.f32 v21, v10;
	v18 =	vld [tilespmem:s16+$0xFFFFFFD0];
	(pc) =	sbr.rel @p0 .LBB2_12-.Ltmp5, $4  }
0x125: {  	v30 =	vsub.f32 v19, v10;
	v31 =	vsub.f32 v22, v10;
	v22 =	vld [tilespmem:s16+$0xFFFFFFE0]  }
0x126: {  	v26 =	vmax.f32 v26, $0.0e+00;
	v32 =	vsub.f32 v23, v10;
	v20 =	vld [tilespmem:s16+$0xFFFFFFF0];
	v25 =	vsub.f32 v24, v10  }
0x127: {  	v27 =	vmax.f32 v27, $0.0e+00;
	v21 =	vmax.f32 v28, $0.0e+00;
	v19 =	vmax.f32 v29, $0.0e+00;
	v23 =	vld [tilespmem:s16+$0x20]  }
0x128: {  	v28 =	vmax.f32 v30, $0.0e+00;
	v29 =	vmax.f32 v31, $0.0e+00;
	v30 =	vmax.f32 v32, $0.0e+00;
	v24 =	vld [tilespmem:s16+$0x30];
	s16 =	sadd.s32 $0x80, s16  }
0x129: {  	v25 =	vmax.f32 v25, $0.0e+00;
	v11 =	vmin.f32 v11, v26;
	v16 =	vmin.f32 v16, v27  }
0x12a: {  	v17 =	vmin.f32 v17, v28;
	v18 =	vmin.f32 v18, v29;
	v22 =	vmin.f32 v22, v30  }
0x12b: {  	v12 =	vadd.f32 v17, v12;
	v15 =	vadd.f32 v18, v15;
	v17 =	vmin.f32 v20, v25  }
0x12c: {  	v13 =	vadd.f32 v22, v13;
	v14 =	vadd.f32 v17, v14;
	v17 =	vmin.f32 v23, v21  }
0x12d: {  	v11 =	vadd.f32 v11, v12;
	v12 =	vadd.f32 v16, v15;
	v15 =	vmin.f32 v24, v19  }
0x12e: {  	v13 =	vadd.f32 v17, v13;
	v14 =	vadd.f32 v15, v14;
	_ =	sdelay $0x1  }
0x12f: {  	v11 =	vadd.f32 v12, v11;
	v12 =	vadd.f32 v14, v13;
	_ =	sdelay $0x1  }
0x130: {  	v11 =	vadd.f32 v12, v11;
	_ =	sdelay $0x1  }
0x131: {  	v12 =	vperm.xlane v11, v3;
	_ =	sdelay $0x1  }
0x132: {  	v11 =	vadd.f32 v12, v11;
	_ =	sdelay $0x1  }
0x133: {  	v12 =	vperm.xlane v11, v0;
	_ =	sdelay $0x1  }
0x134: {  	v11 =	vadd.f32 v12, v11;
	_ =	sdelay $0x1  }
0x135: {  	v12 =	vperm.xlane v11, v1;
	_ =	sdelay $0x1  }
0x136: {  	v11 =	vadd.f32 v12, v11;
	_ =	sdelay $0x1  }
0x137: {  	v12 =	vperm.xlane v11, v2;
	_ =	sdelay $0x1  }
0x138: {  	s14 =	simm.s32 $0x40;
	v11 =	vadd.f32 v12, v11  }
0x139: {  	v20 =	vld [tilespmem:s14+$0xFFFFFFD0]  }
0x13a: {  	v21 =	vld [tilespmem:s14+$0xFFFFFFE0];
	v11 =	vadd.f32 $-1.000000000e+00, v11  }
0x13b: {  	v15 =	vld [tilespmem:s14+$0x30]  }
0x13c: {  	v13 =	vld [tilespmem:s14+$0x10];
	vm0 =	vgt.f32 v11, $0.0e+00  }
0x13d: {  	v12 =	vld [tilespmem:s14+$0x0];
	v8 =	vsel vm0, v10, v8;
	v9 =	vsel vm0, v9, v10  }
0x13e: {  	v14 =	vld [tilespmem:s14+$0x20];
	v10 =	vadd.f32 v9, v8  }
0x13f: {  	v19 =	vld [tilespmem:s14+$0xFFFFFFC0]  }
0x140: {  	s16 =	simm.s32 $0x8040;
	v23 =	vld [tilespmem:s14+$0xFFFFFFF0];
	v10 =	vmul.f32 $5.000000000e-01, v10  }
0x141: {  	v18 =	vld [tilespmem:s16+$0xFFFFFFD0]  }
0x142: {  	v22 =	vld [tilespmem:s16+$0xFFFFFFE0];
	v24 =	vsub.f32 v12, v10;
	v13 =	vsub.f32 v13, v10  }
0x143: {  	v16 =	vld [tilespmem:s16+$0x10];
	v14 =	vsub.f32 v14, v10;
	v15 =	vsub.f32 v15, v10  }
0x144: {  	v11 =	vld [tilespmem:s16+$0x0];
	v12 =	vimm.f32 $0.0e+00;
	v28 =	vsub.f32 v19, v10;
	v29 =	vsub.f32 v20, v10  }
0x145: {  	v17 =	vld [tilespmem:s16+$0xFFFFFFC0];
	v30 =	vsub.f32 v21, v10;
	v25 =	vsub.f32 v23, v10;
	v26 =	vmax.f32 v24, $0.0e+00  }
0x146: {  	v20 =	vld [tilespmem:s16+$0xFFFFFFF0];
	v27 =	vmax.f32 v13, $0.0e+00;
	v21 =	vmax.f32 v14, $0.0e+00;
	v19 =	vmax.f32 v15, $0.0e+00  }
0x147: {  	v23 =	vld [tilespmem:s16+$0x20];
	v28 =	vmax.f32 v28, $0.0e+00;
	v29 =	vmax.f32 v29, $0.0e+00;
	v30 =	vmax.f32 v30, $0.0e+00  }
0x148: {  	s15 =	simm.s32 $0x0;
	v24 =	vld [tilespmem:s16+$0x30];
	s16 =	simm.s32 $0x80C0;
	v15 =	vimm.f32 $0.0e+00;
	v13 =	vimm.f32 $0.0e+00;
	v14 =	vimm.f32 $0.0e+00  }
.LBB2_14:
0x149: {  	v25 =	vmax.f32 v25, $0.0e+00;
	v26 =	vmin.f32 v11, v26;
	v11 =	vld [tilespmem:s16+$0x0];
	v16 =	vmin.f32 v16, v27;
	s14 =	sadd.s32 $0x80, s14  }
0x14a: {  	v17 =	vmin.f32 v17, v28;
	v18 =	vmin.f32 v18, v29;
	v27 =	vld [tilespmem:s14+$0x0];
	v22 =	vmin.f32 v22, v30  }
0x14b: {  	v12 =	vadd.f32 v17, v12;
	v15 =	vadd.f32 v18, v15;
	v28 =	vld [tilespmem:s14+$0x10];
	v17 =	vmin.f32 v20, v25  }
0x14c: {  	v13 =	vadd.f32 v22, v13;
	v20 =	vld [tilespmem:s14+$0x20];
	v14 =	vadd.f32 v17, v14;
	v17 =	vmin.f32 v23, v21  }
0x14d: {  	v12 =	vadd.f32 v26, v12;
	v15 =	vadd.f32 v16, v15;
	v21 =	vld [tilespmem:s14+$0x30];
	v16 =	vmin.f32 v24, v19  }
0x14e: {  	v13 =	vadd.f32 v17, v13;
	v19 =	vld [tilespmem:s14+$0xFFFFFFC0];
	v14 =	vadd.f32 v16, v14  }
0x14f: {  	v22 =	vld [tilespmem:s14+$0xFFFFFFD0]  }
0x150: {  	v23 =	vld [tilespmem:s14+$0xFFFFFFE0]  }
0x151: {  	v24 =	vld [tilespmem:s14+$0xFFFFFFF0]  }
0x152: {  	s15 =	sadd.s32 $0x2, s15;
	v16 =	vld [tilespmem:s16+$0x10]  }
0x153: {  	p0 =	slt.u32 s15, $0x1FE;
	v26 =	vsub.f32 v27, v10;
	v27 =	vsub.f32 v28, v10;
	v17 =	vld [tilespmem:s16+$0xFFFFFFC0]  }
.Ltmp6:
0x154: {  	v28 =	vsub.f32 v20, v10;
	v29 =	vsub.f32 v21, v10;
	v18 =	vld [tilespmem:s16+$0xFFFFFFD0];
	(pc) =	sbr.rel @p0 .LBB2_14-.Ltmp6, $4  }
0x155: {  	v30 =	vsub.f32 v19, v10;
	v31 =	vsub.f32 v22, v10;
	v22 =	vld [tilespmem:s16+$0xFFFFFFE0]  }
0x156: {  	v26 =	vmax.f32 v26, $0.0e+00;
	v32 =	vsub.f32 v23, v10;
	v20 =	vld [tilespmem:s16+$0xFFFFFFF0];
	v25 =	vsub.f32 v24, v10  }
0x157: {  	v27 =	vmax.f32 v27, $0.0e+00;
	v21 =	vmax.f32 v28, $0.0e+00;
	v19 =	vmax.f32 v29, $0.0e+00;
	v23 =	vld [tilespmem:s16+$0x20]  }
0x158: {  	v28 =	vmax.f32 v30, $0.0e+00;
	v29 =	vmax.f32 v31, $0.0e+00;
	v30 =	vmax.f32 v32, $0.0e+00;
	v24 =	vld [tilespmem:s16+$0x30];
	s16 =	sadd.s32 $0x80, s16  }
0x159: {  	v25 =	vmax.f32 v25, $0.0e+00;
	v11 =	vmin.f32 v11, v26;
	v16 =	vmin.f32 v16, v27  }
0x15a: {  	v17 =	vmin.f32 v17, v28;
	v18 =	vmin.f32 v18, v29;
	v22 =	vmin.f32 v22, v30  }
0x15b: {  	v12 =	vadd.f32 v17, v12;
	v15 =	vadd.f32 v18, v15;
	v17 =	vmin.f32 v20, v25  }
0x15c: {  	v13 =	vadd.f32 v22, v13;
	v14 =	vadd.f32 v17, v14;
	v17 =	vmin.f32 v23, v21  }
0x15d: {  	v11 =	vadd.f32 v11, v12;
	v12 =	vadd.f32 v16, v15;
	v15 =	vmin.f32 v24, v19  }
0x15e: {  	v13 =	vadd.f32 v17, v13;
	v14 =	vadd.f32 v15, v14;
	_ =	sdelay $0x1  }
0x15f: {  	v11 =	vadd.f32 v12, v11;
	v12 =	vadd.f32 v14, v13;
	_ =	sdelay $0x1  }
0x160: {  	v11 =	vadd.f32 v12, v11;
	_ =	sdelay $0x1  }
0x161: {  	v12 =	vperm.xlane v11, v3;
	_ =	sdelay $0x1  }
0x162: {  	v11 =	vadd.f32 v12, v11;
	_ =	sdelay $0x1  }
0x163: {  	v12 =	vperm.xlane v11, v0;
	_ =	sdelay $0x1  }
0x164: {  	v11 =	vadd.f32 v12, v11;
	_ =	sdelay $0x1  }
0x165: {  	v12 =	vperm.xlane v11, v1;
	_ =	sdelay $0x1  }
0x166: {  	v11 =	vadd.f32 v12, v11;
	_ =	sdelay $0x1  }
0x167: {  	v12 =	vperm.xlane v11, v2;
	_ =	sdelay $0x1  }
0x168: {  	s14 =	simm.s32 $0x40;
	v11 =	vadd.f32 v12, v11  }
0x169: {  	v20 =	vld [tilespmem:s14+$0xFFFFFFD0]  }
0x16a: {  	v21 =	vld [tilespmem:s14+$0xFFFFFFE0];
	v11 =	vadd.f32 $-1.000000000e+00, v11  }
0x16b: {  	v15 =	vld [tilespmem:s14+$0x30]  }
0x16c: {  	v13 =	vld [tilespmem:s14+$0x10];
	vm0 =	vgt.f32 v11, $0.0e+00  }
0x16d: {  	v12 =	vld [tilespmem:s14+$0x0];
	v8 =	vsel vm0, v10, v8;
	v9 =	vsel vm0, v9, v10  }
0x16e: {  	v14 =	vld [tilespmem:s14+$0x20];
	v10 =	vadd.f32 v9, v8  }
0x16f: {  	v19 =	vld [tilespmem:s14+$0xFFFFFFC0]  }
0x170: {  	s16 =	simm.s32 $0x8040;
	v23 =	vld [tilespmem:s14+$0xFFFFFFF0];
	v10 =	vmul.f32 $5.000000000e-01, v10  }
0x171: {  	v18 =	vld [tilespmem:s16+$0xFFFFFFD0]  }
0x172: {  	v22 =	vld [tilespmem:s16+$0xFFFFFFE0];
	v24 =	vsub.f32 v12, v10;
	v13 =	vsub.f32 v13, v10  }
0x173: {  	v16 =	vld [tilespmem:s16+$0x10];
	v14 =	vsub.f32 v14, v10;
	v15 =	vsub.f32 v15, v10  }
0x174: {  	v11 =	vld [tilespmem:s16+$0x0];
	v12 =	vimm.f32 $0.0e+00;
	v28 =	vsub.f32 v19, v10;
	v29 =	vsub.f32 v20, v10  }
0x175: {  	v17 =	vld [tilespmem:s16+$0xFFFFFFC0];
	v30 =	vsub.f32 v21, v10;
	v25 =	vsub.f32 v23, v10;
	v26 =	vmax.f32 v24, $0.0e+00  }
0x176: {  	v20 =	vld [tilespmem:s16+$0xFFFFFFF0];
	v27 =	vmax.f32 v13, $0.0e+00;
	v21 =	vmax.f32 v14, $0.0e+00;
	v19 =	vmax.f32 v15, $0.0e+00  }
0x177: {  	v23 =	vld [tilespmem:s16+$0x20];
	v28 =	vmax.f32 v28, $0.0e+00;
	v29 =	vmax.f32 v29, $0.0e+00;
	v30 =	vmax.f32 v30, $0.0e+00  }
0x178: {  	s15 =	simm.s32 $0x0;
	v24 =	vld [tilespmem:s16+$0x30];
	s16 =	simm.s32 $0x80C0;
	v15 =	vimm.f32 $0.0e+00;
	v13 =	vimm.f32 $0.0e+00;
	v14 =	vimm.f32 $0.0e+00  }
.LBB2_16:
0x179: {  	v25 =	vmax.f32 v25, $0.0e+00;
	v26 =	vmin.f32 v11, v26;
	v11 =	vld [tilespmem:s16+$0x0];
	v16 =	vmin.f32 v16, v27;
	s14 =	sadd.s32 $0x80, s14  }
0x17a: {  	v17 =	vmin.f32 v17, v28;
	v18 =	vmin.f32 v18, v29;
	v27 =	vld [tilespmem:s14+$0x0];
	v22 =	vmin.f32 v22, v30  }
0x17b: {  	v12 =	vadd.f32 v17, v12;
	v15 =	vadd.f32 v18, v15;
	v28 =	vld [tilespmem:s14+$0x10];
	v17 =	vmin.f32 v20, v25  }
0x17c: {  	v13 =	vadd.f32 v22, v13;
	v20 =	vld [tilespmem:s14+$0x20];
	v14 =	vadd.f32 v17, v14;
	v17 =	vmin.f32 v23, v21  }
0x17d: {  	v12 =	vadd.f32 v26, v12;
	v15 =	vadd.f32 v16, v15;
	v21 =	vld [tilespmem:s14+$0x30];
	v16 =	vmin.f32 v24, v19  }
0x17e: {  	v13 =	vadd.f32 v17, v13;
	v19 =	vld [tilespmem:s14+$0xFFFFFFC0];
	v14 =	vadd.f32 v16, v14  }
0x17f: {  	v22 =	vld [tilespmem:s14+$0xFFFFFFD0]  }
0x180: {  	v23 =	vld [tilespmem:s14+$0xFFFFFFE0]  }
0x181: {  	v24 =	vld [tilespmem:s14+$0xFFFFFFF0]  }
0x182: {  	s15 =	sadd.s32 $0x2, s15;
	v16 =	vld [tilespmem:s16+$0x10]  }
0x183: {  	p0 =	slt.u32 s15, $0x1FE;
	v26 =	vsub.f32 v27, v10;
	v27 =	vsub.f32 v28, v10;
	v17 =	vld [tilespmem:s16+$0xFFFFFFC0]  }
.Ltmp7:
0x184: {  	v28 =	vsub.f32 v20, v10;
	v29 =	vsub.f32 v21, v10;
	v18 =	vld [tilespmem:s16+$0xFFFFFFD0];
	(pc) =	sbr.rel @p0 .LBB2_16-.Ltmp7, $4  }
0x185: {  	v30 =	vsub.f32 v19, v10;
	v31 =	vsub.f32 v22, v10;
	v22 =	vld [tilespmem:s16+$0xFFFFFFE0]  }
0x186: {  	v26 =	vmax.f32 v26, $0.0e+00;
	v32 =	vsub.f32 v23, v10;
	v20 =	vld [tilespmem:s16+$0xFFFFFFF0];
	v25 =	vsub.f32 v24, v10  }
0x187: {  	v27 =	vmax.f32 v27, $0.0e+00;
	v21 =	vmax.f32 v28, $0.0e+00;
	v19 =	vmax.f32 v29, $0.0e+00;
	v23 =	vld [tilespmem:s16+$0x20]  }
0x188: {  	v28 =	vmax.f32 v30, $0.0e+00;
	v29 =	vmax.f32 v31, $0.0e+00;
	v30 =	vmax.f32 v32, $0.0e+00;
	v24 =	vld [tilespmem:s16+$0x30];
	s16 =	sadd.s32 $0x80, s16  }
0x189: {  	v25 =	vmax.f32 v25, $0.0e+00;
	v11 =	vmin.f32 v11, v26;
	v16 =	vmin.f32 v16, v27  }
0x18a: {  	v17 =	vmin.f32 v17, v28;
	v18 =	vmin.f32 v18, v29;
	v22 =	vmin.f32 v22, v30  }
0x18b: {  	v12 =	vadd.f32 v17, v12;
	v15 =	vadd.f32 v18, v15;
	v17 =	vmin.f32 v20, v25  }
0x18c: {  	v13 =	vadd.f32 v22, v13;
	v14 =	vadd.f32 v17, v14;
	v17 =	vmin.f32 v23, v21  }
0x18d: {  	v11 =	vadd.f32 v11, v12;
	v12 =	vadd.f32 v16, v15;
	v15 =	vmin.f32 v24, v19  }
0x18e: {  	v13 =	vadd.f32 v17, v13;
	v14 =	vadd.f32 v15, v14;
	_ =	sdelay $0x1  }
0x18f: {  	v11 =	vadd.f32 v12, v11;
	v12 =	vadd.f32 v14, v13;
	_ =	sdelay $0x1  }
0x190: {  	v11 =	vadd.f32 v12, v11;
	_ =	sdelay $0x1  }
0x191: {  	v12 =	vperm.xlane v11, v3;
	_ =	sdelay $0x1  }
0x192: {  	v11 =	vadd.f32 v12, v11;
	_ =	sdelay $0x1  }
0x193: {  	v12 =	vperm.xlane v11, v0;
	_ =	sdelay $0x1  }
0x194: {  	v11 =	vadd.f32 v12, v11;
	_ =	sdelay $0x1  }
0x195: {  	v12 =	vperm.xlane v11, v1;
	_ =	sdelay $0x1  }
0x196: {  	v11 =	vadd.f32 v12, v11;
	_ =	sdelay $0x1  }
0x197: {  	v12 =	vperm.xlane v11, v2;
	_ =	sdelay $0x1  }
0x198: {  	s14 =	simm.s32 $0x40;
	v11 =	vadd.f32 v12, v11  }
0x199: {  	v20 =	vld [tilespmem:s14+$0xFFFFFFD0]  }
0x19a: {  	v21 =	vld [tilespmem:s14+$0xFFFFFFE0];
	v11 =	vadd.f32 $-1.000000000e+00, v11  }
0x19b: {  	v15 =	vld [tilespmem:s14+$0x30]  }
0x19c: {  	v13 =	vld [tilespmem:s14+$0x10];
	vm0 =	vgt.f32 v11, $0.0e+00  }
0x19d: {  	v12 =	vld [tilespmem:s14+$0x0];
	v8 =	vsel vm0, v10, v8;
	v9 =	vsel vm0, v9, v10  }
0x19e: {  	v14 =	vld [tilespmem:s14+$0x20];
	v10 =	vadd.f32 v9, v8  }
0x19f: {  	v19 =	vld [tilespmem:s14+$0xFFFFFFC0]  }
0x1a0: {  	s16 =	simm.s32 $0x8040;
	v23 =	vld [tilespmem:s14+$0xFFFFFFF0];
	v10 =	vmul.f32 $5.000000000e-01, v10  }
0x1a1: {  	v18 =	vld [tilespmem:s16+$0xFFFFFFD0]  }
0x1a2: {  	v22 =	vld [tilespmem:s16+$0xFFFFFFE0];
	v24 =	vsub.f32 v12, v10;
	v13 =	vsub.f32 v13, v10  }
0x1a3: {  	v16 =	vld [tilespmem:s16+$0x10];
	v14 =	vsub.f32 v14, v10;
	v15 =	vsub.f32 v15, v10  }
0x1a4: {  	v11 =	vld [tilespmem:s16+$0x0];
	v12 =	vimm.f32 $0.0e+00;
	v28 =	vsub.f32 v19, v10;
	v29 =	vsub.f32 v20, v10  }
0x1a5: {  	v17 =	vld [tilespmem:s16+$0xFFFFFFC0];
	v30 =	vsub.f32 v21, v10;
	v25 =	vsub.f32 v23, v10;
	v26 =	vmax.f32 v24, $0.0e+00  }
0x1a6: {  	v20 =	vld [tilespmem:s16+$0xFFFFFFF0];
	v27 =	vmax.f32 v13, $0.0e+00;
	v21 =	vmax.f32 v14, $0.0e+00;
	v19 =	vmax.f32 v15, $0.0e+00  }
0x1a7: {  	v23 =	vld [tilespmem:s16+$0x20];
	v28 =	vmax.f32 v28, $0.0e+00;
	v29 =	vmax.f32 v29, $0.0e+00;
	v30 =	vmax.f32 v30, $0.0e+00  }
0x1a8: {  	s15 =	simm.s32 $0x0;
	v24 =	vld [tilespmem:s16+$0x30];
	s16 =	simm.s32 $0x80C0;
	v15 =	vimm.f32 $0.0e+00;
	v13 =	vimm.f32 $0.0e+00;
	v14 =	vimm.f32 $0.0e+00  }
.LBB2_18:
0x1a9: {  	v25 =	vmax.f32 v25, $0.0e+00;
	v26 =	vmin.f32 v11, v26;
	v11 =	vld [tilespmem:s16+$0x0];
	v16 =	vmin.f32 v16, v27;
	s14 =	sadd.s32 $0x80, s14  }
0x1aa: {  	v17 =	vmin.f32 v17, v28;
	v18 =	vmin.f32 v18, v29;
	v27 =	vld [tilespmem:s14+$0x0];
	v22 =	vmin.f32 v22, v30  }
0x1ab: {  	v12 =	vadd.f32 v17, v12;
	v15 =	vadd.f32 v18, v15;
	v28 =	vld [tilespmem:s14+$0x10];
	v17 =	vmin.f32 v20, v25  }
0x1ac: {  	v13 =	vadd.f32 v22, v13;
	v20 =	vld [tilespmem:s14+$0x20];
	v14 =	vadd.f32 v17, v14;
	v17 =	vmin.f32 v23, v21  }
0x1ad: {  	v12 =	vadd.f32 v26, v12;
	v15 =	vadd.f32 v16, v15;
	v21 =	vld [tilespmem:s14+$0x30];
	v16 =	vmin.f32 v24, v19  }
0x1ae: {  	v13 =	vadd.f32 v17, v13;
	v19 =	vld [tilespmem:s14+$0xFFFFFFC0];
	v14 =	vadd.f32 v16, v14  }
0x1af: {  	v22 =	vld [tilespmem:s14+$0xFFFFFFD0]  }
0x1b0: {  	v23 =	vld [tilespmem:s14+$0xFFFFFFE0]  }
0x1b1: {  	v24 =	vld [tilespmem:s14+$0xFFFFFFF0]  }
0x1b2: {  	s15 =	sadd.s32 $0x2, s15;
	v16 =	vld [tilespmem:s16+$0x10]  }
0x1b3: {  	p0 =	slt.u32 s15, $0x1FE;
	v26 =	vsub.f32 v27, v10;
	v27 =	vsub.f32 v28, v10;
	v17 =	vld [tilespmem:s16+$0xFFFFFFC0]  }
.Ltmp8:
0x1b4: {  	v28 =	vsub.f32 v20, v10;
	v29 =	vsub.f32 v21, v10;
	v18 =	vld [tilespmem:s16+$0xFFFFFFD0];
	(pc) =	sbr.rel @p0 .LBB2_18-.Ltmp8, $4  }
0x1b5: {  	v30 =	vsub.f32 v19, v10;
	v31 =	vsub.f32 v22, v10;
	v22 =	vld [tilespmem:s16+$0xFFFFFFE0]  }
0x1b6: {  	v26 =	vmax.f32 v26, $0.0e+00;
	v32 =	vsub.f32 v23, v10;
	v20 =	vld [tilespmem:s16+$0xFFFFFFF0];
	v25 =	vsub.f32 v24, v10  }
0x1b7: {  	v27 =	vmax.f32 v27, $0.0e+00;
	v21 =	vmax.f32 v28, $0.0e+00;
	v19 =	vmax.f32 v29, $0.0e+00;
	v23 =	vld [tilespmem:s16+$0x20]  }
0x1b8: {  	v28 =	vmax.f32 v30, $0.0e+00;
	v29 =	vmax.f32 v31, $0.0e+00;
	v30 =	vmax.f32 v32, $0.0e+00;
	v24 =	vld [tilespmem:s16+$0x30];
	s16 =	sadd.s32 $0x80, s16  }
0x1b9: {  	v25 =	vmax.f32 v25, $0.0e+00;
	v11 =	vmin.f32 v11, v26;
	v16 =	vmin.f32 v16, v27  }
0x1ba: {  	v17 =	vmin.f32 v17, v28;
	v18 =	vmin.f32 v18, v29;
	v22 =	vmin.f32 v22, v30  }
0x1bb: {  	v12 =	vadd.f32 v17, v12;
	v15 =	vadd.f32 v18, v15;
	v17 =	vmin.f32 v20, v25  }
0x1bc: {  	v13 =	vadd.f32 v22, v13;
	v14 =	vadd.f32 v17, v14;
	v17 =	vmin.f32 v23, v21  }
0x1bd: {  	v11 =	vadd.f32 v11, v12;
	v12 =	vadd.f32 v16, v15;
	v15 =	vmin.f32 v24, v19  }
0x1be: {  	v13 =	vadd.f32 v17, v13;
	v14 =	vadd.f32 v15, v14;
	_ =	sdelay $0x1  }
0x1bf: {  	v11 =	vadd.f32 v12, v11;
	v12 =	vadd.f32 v14, v13;
	_ =	sdelay $0x1  }
0x1c0: {  	v11 =	vadd.f32 v12, v11;
	_ =	sdelay $0x1  }
0x1c1: {  	v12 =	vperm.xlane v11, v3;
	_ =	sdelay $0x1  }
0x1c2: {  	v11 =	vadd.f32 v12, v11;
	_ =	sdelay $0x1  }
0x1c3: {  	v12 =	vperm.xlane v11, v0;
	_ =	sdelay $0x1  }
0x1c4: {  	v11 =	vadd.f32 v12, v11;
	_ =	sdelay $0x1  }
0x1c5: {  	v12 =	vperm.xlane v11, v1;
	_ =	sdelay $0x1  }
0x1c6: {  	v11 =	vadd.f32 v12, v11;
	_ =	sdelay $0x1  }
0x1c7: {  	v12 =	vperm.xlane v11, v2;
	_ =	sdelay $0x1  }
0x1c8: {  	s14 =	simm.s32 $0x40;
	v11 =	vadd.f32 v12, v11  }
0x1c9: {  	v20 =	vld [tilespmem:s14+$0xFFFFFFD0]  }
0x1ca: {  	v21 =	vld [tilespmem:s14+$0xFFFFFFE0];
	v11 =	vadd.f32 $-1.000000000e+00, v11  }
0x1cb: {  	v15 =	vld [tilespmem:s14+$0x30]  }
0x1cc: {  	v13 =	vld [tilespmem:s14+$0x10];
	vm0 =	vgt.f32 v11, $0.0e+00  }
0x1cd: {  	v12 =	vld [tilespmem:s14+$0x0];
	v8 =	vsel vm0, v10, v8;
	v9 =	vsel vm0, v9, v10  }
0x1ce: {  	v14 =	vld [tilespmem:s14+$0x20];
	v10 =	vadd.f32 v9, v8  }
0x1cf: {  	v19 =	vld [tilespmem:s14+$0xFFFFFFC0]  }
0x1d0: {  	s16 =	simm.s32 $0x8040;
	v23 =	vld [tilespmem:s14+$0xFFFFFFF0];
	v10 =	vmul.f32 $5.000000000e-01, v10  }
0x1d1: {  	v18 =	vld [tilespmem:s16+$0xFFFFFFD0]  }
0x1d2: {  	v22 =	vld [tilespmem:s16+$0xFFFFFFE0];
	v24 =	vsub.f32 v12, v10;
	v13 =	vsub.f32 v13, v10  }
0x1d3: {  	v16 =	vld [tilespmem:s16+$0x10];
	v14 =	vsub.f32 v14, v10;
	v15 =	vsub.f32 v15, v10  }
0x1d4: {  	v11 =	vld [tilespmem:s16+$0x0];
	v12 =	vimm.f32 $0.0e+00;
	v28 =	vsub.f32 v19, v10;
	v29 =	vsub.f32 v20, v10  }
0x1d5: {  	v17 =	vld [tilespmem:s16+$0xFFFFFFC0];
	v30 =	vsub.f32 v21, v10;
	v25 =	vsub.f32 v23, v10;
	v26 =	vmax.f32 v24, $0.0e+00  }
0x1d6: {  	v20 =	vld [tilespmem:s16+$0xFFFFFFF0];
	v27 =	vmax.f32 v13, $0.0e+00;
	v21 =	vmax.f32 v14, $0.0e+00;
	v19 =	vmax.f32 v15, $0.0e+00  }
0x1d7: {  	v23 =	vld [tilespmem:s16+$0x20];
	v28 =	vmax.f32 v28, $0.0e+00;
	v29 =	vmax.f32 v29, $0.0e+00;
	v30 =	vmax.f32 v30, $0.0e+00  }
0x1d8: {  	s15 =	simm.s32 $0x0;
	v24 =	vld [tilespmem:s16+$0x30];
	s16 =	simm.s32 $0x80C0;
	v15 =	vimm.f32 $0.0e+00;
	v13 =	vimm.f32 $0.0e+00;
	v14 =	vimm.f32 $0.0e+00  }
.LBB2_20:
0x1d9: {  	v25 =	vmax.f32 v25, $0.0e+00;
	v26 =	vmin.f32 v11, v26;
	v11 =	vld [tilespmem:s16+$0x0];
	v16 =	vmin.f32 v16, v27;
	s14 =	sadd.s32 $0x80, s14  }
0x1da: {  	v17 =	vmin.f32 v17, v28;
	v18 =	vmin.f32 v18, v29;
	v27 =	vld [tilespmem:s14+$0x0];
	v22 =	vmin.f32 v22, v30  }
0x1db: {  	v12 =	vadd.f32 v17, v12;
	v15 =	vadd.f32 v18, v15;
	v28 =	vld [tilespmem:s14+$0x10];
	v17 =	vmin.f32 v20, v25  }
0x1dc: {  	v13 =	vadd.f32 v22, v13;
	v20 =	vld [tilespmem:s14+$0x20];
	v14 =	vadd.f32 v17, v14;
	v17 =	vmin.f32 v23, v21  }
0x1dd: {  	v12 =	vadd.f32 v26, v12;
	v15 =	vadd.f32 v16, v15;
	v21 =	vld [tilespmem:s14+$0x30];
	v16 =	vmin.f32 v24, v19  }
0x1de: {  	v13 =	vadd.f32 v17, v13;
	v19 =	vld [tilespmem:s14+$0xFFFFFFC0];
	v14 =	vadd.f32 v16, v14  }
0x1df: {  	v22 =	vld [tilespmem:s14+$0xFFFFFFD0]  }
0x1e0: {  	v23 =	vld [tilespmem:s14+$0xFFFFFFE0]  }
0x1e1: {  	v24 =	vld [tilespmem:s14+$0xFFFFFFF0]  }
0x1e2: {  	s15 =	sadd.s32 $0x2, s15;
	v16 =	vld [tilespmem:s16+$0x10]  }
0x1e3: {  	p0 =	slt.u32 s15, $0x1FE;
	v26 =	vsub.f32 v27, v10;
	v27 =	vsub.f32 v28, v10;
	v17 =	vld [tilespmem:s16+$0xFFFFFFC0]  }
.Ltmp9:
0x1e4: {  	v28 =	vsub.f32 v20, v10;
	v29 =	vsub.f32 v21, v10;
	v18 =	vld [tilespmem:s16+$0xFFFFFFD0];
	(pc) =	sbr.rel @p0 .LBB2_20-.Ltmp9, $4  }
0x1e5: {  	v30 =	vsub.f32 v19, v10;
	v31 =	vsub.f32 v22, v10;
	v22 =	vld [tilespmem:s16+$0xFFFFFFE0]  }
0x1e6: {  	v26 =	vmax.f32 v26, $0.0e+00;
	v32 =	vsub.f32 v23, v10;
	v20 =	vld [tilespmem:s16+$0xFFFFFFF0];
	v25 =	vsub.f32 v24, v10  }
0x1e7: {  	v27 =	vmax.f32 v27, $0.0e+00;
	v21 =	vmax.f32 v28, $0.0e+00;
	v19 =	vmax.f32 v29, $0.0e+00;
	v23 =	vld [tilespmem:s16+$0x20]  }
0x1e8: {  	v28 =	vmax.f32 v30, $0.0e+00;
	v29 =	vmax.f32 v31, $0.0e+00;
	v30 =	vmax.f32 v32, $0.0e+00;
	v24 =	vld [tilespmem:s16+$0x30];
	s16 =	sadd.s32 $0x80, s16  }
0x1e9: {  	v25 =	vmax.f32 v25, $0.0e+00;
	v11 =	vmin.f32 v11, v26;
	v16 =	vmin.f32 v16, v27  }
0x1ea: {  	v17 =	vmin.f32 v17, v28;
	v18 =	vmin.f32 v18, v29;
	v22 =	vmin.f32 v22, v30  }
0x1eb: {  	v12 =	vadd.f32 v17, v12;
	v15 =	vadd.f32 v18, v15;
	v17 =	vmin.f32 v20, v25  }
0x1ec: {  	v13 =	vadd.f32 v22, v13;
	v14 =	vadd.f32 v17, v14;
	v17 =	vmin.f32 v23, v21  }
0x1ed: {  	v11 =	vadd.f32 v11, v12;
	v12 =	vadd.f32 v16, v15;
	v15 =	vmin.f32 v24, v19  }
0x1ee: {  	v13 =	vadd.f32 v17, v13;
	v14 =	vadd.f32 v15, v14;
	_ =	sdelay $0x1  }
0x1ef: {  	v11 =	vadd.f32 v12, v11;
	v12 =	vadd.f32 v14, v13;
	_ =	sdelay $0x1  }
0x1f0: {  	v11 =	vadd.f32 v12, v11;
	_ =	sdelay $0x1  }
0x1f1: {  	v12 =	vperm.xlane v11, v3;
	_ =	sdelay $0x1  }
0x1f2: {  	v11 =	vadd.f32 v12, v11;
	_ =	sdelay $0x1  }
0x1f3: {  	v12 =	vperm.xlane v11, v0;
	_ =	sdelay $0x1  }
0x1f4: {  	v11 =	vadd.f32 v12, v11;
	_ =	sdelay $0x1  }
0x1f5: {  	v12 =	vperm.xlane v11, v1;
	_ =	sdelay $0x1  }
0x1f6: {  	v11 =	vadd.f32 v12, v11;
	_ =	sdelay $0x1  }
0x1f7: {  	v12 =	vperm.xlane v11, v2;
	_ =	sdelay $0x1  }
0x1f8: {  	s14 =	simm.s32 $0x40;
	v11 =	vadd.f32 v12, v11  }
0x1f9: {  	v20 =	vld [tilespmem:s14+$0xFFFFFFD0]  }
0x1fa: {  	v21 =	vld [tilespmem:s14+$0xFFFFFFE0];
	v11 =	vadd.f32 $-1.000000000e+00, v11  }
0x1fb: {  	v15 =	vld [tilespmem:s14+$0x30]  }
0x1fc: {  	v13 =	vld [tilespmem:s14+$0x10];
	vm0 =	vgt.f32 v11, $0.0e+00  }
0x1fd: {  	v12 =	vld [tilespmem:s14+$0x0];
	v8 =	vsel vm0, v10, v8;
	v9 =	vsel vm0, v9, v10  }
0x1fe: {  	v14 =	vld [tilespmem:s14+$0x20];
	v10 =	vadd.f32 v9, v8  }
0x1ff: {  	v19 =	vld [tilespmem:s14+$0xFFFFFFC0]  }
0x200: {  	s16 =	simm.s32 $0x8040;
	v23 =	vld [tilespmem:s14+$0xFFFFFFF0];
	v10 =	vmul.f32 $5.000000000e-01, v10  }
0x201: {  	v18 =	vld [tilespmem:s16+$0xFFFFFFD0]  }
0x202: {  	v22 =	vld [tilespmem:s16+$0xFFFFFFE0];
	v24 =	vsub.f32 v12, v10;
	v13 =	vsub.f32 v13, v10  }
0x203: {  	v16 =	vld [tilespmem:s16+$0x10];
	v14 =	vsub.f32 v14, v10;
	v15 =	vsub.f32 v15, v10  }
0x204: {  	v11 =	vld [tilespmem:s16+$0x0];
	v12 =	vimm.f32 $0.0e+00;
	v28 =	vsub.f32 v19, v10;
	v29 =	vsub.f32 v20, v10  }
0x205: {  	v17 =	vld [tilespmem:s16+$0xFFFFFFC0];
	v30 =	vsub.f32 v21, v10;
	v25 =	vsub.f32 v23, v10;
	v26 =	vmax.f32 v24, $0.0e+00  }
0x206: {  	v20 =	vld [tilespmem:s16+$0xFFFFFFF0];
	v27 =	vmax.f32 v13, $0.0e+00;
	v21 =	vmax.f32 v14, $0.0e+00;
	v19 =	vmax.f32 v15, $0.0e+00  }
0x207: {  	v23 =	vld [tilespmem:s16+$0x20];
	v28 =	vmax.f32 v28, $0.0e+00;
	v29 =	vmax.f32 v29, $0.0e+00;
	v30 =	vmax.f32 v30, $0.0e+00  }
0x208: {  	s15 =	simm.s32 $0x0;
	v24 =	vld [tilespmem:s16+$0x30];
	s16 =	simm.s32 $0x80C0;
	v15 =	vimm.f32 $0.0e+00;
	v13 =	vimm.f32 $0.0e+00;
	v14 =	vimm.f32 $0.0e+00  }
.LBB2_22:
0x209: {  	v25 =	vmax.f32 v25, $0.0e+00;
	v26 =	vmin.f32 v11, v26;
	v11 =	vld [tilespmem:s16+$0x0];
	v16 =	vmin.f32 v16, v27;
	s14 =	sadd.s32 $0x80, s14  }
0x20a: {  	v17 =	vmin.f32 v17, v28;
	v18 =	vmin.f32 v18, v29;
	v27 =	vld [tilespmem:s14+$0x0];
	v22 =	vmin.f32 v22, v30  }
0x20b: {  	v12 =	vadd.f32 v17, v12;
	v15 =	vadd.f32 v18, v15;
	v28 =	vld [tilespmem:s14+$0x10];
	v17 =	vmin.f32 v20, v25  }
0x20c: {  	v13 =	vadd.f32 v22, v13;
	v20 =	vld [tilespmem:s14+$0x20];
	v14 =	vadd.f32 v17, v14;
	v17 =	vmin.f32 v23, v21  }
0x20d: {  	v12 =	vadd.f32 v26, v12;
	v15 =	vadd.f32 v16, v15;
	v21 =	vld [tilespmem:s14+$0x30];
	v16 =	vmin.f32 v24, v19  }
0x20e: {  	v13 =	vadd.f32 v17, v13;
	v19 =	vld [tilespmem:s14+$0xFFFFFFC0];
	v14 =	vadd.f32 v16, v14  }
0x20f: {  	v22 =	vld [tilespmem:s14+$0xFFFFFFD0]  }
0x210: {  	v23 =	vld [tilespmem:s14+$0xFFFFFFE0]  }
0x211: {  	v24 =	vld [tilespmem:s14+$0xFFFFFFF0]  }
0x212: {  	s15 =	sadd.s32 $0x2, s15;
	v16 =	vld [tilespmem:s16+$0x10]  }
0x213: {  	p0 =	slt.u32 s15, $0x1FE;
	v26 =	vsub.f32 v27, v10;
	v27 =	vsub.f32 v28, v10;
	v17 =	vld [tilespmem:s16+$0xFFFFFFC0]  }
.Ltmp10:
0x214: {  	v28 =	vsub.f32 v20, v10;
	v29 =	vsub.f32 v21, v10;
	v18 =	vld [tilespmem:s16+$0xFFFFFFD0];
	(pc) =	sbr.rel @p0 .LBB2_22-.Ltmp10, $4  }
0x215: {  	v30 =	vsub.f32 v19, v10;
	v31 =	vsub.f32 v22, v10;
	v22 =	vld [tilespmem:s16+$0xFFFFFFE0]  }
0x216: {  	v26 =	vmax.f32 v26, $0.0e+00;
	v32 =	vsub.f32 v23, v10;
	v20 =	vld [tilespmem:s16+$0xFFFFFFF0];
	v25 =	vsub.f32 v24, v10  }
0x217: {  	v27 =	vmax.f32 v27, $0.0e+00;
	v21 =	vmax.f32 v28, $0.0e+00;
	v19 =	vmax.f32 v29, $0.0e+00;
	v23 =	vld [tilespmem:s16+$0x20]  }
0x218: {  	v28 =	vmax.f32 v30, $0.0e+00;
	v29 =	vmax.f32 v31, $0.0e+00;
	v30 =	vmax.f32 v32, $0.0e+00;
	v24 =	vld [tilespmem:s16+$0x30];
	s16 =	sadd.s32 $0x80, s16  }
0x219: {  	v25 =	vmax.f32 v25, $0.0e+00;
	v11 =	vmin.f32 v11, v26;
	v16 =	vmin.f32 v16, v27  }
0x21a: {  	v17 =	vmin.f32 v17, v28;
	v18 =	vmin.f32 v18, v29;
	v22 =	vmin.f32 v22, v30  }
0x21b: {  	v12 =	vadd.f32 v17, v12;
	v15 =	vadd.f32 v18, v15;
	v17 =	vmin.f32 v20, v25  }
0x21c: {  	v13 =	vadd.f32 v22, v13;
	v14 =	vadd.f32 v17, v14;
	v17 =	vmin.f32 v23, v21  }
0x21d: {  	v11 =	vadd.f32 v11, v12;
	v12 =	vadd.f32 v16, v15;
	v15 =	vmin.f32 v24, v19  }
0x21e: {  	v13 =	vadd.f32 v17, v13;
	v14 =	vadd.f32 v15, v14;
	_ =	sdelay $0x1  }
0x21f: {  	v11 =	vadd.f32 v12, v11;
	v12 =	vadd.f32 v14, v13;
	_ =	sdelay $0x1  }
0x220: {  	v11 =	vadd.f32 v12, v11;
	_ =	sdelay $0x1  }
0x221: {  	v12 =	vperm.xlane v11, v3;
	_ =	sdelay $0x1  }
0x222: {  	v11 =	vadd.f32 v12, v11;
	_ =	sdelay $0x1  }
0x223: {  	v12 =	vperm.xlane v11, v0;
	_ =	sdelay $0x1  }
0x224: {  	v11 =	vadd.f32 v12, v11;
	_ =	sdelay $0x1  }
0x225: {  	v12 =	vperm.xlane v11, v1;
	_ =	sdelay $0x1  }
0x226: {  	v11 =	vadd.f32 v12, v11;
	_ =	sdelay $0x1  }
0x227: {  	v12 =	vperm.xlane v11, v2;
	_ =	sdelay $0x1  }
0x228: {  	s14 =	simm.s32 $0x40;
	v11 =	vadd.f32 v12, v11  }
0x229: {  	v20 =	vld [tilespmem:s14+$0xFFFFFFD0]  }
0x22a: {  	v21 =	vld [tilespmem:s14+$0xFFFFFFE0];
	v11 =	vadd.f32 $-1.000000000e+00, v11  }
0x22b: {  	v15 =	vld [tilespmem:s14+$0x30]  }
0x22c: {  	v13 =	vld [tilespmem:s14+$0x10];
	vm0 =	vgt.f32 v11, $0.0e+00  }
0x22d: {  	v12 =	vld [tilespmem:s14+$0x0];
	v8 =	vsel vm0, v10, v8;
	v9 =	vsel vm0, v9, v10  }
0x22e: {  	v14 =	vld [tilespmem:s14+$0x20];
	v10 =	vadd.f32 v9, v8  }
0x22f: {  	v19 =	vld [tilespmem:s14+$0xFFFFFFC0]  }
0x230: {  	s16 =	simm.s32 $0x8040;
	v23 =	vld [tilespmem:s14+$0xFFFFFFF0];
	v10 =	vmul.f32 $5.000000000e-01, v10  }
0x231: {  	v18 =	vld [tilespmem:s16+$0xFFFFFFD0]  }
0x232: {  	v22 =	vld [tilespmem:s16+$0xFFFFFFE0];
	v24 =	vsub.f32 v12, v10;
	v13 =	vsub.f32 v13, v10  }
0x233: {  	v16 =	vld [tilespmem:s16+$0x10];
	v14 =	vsub.f32 v14, v10;
	v15 =	vsub.f32 v15, v10  }
0x234: {  	v11 =	vld [tilespmem:s16+$0x0];
	v12 =	vimm.f32 $0.0e+00;
	v28 =	vsub.f32 v19, v10;
	v29 =	vsub.f32 v20, v10  }
0x235: {  	v17 =	vld [tilespmem:s16+$0xFFFFFFC0];
	v30 =	vsub.f32 v21, v10;
	v25 =	vsub.f32 v23, v10;
	v26 =	vmax.f32 v24, $0.0e+00  }
0x236: {  	v20 =	vld [tilespmem:s16+$0xFFFFFFF0];
	v27 =	vmax.f32 v13, $0.0e+00;
	v21 =	vmax.f32 v14, $0.0e+00;
	v19 =	vmax.f32 v15, $0.0e+00  }
0x237: {  	v23 =	vld [tilespmem:s16+$0x20];
	v28 =	vmax.f32 v28, $0.0e+00;
	v29 =	vmax.f32 v29, $0.0e+00;
	v30 =	vmax.f32 v30, $0.0e+00  }
0x238: {  	s15 =	simm.s32 $0x0;
	v24 =	vld [tilespmem:s16+$0x30];
	s16 =	simm.s32 $0x80C0;
	v15 =	vimm.f32 $0.0e+00;
	v13 =	vimm.f32 $0.0e+00;
	v14 =	vimm.f32 $0.0e+00  }
.LBB2_24:
0x239: {  	v25 =	vmax.f32 v25, $0.0e+00;
	v26 =	vmin.f32 v11, v26;
	v11 =	vld [tilespmem:s16+$0x0];
	v16 =	vmin.f32 v16, v27;
	s14 =	sadd.s32 $0x80, s14  }
0x23a: {  	v17 =	vmin.f32 v17, v28;
	v18 =	vmin.f32 v18, v29;
	v27 =	vld [tilespmem:s14+$0x0];
	v22 =	vmin.f32 v22, v30  }
0x23b: {  	v12 =	vadd.f32 v17, v12;
	v15 =	vadd.f32 v18, v15;
	v28 =	vld [tilespmem:s14+$0x10];
	v17 =	vmin.f32 v20, v25  }
0x23c: {  	v13 =	vadd.f32 v22, v13;
	v20 =	vld [tilespmem:s14+$0x20];
	v14 =	vadd.f32 v17, v14;
	v17 =	vmin.f32 v23, v21  }
0x23d: {  	v12 =	vadd.f32 v26, v12;
	v15 =	vadd.f32 v16, v15;
	v21 =	vld [tilespmem:s14+$0x30];
	v16 =	vmin.f32 v24, v19  }
0x23e: {  	v13 =	vadd.f32 v17, v13;
	v19 =	vld [tilespmem:s14+$0xFFFFFFC0];
	v14 =	vadd.f32 v16, v14  }
0x23f: {  	v22 =	vld [tilespmem:s14+$0xFFFFFFD0]  }
0x240: {  	v23 =	vld [tilespmem:s14+$0xFFFFFFE0]  }
0x241: {  	v24 =	vld [tilespmem:s14+$0xFFFFFFF0]  }
0x242: {  	s15 =	sadd.s32 $0x2, s15;
	v16 =	vld [tilespmem:s16+$0x10]  }
0x243: {  	p0 =	slt.u32 s15, $0x1FE;
	v26 =	vsub.f32 v27, v10;
	v27 =	vsub.f32 v28, v10;
	v17 =	vld [tilespmem:s16+$0xFFFFFFC0]  }
.Ltmp11:
0x244: {  	v28 =	vsub.f32 v20, v10;
	v29 =	vsub.f32 v21, v10;
	v18 =	vld [tilespmem:s16+$0xFFFFFFD0];
	(pc) =	sbr.rel @p0 .LBB2_24-.Ltmp11, $4  }
0x245: {  	v30 =	vsub.f32 v19, v10;
	v31 =	vsub.f32 v22, v10;
	v22 =	vld [tilespmem:s16+$0xFFFFFFE0]  }
0x246: {  	v26 =	vmax.f32 v26, $0.0e+00;
	v32 =	vsub.f32 v23, v10;
	v20 =	vld [tilespmem:s16+$0xFFFFFFF0];
	v25 =	vsub.f32 v24, v10  }
0x247: {  	v27 =	vmax.f32 v27, $0.0e+00;
	v21 =	vmax.f32 v28, $0.0e+00;
	v19 =	vmax.f32 v29, $0.0e+00;
	v23 =	vld [tilespmem:s16+$0x20]  }
0x248: {  	v28 =	vmax.f32 v30, $0.0e+00;
	v29 =	vmax.f32 v31, $0.0e+00;
	v30 =	vmax.f32 v32, $0.0e+00;
	v24 =	vld [tilespmem:s16+$0x30];
	s16 =	sadd.s32 $0x80, s16  }
0x249: {  	v25 =	vmax.f32 v25, $0.0e+00;
	v11 =	vmin.f32 v11, v26;
	v16 =	vmin.f32 v16, v27  }
0x24a: {  	v17 =	vmin.f32 v17, v28;
	v18 =	vmin.f32 v18, v29;
	v22 =	vmin.f32 v22, v30  }
0x24b: {  	v12 =	vadd.f32 v17, v12;
	v15 =	vadd.f32 v18, v15;
	v17 =	vmin.f32 v20, v25  }
0x24c: {  	v13 =	vadd.f32 v22, v13;
	v14 =	vadd.f32 v17, v14;
	v17 =	vmin.f32 v23, v21  }
0x24d: {  	v11 =	vadd.f32 v11, v12;
	v12 =	vadd.f32 v16, v15;
	v15 =	vmin.f32 v24, v19  }
0x24e: {  	v13 =	vadd.f32 v17, v13;
	v14 =	vadd.f32 v15, v14;
	_ =	sdelay $0x1  }
0x24f: {  	v11 =	vadd.f32 v12, v11;
	v12 =	vadd.f32 v14, v13;
	_ =	sdelay $0x1  }
0x250: {  	v11 =	vadd.f32 v12, v11;
	_ =	sdelay $0x1  }
0x251: {  	v12 =	vperm.xlane v11, v3;
	_ =	sdelay $0x1  }
0x252: {  	v11 =	vadd.f32 v12, v11;
	_ =	sdelay $0x1  }
0x253: {  	v12 =	vperm.xlane v11, v0;
	_ =	sdelay $0x1  }
0x254: {  	v11 =	vadd.f32 v12, v11;
	_ =	sdelay $0x1  }
0x255: {  	v12 =	vperm.xlane v11, v1;
	_ =	sdelay $0x1  }
0x256: {  	v11 =	vadd.f32 v12, v11;
	_ =	sdelay $0x1  }
0x257: {  	v12 =	vperm.xlane v11, v2;
	_ =	sdelay $0x1  }
0x258: {  	s14 =	simm.s32 $0x40;
	v11 =	vadd.f32 v12, v11  }
0x259: {  	v20 =	vld [tilespmem:s14+$0xFFFFFFD0]  }
0x25a: {  	v21 =	vld [tilespmem:s14+$0xFFFFFFE0];
	v11 =	vadd.f32 $-1.000000000e+00, v11  }
0x25b: {  	v15 =	vld [tilespmem:s14+$0x30]  }
0x25c: {  	v13 =	vld [tilespmem:s14+$0x10];
	vm0 =	vgt.f32 v11, $0.0e+00  }
0x25d: {  	v12 =	vld [tilespmem:s14+$0x0];
	v8 =	vsel vm0, v10, v8;
	v10 =	vsel vm0, v9, v10  }
0x25e: {  	v14 =	vld [tilespmem:s14+$0x20];
	v9 =	vadd.f32 v10, v8  }
0x25f: {  	v19 =	vld [tilespmem:s14+$0xFFFFFFC0]  }
0x260: {  	s16 =	simm.s32 $0x8040;
	v23 =	vld [tilespmem:s14+$0xFFFFFFF0];
	v9 =	vmul.f32 $5.000000000e-01, v9  }
0x261: {  	v18 =	vld [tilespmem:s16+$0xFFFFFFD0]  }
0x262: {  	v22 =	vld [tilespmem:s16+$0xFFFFFFE0];
	v24 =	vsub.f32 v12, v9;
	v13 =	vsub.f32 v13, v9  }
0x263: {  	v16 =	vld [tilespmem:s16+$0x10];
	v14 =	vsub.f32 v14, v9;
	v15 =	vsub.f32 v15, v9  }
0x264: {  	v11 =	vld [tilespmem:s16+$0x0];
	v12 =	vimm.f32 $0.0e+00;
	v28 =	vsub.f32 v19, v9;
	v29 =	vsub.f32 v20, v9  }
0x265: {  	v17 =	vld [tilespmem:s16+$0xFFFFFFC0];
	v30 =	vsub.f32 v21, v9;
	v25 =	vsub.f32 v23, v9;
	v26 =	vmax.f32 v24, $0.0e+00  }
0x266: {  	v20 =	vld [tilespmem:s16+$0xFFFFFFF0];
	v27 =	vmax.f32 v13, $0.0e+00;
	v21 =	vmax.f32 v14, $0.0e+00;
	v19 =	vmax.f32 v15, $0.0e+00  }
0x267: {  	v23 =	vld [tilespmem:s16+$0x20];
	v28 =	vmax.f32 v28, $0.0e+00;
	v29 =	vmax.f32 v29, $0.0e+00;
	v30 =	vmax.f32 v30, $0.0e+00  }
0x268: {  	s15 =	simm.s32 $0x0;
	v24 =	vld [tilespmem:s16+$0x30];
	s16 =	simm.s32 $0x80C0;
	v15 =	vimm.f32 $0.0e+00;
	v13 =	vimm.f32 $0.0e+00;
	v14 =	vimm.f32 $0.0e+00  }
.LBB2_26:
0x269: {  	v25 =	vmax.f32 v25, $0.0e+00;
	v26 =	vmin.f32 v11, v26;
	v11 =	vld [tilespmem:s16+$0x0];
	v16 =	vmin.f32 v16, v27;
	s14 =	sadd.s32 $0x80, s14  }
0x26a: {  	v17 =	vmin.f32 v17, v28;
	v18 =	vmin.f32 v18, v29;
	v27 =	vld [tilespmem:s14+$0x0];
	v22 =	vmin.f32 v22, v30  }
0x26b: {  	v12 =	vadd.f32 v17, v12;
	v15 =	vadd.f32 v18, v15;
	v28 =	vld [tilespmem:s14+$0x10];
	v17 =	vmin.f32 v20, v25  }
0x26c: {  	v13 =	vadd.f32 v22, v13;
	v20 =	vld [tilespmem:s14+$0x20];
	v14 =	vadd.f32 v17, v14;
	v17 =	vmin.f32 v23, v21  }
0x26d: {  	v12 =	vadd.f32 v26, v12;
	v15 =	vadd.f32 v16, v15;
	v21 =	vld [tilespmem:s14+$0x30];
	v16 =	vmin.f32 v24, v19  }
0x26e: {  	v13 =	vadd.f32 v17, v13;
	v19 =	vld [tilespmem:s14+$0xFFFFFFC0];
	v14 =	vadd.f32 v16, v14  }
0x26f: {  	v22 =	vld [tilespmem:s14+$0xFFFFFFD0]  }
0x270: {  	v23 =	vld [tilespmem:s14+$0xFFFFFFE0]  }
0x271: {  	v24 =	vld [tilespmem:s14+$0xFFFFFFF0]  }
0x272: {  	s15 =	sadd.s32 $0x2, s15;
	v16 =	vld [tilespmem:s16+$0x10]  }
0x273: {  	p0 =	slt.u32 s15, $0x1FE;
	v26 =	vsub.f32 v27, v9;
	v27 =	vsub.f32 v28, v9;
	v17 =	vld [tilespmem:s16+$0xFFFFFFC0]  }
.Ltmp12:
0x274: {  	v28 =	vsub.f32 v20, v9;
	v29 =	vsub.f32 v21, v9;
	v18 =	vld [tilespmem:s16+$0xFFFFFFD0];
	(pc) =	sbr.rel @p0 .LBB2_26-.Ltmp12, $4  }
0x275: {  	v30 =	vsub.f32 v19, v9;
	v31 =	vsub.f32 v22, v9;
	v22 =	vld [tilespmem:s16+$0xFFFFFFE0]  }
0x276: {  	v26 =	vmax.f32 v26, $0.0e+00;
	v32 =	vsub.f32 v23, v9;
	v20 =	vld [tilespmem:s16+$0xFFFFFFF0];
	v25 =	vsub.f32 v24, v9  }
0x277: {  	v27 =	vmax.f32 v27, $0.0e+00;
	v21 =	vmax.f32 v28, $0.0e+00;
	v19 =	vmax.f32 v29, $0.0e+00;
	v23 =	vld [tilespmem:s16+$0x20]  }
0x278: {  	v28 =	vmax.f32 v30, $0.0e+00;
	v29 =	vmax.f32 v31, $0.0e+00;
	v30 =	vmax.f32 v32, $0.0e+00;
	v24 =	vld [tilespmem:s16+$0x30];
	s16 =	sadd.s32 $0x80, s16  }
0x279: {  	v25 =	vmax.f32 v25, $0.0e+00;
	v11 =	vmin.f32 v11, v26;
	v16 =	vmin.f32 v16, v27  }
0x27a: {  	v17 =	vmin.f32 v17, v28;
	v18 =	vmin.f32 v18, v29;
	v22 =	vmin.f32 v22, v30  }
0x27b: {  	v12 =	vadd.f32 v17, v12;
	v15 =	vadd.f32 v18, v15;
	v17 =	vmin.f32 v20, v25  }
0x27c: {  	v13 =	vadd.f32 v22, v13;
	v14 =	vadd.f32 v17, v14;
	v17 =	vmin.f32 v23, v21  }
0x27d: {  	v11 =	vadd.f32 v11, v12;
	v12 =	vadd.f32 v16, v15;
	v15 =	vmin.f32 v24, v19  }
0x27e: {  	v13 =	vadd.f32 v17, v13;
	v14 =	vadd.f32 v15, v14;
	_ =	sdelay $0x1  }
0x27f: {  	v11 =	vadd.f32 v12, v11;
	v12 =	vadd.f32 v14, v13;
	_ =	sdelay $0x1  }
0x280: {  	v11 =	vadd.f32 v12, v11;
	_ =	sdelay $0x1  }
0x281: {  	v12 =	vperm.xlane v11, v3;
	_ =	sdelay $0x1  }
0x282: {  	v11 =	vadd.f32 v12, v11;
	_ =	sdelay $0x1  }
0x283: {  	v12 =	vperm.xlane v11, v0;
	_ =	sdelay $0x1  }
0x284: {  	v11 =	vadd.f32 v12, v11;
	_ =	sdelay $0x1  }
0x285: {  	v12 =	vperm.xlane v11, v1;
	_ =	sdelay $0x1  }
0x286: {  	v11 =	vadd.f32 v12, v11;
	_ =	sdelay $0x1  }
0x287: {  	v12 =	vperm.xlane v11, v2;
	_ =	sdelay $0x1  }
0x288: {  	s14 =	simm.s32 $0x40;
	v11 =	vadd.f32 v12, v11  }
0x289: {  	v22 =	vld [tilespmem:s14+$0xFFFFFFD0]  }
0x28a: {  	v25 =	vld [tilespmem:s14+$0xFFFFFFF0];
	v13 =	vadd.f32 $-1.000000000e+00, v11  }
0x28b: {  	v16 =	vld [tilespmem:s14+$0x20]  }
0x28c: {  	v15 =	vld [tilespmem:s14+$0x10];
	vm0 =	vgt.f32 v13, $0.0e+00  }
0x28d: {  	v14 =	vld [tilespmem:s14+$0x0];
	v11 =	vsel vm0, v9, v8;
	v12 =	vsel vm0, v10, v9  }
0x28e: {  	v17 =	vld [tilespmem:s14+$0x30];
	v8 =	vadd.f32 v12, v11  }
0x28f: {  	v21 =	vld [tilespmem:s14+$0xFFFFFFC0]  }
0x290: {  	s16 =	simm.s32 $0x8040;
	v23 =	vld [tilespmem:s14+$0xFFFFFFE0];
	v8 =	vmul.f32 $5.000000000e-01, v8  }
0x291: {  	v18 =	vld [tilespmem:s16+$0x10]  }
0x292: {  	v20 =	vld [tilespmem:s16+$0xFFFFFFD0];
	v26 =	vsub.f32 v14, v8;
	v15 =	vsub.f32 v15, v8  }
0x293: {  	v19 =	vld [tilespmem:s16+$0xFFFFFFC0];
	v16 =	vsub.f32 v16, v8;
	v17 =	vsub.f32 v17, v8  }
0x294: {  	v10 =	vld [tilespmem:s16+$0x0];
	v14 =	vimm.f32 $0.0e+00;
	v30 =	vsub.f32 v21, v8;
	v31 =	vsub.f32 v22, v8  }
0x295: {  	v24 =	vld [tilespmem:s16+$0xFFFFFFE0];
	v32 =	vsub.f32 v23, v8;
	v27 =	vsub.f32 v25, v8;
	v28 =	vmax.f32 v26, $0.0e+00  }
0x296: {  	v22 =	vld [tilespmem:s16+$0xFFFFFFF0];
	v29 =	vmax.f32 v15, $0.0e+00;
	v23 =	vmax.f32 v16, $0.0e+00;
	v21 =	vmax.f32 v17, $0.0e+00  }
0x297: {  	v25 =	vld [tilespmem:s16+$0x20];
	v30 =	vmax.f32 v30, $0.0e+00;
	v31 =	vmax.f32 v31, $0.0e+00;
	v32 =	vmax.f32 v32, $0.0e+00  }
0x298: {  	s15 =	simm.s32 $0x0;
	v26 =	vld [tilespmem:s16+$0x30];
	s16 =	simm.s32 $0x80C0;
	v17 =	vimm.f32 $0.0e+00;
	v15 =	vimm.f32 $0.0e+00;
	v16 =	vimm.f32 $0.0e+00  }
.LBB2_28:
0x299: {  	v27 =	vmax.f32 v27, $0.0e+00;
	v28 =	vmin.f32 v10, v28;
	v10 =	vld [tilespmem:s16+$0x0];
	v18 =	vmin.f32 v18, v29;
	s14 =	sadd.s32 $0x80, s14  }
0x29a: {  	v19 =	vmin.f32 v19, v30;
	v20 =	vmin.f32 v20, v31;
	v29 =	vld [tilespmem:s14+$0x0];
	v24 =	vmin.f32 v24, v32  }
0x29b: {  	v14 =	vadd.f32 v19, v14;
	v17 =	vadd.f32 v20, v17;
	v30 =	vld [tilespmem:s14+$0x10];
	v19 =	vmin.f32 v22, v27  }
0x29c: {  	v15 =	vadd.f32 v24, v15;
	v22 =	vld [tilespmem:s14+$0x20];
	v16 =	vadd.f32 v19, v16;
	v19 =	vmin.f32 v25, v23  }
0x29d: {  	v14 =	vadd.f32 v28, v14;
	v17 =	vadd.f32 v18, v17;
	v23 =	vld [tilespmem:s14+$0x30];
	v18 =	vmin.f32 v26, v21  }
0x29e: {  	v15 =	vadd.f32 v19, v15;
	v21 =	vld [tilespmem:s14+$0xFFFFFFC0];
	v16 =	vadd.f32 v18, v16  }
0x29f: {  	v24 =	vld [tilespmem:s14+$0xFFFFFFD0]  }
0x2a0: {  	v25 =	vld [tilespmem:s14+$0xFFFFFFE0]  }
0x2a1: {  	v26 =	vld [tilespmem:s14+$0xFFFFFFF0]  }
0x2a2: {  	s15 =	sadd.s32 $0x2, s15;
	v18 =	vld [tilespmem:s16+$0x10]  }
0x2a3: {  	p0 =	slt.u32 s15, $0x1FE;
	v28 =	vsub.f32 v29, v8;
	v29 =	vsub.f32 v30, v8;
	v19 =	vld [tilespmem:s16+$0xFFFFFFC0]  }
.Ltmp13:
0x2a4: {  	v30 =	vsub.f32 v22, v8;
	v31 =	vsub.f32 v23, v8;
	v20 =	vld [tilespmem:s16+$0xFFFFFFD0];
	(pc) =	sbr.rel @p0 .LBB2_28-.Ltmp13, $4  }
0x2a5: {  	v32 =	vsub.f32 v21, v8;
	v33 =	vsub.f32 v24, v8;
	v24 =	vld [tilespmem:s16+$0xFFFFFFE0]  }
0x2a6: {  	v28 =	vmax.f32 v28, $0.0e+00;
	v34 =	vsub.f32 v25, v8;
	v22 =	vld [tilespmem:s16+$0xFFFFFFF0];
	v27 =	vsub.f32 v26, v8  }
0x2a7: {  	v29 =	vmax.f32 v29, $0.0e+00;
	v23 =	vmax.f32 v30, $0.0e+00;
	v21 =	vmax.f32 v31, $0.0e+00;
	v25 =	vld [tilespmem:s16+$0x20]  }
0x2a8: {  	v30 =	vmax.f32 v32, $0.0e+00;
	v31 =	vmax.f32 v33, $0.0e+00;
	v32 =	vmax.f32 v34, $0.0e+00;
	v26 =	vld [tilespmem:s16+$0x30];
	s16 =	sadd.s32 $0x80, s16  }
0x2a9: {  	v27 =	vmax.f32 v27, $0.0e+00;
	v10 =	vmin.f32 v10, v28;
	v18 =	vmin.f32 v18, v29  }
0x2aa: {  	v19 =	vmin.f32 v19, v30;
	v20 =	vmin.f32 v20, v31;
	v24 =	vmin.f32 v24, v32  }
0x2ab: {  	v14 =	vadd.f32 v19, v14;
	v17 =	vadd.f32 v20, v17;
	v19 =	vmin.f32 v22, v27  }
0x2ac: {  	v15 =	vadd.f32 v24, v15;
	v16 =	vadd.f32 v19, v16;
	v19 =	vmin.f32 v25, v23  }
0x2ad: {  	v10 =	vadd.f32 v10, v14;
	v14 =	vadd.f32 v18, v17;
	v17 =	vmin.f32 v26, v21  }
0x2ae: {  	v15 =	vadd.f32 v19, v15;
	v16 =	vadd.f32 v17, v16;
	_ =	sdelay $0x1  }
0x2af: {  	v10 =	vadd.f32 v14, v10;
	v14 =	vadd.f32 v16, v15;
	_ =	sdelay $0x1  }
0x2b0: {  	v10 =	vadd.f32 v14, v10;
	_ =	sdelay $0x1  }
0x2b1: {  	v14 =	vperm.xlane v10, v3;
	_ =	sdelay $0x1  }
0x2b2: {  	v10 =	vadd.f32 v14, v10;
	_ =	sdelay $0x1  }
0x2b3: {  	v14 =	vperm.xlane v10, v0;
	_ =	sdelay $0x1  }
0x2b4: {  	v10 =	vadd.f32 v14, v10;
	_ =	sdelay $0x1  }
0x2b5: {  	v14 =	vperm.xlane v10, v1;
	_ =	sdelay $0x1  }
0x2b6: {  	v10 =	vadd.f32 v14, v10;
	_ =	sdelay $0x1  }
0x2b7: {  	v14 =	vperm.xlane v10, v2;
	_ =	sdelay $0x1  }
0x2b8: {  	v10 =	vadd.f32 v14, v10;
	_ =	sdelay $0x1  }
0x2b9: {  	v10 =	vadd.f32 $-1.000000000e+00, v10;
	_ =	sdelay $0x1  }
0x2ba: {  	v13 =	vsub.f32 v10, v13;
	_ =	sdelay $0x1  }
0x2bb: {  	vm0 =	vlt.f32 v13, $0.0e+00;
	vm1 =	vgt.f32 v13, $0.0e+00  }
0x2bc: {  	vm0 =	vmor vm1, vm0  }
0x2bd: {  	v13 =	vnsel vm0, $0x3F800000, v13  }
0x2be: {  	(erf) = vrcp.f32 v13;
	_ =	sdelay $0x5  }
0x2bf: {  	v9 =	vsub.f32 v8, v9;
	_ =	sdelay $0x1  }
0x2c0: {  	s14 =	simm.s32 $0x40;
	v9 =	vmul.f32 v10, v9  }
0x2c1: {  	v22 =	vld [tilespmem:s14+$0xFFFFFFD0];
	v13 =	vpop (erf)  }
0x2c2: {  	v23 =	vld [tilespmem:s14+$0xFFFFFFE0];
	v13 =	vmul.f32 v13, v9  }
0x2c3: {  	v17 =	vld [tilespmem:s14+$0x30];
	vm14 =	vgt.f32 v10, $0.0e+00  }
0x2c4: {  	v15 =	vld [tilespmem:s14+$0x10];
	v9 =	vsel vm14, v8, v11;
	v11 =	vsel vm14, v12, v8;
	v12 =	vsub.f32 v8, v13  }
0x2c5: {  	v14 =	vld [tilespmem:s14+$0x0];
	v13 =	vadd.f32 v11, v9  }
0x2c6: {  	v16 =	vld [tilespmem:s14+$0x20];
	vm15 =	vgt.f32 v12, v9;
	vm2 =	vlt.f32 v12, v11  }
0x2c7: {  	v21 =	vld [tilespmem:s14+$0xFFFFFFC0];
	v13 =	vmul.f32 $5.000000000e-01, v13;
	vm1 =	vmand vm15, vm2  }
0x2c8: {  	s16 =	simm.s32 $0x8040;
	v25 =	vld [tilespmem:s14+$0xFFFFFFF0];
	vm0 =	vmand vm0, vm1  }
0x2c9: {  	v20 =	vld [tilespmem:s16+$0xFFFFFFD0];
	v12 =	vsel vm0, v12, v13  }
0x2ca: {  	v24 =	vld [tilespmem:s16+$0xFFFFFFE0];
	v26 =	vsub.f32 v14, v12;
	v15 =	vsub.f32 v15, v12  }
0x2cb: {  	v18 =	vld [tilespmem:s16+$0x10];
	v16 =	vsub.f32 v16, v12;
	v17 =	vsub.f32 v17, v12  }
0x2cc: {  	v13 =	vld [tilespmem:s16+$0x0];
	v14 =	vimm.f32 $0.0e+00;
	v30 =	vsub.f32 v21, v12;
	v31 =	vsub.f32 v22, v12  }
0x2cd: {  	v19 =	vld [tilespmem:s16+$0xFFFFFFC0];
	v63 =	vsub.f32 v23, v12;
	v27 =	vsub.f32 v25, v12;
	v28 =	vmax.f32 v26, $0.0e+00  }
0x2ce: {  	v22 =	vld [tilespmem:s16+$0xFFFFFFF0];
	v29 =	vmax.f32 v15, $0.0e+00;
	v23 =	vmax.f32 v16, $0.0e+00;
	v21 =	vmax.f32 v17, $0.0e+00  }
0x2cf: {  	v25 =	vld [tilespmem:s16+$0x20];
	v30 =	vmax.f32 v30, $0.0e+00;
	v31 =	vmax.f32 v31, $0.0e+00;
	v32 =	vmax.f32 v63, $0.0e+00  }
0x2d0: {  	s15 =	simm.s32 $0x0;
	v26 =	vld [tilespmem:s16+$0x30];
	s16 =	simm.s32 $0x80C0;
	v17 =	vimm.f32 $0.0e+00;
	v15 =	vimm.f32 $0.0e+00;
	v16 =	vimm.f32 $0.0e+00  }
.LBB2_30:
0x2d1: {  	v27 =	vmax.f32 v27, $0.0e+00;
	v28 =	vmin.f32 v13, v28;
	v13 =	vld [tilespmem:s16+$0x0];
	v18 =	vmin.f32 v18, v29;
	s14 =	sadd.s32 $0x80, s14  }
0x2d2: {  	v19 =	vmin.f32 v19, v30;
	v20 =	vmin.f32 v20, v31;
	v29 =	vld [tilespmem:s14+$0x0];
	v24 =	vmin.f32 v24, v32  }
0x2d3: {  	v14 =	vadd.f32 v19, v14;
	v17 =	vadd.f32 v20, v17;
	v30 =	vld [tilespmem:s14+$0x10];
	v19 =	vmin.f32 v22, v27  }
0x2d4: {  	v15 =	vadd.f32 v24, v15;
	v22 =	vld [tilespmem:s14+$0x20];
	v16 =	vadd.f32 v19, v16;
	v19 =	vmin.f32 v25, v23  }
0x2d5: {  	v14 =	vadd.f32 v28, v14;
	v17 =	vadd.f32 v18, v17;
	v23 =	vld [tilespmem:s14+$0x30];
	v18 =	vmin.f32 v26, v21  }
0x2d6: {  	v15 =	vadd.f32 v19, v15;
	v21 =	vld [tilespmem:s14+$0xFFFFFFC0];
	v16 =	vadd.f32 v18, v16  }
0x2d7: {  	v24 =	vld [tilespmem:s14+$0xFFFFFFD0]  }
0x2d8: {  	v25 =	vld [tilespmem:s14+$0xFFFFFFE0]  }
0x2d9: {  	v26 =	vld [tilespmem:s14+$0xFFFFFFF0]  }
0x2da: {  	s15 =	sadd.s32 $0x2, s15;
	v18 =	vld [tilespmem:s16+$0x10]  }
0x2db: {  	p0 =	slt.u32 s15, $0x1FE;
	v28 =	vsub.f32 v29, v12;
	v29 =	vsub.f32 v30, v12;
	v19 =	vld [tilespmem:s16+$0xFFFFFFC0]  }
.Ltmp14:
0x2dc: {  	v30 =	vsub.f32 v22, v12;
	v31 =	vsub.f32 v23, v12;
	v20 =	vld [tilespmem:s16+$0xFFFFFFD0];
	(pc) =	sbr.rel @p0 .LBB2_30-.Ltmp14, $4  }
0x2dd: {  	v32 =	vsub.f32 v21, v12;
	v33 =	vsub.f32 v24, v12;
	v24 =	vld [tilespmem:s16+$0xFFFFFFE0]  }
0x2de: {  	v28 =	vmax.f32 v28, $0.0e+00;
	v34 =	vsub.f32 v25, v12;
	v22 =	vld [tilespmem:s16+$0xFFFFFFF0];
	v27 =	vsub.f32 v26, v12  }
0x2df: {  	v29 =	vmax.f32 v29, $0.0e+00;
	v23 =	vmax.f32 v30, $0.0e+00;
	v21 =	vmax.f32 v31, $0.0e+00;
	v25 =	vld [tilespmem:s16+$0x20]  }
0x2e0: {  	v30 =	vmax.f32 v32, $0.0e+00;
	v31 =	vmax.f32 v33, $0.0e+00;
	v32 =	vmax.f32 v34, $0.0e+00;
	v26 =	vld [tilespmem:s16+$0x30];
	s16 =	sadd.s32 $0x80, s16  }
0x2e1: {  	v27 =	vmax.f32 v27, $0.0e+00;
	v13 =	vmin.f32 v13, v28;
	v18 =	vmin.f32 v18, v29  }
0x2e2: {  	v19 =	vmin.f32 v19, v30;
	v20 =	vmin.f32 v20, v31;
	v24 =	vmin.f32 v24, v32  }
0x2e3: {  	v14 =	vadd.f32 v19, v14;
	v17 =	vadd.f32 v20, v17;
	v19 =	vmin.f32 v22, v27  }
0x2e4: {  	v15 =	vadd.f32 v24, v15;
	v16 =	vadd.f32 v19, v16;
	v19 =	vmin.f32 v25, v23  }
0x2e5: {  	v13 =	vadd.f32 v13, v14;
	v14 =	vadd.f32 v18, v17;
	v17 =	vmin.f32 v26, v21  }
0x2e6: {  	v15 =	vadd.f32 v19, v15;
	v16 =	vadd.f32 v17, v16;
	_ =	sdelay $0x1  }
0x2e7: {  	v13 =	vadd.f32 v14, v13;
	v14 =	vadd.f32 v16, v15;
	_ =	sdelay $0x1  }
0x2e8: {  	v13 =	vadd.f32 v14, v13;
	_ =	sdelay $0x1  }
0x2e9: {  	v14 =	vperm.xlane v13, v3;
	_ =	sdelay $0x1  }
0x2ea: {  	v13 =	vadd.f32 v14, v13;
	_ =	sdelay $0x1  }
0x2eb: {  	v14 =	vperm.xlane v13, v0;
	_ =	sdelay $0x1  }
0x2ec: {  	v13 =	vadd.f32 v14, v13;
	_ =	sdelay $0x1  }
0x2ed: {  	v14 =	vperm.xlane v13, v1;
	_ =	sdelay $0x1  }
0x2ee: {  	v13 =	vadd.f32 v14, v13;
	_ =	sdelay $0x1  }
0x2ef: {  	v14 =	vperm.xlane v13, v2;
	_ =	sdelay $0x1  }
0x2f0: {  	v13 =	vadd.f32 v14, v13;
	_ =	sdelay $0x1  }
0x2f1: {  	v13 =	vadd.f32 $-1.000000000e+00, v13;
	_ =	sdelay $0x1  }
0x2f2: {  	v10 =	vsub.f32 v13, v10;
	_ =	sdelay $0x1  }
0x2f3: {  	vm0 =	vlt.f32 v10, $0.0e+00;
	vm1 =	vgt.f32 v10, $0.0e+00  }
0x2f4: {  	vm0 =	vmor vm1, vm0  }
0x2f5: {  	v10 =	vnsel vm0, $0x3F800000, v10  }
0x2f6: {  	(erf) = vrcp.f32 v10;
	_ =	sdelay $0x5  }
0x2f7: {  	v8 =	vsub.f32 v12, v8;
	_ =	sdelay $0x1  }
0x2f8: {  	s14 =	simm.s32 $0x40;
	v8 =	vmul.f32 v13, v8  }
0x2f9: {  	v20 =	vld [tilespmem:s14+$0xFFFFFFD0];
	v10 =	vpop (erf)  }
0x2fa: {  	v23 =	vld [tilespmem:s14+$0xFFFFFFF0];
	v10 =	vmul.f32 v10, v8  }
0x2fb: {  	v15 =	vld [tilespmem:s14+$0x10];
	vm14 =	vgt.f32 v13, $0.0e+00  }
0x2fc: {  	v14 =	vld [tilespmem:s14+$0x0];
	v8 =	vsel vm14, v12, v9;
	v9 =	vsel vm14, v11, v12;
	v10 =	vsub.f32 v12, v10  }
0x2fd: {  	v13 =	vld [tilespmem:s14+$0x20];
	v11 =	vadd.f32 v9, v8  }
0x2fe: {  	v12 =	vld [tilespmem:s14+$0x30];
	vm15 =	vgt.f32 v10, v8;
	vm2 =	vlt.f32 v10, v9  }
0x2ff: {  	v19 =	vld [tilespmem:s14+$0xFFFFFFC0];
	v11 =	vmul.f32 $5.000000000e-01, v11;
	vm1 =	vmand vm15, vm2  }
0x300: {  	s16 =	simm.s32 $0x8040;
	v21 =	vld [tilespmem:s14+$0xFFFFFFE0];
	vm0 =	vmand vm0, vm1  }
0x301: {  	v22 =	vld [tilespmem:s16+$0xFFFFFFE0];
	v10 =	vsel vm0, v10, v11  }
0x302: {  	v18 =	vld [tilespmem:s16+$0xFFFFFFD0];
	v14 =	vsub.f32 v14, v10;
	v15 =	vsub.f32 v15, v10  }
0x303: {  	v16 =	vld [tilespmem:s16+$0x10];
	v13 =	vsub.f32 v13, v10;
	v24 =	vsub.f32 v12, v10  }
0x304: {  	v11 =	vld [tilespmem:s16+$0x0];
	v12 =	vimm.f32 $0.0e+00;
	v28 =	vsub.f32 v19, v10;
	v29 =	vsub.f32 v20, v10  }
0x305: {  	v17 =	vld [tilespmem:s16+$0xFFFFFFC0];
	v30 =	vsub.f32 v21, v10;
	v25 =	vsub.f32 v23, v10;
	v26 =	vmax.f32 v14, $0.0e+00  }
0x306: {  	v20 =	vld [tilespmem:s16+$0xFFFFFFF0];
	v27 =	vmax.f32 v15, $0.0e+00;
	v21 =	vmax.f32 v13, $0.0e+00;
	v19 =	vmax.f32 v24, $0.0e+00  }
0x307: {  	v23 =	vld [tilespmem:s16+$0x20];
	v28 =	vmax.f32 v28, $0.0e+00;
	v29 =	vmax.f32 v29, $0.0e+00;
	v30 =	vmax.f32 v30, $0.0e+00  }
0x308: {  	s15 =	simm.s32 $0x0;
	v24 =	vld [tilespmem:s16+$0x30];
	s16 =	simm.s32 $0x80C0;
	v15 =	vimm.f32 $0.0e+00;
	v13 =	vimm.f32 $0.0e+00;
	v14 =	vimm.f32 $0.0e+00  }
.LBB2_32:
0x309: {  	v25 =	vmax.f32 v25, $0.0e+00;
	v26 =	vmin.f32 v11, v26;
	v11 =	vld [tilespmem:s16+$0x0];
	v16 =	vmin.f32 v16, v27;
	s14 =	sadd.s32 $0x80, s14  }
0x30a: {  	v17 =	vmin.f32 v17, v28;
	v18 =	vmin.f32 v18, v29;
	v27 =	vld [tilespmem:s14+$0x0];
	v22 =	vmin.f32 v22, v30  }
0x30b: {  	v12 =	vadd.f32 v17, v12;
	v15 =	vadd.f32 v18, v15;
	v28 =	vld [tilespmem:s14+$0x10];
	v17 =	vmin.f32 v20, v25  }
0x30c: {  	v13 =	vadd.f32 v22, v13;
	v20 =	vld [tilespmem:s14+$0x20];
	v14 =	vadd.f32 v17, v14;
	v17 =	vmin.f32 v23, v21  }
0x30d: {  	v12 =	vadd.f32 v26, v12;
	v15 =	vadd.f32 v16, v15;
	v21 =	vld [tilespmem:s14+$0x30];
	v16 =	vmin.f32 v24, v19  }
0x30e: {  	v13 =	vadd.f32 v17, v13;
	v19 =	vld [tilespmem:s14+$0xFFFFFFC0];
	v14 =	vadd.f32 v16, v14  }
0x30f: {  	v22 =	vld [tilespmem:s14+$0xFFFFFFD0]  }
0x310: {  	v23 =	vld [tilespmem:s14+$0xFFFFFFE0]  }
0x311: {  	v24 =	vld [tilespmem:s14+$0xFFFFFFF0]  }
0x312: {  	s15 =	sadd.s32 $0x2, s15;
	v16 =	vld [tilespmem:s16+$0x10]  }
0x313: {  	p0 =	slt.u32 s15, $0x1FE;
	v26 =	vsub.f32 v27, v10;
	v27 =	vsub.f32 v28, v10;
	v17 =	vld [tilespmem:s16+$0xFFFFFFC0]  }
.Ltmp15:
0x314: {  	v28 =	vsub.f32 v20, v10;
	v29 =	vsub.f32 v21, v10;
	v18 =	vld [tilespmem:s16+$0xFFFFFFD0];
	(pc) =	sbr.rel @p0 .LBB2_32-.Ltmp15, $4  }
0x315: {  	v30 =	vsub.f32 v19, v10;
	v31 =	vsub.f32 v22, v10;
	v22 =	vld [tilespmem:s16+$0xFFFFFFE0]  }
0x316: {  	v26 =	vmax.f32 v26, $0.0e+00;
	v32 =	vsub.f32 v23, v10;
	v20 =	vld [tilespmem:s16+$0xFFFFFFF0];
	v25 =	vsub.f32 v24, v10  }
0x317: {  	v27 =	vmax.f32 v27, $0.0e+00;
	v21 =	vmax.f32 v28, $0.0e+00;
	v19 =	vmax.f32 v29, $0.0e+00;
	v23 =	vld [tilespmem:s16+$0x20]  }
0x318: {  	v28 =	vmax.f32 v30, $0.0e+00;
	v29 =	vmax.f32 v31, $0.0e+00;
	v30 =	vmax.f32 v32, $0.0e+00;
	v24 =	vld [tilespmem:s16+$0x30];
	s16 =	sadd.s32 $0x80, s16  }
0x319: {  	v25 =	vmax.f32 v25, $0.0e+00;
	v11 =	vmin.f32 v11, v26;
	v16 =	vmin.f32 v16, v27  }
0x31a: {  	v17 =	vmin.f32 v17, v28;
	v18 =	vmin.f32 v18, v29;
	v22 =	vmin.f32 v22, v30  }
0x31b: {  	v12 =	vadd.f32 v17, v12;
	v15 =	vadd.f32 v18, v15;
	v17 =	vmin.f32 v20, v25  }
0x31c: {  	v13 =	vadd.f32 v22, v13;
	v14 =	vadd.f32 v17, v14;
	v17 =	vmin.f32 v23, v21  }
0x31d: {  	v11 =	vadd.f32 v11, v12;
	v12 =	vadd.f32 v16, v15;
	v15 =	vmin.f32 v24, v19  }
0x31e: {  	v13 =	vadd.f32 v17, v13;
	v14 =	vadd.f32 v15, v14  }
0x31f: {  	s15 =	simm.s32 $0x40  }
0x320: {  	v18 =	vld [tilespmem:s15+$0xFFFFFFC0];
	v11 =	vadd.f32 v12, v11;
	v12 =	vadd.f32 v14, v13  }
0x321: {  	v21 =	vld [tilespmem:s15+$0x30]  }
0x322: {  	v23 =	vld [tilespmem:s15+$0xFFFFFFE0];
	v11 =	vadd.f32 v12, v11  }
0x323: {  	v24 =	vld [tilespmem:s15+$0xFFFFFFF0]  }
0x324: {  	s14 =	simm.s32 $0x8040;
	v15 =	vld [tilespmem:s15+$0x0];
	v12 =	vperm.xlane v11, v3  }
0x325: {  	v17 =	vld [tilespmem:s14+$0xFFFFFFC0]  }
0x326: {  	v11 =	vadd.f32 v12, v11;
	v12 =	vld [tilespmem:s15+$0xFFFFFFD0]  }
0x327: {  	v18 =	vsub.f32 v18, v10  }
0x328: {  	v16 =	vld [tilespmem:s14+$0xFFFFFFD0];
	v21 =	vsub.f32 v21, v10;
	v23 =	vsub.f32 v23, v10;
	v14 =	vperm.xlane v11, v0  }
0x329: {  	v19 =	vld [tilespmem:s14+$0x30];
	vm0 =	vgt.f32 v18, $0.0e+00;
	v24 =	vsub.f32 v24, v10;
	v26 =	vsub.f32 v15, v10  }
0x32a: {  	v20 =	vld [tilespmem:s15+$0x10];
	v15 =	vmax.f32 v18, $0.0e+00;
	vm2 =	vgt.f32 v23, $0.0e+00;
	v11 =	vadd.f32 v14, v11  }
0x32b: {  	v28 =	vld [tilespmem:s14+$0x0];
	v31 =	vmax.f32 v23, $0.0e+00;
	v30 =	vmin.f32 v17, v15;
	v22 =	vsub.f32 v12, v10  }
0x32c: {  	v13 =	vld [tilespmem:s14+$0x10];
	v15 =	vmax.f32 v21, $0.0e+00;
	v27 =	vmax.f32 v26, $0.0e+00;
	v14 =	vperm.xlane v11, v1  }
0x32d: {  	v25 =	vmax.f32 v22, $0.0e+00;
	vm5 =	vgt.f32 v22, $0.0e+00;
	vm6 =	vlt.f32 v22, v16;
	v22 =	vld [tilespmem:s14+$0xFFFFFFE0]  }
0x32e: {  	v29 =	vld [tilespmem:s15+$0x20];
	vm1 =	vgt.f32 v26, $0.0e+00;
	v15 =	vmin.f32 v19, v15;
	v11 =	vadd.f32 v14, v11  }
0x32f: {  	v14 =	vimm.f32 $0.0e+00;
	v25 =	vmin.f32 v16, v25;
	v16 =	vsub.f32 v20, v10;
	v20 =	vld [tilespmem:s14+$0xFFFFFFF0]  }
0x330: {  	vm5 =	vmand vm5, vm6;
	vm6 =	vlt.f32 v26, v28;
	v26 =	vmin.f32 v28, v27  }
0x331: {  	v28 =	vimm.f32 $0.0e+00;
	v25 =	vadd.f32 v25, v14;
	v12 =	vperm.xlane v11, v2  }
0x332: {  	vm4 =	vlt.f32 v16, v13;
	vm3 =	vlt.f32 v23, v22;
	v22 =	vmin.f32 v22, v31  }
0x333: {  	v23 =	vsub.f32 v29, v10;
	v29 =	vsel vm5, $0x3F800000, v7;
	vm5 =	vgt.f32 v24, $0.0e+00  }
0x334: {  	vm3 =	vmand vm2, vm3;
	vm7 =	vlt.f32 v24, v20;
	vm2 =	vlt.f32 v18, v17  }
0x335: {  	v17 =	vmax.f32 v24, $0.0e+00;
	v18 =	vadd.f32 v22, v14;
	v22 =	vadd.f32 v30, v14  }
0x336: {  	v27 =	vld [tilespmem:s14+$0x20];
	v24 =	vimm.f32 $0.0e+00;
	v17 =	vmin.f32 v20, v17;
	vm5 =	vmand vm5, vm7  }
0x337: {  	s16 =	simm.s32 $0xC0;
	s15 =	simm.s32 $0x0;
	vm7 =	vgt.f32 v16, $0.0e+00;
	v20 =	vadd.f32 v17, v14;
	v17 =	vimm.f32 $0.0e+00  }
.LBB2_34:
0x338: {  	v30 =	vld [tilespmem:s16+$0xFFFFFFD0];
	s15 =	sadd.s32 $0x2, s15;
	v14 =	vadd.f32 v29, v14;
	vm7 =	vmand vm7, vm4;
	vm8 =	vlt.f32 v21, v19;
	s14 =	sadd.s32 $0x80, s14  }
0x339: {  	vm4 =	vmand vm1, vm6;
	v16 =	vmax.f32 v16, $0.0e+00;
	v29 =	vld [tilespmem:s14+$0xFFFFFFC0];
	p0 =	slt.u32 s15, $0x1FE;
	v19 =	vsel vm7, $0x3F800000, v7  }
0x33a: {  	vm1 =	vgt.f32 v23, $0.0e+00;
	vm6 =	vgt.f32 v21, $0.0e+00;
	v31 =	vld [tilespmem:s14+$0x10];
	v14 =	vadd.f32 v19, v14  }
0x33b: {  	v13 =	vmin.f32 v13, v16;
	vm6 =	vmand vm6, vm8;
	v32 =	vld [tilespmem:s14+$0x0];
	vm7 =	vlt.f32 v23, v27  }
0x33c: {  	v25 =	vadd.f32 v13, v25;
	v33 =	vsel vm6, $0x3F800000, v7;
	v16 =	vld [tilespmem:s16+$0x0];
	vm1 =	vmand vm1, vm7  }
0x33d: {  	v36 =	vsel vm3, $0x3F800000, v7;
	v19 =	vld [tilespmem:s14+$0xFFFFFFD0];
	v21 =	vsub.f32 v30, v10;
	v30 =	vsel vm5, $0x3F800000, v7  }
0x33e: {  	v35 =	vmax.f32 v23, $0.0e+00;
	v28 =	vadd.f32 v36, v28;
	v34 =	vld [tilespmem:s16+$0xFFFFFFC0];
	v24 =	vadd.f32 v30, v24  }
0x33f: {  	v27 =	vmin.f32 v27, v35;
	v23 =	vmax.f32 v21, $0.0e+00;
	vm5 =	vgt.f32 v21, $0.0e+00;
	v30 =	vld [tilespmem:s16+$0x10];
	v13 =	vmovc v31  }
0x340: {  	v22 =	vadd.f32 v26, v22;
	v18 =	vadd.f32 v27, v18;
	v26 =	vsel vm1, $0x3F800000, v7;
	v31 =	vld [tilespmem:s16+$0x30]  }
0x341: {  	vm0 =	vmand vm0, vm2;
	v20 =	vadd.f32 v15, v20;
	v27 =	vld [tilespmem:s16+$0xFFFFFFE0];
	v35 =	vsub.f32 v16, v10  }
0x342: {  	v23 =	vmin.f32 v19, v23;
	vm6 =	vlt.f32 v21, v19;
	v15 =	vld [tilespmem:s16+$0xFFFFFFF0];
	v21 =	vsel vm0, $0x3F800000, v7  }
0x343: {  	v34 =	vsub.f32 v34, v10;
	v36 =	vmax.f32 v35, $0.0e+00;
	vm1 =	vgt.f32 v35, $0.0e+00;
	v19 =	vld [tilespmem:s14+$0x30]  }
0x344: {  	v17 =	vadd.f32 v21, v17;
	v37 =	vld [tilespmem:s14+$0xFFFFFFE0];
	v16 =	vsub.f32 v30, v10;
	v30 =	vsel vm4, $0x3F800000, v7  }
0x345: {  	v24 =	vadd.f32 v33, v24;
	vm0 =	vgt.f32 v34, $0.0e+00;
	v38 =	vld [tilespmem:s14+$0xFFFFFFF0];
	v21 =	vsub.f32 v31, v10  }
0x346: {  	v31 =	vmax.f32 v34, $0.0e+00;
	v17 =	vadd.f32 v30, v17;
	v27 =	vsub.f32 v27, v10  }
0x347: {  	v30 =	vmin.f32 v29, v31;
	v31 =	vsub.f32 v15, v10;
	v33 =	vld [tilespmem:s16+$0x20];
	v15 =	vmax.f32 v21, $0.0e+00  }
0x348: {  	vm4 =	vlt.f32 v16, v13;
	vm2 =	vgt.f32 v27, $0.0e+00;
	v15 =	vmin.f32 v19, v15  }
0x349: {  	v28 =	vadd.f32 v26, v28;
	v39 =	vmax.f32 v27, $0.0e+00;
	vm3 =	vlt.f32 v27, v37  }
0x34a: {  	v26 =	vmin.f32 v37, v39;
	vm3 =	vmand vm2, vm3;
	vm7 =	vlt.f32 v31, v38  }
.Ltmp16:
0x34b: {  	vm5 =	vmand vm5, vm6;
	v27 =	vmax.f32 v31, $0.0e+00;
	vm2 =	vlt.f32 v34, v29;
	(pc) =	sbr.rel @p0 .LBB2_34-.Ltmp16, $4  }
0x34c: {  	v25 =	vadd.f32 v23, v25;
	vm6 =	vlt.f32 v35, v32;
	v23 =	vsub.f32 v33, v10  }
0x34d: {  	v29 =	vsel vm5, $0x3F800000, v7;
	v18 =	vadd.f32 v26, v18;
	v26 =	vmin.f32 v38, v27  }
0x34e: {  	v22 =	vadd.f32 v30, v22;
	vm5 =	vgt.f32 v31, $0.0e+00;
	v20 =	vadd.f32 v26, v20;
	v27 =	vld [tilespmem:s14+$0x20]  }
0x34f: {  	s16 =	sadd.s32 $0x80, s16;
	vm5 =	vmand vm5, vm7;
	v26 =	vmin.f32 v32, v36;
	vm7 =	vgt.f32 v16, $0.0e+00  }
0x350: {  	v14 =	vadd.f32 v29, v14  }
0x351: {  	vm4 =	vmand vm7, vm4;
	vm7 =	vlt.f32 v21, v19;
	vm1 =	vmand vm1, vm6  }
0x352: {  	vm6 =	vgt.f32 v23, $0.0e+00;
	vm0 =	vmand vm0, vm2;
	v19 =	vsel vm4, $0x3F800000, v7  }
0x353: {  	vm4 =	vgt.f32 v21, $0.0e+00;
	v21 =	vsel vm3, $0x3F800000, v7;
	v14 =	vadd.f32 v19, v14  }
0x354: {  	vm4 =	vmand vm4, vm7;
	v19 =	vsel vm5, $0x3F800000, v7;
	v21 =	vadd.f32 v21, v28  }
0x355: {  	vm8 =	vlt.f32 v23, v27;
	v19 =	vadd.f32 v19, v24;
	v24 =	vsel vm0, $0x3F800000, v7  }
0x356: {  	v29 =	vsel vm4, $0x3F800000, v7;
	vm6 =	vmand vm6, vm8;
	v17 =	vadd.f32 v24, v17  }
0x357: {  	v28 =	vsel vm1, $0x3F800000, v7;
	v24 =	vsel vm6, $0x3F800000, v7;
	v19 =	vadd.f32 v29, v19  }
0x358: {  	v17 =	vadd.f32 v28, v17;
	v21 =	vadd.f32 v24, v21;
	_ =	sdelay $0x1  }
0x359: {  	v14 =	vadd.f32 v14, v17;
	v17 =	vadd.f32 v19, v21;
	_ =	sdelay $0x1  }
0x35a: {  	v14 =	vadd.f32 v17, v14  }
0x35b: {  	v16 =	vmax.f32 v16, $0.0e+00;
	v15 =	vadd.f32 v15, v20  }
0x35c: {  	v13 =	vmin.f32 v13, v16;
	v17 =	vmax.f32 v23, $0.0e+00;
	v16 =	vperm.xlane v14, v3  }
0x35d: {  	v13 =	vadd.f32 v13, v25;
	v19 =	vadd.f32 v26, v22;
	v17 =	vmin.f32 v27, v17  }
0x35e: {  	v14 =	vadd.f32 v16, v14;
	v16 =	vadd.f32 v17, v18;
	_ =	sdelay $0x1  }
0x35f: {  	v13 =	vadd.f32 v13, v19;
	v17 =	vperm.xlane v14, v4;
	v15 =	vadd.f32 v15, v16;
	_ =	sdelay $0x1  }
0x360: {  	v14 =	vadd.f32 v17, v14;
	v13 =	vadd.f32 v15, v13;
	_ =	sdelay $0x1  }
0x361: {  	v15 =	vperm.xlane v14, v5;
	v16 =	vperm.xlane v13, v3;
	_ =	sdelay $0x1  }
0x362: {  	v14 =	vadd.f32 v15, v14;
	v13 =	vadd.f32 v16, v13;
	_ =	sdelay $0x1  }
0x363: {  	v15 =	vperm.xlane v14, v6;
	v16 =	vperm.xlane v13, v4;
	_ =	sdelay $0x1  }
0x364: {  	v14 =	vadd.f32 v15, v14;
	v13 =	vadd.f32 v16, v13;
	_ =	sdelay $0x1  }
0x365: {  	v15 =	vmax.f32 v14, $1.000000000e+00;
	v16 =	vperm.xlane v13, v5  }
0x366: {  	(erf) = vrcp.f32 v15  }
0x367: {  	v13 =	vadd.f32 v16, v13;
	_ =	sdelay $0x1  }
0x368: {  	v15 =	vperm.xlane v13, v6;
	_ =	sdelay $0x1  }
0x369: {  	v13 =	vadd.f32 v15, v13;
	_ =	sdelay $0x1  }
0x36a: {  	v11 =	vadd.f32 v12, v11  }
0x36b: {  	v12 =	vadd.f32 $-1.000000000e+00, v13  }
0x36c: {  	v11 =	vadd.f32 $-1.000000000e+00, v11;
	v13 =	vpop (erf)  }
0x36d: {  	s15 =	simm.s32 $0x40;
	v13 =	vmul.f32 v13, v12  }
0x36e: {  	vm0 =	vgt.f32 v11, $0.0e+00;
	v21 =	vld [tilespmem:s15+$0xFFFFFFF0];
	vm1 =	vgt.f32 v12, $0.0e+00  }
0x36f: {  	v27 =	vld [tilespmem:s15+$0xFFFFFFE0];
	vm2 =	vmor vm1, vm0;
	vm0 =	vmand vm1, vm0;
	v11 =	vadd.f32 v13, v10  }
0x370: {  	v18 =	vld [tilespmem:s15+$0x20];
	v8 =	vsel vm2, v10, v8;
	v9 =	vsel vm0, v9, v10  }
0x371: {  	v15 =	vld [tilespmem:s15+$0xFFFFFFD0];
	vm0 =	vgt.f32 v11, v8;
	vm1 =	vlt.f32 v11, v9;
	v8 =	vadd.f32 v9, v8  }
0x372: {  	v9 =	vld [tilespmem:s15+$0x10];
	vm0 =	vmand vm0, vm1;
	vm1 =	veq.f32 v11, v10  }
0x373: {  	s14 =	simm.s32 $0x8040;
	vm2 =	vgt.f32 v14, $0.0e+00;
	v10 =	vld [tilespmem:s15+$0x0];
	vm0 =	vmor vm1, vm0;
	v8 =	vmul.f32 $5.000000000e-01, v8  }
0x374: {  	v17 =	vld [tilespmem:s14+$0x20];
	vm0 =	vmand vm2, vm0  }
0x375: {  	v20 =	vld [tilespmem:s15+$0x30];
	v8 =	vsel vm0, v11, v8  }
0x376: {  	v13 =	vsub.f32 v15, v8;
	v11 =	vsub.f32 v18, v8  }
0x377: {  	v16 =	vld [tilespmem:s14+$0x30];
	v28 =	vsub.f32 v21, v8;
	v23 =	vsub.f32 v9, v8  }
0x378: {  	v24 =	vld [tilespmem:s15+$0xFFFFFFC0];
	v12 =	vimm.f32 $0.0e+00;
	v30 =	vsub.f32 v27, v8;
	v29 =	vsub.f32 v10, v8  }
0x379: {  	vm1 =	vgt.f32 v13, $0.0e+00;
	vm2 =	vlt.f32 v11, v17;
	vm3 =	vgt.f32 v11, $0.0e+00  }
0x37a: {  	v26 =	vld [tilespmem:s14+$0xFFFFFFF0];
	v14 =	vnsel vm1, $0x0, v15;
	v11 =	vnsel vm3, $0x0, v18;
	v15 =	vsub.f32 v20, v8  }
0x37b: {  	vm8 =	vgt.f32 v28, $0.0e+00;
	vm10 =	vgt.f32 v30, $0.0e+00;
	v11 =	vsel vm2, v11, v17;
	v17 =	vld [tilespmem:s14+$0xFFFFFFC0]  }
0x37c: {  	vm0 =	vmand vm3, vm2;
	v18 =	vld [tilespmem:s14+$0xFFFFFFE0];
	vm4 =	vlt.f32 v15, v16;
	vm3 =	vgt.f32 v15, $0.0e+00  }
0x37d: {  	vm2 =	vgt.f32 v23, $0.0e+00;
	v15 =	vsub.f32 v24, v8;
	vm5 =	vmand vm3, vm4  }
0x37e: {  	v20 =	vnsel vm3, $0x0, v20;
	vm3 =	vgt.f32 v29, $0.0e+00;
	v25 =	vsel vm5, $0x3F800000, v7  }
0x37f: {  	v19 =	vld [tilespmem:s14+$0x0];
	v22 =	vsel vm4, v20, v16;
	vm6 =	vgt.f32 v15, $0.0e+00;
	vm5 =	vlt.f32 v28, v26  }
0x380: {  	v16 =	vimm.f32 $0.0e+00;
	vm7 =	vlt.f32 v15, v17;
	v15 =	vnsel vm6, $0x0, v24  }
0x381: {  	v20 =	vimm.f32 $0.0e+00;
	vm9 =	vlt.f32 v30, v18;
	v15 =	vsel vm7, v15, v17  }
0x382: {  	v31 =	vld [tilespmem:s14+$0xFFFFFFD0];
	v30 =	vnsel vm8, $0x0, v21;
	v28 =	vadd.f32 v15, v12;
	v15 =	vnsel vm10, $0x0, v27  }
0x383: {  	vm8 =	vmand vm8, vm5;
	vm4 =	vmand vm10, vm9;
	v27 =	vsel vm9, v15, v18;
	v15 =	vld [tilespmem:s14+$0x10]  }
0x384: {  	v21 =	vimm.f32 $0.0e+00;
	v32 =	vsel vm4, $0x3F800000, v7;
	vm4 =	vlt.f32 v29, v19  }
0x385: {  	v33 =	vsel vm8, $0x3F800000, v7;
	v24 =	vimm.f32 $0.0e+00;
	vm15 =	vmand vm3, vm4  }
0x386: {  	s16 =	simm.s32 $0xC0;
	s15 =	simm.s32 $0x0;
	v17 =	vimm.f32 $0.0e+00;
	v29 =	vsel vm15, $0x3F800000, v7;
	v18 =	vimm.f32 $0.0e+00  }
.LBB2_36:
0x387: {  	v34 =	vld [tilespmem:s16+$0xFFFFFFD0];
	s15 =	sadd.s32 $0x2, s15;
	vm6 =	vmand vm6, vm7;
	vm7 =	vlt.f32 v13, v31;
	v13 =	vsel vm5, v30, v26;
	s14 =	sadd.s32 $0x80, s14  }
0x388: {  	v12 =	vadd.f32 v33, v12;
	vm5 =	vlt.f32 v23, v15;
	v30 =	vld [tilespmem:s14+$0x30];
	p0 =	slt.u32 s15, $0x1FE;
	vm1 =	vmand vm1, vm7  }
0x389: {  	v9 =	vnsel vm2, $0x0, v9;
	v14 =	vsel vm7, v14, v31;
	v13 =	vadd.f32 v13, v17;
	v23 =	vld [tilespmem:s14+$0x10]  }
0x38a: {  	v24 =	vadd.f32 v32, v24;
	v10 =	vnsel vm3, $0x0, v10;
	v12 =	vadd.f32 v25, v12;
	v26 =	vld [tilespmem:s14+$0x20]  }
0x38b: {  	v10 =	vsel vm4, v10, v19;
	v14 =	vadd.f32 v14, v16;
	v17 =	vadd.f32 v22, v13;
	v25 =	vld [tilespmem:s16+$0x20]  }
0x38c: {  	v28 =	vadd.f32 v10, v28;
	v10 =	vsel vm5, v9, v15;
	v13 =	vsub.f32 v34, v8;
	v22 =	vld [tilespmem:s16+$0x30]  }
0x38d: {  	vm2 =	vmand vm2, vm5;
	v16 =	vadd.f32 v10, v14;
	v14 =	vsel vm0, $0x3F800000, v7;
	v9 =	vld [tilespmem:s16+$0x10]  }
0x38e: {  	v19 =	vsel vm6, $0x3F800000, v7;
	v31 =	vsel vm1, $0x3F800000, v7;
	v24 =	vadd.f32 v14, v24;
	v10 =	vld [tilespmem:s16+$0x0];
	v15 =	vmovc v23  }
0x38f: {  	v18 =	vadd.f32 v27, v18;
	v21 =	vadd.f32 v31, v21;
	v23 =	vsel vm2, $0x3F800000, v7;
	v32 =	vld [tilespmem:s16+$0xFFFFFFF0]  }
0x390: {  	v19 =	vadd.f32 v19, v20;
	vm1 =	vgt.f32 v13, $0.0e+00;
	v27 =	vld [tilespmem:s16+$0xFFFFFFC0];
	v31 =	vsub.f32 v25, v8  }
0x391: {  	v18 =	vadd.f32 v11, v18;
	v14 =	vnsel vm1, $0x0, v34;
	v21 =	vadd.f32 v23, v21;
	v33 =	vld [tilespmem:s16+$0xFFFFFFE0]  }
0x392: {  	v20 =	vadd.f32 v29, v19;
	vm2 =	vlt.f32 v31, v26;
	vm3 =	vgt.f32 v31, $0.0e+00  }
0x393: {  	v19 =	vsub.f32 v22, v8;
	vm0 =	vmand vm3, vm2;
	v11 =	vnsel vm3, $0x0, v25  }
0x394: {  	v23 =	vsub.f32 v9, v8;
	v29 =	vld [tilespmem:s14+$0xFFFFFFE0];
	v34 =	vsub.f32 v32, v8;
	v11 =	vsel vm2, v11, v26  }
0x395: {  	v36 =	vsub.f32 v10, v8;
	vm4 =	vlt.f32 v19, v30;
	vm3 =	vgt.f32 v19, $0.0e+00;
	v35 =	vld [tilespmem:s14+$0xFFFFFFC0]  }
0x396: {  	vm5 =	vmand vm3, vm4;
	v31 =	vsub.f32 v27, v8;
	v37 =	vsub.f32 v33, v8;
	v26 =	vld [tilespmem:s14+$0xFFFFFFF0]  }
0x397: {  	vm2 =	vgt.f32 v23, $0.0e+00;
	v22 =	vnsel vm3, $0x0, v22;
	v25 =	vsel vm5, $0x3F800000, v7;
	v19 =	vld [tilespmem:s14+$0x0]  }
0x398: {  	vm3 =	vgt.f32 v36, $0.0e+00;
	v22 =	vsel vm4, v22, v30;
	vm8 =	vgt.f32 v34, $0.0e+00  }
0x399: {  	vm6 =	vgt.f32 v31, $0.0e+00;
	vm10 =	vgt.f32 v37, $0.0e+00;
	vm9 =	vlt.f32 v37, v29  }
.Ltmp17:
0x39a: {  	v30 =	vnsel vm8, $0x0, v32;
	v27 =	vnsel vm6, $0x0, v27;
	vm7 =	vlt.f32 v31, v35;
	v31 =	vld [tilespmem:s14+$0xFFFFFFD0];
	(pc) =	sbr.rel @p0 .LBB2_36-.Ltmp17, $4  }
0x39b: {  	vm4 =	vmand vm10, vm9;
	v27 =	vsel vm7, v27, v35;
	vm5 =	vlt.f32 v34, v26  }
0x39c: {  	v32 =	vsel vm4, $0x3F800000, v7;
	v28 =	vadd.f32 v27, v28;
	vm4 =	vlt.f32 v36, v19  }
0x39d: {  	v27 =	vnsel vm10, $0x0, v33;
	vm8 =	vmand vm8, vm5;
	vm10 =	vmand vm3, vm4  }
0x39e: {  	s16 =	sadd.s32 $0x80, s16;
	v27 =	vsel vm9, v27, v29;
	v33 =	vsel vm8, $0x3F800000, v7;
	v29 =	vsel vm10, $0x3F800000, v7  }
0x39f: {  	vm8 =	vlt.f32 v13, v31;
	vm6 =	vmand vm6, vm7;
	v12 =	vadd.f32 v33, v12  }
0x3a0: {  	vm9 =	vlt.f32 v23, v15;
	v43 =	vadd.f32 v32, v24;
	vm1 =	vmand vm1, vm8  }
0x3a1: {  	v45 =	vsel vm0, $0x3F800000, v7;
	v42 =	vsel vm6, $0x3F800000, v7;
	v44 =	vsel vm1, $0x3F800000, v7  }
0x3a2: {  	vm10 =	vmand vm2, vm9;
	v13 =	vadd.f32 v42, v20;
	v21 =	vadd.f32 v44, v21  }
0x3a3: {  	v12 =	vadd.f32 v25, v12;
	v46 =	vadd.f32 v45, v43;
	v47 =	vsel vm10, $0x3F800000, v7  }
0x3a4: {  	v13 =	vadd.f32 v29, v13;
	v21 =	vadd.f32 v47, v21;
	_ =	sdelay $0x1  }
0x3a5: {  	v12 =	vadd.f32 v12, v46;
	v13 =	vadd.f32 v21, v13;
	_ =	sdelay $0x1  }
0x3a6: {  	v48 =	vsel vm5, v30, v26;
	v12 =	vadd.f32 v12, v13  }
0x3a7: {  	v10 =	vnsel vm3, $0x0, v10;
	v52 =	vadd.f32 v27, v18;
	v49 =	vsel vm8, v14, v31  }
0x3a8: {  	v50 =	vadd.f32 v48, v17;
	v10 =	vsel vm4, v10, v19;
	v51 =	vperm.xlane v12, v3  }
0x3a9: {  	v9 =	vnsel vm2, $0x0, v9;
	v10 =	vadd.f32 v10, v28;
	v13 =	vadd.f32 v49, v16  }
0x3aa: {  	v9 =	vsel vm9, v9, v15;
	v11 =	vadd.f32 v11, v52;
	v12 =	vadd.f32 v51, v12  }
0x3ab: {  	v14 =	vadd.f32 v22, v50;
	v9 =	vadd.f32 v9, v13  }
0x3ac: {  	v53 =	vperm.xlane v12, v4  }
0x3ad: {  	v9 =	vadd.f32 v9, v10;
	v10 =	vadd.f32 v14, v11  }
0x3ae: {  	v11 =	vadd.f32 v53, v12  }
0x3af: {  	v9 =	vadd.f32 v10, v9  }
0x3b0: {  	v10 =	vperm.xlane v11, v5  }
0x3b1: {  	v54 =	vperm.xlane v9, v3  }
0x3b2: {  	v10 =	vadd.f32 v10, v11  }
0x3b3: {  	v9 =	vadd.f32 v54, v9  }
0x3b4: {  	v11 =	vperm.xlane v10, v6  }
0x3b5: {  	v12 =	vperm.xlane v9, v4  }
0x3b6: {  	v10 =	vadd.f32 v11, v10  }
0x3b7: {  	v9 =	vadd.f32 v12, v9  }
0x3b8: {  	v11 =	vmax.f32 v10, $1.000000000e+00  }
0x3b9: {  	v12 =	vperm.xlane v9, v5;
	(erf) = vrcp.f32 v11;
	_ =	sdelay $0x1  }
0x3ba: {  	v9 =	vadd.f32 v12, v9;
	_ =	sdelay $0x1  }
0x3bb: {  	v11 =	vperm.xlane v9, v6;
	_ =	sdelay $0x1  }
0x3bc: {  	s14 =	simm.s32 $0x40;
	v9 =	vadd.f32 v11, v9  }
0x3bd: {  	v11 =	vld [tilespmem:s14+$0xFFFFFFC0]  }
0x3be: {  	v9 =	vadd.f32 $-1.000000000e+00, v9  }
0x3bf: {  	s15 =	simm.s32 $0x8040;
	v55 =	vpop (erf)  }
0x3c0: {  	v56 =	vld [tilespmem:s15+$0xFFFFFFC0];
	v9 =	vmul.f32 v55, v9  }
0x3c1: {  	vm11 =	vgt.f32 v10, $0.0e+00  }
0x3c2: {  	v10 =	vsub.f32 v11, v8;
	v9 =	vsel vm11, v9, v8  }
0x3c3: {  	v11 =	vsub.f32 v11, v9  }
0x3c4: {  	vm12 =	vgt.f32 v10, $0.0e+00  }
0x3c5: {  	vm13 =	vlt.f32 v10, v56;
	v10 =	vnsel vm12, $0x0, v11  }
0x3c6: {  	s16 =	simm.s32 $0x10040;
	v10 =	vsel vm13, v10, v56  }
0x3c7: {  	[tilespmem:s16+$0xFFFFFFC0] =	vst v10  }
0x3c8: {  	v10 =	vld [tilespmem:s14+$0xFFFFFFD0];
	_ =	sdelay $0x2  }
0x3c9: {  	v11 =	vld [tilespmem:s15+$0xFFFFFFD0];
	_ =	sdelay $0x1  }
0x3ca: {  	v57 =	vsub.f32 v10, v8  }
0x3cb: {  	v10 =	vsub.f32 v10, v9  }
0x3cc: {  	vm14 =	vgt.f32 v57, $0.0e+00  }
0x3cd: {  	vm15 =	vlt.f32 v57, v11;
	v10 =	vnsel vm14, $0x0, v10  }
0x3ce: {  	v10 =	vsel vm15, v10, v11  }
0x3cf: {  	[tilespmem:s16+$0xFFFFFFD0] =	vst v10  }
0x3d0: {  	v10 =	vld [tilespmem:s14+$0xFFFFFFE0];
	_ =	sdelay $0x2  }
0x3d1: {  	v11 =	vld [tilespmem:s15+$0xFFFFFFE0];
	_ =	sdelay $0x1  }
0x3d2: {  	v58 =	vsub.f32 v10, v8  }
0x3d3: {  	v10 =	vsub.f32 v10, v9  }
0x3d4: {  	vm4 =	vgt.f32 v58, $0.0e+00  }
0x3d5: {  	vm5 =	vlt.f32 v58, v11;
	v10 =	vnsel vm4, $0x0, v10  }
0x3d6: {  	v10 =	vsel vm5, v10, v11  }
0x3d7: {  	[tilespmem:s16+$0xFFFFFFE0] =	vst v10  }
0x3d8: {  	v10 =	vld [tilespmem:s14+$0xFFFFFFF0];
	_ =	sdelay $0x2  }
0x3d9: {  	v11 =	vld [tilespmem:s15+$0xFFFFFFF0];
	_ =	sdelay $0x1  }
0x3da: {  	v59 =	vsub.f32 v10, v8  }
0x3db: {  	v10 =	vsub.f32 v10, v9  }
0x3dc: {  	vm6 =	vgt.f32 v59, $0.0e+00  }
0x3dd: {  	vm7 =	vlt.f32 v59, v11;
	v10 =	vnsel vm6, $0x0, v10  }
0x3de: {  	v10 =	vsel vm7, v10, v11  }
0x3df: {  	[tilespmem:s16+$0xFFFFFFF0] =	vst v10  }
0x3e0: {  	v10 =	vld [tilespmem:s14+$0x0];
	_ =	sdelay $0x2  }
0x3e1: {  	v11 =	vld [tilespmem:s15+$0x0];
	_ =	sdelay $0x1  }
0x3e2: {  	v60 =	vsub.f32 v10, v8  }
0x3e3: {  	v10 =	vsub.f32 v10, v9  }
0x3e4: {  	vm8 =	vgt.f32 v60, $0.0e+00  }
0x3e5: {  	vm9 =	vlt.f32 v60, v11;
	v10 =	vnsel vm8, $0x0, v10  }
0x3e6: {  	v10 =	vsel vm9, v10, v11  }
0x3e7: {  	[tilespmem:s16+$0x0] =	vst v10  }
0x3e8: {  	v10 =	vld [tilespmem:s14+$0x10];
	_ =	sdelay $0x2  }
0x3e9: {  	v11 =	vld [tilespmem:s15+$0x10];
	_ =	sdelay $0x1  }
0x3ea: {  	v61 =	vsub.f32 v10, v8  }
0x3eb: {  	v10 =	vsub.f32 v10, v9  }
0x3ec: {  	vm10 =	vgt.f32 v61, $0.0e+00  }
0x3ed: {  	vm11 =	vlt.f32 v61, v11;
	v10 =	vnsel vm10, $0x0, v10  }
0x3ee: {  	v10 =	vsel vm11, v10, v11  }
0x3ef: {  	[tilespmem:s16+$0x10] =	vst v10  }
0x3f0: {  	v10 =	vld [tilespmem:s14+$0x20];
	_ =	sdelay $0x2  }
0x3f1: {  	v11 =	vld [tilespmem:s15+$0x20];
	_ =	sdelay $0x1  }
0x3f2: {  	v62 =	vsub.f32 v10, v8  }
0x3f3: {  	v10 =	vsub.f32 v10, v9  }
0x3f4: {  	vm12 =	vgt.f32 v62, $0.0e+00  }
0x3f5: {  	vm13 =	vlt.f32 v62, v11;
	v10 =	vnsel vm12, $0x0, v10  }
0x3f6: {  	v10 =	vsel vm13, v10, v11  }
0x3f7: {  	[tilespmem:s16+$0x20] =	vst v10  }
0x3f8: {  	v10 =	vld [tilespmem:s14+$0x30];
	_ =	sdelay $0x2  }
0x3f9: {  	v11 =	vld [tilespmem:s15+$0x30];
	_ =	sdelay $0x1  }
0x3fa: {  	v63 =	vsub.f32 v10, v8  }
0x3fb: {  	v10 =	vsub.f32 v10, v9  }
0x3fc: {  	vm14 =	vgt.f32 v63, $0.0e+00  }
0x3fd: {  	vm15 =	vlt.f32 v63, v11;
	v10 =	vnsel vm14, $0x0, v10  }
0x3fe: {  	s17 =	simm.s32 $0x0;
	s18 =	simm.s32 $0x100C0;
	v10 =	vsel vm15, v10, v11  }
.LBB2_38:
0x3ff: {  	s17 =	sadd.s32 $0x8, s17;
	[tilespmem:s16+$0x30] =	vst v10;
	s14 =	sadd.s32 $0x80, s14;
	s15 =	sadd.s32 $0x80, s15  }
0x400: {  	s16 =	smov.u32 s18;
	v10 =	vld [tilespmem:s14+$0xFFFFFFC0];
	p0 =	slt.u32 s17, $0x7F8;
	_ =	sdelay $0x2  }
0x401: {  	v11 =	vld [tilespmem:s15+$0xFFFFFFC0];
	_ =	sdelay $0x1  }
0x402: {  	v12 =	vsub.f32 v10, v8  }
0x403: {  	v10 =	vsub.f32 v10, v9  }
0x404: {  	vm0 =	vgt.f32 v12, $0.0e+00  }
0x405: {  	vm1 =	vlt.f32 v12, v11;
	v10 =	vnsel vm0, $0x0, v10  }
0x406: {  	v10 =	vsel vm1, v10, v11  }
0x407: {  	[tilespmem:s18+$0xFFFFFFC0] =	vst v10  }
0x408: {  	v10 =	vld [tilespmem:s14+$0xFFFFFFD0];
	_ =	sdelay $0x2  }
0x409: {  	v11 =	vld [tilespmem:s15+$0xFFFFFFD0];
	_ =	sdelay $0x1  }
0x40a: {  	v12 =	vsub.f32 v10, v8  }
0x40b: {  	v10 =	vsub.f32 v10, v9  }
0x40c: {  	vm0 =	vgt.f32 v12, $0.0e+00  }
0x40d: {  	vm1 =	vlt.f32 v12, v11;
	v10 =	vnsel vm0, $0x0, v10  }
0x40e: {  	v10 =	vsel vm1, v10, v11  }
0x40f: {  	[tilespmem:s18+$0xFFFFFFD0] =	vst v10  }
0x410: {  	v10 =	vld [tilespmem:s14+$0xFFFFFFE0];
	_ =	sdelay $0x2  }
0x411: {  	v11 =	vld [tilespmem:s15+$0xFFFFFFE0];
	_ =	sdelay $0x1  }
0x412: {  	v12 =	vsub.f32 v10, v8  }
0x413: {  	v10 =	vsub.f32 v10, v9  }
0x414: {  	vm0 =	vgt.f32 v12, $0.0e+00  }
0x415: {  	vm1 =	vlt.f32 v12, v11;
	v10 =	vnsel vm0, $0x0, v10  }
0x416: {  	v10 =	vsel vm1, v10, v11  }
0x417: {  	[tilespmem:s18+$0xFFFFFFE0] =	vst v10  }
0x418: {  	v10 =	vld [tilespmem:s14+$0xFFFFFFF0];
	_ =	sdelay $0x2  }
0x419: {  	v11 =	vld [tilespmem:s15+$0xFFFFFFF0];
	_ =	sdelay $0x1  }
0x41a: {  	v12 =	vsub.f32 v10, v8  }
0x41b: {  	v10 =	vsub.f32 v10, v9  }
0x41c: {  	vm0 =	vgt.f32 v12, $0.0e+00  }
0x41d: {  	vm1 =	vlt.f32 v12, v11;
	v10 =	vnsel vm0, $0x0, v10  }
0x41e: {  	v10 =	vsel vm1, v10, v11  }
0x41f: {  	[tilespmem:s18+$0xFFFFFFF0] =	vst v10  }
0x420: {  	v10 =	vld [tilespmem:s14+$0x0];
	_ =	sdelay $0x2  }
0x421: {  	v11 =	vld [tilespmem:s15+$0x0];
	_ =	sdelay $0x1  }
0x422: {  	v12 =	vsub.f32 v10, v8  }
0x423: {  	v10 =	vsub.f32 v10, v9  }
0x424: {  	vm0 =	vgt.f32 v12, $0.0e+00  }
0x425: {  	vm1 =	vlt.f32 v12, v11;
	v10 =	vnsel vm0, $0x0, v10  }
0x426: {  	v10 =	vsel vm1, v10, v11  }
0x427: {  	[tilespmem:s18+$0x0] =	vst v10  }
0x428: {  	v10 =	vld [tilespmem:s14+$0x10];
	_ =	sdelay $0x2  }
0x429: {  	v11 =	vld [tilespmem:s15+$0x10];
	_ =	sdelay $0x1  }
0x42a: {  	v12 =	vsub.f32 v10, v8  }
0x42b: {  	v10 =	vsub.f32 v10, v9  }
0x42c: {  	vm0 =	vgt.f32 v12, $0.0e+00  }
0x42d: {  	vm1 =	vlt.f32 v12, v11;
	v10 =	vnsel vm0, $0x0, v10  }
0x42e: {  	v10 =	vsel vm1, v10, v11  }
0x42f: {  	[tilespmem:s18+$0x10] =	vst v10  }
0x430: {  	v10 =	vld [tilespmem:s14+$0x20]  }
0x431: {  	v11 =	vld [tilespmem:s15+$0x20];
	_ =	sdelay $0x3  }
0x432: {  	v12 =	vsub.f32 v10, v8  }
0x433: {  	v10 =	vsub.f32 v10, v9  }
0x434: {  	vm0 =	vgt.f32 v12, $0.0e+00  }
0x435: {  	vm1 =	vlt.f32 v12, v11;
	v10 =	vnsel vm0, $0x0, v10  }
0x436: {  	v10 =	vsel vm1, v10, v11  }
0x437: {  	[tilespmem:s18+$0x20] =	vst v10  }
0x438: {  	v10 =	vld [tilespmem:s14+$0x30]  }
0x439: {  	v11 =	vld [tilespmem:s15+$0x30];
	_ =	sdelay $0x3  }
.Ltmp18:
0x43a: {  	v12 =	vsub.f32 v10, v8;
	(pc) =	sbr.rel @p0 .LBB2_38-.Ltmp18, $4  }
0x43b: {  	v10 =	vsub.f32 v10, v9  }
0x43c: {  	vm0 =	vgt.f32 v12, $0.0e+00  }
0x43d: {  	vm1 =	vlt.f32 v12, v11;
	v10 =	vnsel vm0, $0x0, v10  }
0x43e: {  	s18 =	sadd.s32 $0x80, s18;
	v10 =	vsel vm1, v10, v11  }
0x43f: {  	s13 =	sadd.s32 $0x1, s13  }
0x440: {  	p0 =	sne.s32 s13, s6  }
.Ltmp19:
0x441: {  	[tilespmem:s16+$0x30] =	vst v10;
	(pc) =	sbr.rel @p0 .LBB2_1-.Ltmp19, $4  }
0x442: {  	[hbm4b:s5+s7] =	stream.strided.scatter [tilespmem:s11], [sflag:$0x2], $0x8000, s8, s7, $0x38;
	[tilespmem:$0x18000] =	vst v63  }
0x443: {  	_ =	swait.ge [sflag:s12], $0x8000  }
0x444: {  	[sflag:s12] =	ssyncset.done $0x0  }
0x445: {  	[sflag:s12] =	ssyncadd.s32 $0xFFFF8000  }
0x446: {  	_ =	sfence.sel $0x180000  }
0x447: {  	[bflag:$0x0] =	sbarrier.arrive $0xFFFF  }
0x448: {  	p0 =	sne.s32 s0, $0x0;
	_ =	strace $0x90000047  }
0x449: {  	s0 =	sadd.s32 @!p0 $0x100000, s1;
	[bflag:$0x2] =	sbarrier.arrive $0xFFFF  }
0x44a: {  	[sflag:s0] =	ssyncadd.tile.s32 @!p0 $0x1;
	_ =	shalt  }
.Lfunc_end2:
_tile_overlayer_lowered:
.L_overlay_start_2:
0x44b: {  	(tag) =	ssettag $0x2  }
0x44c: {  	s0 =	rddreg [dreg:$0x0];
	s2 =	stileid.u32  }
0x44d: {  	s1 =	rddreg [dreg:$0x1];
	p0 =	sne.s32 s2, $0x0  }
0x44e: {  	s3 =	rddreg [dreg:$0x2];
	[bflag:$0x3] =	sbarrier.arrive $0xFFFF;
	s2 =	simm.s32 @!p0 $0x1C03  }
0x44f: {  	[timem:s3], [sflag:s2] =	dma.local @!p0 [hbm:s0], s1  }
0x450: {  	s0 =	simm.s32 @!p0 $0x3  }
0x451: {  	_ =	swait.ge @!p0 [sflag:s0], s1  }
0x452: {  	s1 =	ssub.s32 @!p0 $0x0, s1;
	[sflag:s0] =	ssyncset.done @!p0 $0x0  }
0x453: {  	[sflag:s0] =	ssyncadd.s32 @!p0 s1  }
0x454: {  	[bflag:$0x3] =	sbarrier.arrive $0xFFFF  }
0x455: {  	_ =	shalt  }

</sc_bundles>
